<compile_context>
chip_gen: v7x
topology: tpu7x:2x2x1
jax: 0.10.2.dev20260603
libtpu: 0.0.44.dev20260713+nightly
codegen_flags: <defaults>
</compile_context>

<pallas_src>
import functools
import jax
import jax.numpy as jnp
from jax.experimental import pallas as pl
from jax.experimental.pallas import tpu as pltpu
from jax.experimental.pallas import tpu_sc as plsc

_N = 10000
_D = 16
_F = 256
_NSC = 3400
_SC_NB = 4
_SC_TILES = 32
_TC_BN = 200
_LANES = 16


def _tc_body(a1_ref, a2_ref, ft_ref, out_ref):
    a = a1_ref[...][None, :, :] + a2_ref[...]
    a = jnp.maximum(a, 0.01 * a)
    m = jnp.max(a, axis=0, keepdims=True)
    e = jnp.exp(a - m)
    s = jnp.sum(e, axis=0)
    w = jnp.sum(e * ft_ref[...], axis=0)
    out_ref[...] = w / s


def _tc_part(a1, a2, ft):
    n, f = a1.shape
    d = a2.shape[0]
    bn = _TC_BN
    off = _NSC // bn
    grid = ((n - _NSC) // bn,)
    return pl.pallas_call(
        _tc_body,
        grid=grid,
        in_specs=[
            pl.BlockSpec((bn, f), lambda i: (i + off, 0)),
            pl.BlockSpec((d, bn, f), lambda i: (0, i + off, 0)),
            pl.BlockSpec((d, bn, f), lambda i: (0, i + off, 0)),
        ],
        out_specs=pl.BlockSpec((bn, f), lambda i: (i + off, 0)),
        out_shape=jax.ShapeDtypeStruct((n, f), a1.dtype),
    )(a1, a2, ft)


def _sc_compute_block(a1_v, a2_v, ft_v, out_v):
    nb = a1_v.shape[0]

    def _tree(vals, op):
        while len(vals) > 1:
            vals = [op(vals[i], vals[i + 1]) for i in range(0, len(vals) - 1, 2)] + (
                [vals[-1]] if len(vals) % 2 else []
            )
        return vals[0]

    @pl.loop(0, nb)
    def _node(nn):
        @plsc.parallel_loop(0, _F, step=_LANES, unroll=2)
        def _fvec(f0):
            sl = pl.ds(f0, _LANES)
            va1 = a1_v[nn, sl]
            xs = []
            for d in range(_D):
                x = a2_v[d, nn, sl] + va1
                xs.append(jnp.maximum(x, x * 0.01))
            m = _tree(list(xs), jnp.maximum)
            es = [jnp.exp(x - m) for x in xs]
            ws = [e * ft_v[d, nn, sl] for d, e in enumerate(es)]
            s = _tree(es, jnp.add)
            acc = _tree(ws, jnp.add)
            out_v[nn, sl] = acc / s


def _sc_part(a1, a2, ft):
    mesh = plsc.VectorSubcoreMesh(core_axis_name="c", subcore_axis_name="s")

    @functools.partial(
        pl.kernel,
        out_type=jax.ShapeDtypeStruct((_NSC, _F), jnp.float32),
        mesh=mesh,
    )
    def sc_kern(a1_hbm, a2_hbm, ft_hbm, out_hbm):
        steps = _NSC // _SC_NB

        pltpu.emit_pipeline(
            _sc_compute_block,
            grid=(steps,),
            in_specs=[
                pl.BlockSpec((_SC_NB, _F), lambda i: (i, 0)),
                pl.BlockSpec((_D, _SC_NB, _F), lambda i: (0, i, 0)),
                pl.BlockSpec((_D, _SC_NB, _F), lambda i: (0, i, 0)),
            ],
            out_specs=[pl.BlockSpec((_SC_NB, _F), lambda i: (i, 0))],
            core_axis_name=("c", "s"),
            dimension_semantics=(pltpu.PARALLEL,),
        )(a1_hbm, a2_hbm, ft_hbm, out_hbm)

    return sc_kern(a1, a2, ft)


def kernel(a1, a2, ft):
    sc_out = _sc_part(a1, a2, ft)
    tc_out = _tc_part(a1, a2, ft)
    return jax.lax.dynamic_update_slice(tc_out, sc_out, (0, 0))

# --- scband reference (transcript-rebuilt; emitter-appended) ---
"""Pipeline reference for scband-gatreduce-37495064494699 (READ-ONLY COPY).

The authoritative reference and input builder live on the scoring server;
editing this copy changes nothing except your own understanding.
"""

import jax, jax.numpy as jnp
import numpy as np

ATTN_DROP = 0.0  # dropout disabled for deterministic reference

N = 10000   # n_nodes
D = 16      # fixed fan-in (messages per node)
F = 256     # d_feat


def setup_inputs(seed: int = 0) -> dict:
    key = jax.random.key(seed)
    k1, k2, k3 = jax.random.split(key, 3)
    a1 = jax.random.normal(k1, (N, F), dtype=jnp.float32)
    a2 = jax.random.normal(k2, (D, N, F), dtype=jnp.float32)
    ft = jax.random.normal(k3, (D, N, F), dtype=jnp.float32)
    return {"a1": a1, "a2": a2, "ft": ft}


def reference(a1, a2, ft):
    # Original torch code:
    #   a1 = unsqueeze(node['a1'], 0)                -> [1, N, F]
    #   a2 = cat([unsqueeze(m['a2'],0) for m in msgs]) -> [D, N, F]
    #   ft = cat([unsqueeze(m['ft'],0) for m in msgs]) -> [D, N, F]
    #   a = a1 + a2
    #   e = softmax(leaky_relu(a), dim=0)
    #   (dropout skipped: attn_drop == 0.0)
    #   return sum(e * ft, dim=0)
    a = jnp.expand_dims(a1, 0) + a2                       # [D, N, F]
    e = jax.nn.softmax(jax.nn.leaky_relu(a, negative_slope=0.01), axis=0)
    return jnp.sum(e * ft, axis=0)                        # [N, F]

if __name__ == "__main__":
    import jax
    _d = setup_inputs()
    print(jax.jit(kernel)(*tuple(_d.values())))

</pallas_src>

<mosaic_0001>
#map = affine_map<(d0, d1) -> (0, 0)>
#map1 = affine_map<(d0, d1) -> (0, 0, 0)>
module attributes {stable_mosaic.version = 14 : i64} {
  func.func @sc_kern(%arg0: i32, %arg1: i32, %arg2: memref<10000x256xf32, #tpu.memory_space<hbm>>, %arg3: memref<16x10000x256xf32, #tpu.memory_space<hbm>>, %arg4: memref<16x10000x256xf32, #tpu.memory_space<hbm>>, %arg5: memref<3400x256xf32, #tpu.memory_space<hbm>>) attributes {dimension_semantics = [#tpu.dimension_semantics<core_parallel>, #tpu.dimension_semantics<subcore_parallel>], iteration_bounds = array<i64: 2, 16>, scalar_prefetch = 0 : i64, scratch_operands = 0 : i64, tpu.core_type = #tpu.core_type<sc_vector_subcore>, window_params = [{transform_indices = #map}, {transform_indices = #map1}, {transform_indices = #map1}, {transform_indices = #map}]} {
    %mul3A = arith.constant 1 : i32
    %mul3A_0 = arith.muli %arg1, %mul3A : i32
    %add3A = arith.constant 0 : i32
    %add3A_1 = arith.addi %add3A, %mul3A_0 : i32
    %mul3A_2 = arith.constant 16 : i32
    %mul3A_3 = arith.muli %arg0, %mul3A_2 : i32
    %add3A_4 = arith.addi %add3A_1, %mul3A_3 : i32
    %lt3A = arith.constant 18 : i32
    %lt3A_5 = arith.cmpi slt, %add3A_4, %lt3A : i32
    %jit3A = arith.constant 27 : i32
    %jit3A_6 = arith.constant 26 : i32
    %select_n3A = arith.select %lt3A_5, %jit3A, %jit3A_6 : i32
    %lt3A_7 = arith.constant 18 : i32
    %lt3A_8 = arith.cmpi slt, %add3A_4, %lt3A_7 : i32
    %mul3A_9 = arith.muli %add3A_4, %select_n3A : i32
    %mul3A_10 = arith.constant 26 : i32
    %mul3A_11 = arith.muli %add3A_4, %mul3A_10 : i32
    %add3A_12 = arith.constant 18 : i32
    %add3A_13 = arith.addi %mul3A_11, %add3A_12 : i32
    %select_n3A_14 = arith.select %lt3A_8, %mul3A_9, %add3A_13 : i32
    %mul3A_15 = arith.constant 1 : i32
    %mul3A_16 = arith.muli %mul3A_15, %select_n3A : i32
    "tpu.region"() ({
      %run_scoped3A = memref.alloca() : memref<2x4x256xf32, #tpu.memory_space<vmem>>
      %run_scoped3A_17 = tpu.sem_alloc : memref<2x!tpu.dma_semaphore, #tpu.memory_space<semaphore_mem>>
      %run_scoped3A_18 = memref.alloca() : memref<2x16x4x256xf32, #tpu.memory_space<vmem>>
      %run_scoped3A_19 = tpu.sem_alloc : memref<2x!tpu.dma_semaphore, #tpu.memory_space<semaphore_mem>>
      %run_scoped3A_20 = memref.alloca() : memref<2x16x4x256xf32, #tpu.memory_space<vmem>>
      %run_scoped3A_21 = tpu.sem_alloc : memref<2x!tpu.dma_semaphore, #tpu.memory_space<semaphore_mem>>
      %run_scoped3A_22 = memref.alloca() : memref<2x4x256xf32, #tpu.memory_space<vmem>>
      %run_scoped3A_23 = tpu.sem_alloc : memref<2x!tpu.dma_semaphore, #tpu.memory_space<semaphore_mem>>
      %gt3A = arith.constant 0 : i32
      %gt3A_24 = arith.cmpi sgt, %mul3A_16, %gt3A : i32
      %convert_element_type3A = arith.extui %gt3A_24 : i1 to i32
      %cond3A = arith.constant 0 : i32
      %cond3A_25 = arith.cmpi ne, %convert_element_type3A, %cond3A : i32
      scf.if %cond3A_25 {
        %mul3A_26 = arith.constant 1 : i32
        %mul3A_27 = arith.muli %mul3A_26, %select_n3A : i32
        %sub3A = arith.constant 1 : i32
        %sub3A_28 = arith.subi %mul3A_27, %sub3A : i32
        %eq3A = arith.constant 0 : i32
        %eq3A_29 = arith.cmpi eq, %sub3A_28, %eq3A : i32
        %add3A_30 = arith.constant 0 : i32
        %add3A_31 = arith.addi %add3A_30, %select_n3A_14 : i32
        %select_n3A_32 = arith.constant true
        %select_n3A_33 = arith.constant 0 : i32
        %select_n3A_34 = arith.constant -1 : i32
        %select_n3A_35 = arith.select %select_n3A_32, %select_n3A_34, %select_n3A_33 : i32
        %eq3A_36 = arith.constant -1 : i32
        %eq3A_37 = arith.cmpi eq, %select_n3A_35, %eq3A_36 : i32
        %sub3A_38 = arith.constant 1 : i32
        %sub3A_39 = arith.subi %select_n3A, %sub3A_38 : i32
        %select_n3A_40 = arith.select %eq3A_37, %sub3A_39, %select_n3A_35 : i32
        %add3A_41 = arith.addi %select_n3A_40, %select_n3A_14 : i32
        %select_n3A_42 = arith.constant true
        %select_n3A_43 = arith.constant 0 : i32
        %select_n3A_44 = arith.constant 1 : i32
        %select_n3A_45 = arith.select %select_n3A_42, %select_n3A_44, %select_n3A_43 : i32
        %eq3A_46 = arith.cmpi eq, %select_n3A_45, %select_n3A : i32
        %select_n3A_47 = arith.constant 0 : i32
        %select_n3A_48 = arith.select %eq3A_46, %select_n3A_47, %select_n3A_45 : i32
        %add3A_49 = arith.addi %select_n3A_48, %select_n3A_14 : i32
        %add3A_50 = arith.constant 1 : i32
        %add3A_51 = arith.addi %select_n3A_48, %add3A_50 : i32
        %select_n3A_52 = arith.constant true
        %select_n3A_53 = arith.select %select_n3A_52, %add3A_51, %select_n3A_48 : i32
        %eq3A_54 = arith.cmpi eq, %select_n3A_53, %select_n3A : i32
        %select_n3A_55 = arith.constant 0 : i32
        %select_n3A_56 = arith.select %eq3A_54, %select_n3A_55, %select_n3A_53 : i32
        %add3A_57 = arith.addi %select_n3A_56, %select_n3A_14 : i32
        "tpu.trace_start"() <{level = 10 : i32, message = "ep_initialize_0"}> : () -> ()
        %rem3A = arith.constant 0 : i32
        %rem3A_58 = arith.constant 2 : i32
        %rem3A_59 = arith.remui %rem3A, %rem3A_58 : i32
        %mul3A_60 = arith.constant 4 : i32
        %mul3A_61 = arith.muli %mul3A_60, %add3A_31 : i32
        %dma_start3A = arith.constant 0 : i32
        %dma_start3A_62 = arith.constant 0 : i32
        %dma_start3A_63 = tpu.memref_slice %run_scoped3A[%rem3A_59, %dma_start3A, %dma_start3A_62] : memref<2x4x256xf32, #tpu.memory_space<vmem>> -> memref<1x4x256xf32, #tpu.memory_space<vmem>>
        %dma_start3A_64 = tpu.memref_squeeze %dma_start3A_63 : memref<1x4x256xf32, #tpu.memory_space<vmem>> -> memref<4x256xf32, #tpu.memory_space<vmem>>
        %dma_start3A_65 = arith.constant 0 : i32
        %dma_start3A_66 = tpu.memref_slice %arg2[%mul3A_61, %dma_start3A_65] : memref<10000x256xf32, #tpu.memory_space<hbm>> -> memref<4x256xf32, #tpu.memory_space<hbm>>
        %dma_start3A_67 = tpu.memref_slice %run_scoped3A_17[%rem3A_59] : memref<2x!tpu.dma_semaphore, #tpu.memory_space<semaphore_mem>> -> memref<1x!tpu.dma_semaphore, #tpu.memory_space<semaphore_mem>>
        %dma_start3A_68 = tpu.memref_squeeze %dma_start3A_67 : memref<1x!tpu.dma_semaphore, #tpu.memory_space<semaphore_mem>> -> memref<!tpu.dma_semaphore, #tpu.memory_space<semaphore_mem>>
        %dma_start3A_69 = arith.constant 0 : i32
        %dma_start3A_70 = arith.constant 0 : i32
        %dma_start3A_71 = tpu.memref_slice %run_scoped3A[%rem3A_59, %dma_start3A_69, %dma_start3A_70] : memref<2x4x256xf32, #tpu.memory_space<vmem>> -> memref<1x4x256xf32, #tpu.memory_space<vmem>>
        %dma_start3A_72 = tpu.memref_squeeze %dma_start3A_71 : memref<1x4x256xf32, #tpu.memory_space<vmem>> -> memref<4x256xf32, #tpu.memory_space<vmem>>
        %dma_start3A_73 = arith.constant 0 : i32
        %dma_start3A_74 = tpu.memref_slice %arg2[%mul3A_61, %dma_start3A_73] : memref<10000x256xf32, #tpu.memory_space<hbm>> -> memref<4x256xf32, #tpu.memory_space<hbm>>
        tpu.enqueue_dma source(%dma_start3A_74 : memref<4x256xf32, #tpu.memory_space<hbm>>) target(%dma_start3A_72 : memref<4x256xf32, #tpu.memory_space<vmem>>) target_semaphore(%dma_start3A_68 : memref<!tpu.dma_semaphore, #tpu.memory_space<semaphore_mem>>)
        %add3A_75 = arith.constant 0 : i32
        %add3A_76 = arith.constant 1 : i32
        %add3A_77 = arith.addi %add3A_75, %add3A_76 : i32
        %select_n3A_78 = arith.constant true
        %select_n3A_79 = arith.constant 0 : i32
        %select_n3A_80 = arith.select %select_n3A_78, %add3A_77, %select_n3A_79 : i32
        %rem3A_81 = arith.constant 0 : i32
        %rem3A_82 = arith.constant 2 : i32
        %rem3A_83 = arith.remui %rem3A_81, %rem3A_82 : i32
        %mul3A_84 = arith.constant 4 : i32
        %mul3A_85 = arith.muli %mul3A_84, %add3A_31 : i32
        %dma_start3A_86 = arith.constant 0 : i32
        %dma_start3A_87 = arith.constant 0 : i32
        %dma_start3A_88 = arith.constant 0 : i32
        %dma_start3A_89 = tpu.memref_slice %run_scoped3A_18[%rem3A_83, %dma_start3A_86, %dma_start3A_87, %dma_start3A_88] : memref<2x16x4x256xf32, #tpu.memory_space<vmem>> -> memref<1x16x4x256xf32, #tpu.memory_space<vmem>>
        %dma_start3A_90 = tpu.memref_squeeze %dma_start3A_89 : memref<1x16x4x256xf32, #tpu.memory_space<vmem>> -> memref<16x4x256xf32, #tpu.memory_space<vmem>>
        %dma_start3A_91 = arith.constant 0 : i32
        %dma_start3A_92 = arith.constant 0 : i32
        %dma_start3A_93 = tpu.memref_slice %arg3[%dma_start3A_91, %mul3A_85, %dma_start3A_92] : memref<16x10000x256xf32, #tpu.memory_space<hbm>> -> memref<16x4x256xf32, #tpu.memory_space<hbm>>
        %dma_start3A_94 = tpu.memref_slice %run_scoped3A_19[%rem3A_83] : memref<2x!tpu.dma_semaphore, #tpu.memory_space<semaphore_mem>> -> memref<1x!tpu.dma_semaphore, #tpu.memory_space<semaphore_mem>>
        %dma_start3A_95 = tpu.memref_squeeze %dma_start3A_94 : memref<1x!tpu.dma_semaphore, #tpu.memory_space<semaphore_mem>> -> memref<!tpu.dma_semaphore, #tpu.memory_space<semaphore_mem>>
        %dma_start3A_96 = arith.constant 0 : i32
        %dma_start3A_97 = arith.constant 0 : i32
        %dma_start3A_98 = arith.constant 0 : i32
        %dma_start3A_99 = tpu.memref_slice %run_scoped3A_18[%rem3A_83, %dma_start3A_96, %dma_start3A_97, %dma_start3A_98] : memref<2x16x4x256xf32, #tpu.memory_space<vmem>> -> memref<1x16x4x256xf32, #tpu.memory_space<vmem>>
        %dma_start3A_100 = tpu.memref_squeeze %dma_start3A_99 : memref<1x16x4x256xf32, #tpu.memory_space<vmem>> -> memref<16x4x256xf32, #tpu.memory_space<vmem>>
        %dma_start3A_101 = arith.constant 0 : i32
        %dma_start3A_102 = arith.constant 0 : i32
        %dma_start3A_103 = tpu.memref_slice %arg3[%dma_start3A_101, %mul3A_85, %dma_start3A_102] : memref<16x10000x256xf32, #tpu.memory_space<hbm>> -> memref<16x4x256xf32, #tpu.memory_space<hbm>>
        tpu.enqueue_dma source(%dma_start3A_103 : memref<16x4x256xf32, #tpu.memory_space<hbm>>) target(%dma_start3A_100 : memref<16x4x256xf32, #tpu.memory_space<vmem>>) target_semaphore(%dma_start3A_95 : memref<!tpu.dma_semaphore, #tpu.memory_space<semaphore_mem>>)
        %add3A_104 = arith.constant 0 : i32
        %add3A_105 = arith.constant 1 : i32
        %add3A_106 = arith.addi %add3A_104, %add3A_105 : i32
        %select_n3A_107 = arith.constant true
        %select_n3A_108 = arith.constant 0 : i32
        %select_n3A_109 = arith.select %select_n3A_107, %add3A_106, %select_n3A_108 : i32
        %rem3A_110 = arith.constant 0 : i32
        %rem3A_111 = arith.constant 2 : i32
        %rem3A_112 = arith.remui %rem3A_110, %rem3A_111 : i32
        %mul3A_113 = arith.constant 4 : i32
        %mul3A_114 = arith.muli %mul3A_113, %add3A_31 : i32
        %dma_start3A_115 = arith.constant 0 : i32
        %dma_start3A_116 = arith.constant 0 : i32
        %dma_start3A_117 = arith.constant 0 : i32
        %dma_start3A_118 = tpu.memref_slice %run_scoped3A_20[%rem3A_112, %dma_start3A_115, %dma_start3A_116, %dma_start3A_117] : memref<2x16x4x256xf32, #tpu.memory_space<vmem>> -> memref<1x16x4x256xf32, #tpu.memory_space<vmem>>
        %dma_start3A_119 = tpu.memref_squeeze %dma_start3A_118 : memref<1x16x4x256xf32, #tpu.memory_space<vmem>> -> memref<16x4x256xf32, #tpu.memory_space<vmem>>
        %dma_start3A_120 = arith.constant 0 : i32
        %dma_start3A_121 = arith.constant 0 : i32
        %dma_start3A_122 = tpu.memref_slice %arg4[%dma_start3A_120, %mul3A_114, %dma_start3A_121] : memref<16x10000x256xf32, #tpu.memory_space<hbm>> -> memref<16x4x256xf32, #tpu.memory_space<hbm>>
        %dma_start3A_123 = tpu.memref_slice %run_scoped3A_21[%rem3A_112] : memref<2x!tpu.dma_semaphore, #tpu.memory_space<semaphore_mem>> -> memref<1x!tpu.dma_semaphore, #tpu.memory_space<semaphore_mem>>
        %dma_start3A_124 = tpu.memref_squeeze %dma_start3A_123 : memref<1x!tpu.dma_semaphore, #tpu.memory_space<semaphore_mem>> -> memref<!tpu.dma_semaphore, #tpu.memory_space<semaphore_mem>>
        %dma_start3A_125 = arith.constant 0 : i32
        %dma_start3A_126 = arith.constant 0 : i32
        %dma_start3A_127 = arith.constant 0 : i32
        %dma_start3A_128 = tpu.memref_slice %run_scoped3A_20[%rem3A_112, %dma_start3A_125, %dma_start3A_126, %dma_start3A_127] : memref<2x16x4x256xf32, #tpu.memory_space<vmem>> -> memref<1x16x4x256xf32, #tpu.memory_space<vmem>>
        %dma_start3A_129 = tpu.memref_squeeze %dma_start3A_128 : memref<1x16x4x256xf32, #tpu.memory_space<vmem>> -> memref<16x4x256xf32, #tpu.memory_space<vmem>>
        %dma_start3A_130 = arith.constant 0 : i32
        %dma_start3A_131 = arith.constant 0 : i32
        %dma_start3A_132 = tpu.memref_slice %arg4[%dma_start3A_130, %mul3A_114, %dma_start3A_131] : memref<16x10000x256xf32, #tpu.memory_space<hbm>> -> memref<16x4x256xf32, #tpu.memory_space<hbm>>
        tpu.enqueue_dma source(%dma_start3A_132 : memref<16x4x256xf32, #tpu.memory_space<hbm>>) target(%dma_start3A_129 : memref<16x4x256xf32, #tpu.memory_space<vmem>>) target_semaphore(%dma_start3A_124 : memref<!tpu.dma_semaphore, #tpu.memory_space<semaphore_mem>>)
        %add3A_133 = arith.constant 0 : i32
        %add3A_134 = arith.constant 1 : i32
        %add3A_135 = arith.addi %add3A_133, %add3A_134 : i32
        %select_n3A_136 = arith.constant true
        %select_n3A_137 = arith.constant 0 : i32
        %select_n3A_138 = arith.select %select_n3A_136, %add3A_135, %select_n3A_137 : i32
        %while3A = arith.constant 0 : i32
        %while3A_139 = arith.constant 0 : i32
        %while3A_140 = arith.constant 0 : i32
        %while3A_141 = arith.constant 0 : i32
        %while3A_142 = arith.constant 0 : i32
        %while3A_143 = arith.constant 0 : i32
        %while3A_144 = arith.constant 0 : i32
        "tpu.trace_stop"() : () -> ()
        %while3A_145 = arith.subi %mul3A_16, %while3A : i32
        %while3A_146 = arith.addi %while3A, %while3A_145 : i32
        %while3A_147 = arith.constant 1 : i32
        %while3A_148 = arith.divsi %while3A_145, %while3A_147 : i32
        %while3A_149 = arith.muli %while3A_148, %while3A_147 : i32
        %while3A_150 = arith.addi %while3A, %while3A_149 : i32
        %while3A_151 = arith.constant 1 : i32
        %while3A_152:9 = scf.for %while3A_212 = %while3A to %while3A_150 step %while3A_151 iter_args(%while3A_213 = %select_n3A_80, %while3A_214 = %while3A_139, %while3A_215 = %select_n3A_109, %while3A_216 = %while3A_140, %while3A_217 = %select_n3A_138, %while3A_218 = %while3A_141, %while3A_219 = %while3A_142, %while3A_220 = %while3A_143, %while3A_221 = %while3A_144) -> (i32, i32, i32, i32, i32, i32, i32, i32, i32)  : i32 {
          %mul3A_222 = arith.constant 1 : i32
          %mul3A_223 = arith.muli %mul3A_222, %select_n3A : i32
          %eq3A_224 = arith.constant 0 : i32
          %eq3A_225 = arith.cmpi eq, %while3A_212, %eq3A_224 : i32
          %sub3A_226 = arith.constant 1 : i32
          %sub3A_227 = arith.subi %mul3A_223, %sub3A_226 : i32
          %eq3A_228 = arith.cmpi eq, %while3A_212, %sub3A_227 : i32
          %add3A_229 = arith.addi %while3A_221, %select_n3A_14 : i32
          %sub3A_230 = arith.constant 1 : i32
          %sub3A_231 = arith.subi %while3A_221, %sub3A_230 : i32
          %select_n3A_232 = arith.constant true
          %select_n3A_233 = arith.select %select_n3A_232, %sub3A_231, %while3A_221 : i32
          %eq3A_234 = arith.constant -1 : i32
          %eq3A_235 = arith.cmpi eq, %select_n3A_233, %eq3A_234 : i32
          %sub3A_236 = arith.constant 1 : i32
          %sub3A_237 = arith.subi %select_n3A, %sub3A_236 : i32
          %select_n3A_238 = arith.select %eq3A_235, %sub3A_237, %select_n3A_233 : i32
          %add3A_239 = arith.addi %select_n3A_238, %select_n3A_14 : i32
          %add3A_240 = arith.constant 1 : i32
          %add3A_241 = arith.addi %while3A_221, %add3A_240 : i32
          %select_n3A_242 = arith.constant true
          %select_n3A_243 = arith.select %select_n3A_242, %add3A_241, %while3A_221 : i32
          %eq3A_244 = arith.cmpi eq, %select_n3A_243, %select_n3A : i32
          %select_n3A_245 = arith.constant 0 : i32
          %select_n3A_246 = arith.select %eq3A_244, %select_n3A_245, %select_n3A_243 : i32
          %add3A_247 = arith.addi %select_n3A_246, %select_n3A_14 : i32
          %add3A_248 = arith.constant 1 : i32
          %add3A_249 = arith.addi %select_n3A_246, %add3A_248 : i32
          %select_n3A_250 = arith.constant true
          %select_n3A_251 = arith.select %select_n3A_250, %add3A_249, %select_n3A_246 : i32
          %eq3A_252 = arith.cmpi eq, %select_n3A_251, %select_n3A : i32
          %select_n3A_253 = arith.constant 0 : i32
          %select_n3A_254 = arith.select %eq3A_252, %select_n3A_253, %select_n3A_251 : i32
          %add3A_255 = arith.addi %select_n3A_254, %select_n3A_14 : i32
          %ne3A = arith.cmpi ne, %add3A_229, %add3A_247 : i32
          %or3A = arith.constant false
          %or3A_256 = arith.ori %or3A, %ne3A : i1
          %or3A_257 = arith.constant false
          %or3A_258 = arith.ori %or3A_256, %or3A_257 : i1
          %sub3A_259 = arith.constant 2 : i32
          %sub3A_260 = arith.subi %mul3A_223, %sub3A_259 : i32
          %add3A_261 = arith.constant 1 : i32
          %add3A_262 = arith.addi %sub3A_260, %add3A_261 : i32
          %ge3A = arith.cmpi sge, %while3A_212, %add3A_262 : i32
          %not3A = arith.constant true
          %not3A_263 = arith.xori %ge3A, %not3A : i1
          %and3A = arith.andi %or3A_258, %not3A_263 : i1
          %convert_element_type3A_264 = arith.extui %and3A : i1 to i32
          %cond3A_265 = arith.constant 0 : i32
          %cond3A_266 = arith.cmpi ne, %convert_element_type3A_264, %cond3A_265 : i32
          scf.if %cond3A_266 {
            "tpu.trace_start"() <{level = 10 : i32, message = "ep_copy_in"}> : () -> ()
            %rem3A_511 = arith.constant 2 : i32
            %rem3A_512 = arith.remui %while3A_213, %rem3A_511 : i32
            %mul3A_513 = arith.constant 4 : i32
            %mul3A_514 = arith.muli %mul3A_513, %add3A_247 : i32
            %dma_start3A_515 = arith.constant 0 : i32
            %dma_start3A_516 = arith.constant 0 : i32
            %dma_start3A_517 = tpu.memref_slice %run_scoped3A[%rem3A_512, %dma_start3A_515, %dma_start3A_516] : memref<2x4x256xf32, #tpu.memory_space<vmem>> -> memref<1x4x256xf32, #tpu.memory_space<vmem>>
            %dma_start3A_518 = tpu.memref_squeeze %dma_start3A_517 : memref<1x4x256xf32, #tpu.memory_space<vmem>> -> memref<4x256xf32, #tpu.memory_space<vmem>>
            %dma_start3A_519 = arith.constant 0 : i32
            %dma_start3A_520 = tpu.memref_slice %arg2[%mul3A_514, %dma_start3A_519] : memref<10000x256xf32, #tpu.memory_space<hbm>> -> memref<4x256xf32, #tpu.memory_space<hbm>>
            %dma_start3A_521 = tpu.memref_slice %run_scoped3A_17[%rem3A_512] : memref<2x!tpu.dma_semaphore, #tpu.memory_space<semaphore_mem>> -> memref<1x!tpu.dma_semaphore, #tpu.memory_space<semaphore_mem>>
            %dma_start3A_522 = tpu.memref_squeeze %dma_start3A_521 : memref<1x!tpu.dma_semaphore, #tpu.memory_space<semaphore_mem>> -> memref<!tpu.dma_semaphore, #tpu.memory_space<semaphore_mem>>
            %dma_start3A_523 = arith.constant 0 : i32
            %dma_start3A_524 = arith.constant 0 : i32
            %dma_start3A_525 = tpu.memref_slice %run_scoped3A[%rem3A_512, %dma_start3A_523, %dma_start3A_524] : memref<2x4x256xf32, #tpu.memory_space<vmem>> -> memref<1x4x256xf32, #tpu.memory_space<vmem>>
            %dma_start3A_526 = tpu.memref_squeeze %dma_start3A_525 : memref<1x4x256xf32, #tpu.memory_space<vmem>> -> memref<4x256xf32, #tpu.memory_space<vmem>>
            %dma_start3A_527 = arith.constant 0 : i32
            %dma_start3A_528 = tpu.memref_slice %arg2[%mul3A_514, %dma_start3A_527] : memref<10000x256xf32, #tpu.memory_space<hbm>> -> memref<4x256xf32, #tpu.memory_space<hbm>>
            tpu.enqueue_dma source(%dma_start3A_528 : memref<4x256xf32, #tpu.memory_space<hbm>>) target(%dma_start3A_526 : memref<4x256xf32, #tpu.memory_space<vmem>>) target_semaphore(%dma_start3A_522 : memref<!tpu.dma_semaphore, #tpu.memory_space<semaphore_mem>>)
            "tpu.trace_stop"() : () -> ()
          } else {
          }
          %and3A_267 = arith.constant true
          %and3A_268 = arith.andi %and3A, %and3A_267 : i1
          %add3A_269 = arith.constant 1 : i32
          %add3A_270 = arith.addi %while3A_213, %add3A_269 : i32
          %select_n3A_271 = arith.select %and3A_268, %add3A_270, %while3A_213 : i32
          %ne3A_272 = arith.cmpi ne, %add3A_229, %add3A_247 : i32
          %or3A_273 = arith.constant false
          %or3A_274 = arith.ori %or3A_273, %ne3A_272 : i1
          %or3A_275 = arith.constant false
          %or3A_276 = arith.ori %or3A_274, %or3A_275 : i1
          %sub3A_277 = arith.constant 2 : i32
          %sub3A_278 = arith.subi %mul3A_223, %sub3A_277 : i32
          %add3A_279 = arith.constant 1 : i32
          %add3A_280 = arith.addi %sub3A_278, %add3A_279 : i32
          %ge3A_281 = arith.cmpi sge, %while3A_212, %add3A_280 : i32
          %not3A_282 = arith.constant true
          %not3A_283 = arith.xori %ge3A_281, %not3A_282 : i1
          %and3A_284 = arith.andi %or3A_276, %not3A_283 : i1
          %convert_element_type3A_285 = arith.extui %and3A_284 : i1 to i32
          %cond3A_286 = arith.constant 0 : i32
          %cond3A_287 = arith.cmpi ne, %convert_element_type3A_285, %cond3A_286 : i32
          scf.if %cond3A_287 {
            "tpu.trace_start"() <{level = 10 : i32, message = "ep_copy_in"}> : () -> ()
            %rem3A_511 = arith.constant 2 : i32
            %rem3A_512 = arith.remui %while3A_215, %rem3A_511 : i32
            %mul3A_513 = arith.constant 4 : i32
            %mul3A_514 = arith.muli %mul3A_513, %add3A_247 : i32
            %dma_start3A_515 = arith.constant 0 : i32
            %dma_start3A_516 = arith.constant 0 : i32
            %dma_start3A_517 = arith.constant 0 : i32
            %dma_start3A_518 = tpu.memref_slice %run_scoped3A_18[%rem3A_512, %dma_start3A_515, %dma_start3A_516, %dma_start3A_517] : memref<2x16x4x256xf32, #tpu.memory_space<vmem>> -> memref<1x16x4x256xf32, #tpu.memory_space<vmem>>
            %dma_start3A_519 = tpu.memref_squeeze %dma_start3A_518 : memref<1x16x4x256xf32, #tpu.memory_space<vmem>> -> memref<16x4x256xf32, #tpu.memory_space<vmem>>
            %dma_start3A_520 = arith.constant 0 : i32
            %dma_start3A_521 = arith.constant 0 : i32
            %dma_start3A_522 = tpu.memref_slice %arg3[%dma_start3A_520, %mul3A_514, %dma_start3A_521] : memref<16x10000x256xf32, #tpu.memory_space<hbm>> -> memref<16x4x256xf32, #tpu.memory_space<hbm>>
            %dma_start3A_523 = tpu.memref_slice %run_scoped3A_19[%rem3A_512] : memref<2x!tpu.dma_semaphore, #tpu.memory_space<semaphore_mem>> -> memref<1x!tpu.dma_semaphore, #tpu.memory_space<semaphore_mem>>
            %dma_start3A_524 = tpu.memref_squeeze %dma_start3A_523 : memref<1x!tpu.dma_semaphore, #tpu.memory_space<semaphore_mem>> -> memref<!tpu.dma_semaphore, #tpu.memory_space<semaphore_mem>>
            %dma_start3A_525 = arith.constant 0 : i32
            %dma_start3A_526 = arith.constant 0 : i32
            %dma_start3A_527 = arith.constant 0 : i32
            %dma_start3A_528 = tpu.memref_slice %run_scoped3A_18[%rem3A_512, %dma_start3A_525, %dma_start3A_526, %dma_start3A_527] : memref<2x16x4x256xf32, #tpu.memory_space<vmem>> -> memref<1x16x4x256xf32, #tpu.memory_space<vmem>>
            %dma_start3A_529 = tpu.memref_squeeze %dma_start3A_528 : memref<1x16x4x256xf32, #tpu.memory_space<vmem>> -> memref<16x4x256xf32, #tpu.memory_space<vmem>>
            %dma_start3A_530 = arith.constant 0 : i32
            %dma_start3A_531 = arith.constant 0 : i32
            %dma_start3A_532 = tpu.memref_slice %arg3[%dma_start3A_530, %mul3A_514, %dma_start3A_531] : memref<16x10000x256xf32, #tpu.memory_space<hbm>> -> memref<16x4x256xf32, #tpu.memory_space<hbm>>
            tpu.enqueue_dma source(%dma_start3A_532 : memref<16x4x256xf32, #tpu.memory_space<hbm>>) target(%dma_start3A_529 : memref<16x4x256xf32, #tpu.memory_space<vmem>>) target_semaphore(%dma_start3A_524 : memref<!tpu.dma_semaphore, #tpu.memory_space<semaphore_mem>>)
            "tpu.trace_stop"() : () -> ()
          } else {
          }
          %and3A_288 = arith.constant true
          %and3A_289 = arith.andi %and3A_284, %and3A_288 : i1
          %add3A_290 = arith.constant 1 : i32
          %add3A_291 = arith.addi %while3A_215, %add3A_290 : i32
          %select_n3A_292 = arith.select %and3A_289, %add3A_291, %while3A_215 : i32
          %ne3A_293 = arith.cmpi ne, %add3A_229, %add3A_247 : i32
          %or3A_294 = arith.constant false
          %or3A_295 = arith.ori %or3A_294, %ne3A_293 : i1
          %or3A_296 = arith.constant false
          %or3A_297 = arith.ori %or3A_295, %or3A_296 : i1
          %sub3A_298 = arith.constant 2 : i32
          %sub3A_299 = arith.subi %mul3A_223, %sub3A_298 : i32
          %add3A_300 = arith.constant 1 : i32
          %add3A_301 = arith.addi %sub3A_299, %add3A_300 : i32
          %ge3A_302 = arith.cmpi sge, %while3A_212, %add3A_301 : i32
          %not3A_303 = arith.constant true
          %not3A_304 = arith.xori %ge3A_302, %not3A_303 : i1
          %and3A_305 = arith.andi %or3A_297, %not3A_304 : i1
          %convert_element_type3A_306 = arith.extui %and3A_305 : i1 to i32
          %cond3A_307 = arith.constant 0 : i32
          %cond3A_308 = arith.cmpi ne, %convert_element_type3A_306, %cond3A_307 : i32
          scf.if %cond3A_308 {
            "tpu.trace_start"() <{level = 10 : i32, message = "ep_copy_in"}> : () -> ()
            %rem3A_511 = arith.constant 2 : i32
            %rem3A_512 = arith.remui %while3A_217, %rem3A_511 : i32
            %mul3A_513 = arith.constant 4 : i32
            %mul3A_514 = arith.muli %mul3A_513, %add3A_247 : i32
            %dma_start3A_515 = arith.constant 0 : i32
            %dma_start3A_516 = arith.constant 0 : i32
            %dma_start3A_517 = arith.constant 0 : i32
            %dma_start3A_518 = tpu.memref_slice %run_scoped3A_20[%rem3A_512, %dma_start3A_515, %dma_start3A_516, %dma_start3A_517] : memref<2x16x4x256xf32, #tpu.memory_space<vmem>> -> memref<1x16x4x256xf32, #tpu.memory_space<vmem>>
            %dma_start3A_519 = tpu.memref_squeeze %dma_start3A_518 : memref<1x16x4x256xf32, #tpu.memory_space<vmem>> -> memref<16x4x256xf32, #tpu.memory_space<vmem>>
            %dma_start3A_520 = arith.constant 0 : i32
            %dma_start3A_521 = arith.constant 0 : i32
            %dma_start3A_522 = tpu.memref_slice %arg4[%dma_start3A_520, %mul3A_514, %dma_start3A_521] : memref<16x10000x256xf32, #tpu.memory_space<hbm>> -> memref<16x4x256xf32, #tpu.memory_space<hbm>>
            %dma_start3A_523 = tpu.memref_slice %run_scoped3A_21[%rem3A_512] : memref<2x!tpu.dma_semaphore, #tpu.memory_space<semaphore_mem>> -> memref<1x!tpu.dma_semaphore, #tpu.memory_space<semaphore_mem>>
            %dma_start3A_524 = tpu.memref_squeeze %dma_start3A_523 : memref<1x!tpu.dma_semaphore, #tpu.memory_space<semaphore_mem>> -> memref<!tpu.dma_semaphore, #tpu.memory_space<semaphore_mem>>
            %dma_start3A_525 = arith.constant 0 : i32
            %dma_start3A_526 = arith.constant 0 : i32
            %dma_start3A_527 = arith.constant 0 : i32
            %dma_start3A_528 = tpu.memref_slice %run_scoped3A_20[%rem3A_512, %dma_start3A_525, %dma_start3A_526, %dma_start3A_527] : memref<2x16x4x256xf32, #tpu.memory_space<vmem>> -> memref<1x16x4x256xf32, #tpu.memory_space<vmem>>
            %dma_start3A_529 = tpu.memref_squeeze %dma_start3A_528 : memref<1x16x4x256xf32, #tpu.memory_space<vmem>> -> memref<16x4x256xf32, #tpu.memory_space<vmem>>
            %dma_start3A_530 = arith.constant 0 : i32
            %dma_start3A_531 = arith.constant 0 : i32
            %dma_start3A_532 = tpu.memref_slice %arg4[%dma_start3A_530, %mul3A_514, %dma_start3A_531] : memref<16x10000x256xf32, #tpu.memory_space<hbm>> -> memref<16x4x256xf32, #tpu.memory_space<hbm>>
            tpu.enqueue_dma source(%dma_start3A_532 : memref<16x4x256xf32, #tpu.memory_space<hbm>>) target(%dma_start3A_529 : memref<16x4x256xf32, #tpu.memory_space<vmem>>) target_semaphore(%dma_start3A_524 : memref<!tpu.dma_semaphore, #tpu.memory_space<semaphore_mem>>)
            "tpu.trace_stop"() : () -> ()
          } else {
          }
          %and3A_309 = arith.constant true
          %and3A_310 = arith.andi %and3A_305, %and3A_309 : i1
          %add3A_311 = arith.constant 1 : i32
          %add3A_312 = arith.addi %while3A_217, %add3A_311 : i32
          %select_n3A_313 = arith.select %and3A_310, %add3A_312, %while3A_217 : i32
          %ne3A_314 = arith.cmpi ne, %add3A_229, %add3A_247 : i32
          %or3A_315 = arith.constant false
          %or3A_316 = arith.ori %or3A_315, %ne3A_314 : i1
          %or3A_317 = arith.constant false
          %or3A_318 = arith.ori %or3A_316, %or3A_317 : i1
          %sub3A_319 = arith.constant 2 : i32
          %sub3A_320 = arith.subi %mul3A_223, %sub3A_319 : i32
          %add3A_321 = arith.constant 1 : i32
          %add3A_322 = arith.addi %sub3A_320, %add3A_321 : i32
          %ge3A_323 = arith.cmpi sge, %while3A_212, %add3A_322 : i32
          %not3A_324 = arith.constant true
          %not3A_325 = arith.xori %ge3A_323, %not3A_324 : i1
          %and3A_326 = arith.andi %or3A_318, %not3A_325 : i1
          %ne3A_327 = arith.cmpi ne, %add3A_229, %add3A_239 : i32
          %or3A_328 = arith.constant false
          %or3A_329 = arith.ori %or3A_328, %ne3A_327 : i1
          %or3A_330 = arith.constant false
          %or3A_331 = arith.ori %or3A_329, %or3A_330 : i1
          %or3A_332 = arith.ori %or3A_331, %eq3A_225 : i1
          %convert_element_type3A_333 = arith.extui %or3A_332 : i1 to i32
          %cond3A_334 = arith.constant 0 : i32
          %cond3A_335 = arith.cmpi ne, %convert_element_type3A_333, %cond3A_334 : i32
          scf.if %cond3A_335 {
            "tpu.trace_start"() <{level = 10 : i32, message = "ep_wait_in"}> : () -> ()
            %mul3A_511 = arith.constant 4 : i32
            %mul3A_512 = arith.muli %mul3A_511, %add3A_229 : i32
            %rem3A_513 = arith.constant 2 : i32
            %rem3A_514 = arith.remui %while3A_214, %rem3A_513 : i32
            %dma_wait3A = arith.constant 0 : i32
            %dma_wait3A_515 = arith.constant 0 : i32
            %dma_wait3A_516 = tpu.memref_slice %run_scoped3A[%rem3A_514, %dma_wait3A, %dma_wait3A_515] : memref<2x4x256xf32, #tpu.memory_space<vmem>> -> memref<1x4x256xf32, #tpu.memory_space<vmem>>
            %dma_wait3A_517 = tpu.memref_squeeze %dma_wait3A_516 : memref<1x4x256xf32, #tpu.memory_space<vmem>> -> memref<4x256xf32, #tpu.memory_space<vmem>>
            %dma_wait3A_518 = arith.constant 0 : i32
            %dma_wait3A_519 = tpu.memref_slice %arg2[%mul3A_512, %dma_wait3A_518] : memref<10000x256xf32, #tpu.memory_space<hbm>> -> memref<4x256xf32, #tpu.memory_space<hbm>>
            %dma_wait3A_520 = tpu.memref_slice %run_scoped3A_17[%rem3A_514] : memref<2x!tpu.dma_semaphore, #tpu.memory_space<semaphore_mem>> -> memref<1x!tpu.dma_semaphore, #tpu.memory_space<semaphore_mem>>
            %dma_wait3A_521 = tpu.memref_squeeze %dma_wait3A_520 : memref<1x!tpu.dma_semaphore, #tpu.memory_space<semaphore_mem>> -> memref<!tpu.dma_semaphore, #tpu.memory_space<semaphore_mem>>
            %dma_wait3A_522 = arith.constant 0 : i32
            %dma_wait3A_523 = arith.constant 0 : i32
            %dma_wait3A_524 = tpu.memref_slice %run_scoped3A[%rem3A_514, %dma_wait3A_522, %dma_wait3A_523] : memref<2x4x256xf32, #tpu.memory_space<vmem>> -> memref<1x4x256xf32, #tpu.memory_space<vmem>>
            %dma_wait3A_525 = tpu.memref_squeeze %dma_wait3A_524 : memref<1x4x256xf32, #tpu.memory_space<vmem>> -> memref<4x256xf32, #tpu.memory_space<vmem>>
            %dma_wait3A_526 = arith.constant 0 : i32
            %dma_wait3A_527 = tpu.memref_slice %arg2[%mul3A_512, %dma_wait3A_526] : memref<10000x256xf32, #tpu.memory_space<hbm>> -> memref<4x256xf32, #tpu.memory_space<hbm>>
            tpu.wait_dma2 semaphore(%dma_wait3A_521 : memref<!tpu.dma_semaphore, #tpu.memory_space<semaphore_mem>>) src(%dma_wait3A_527 : memref<4x256xf32, #tpu.memory_space<hbm>>) dst(%dma_wait3A_525 : memref<4x256xf32, #tpu.memory_space<vmem>>)
            "tpu.trace_stop"() : () -> ()
          } else {
          }
          %ne3A_336 = arith.cmpi ne, %add3A_229, %add3A_239 : i32
          %or3A_337 = arith.constant false
          %or3A_338 = arith.ori %or3A_337, %ne3A_336 : i1
          %or3A_339 = arith.constant false
          %or3A_340 = arith.ori %or3A_338, %or3A_339 : i1
          %or3A_341 = arith.ori %or3A_340, %eq3A_225 : i1
          %convert_element_type3A_342 = arith.extui %or3A_341 : i1 to i32
          %cond3A_343 = arith.constant 0 : i32
          %cond3A_344 = arith.cmpi ne, %convert_element_type3A_342, %cond3A_343 : i32
          scf.if %cond3A_344 {
            "tpu.trace_start"() <{level = 10 : i32, message = "ep_wait_in"}> : () -> ()
            %mul3A_511 = arith.constant 4 : i32
            %mul3A_512 = arith.muli %mul3A_511, %add3A_229 : i32
            %rem3A_513 = arith.constant 2 : i32
            %rem3A_514 = arith.remui %while3A_216, %rem3A_513 : i32
            %dma_wait3A = arith.constant 0 : i32
            %dma_wait3A_515 = arith.constant 0 : i32
            %dma_wait3A_516 = arith.constant 0 : i32
            %dma_wait3A_517 = tpu.memref_slice %run_scoped3A_18[%rem3A_514, %dma_wait3A, %dma_wait3A_515, %dma_wait3A_516] : memref<2x16x4x256xf32, #tpu.memory_space<vmem>> -> memref<1x16x4x256xf32, #tpu.memory_space<vmem>>
            %dma_wait3A_518 = tpu.memref_squeeze %dma_wait3A_517 : memref<1x16x4x256xf32, #tpu.memory_space<vmem>> -> memref<16x4x256xf32, #tpu.memory_space<vmem>>
            %dma_wait3A_519 = arith.constant 0 : i32
            %dma_wait3A_520 = arith.constant 0 : i32
            %dma_wait3A_521 = tpu.memref_slice %arg3[%dma_wait3A_519, %mul3A_512, %dma_wait3A_520] : memref<16x10000x256xf32, #tpu.memory_space<hbm>> -> memref<16x4x256xf32, #tpu.memory_space<hbm>>
            %dma_wait3A_522 = tpu.memref_slice %run_scoped3A_19[%rem3A_514] : memref<2x!tpu.dma_semaphore, #tpu.memory_space<semaphore_mem>> -> memref<1x!tpu.dma_semaphore, #tpu.memory_space<semaphore_mem>>
            %dma_wait3A_523 = tpu.memref_squeeze %dma_wait3A_522 : memref<1x!tpu.dma_semaphore, #tpu.memory_space<semaphore_mem>> -> memref<!tpu.dma_semaphore, #tpu.memory_space<semaphore_mem>>
            %dma_wait3A_524 = arith.constant 0 : i32
            %dma_wait3A_525 = arith.constant 0 : i32
            %dma_wait3A_526 = arith.constant 0 : i32
            %dma_wait3A_527 = tpu.memref_slice %run_scoped3A_18[%rem3A_514, %dma_wait3A_524, %dma_wait3A_525, %dma_wait3A_526] : memref<2x16x4x256xf32, #tpu.memory_space<vmem>> -> memref<1x16x4x256xf32, #tpu.memory_space<vmem>>
            %dma_wait3A_528 = tpu.memref_squeeze %dma_wait3A_527 : memref<1x16x4x256xf32, #tpu.memory_space<vmem>> -> memref<16x4x256xf32, #tpu.memory_space<vmem>>
            %dma_wait3A_529 = arith.constant 0 : i32
            %dma_wait3A_530 = arith.constant 0 : i32
            %dma_wait3A_531 = tpu.memref_slice %arg3[%dma_wait3A_529, %mul3A_512, %dma_wait3A_530] : memref<16x10000x256xf32, #tpu.memory_space<hbm>> -> memref<16x4x256xf32, #tpu.memory_space<hbm>>
            tpu.wait_dma2 semaphore(%dma_wait3A_523 : memref<!tpu.dma_semaphore, #tpu.memory_space<semaphore_mem>>) src(%dma_wait3A_531 : memref<16x4x256xf32, #tpu.memory_space<hbm>>) dst(%dma_wait3A_528 : memref<16x4x256xf32, #tpu.memory_space<vmem>>)
            "tpu.trace_stop"() : () -> ()
          } else {
          }
          %ne3A_345 = arith.cmpi ne, %add3A_229, %add3A_239 : i32
          %or3A_346 = arith.constant false
          %or3A_347 = arith.ori %or3A_346, %ne3A_345 : i1
          %or3A_348 = arith.constant false
          %or3A_349 = arith.ori %or3A_347, %or3A_348 : i1
          %or3A_350 = arith.ori %or3A_349, %eq3A_225 : i1
          %convert_element_type3A_351 = arith.extui %or3A_350 : i1 to i32
          %cond3A_352 = arith.constant 0 : i32
          %cond3A_353 = arith.cmpi ne, %convert_element_type3A_351, %cond3A_352 : i32
          scf.if %cond3A_353 {
            "tpu.trace_start"() <{level = 10 : i32, message = "ep_wait_in"}> : () -> ()
            %mul3A_511 = arith.constant 4 : i32
            %mul3A_512 = arith.muli %mul3A_511, %add3A_229 : i32
            %rem3A_513 = arith.constant 2 : i32
            %rem3A_514 = arith.remui %while3A_218, %rem3A_513 : i32
            %dma_wait3A = arith.constant 0 : i32
            %dma_wait3A_515 = arith.constant 0 : i32
            %dma_wait3A_516 = arith.constant 0 : i32
            %dma_wait3A_517 = tpu.memref_slice %run_scoped3A_20[%rem3A_514, %dma_wait3A, %dma_wait3A_515, %dma_wait3A_516] : memref<2x16x4x256xf32, #tpu.memory_space<vmem>> -> memref<1x16x4x256xf32, #tpu.memory_space<vmem>>
            %dma_wait3A_518 = tpu.memref_squeeze %dma_wait3A_517 : memref<1x16x4x256xf32, #tpu.memory_space<vmem>> -> memref<16x4x256xf32, #tpu.memory_space<vmem>>
            %dma_wait3A_519 = arith.constant 0 : i32
            %dma_wait3A_520 = arith.constant 0 : i32
            %dma_wait3A_521 = tpu.memref_slice %arg4[%dma_wait3A_519, %mul3A_512, %dma_wait3A_520] : memref<16x10000x256xf32, #tpu.memory_space<hbm>> -> memref<16x4x256xf32, #tpu.memory_space<hbm>>
            %dma_wait3A_522 = tpu.memref_slice %run_scoped3A_21[%rem3A_514] : memref<2x!tpu.dma_semaphore, #tpu.memory_space<semaphore_mem>> -> memref<1x!tpu.dma_semaphore, #tpu.memory_space<semaphore_mem>>
            %dma_wait3A_523 = tpu.memref_squeeze %dma_wait3A_522 : memref<1x!tpu.dma_semaphore, #tpu.memory_space<semaphore_mem>> -> memref<!tpu.dma_semaphore, #tpu.memory_space<semaphore_mem>>
            %dma_wait3A_524 = arith.constant 0 : i32
            %dma_wait3A_525 = arith.constant 0 : i32
            %dma_wait3A_526 = arith.constant 0 : i32
            %dma_wait3A_527 = tpu.memref_slice %run_scoped3A_20[%rem3A_514, %dma_wait3A_524, %dma_wait3A_525, %dma_wait3A_526] : memref<2x16x4x256xf32, #tpu.memory_space<vmem>> -> memref<1x16x4x256xf32, #tpu.memory_space<vmem>>
            %dma_wait3A_528 = tpu.memref_squeeze %dma_wait3A_527 : memref<1x16x4x256xf32, #tpu.memory_space<vmem>> -> memref<16x4x256xf32, #tpu.memory_space<vmem>>
            %dma_wait3A_529 = arith.constant 0 : i32
            %dma_wait3A_530 = arith.constant 0 : i32
            %dma_wait3A_531 = tpu.memref_slice %arg4[%dma_wait3A_529, %mul3A_512, %dma_wait3A_530] : memref<16x10000x256xf32, #tpu.memory_space<hbm>> -> memref<16x4x256xf32, #tpu.memory_space<hbm>>
            tpu.wait_dma2 semaphore(%dma_wait3A_523 : memref<!tpu.dma_semaphore, #tpu.memory_space<semaphore_mem>>) src(%dma_wait3A_531 : memref<16x4x256xf32, #tpu.memory_space<hbm>>) dst(%dma_wait3A_528 : memref<16x4x256xf32, #tpu.memory_space<vmem>>)
            "tpu.trace_stop"() : () -> ()
          } else {
          }
          %ne3A_354 = arith.cmpi ne, %add3A_229, %add3A_239 : i32
          %or3A_355 = arith.constant false
          %or3A_356 = arith.ori %or3A_355, %ne3A_354 : i1
          %or3A_357 = arith.constant false
          %or3A_358 = arith.ori %or3A_356, %or3A_357 : i1
          %or3A_359 = arith.ori %or3A_358, %eq3A_225 : i1
          %convert_element_type3A_360 = arith.extui %or3A_359 : i1 to i32
          %cond3A_361 = arith.constant 0 : i32
          %cond3A_362 = arith.cmpi ne, %convert_element_type3A_360, %cond3A_361 : i32
          scf.if %cond3A_362 {
          } else {
          }
          %rem3A_363 = arith.constant 2 : i32
          %rem3A_364 = arith.remui %while3A_214, %rem3A_363 : i32
          %rem3A_365 = arith.constant 2 : i32
          %rem3A_366 = arith.remui %while3A_216, %rem3A_365 : i32
          %rem3A_367 = arith.constant 2 : i32
          %rem3A_368 = arith.remui %while3A_218, %rem3A_367 : i32
          %rem3A_369 = arith.constant 2 : i32
          %rem3A_370 = arith.remui %while3A_219, %rem3A_369 : i32
          "tpu.trace_start"() <{level = 10 : i32, message = "ep_run_kernel"}> : () -> ()
          %scan3A = arith.constant 0 : i32
          %scan3A_371 = arith.constant 4 : i32
          %scan3A_372 = arith.addi %scan3A, %scan3A_371 : i32
          %scan3A_373 = arith.constant 1 : i32
          scf.for %scan3A_511 = %scan3A to %scan3A_372 step %scan3A_373  : i32 {
            %mul3A_512 = arith.constant 1 : i32
            %mul3A_513 = arith.muli %scan3A_511, %mul3A_512 : i32
            %add3A_514 = arith.constant 0 : i32
            %add3A_515 = arith.addi %add3A_514, %mul3A_513 : i32
            %parallel_loop3A = arith.constant 0 : i32
            %parallel_loop3A_516 = arith.constant 256 : i32
            %parallel_loop3A_517 = arith.constant 16 : i32
            scf.for %parallel_loop3A_518 = %parallel_loop3A to %parallel_loop3A_516 step %parallel_loop3A_517  : i32 {
              %parallel_loop3A_519 = arith.constant 0 : i32
              %parallel_loop3A_520 = arith.constant 0 : i32
              %parallel_loop3A_521 = tpu.memref_slice %run_scoped3A[%rem3A_364, %parallel_loop3A_519, %parallel_loop3A_520] : memref<2x4x256xf32, #tpu.memory_space<vmem>> -> memref<1x4x256xf32, #tpu.memory_space<vmem>>
              %parallel_loop3A_522 = tpu.memref_squeeze %parallel_loop3A_521 : memref<1x4x256xf32, #tpu.memory_space<vmem>> -> memref<4x256xf32, #tpu.memory_space<vmem>>
              %parallel_loop3A_523 = arith.index_cast %add3A_515 : i32 to index
              %parallel_loop3A_524 = arith.index_cast %parallel_loop3A_518 : i32 to index
              %parallel_loop3A_525 = tpu.vector_load %parallel_loop3A_522[%parallel_loop3A_523, %parallel_loop3A_524] {strides = array<i32>} : memref<4x256xf32, #tpu.memory_space<vmem>>, vector<1x16xf32>,
              %parallel_loop3A_526 = vector.shape_cast %parallel_loop3A_525 : vector<1x16xf32> to vector<16xf32>
              %parallel_loop3A_527 = arith.constant 0 : i32
              %parallel_loop3A_528 = arith.constant 0 : i32
              %parallel_loop3A_529 = arith.constant 0 : i32
              %parallel_loop3A_530 = arith.constant 0 : i32
              %parallel_loop3A_531 = tpu.memref_slice %run_scoped3A_18[%rem3A_366, %parallel_loop3A_528, %parallel_loop3A_529, %parallel_loop3A_530] : memref<2x16x4x256xf32, #tpu.memory_space<vmem>> -> memref<1x16x4x256xf32, #tpu.memory_space<vmem>>
              %parallel_loop3A_532 = tpu.memref_squeeze %parallel_loop3A_531 : memref<1x16x4x256xf32, #tpu.memory_space<vmem>> -> memref<16x4x256xf32, #tpu.memory_space<vmem>>
              %parallel_loop3A_533 = arith.index_cast %parallel_loop3A_527 : i32 to index
              %parallel_loop3A_534 = arith.index_cast %add3A_515 : i32 to index
              %parallel_loop3A_535 = arith.index_cast %parallel_loop3A_518 : i32 to index
              %parallel_loop3A_536 = tpu.vector_load %parallel_loop3A_532[%parallel_loop3A_533, %parallel_loop3A_534, %parallel_loop3A_535] {strides = array<i32>} : memref<16x4x256xf32, #tpu.memory_space<vmem>>, vector<1x1x16xf32>,
              %parallel_loop3A_537 = vector.shape_cast %parallel_loop3A_536 : vector<1x1x16xf32> to vector<16xf32>
              %parallel_loop3A_538 = arith.addf %parallel_loop3A_537, %parallel_loop3A_526 : vector<16xf32>
              %parallel_loop3A_539 = arith.constant 0.00999999977 : f32
              %parallel_loop3A_540 = vector.broadcast %parallel_loop3A_539 : f32 to vector<16xf32>
              %parallel_loop3A_541 = arith.mulf %parallel_loop3A_538, %parallel_loop3A_540 : vector<16xf32>
              %parallel_loop3A_542 = arith.maximumf %parallel_loop3A_538, %parallel_loop3A_541 : vector<16xf32>
              %parallel_loop3A_543 = arith.constant 1 : i32
              %parallel_loop3A_544 = arith.constant 0 : i32
              %parallel_loop3A_545 = arith.constant 0 : i32
              %parallel_loop3A_546 = arith.constant 0 : i32
              %parallel_loop3A_547 = tpu.memref_slice %run_scoped3A_18[%rem3A_366, %parallel_loop3A_544, %parallel_loop3A_545, %parallel_loop3A_546] : memref<2x16x4x256xf32, #tpu.memory_space<vmem>> -> memref<1x16x4x256xf32, #tpu.memory_space<vmem>>
              %parallel_loop3A_548 = tpu.memref_squeeze %parallel_loop3A_547 : memref<1x16x4x256xf32, #tpu.memory_space<vmem>> -> memref<16x4x256xf32, #tpu.memory_space<vmem>>
              %parallel_loop3A_549 = arith.index_cast %parallel_loop3A_543 : i32 to index
              %parallel_loop3A_550 = arith.index_cast %add3A_515 : i32 to index
              %parallel_loop3A_551 = arith.index_cast %parallel_loop3A_518 : i32 to index
              %parallel_loop3A_552 = tpu.vector_load %parallel_loop3A_548[%parallel_loop3A_549, %parallel_loop3A_550, %parallel_loop3A_551] {strides = array<i32>} : memref<16x4x256xf32, #tpu.memory_space<vmem>>, vector<1x1x16xf32>,
              %parallel_loop3A_553 = vector.shape_cast %parallel_loop3A_552 : vector<1x1x16xf32> to vector<16xf32>
              %parallel_loop3A_554 = arith.addf %parallel_loop3A_553, %parallel_loop3A_526 : vector<16xf32>
              %parallel_loop3A_555 = arith.constant 0.00999999977 : f32
              %parallel_loop3A_556 = vector.broadcast %parallel_loop3A_555 : f32 to vector<16xf32>
              %parallel_loop3A_557 = arith.mulf %parallel_loop3A_554, %parallel_loop3A_556 : vector<16xf32>
              %parallel_loop3A_558 = arith.maximumf %parallel_loop3A_554, %parallel_loop3A_557 : vector<16xf32>
              %parallel_loop3A_559 = arith.constant 2 : i32
              %parallel_loop3A_560 = arith.constant 0 : i32
              %parallel_loop3A_561 = arith.constant 0 : i32
              %parallel_loop3A_562 = arith.constant 0 : i32
              %parallel_loop3A_563 = tpu.memref_slice %run_scoped3A_18[%rem3A_366, %parallel_loop3A_560, %parallel_loop3A_561, %parallel_loop3A_562] : memref<2x16x4x256xf32, #tpu.memory_space<vmem>> -> memref<1x16x4x256xf32, #tpu.memory_space<vmem>>
              %parallel_loop3A_564 = tpu.memref_squeeze %parallel_loop3A_563 : memref<1x16x4x256xf32, #tpu.memory_space<vmem>> -> memref<16x4x256xf32, #tpu.memory_space<vmem>>
              %parallel_loop3A_565 = arith.index_cast %parallel_loop3A_559 : i32 to index
              %parallel_loop3A_566 = arith.index_cast %add3A_515 : i32 to index
              %parallel_loop3A_567 = arith.index_cast %parallel_loop3A_518 : i32 to index
              %parallel_loop3A_568 = tpu.vector_load %parallel_loop3A_564[%parallel_loop3A_565, %parallel_loop3A_566, %parallel_loop3A_567] {strides = array<i32>} : memref<16x4x256xf32, #tpu.memory_space<vmem>>, vector<1x1x16xf32>,
              %parallel_loop3A_569 = vector.shape_cast %parallel_loop3A_568 : vector<1x1x16xf32> to vector<16xf32>
              %parallel_loop3A_570 = arith.addf %parallel_loop3A_569, %parallel_loop3A_526 : vector<16xf32>
              %parallel_loop3A_571 = arith.constant 0.00999999977 : f32
              %parallel_loop3A_572 = vector.broadcast %parallel_loop3A_571 : f32 to vector<16xf32>
              %parallel_loop3A_573 = arith.mulf %parallel_loop3A_570, %parallel_loop3A_572 : vector<16xf32>
              %parallel_loop3A_574 = arith.maximumf %parallel_loop3A_570, %parallel_loop3A_573 : vector<16xf32>
              %parallel_loop3A_575 = arith.constant 3 : i32
              %parallel_loop3A_576 = arith.constant 0 : i32
              %parallel_loop3A_577 = arith.constant 0 : i32
              %parallel_loop3A_578 = arith.constant 0 : i32
              %parallel_loop3A_579 = tpu.memref_slice %run_scoped3A_18[%rem3A_366, %parallel_loop3A_576, %parallel_loop3A_577, %parallel_loop3A_578] : memref<2x16x4x256xf32, #tpu.memory_space<vmem>> -> memref<1x16x4x256xf32, #tpu.memory_space<vmem>>
              %parallel_loop3A_580 = tpu.memref_squeeze %parallel_loop3A_579 : memref<1x16x4x256xf32, #tpu.memory_space<vmem>> -> memref<16x4x256xf32, #tpu.memory_space<vmem>>
              %parallel_loop3A_581 = arith.index_cast %parallel_loop3A_575 : i32 to index
              %parallel_loop3A_582 = arith.index_cast %add3A_515 : i32 to index
              %parallel_loop3A_583 = arith.index_cast %parallel_loop3A_518 : i32 to index
              %parallel_loop3A_584 = tpu.vector_load %parallel_loop3A_580[%parallel_loop3A_581, %parallel_loop3A_582, %parallel_loop3A_583] {strides = array<i32>} : memref<16x4x256xf32, #tpu.memory_space<vmem>>, vector<1x1x16xf32>,
              %parallel_loop3A_585 = vector.shape_cast %parallel_loop3A_584 : vector<1x1x16xf32> to vector<16xf32>
              %parallel_loop3A_586 = arith.addf %parallel_loop3A_585, %parallel_loop3A_526 : vector<16xf32>
              %parallel_loop3A_587 = arith.constant 0.00999999977 : f32
              %parallel_loop3A_588 = vector.broadcast %parallel_loop3A_587 : f32 to vector<16xf32>
              %parallel_loop3A_589 = arith.mulf %parallel_loop3A_586, %parallel_loop3A_588 : vector<16xf32>
              %parallel_loop3A_590 = arith.maximumf %parallel_loop3A_586, %parallel_loop3A_589 : vector<16xf32>
              %parallel_loop3A_591 = arith.constant 4 : i32
              %parallel_loop3A_592 = arith.constant 0 : i32
              %parallel_loop3A_593 = arith.constant 0 : i32
              %parallel_loop3A_594 = arith.constant 0 : i32
              %parallel_loop3A_595 = tpu.memref_slice %run_scoped3A_18[%rem3A_366, %parallel_loop3A_592, %parallel_loop3A_593, %parallel_loop3A_594] : memref<2x16x4x256xf32, #tpu.memory_space<vmem>> -> memref<1x16x4x256xf32, #tpu.memory_space<vmem>>
              %parallel_loop3A_596 = tpu.memref_squeeze %parallel_loop3A_595 : memref<1x16x4x256xf32, #tpu.memory_space<vmem>> -> memref<16x4x256xf32, #tpu.memory_space<vmem>>
              %parallel_loop3A_597 = arith.index_cast %parallel_loop3A_591 : i32 to index
              %parallel_loop3A_598 = arith.index_cast %add3A_515 : i32 to index
              %parallel_loop3A_599 = arith.index_cast %parallel_loop3A_518 : i32 to index
              %parallel_loop3A_600 = tpu.vector_load %parallel_loop3A_596[%parallel_loop3A_597, %parallel_loop3A_598, %parallel_loop3A_599] {strides = array<i32>} : memref<16x4x256xf32, #tpu.memory_space<vmem>>, vector<1x1x16xf32>,
              %parallel_loop3A_601 = vector.shape_cast %parallel_loop3A_600 : vector<1x1x16xf32> to vector<16xf32>
              %parallel_loop3A_602 = arith.addf %parallel_loop3A_601, %parallel_loop3A_526 : vector<16xf32>
              %parallel_loop3A_603 = arith.constant 0.00999999977 : f32
              %parallel_loop3A_604 = vector.broadcast %parallel_loop3A_603 : f32 to vector<16xf32>
              %parallel_loop3A_605 = arith.mulf %parallel_loop3A_602, %parallel_loop3A_604 : vector<16xf32>
              %parallel_loop3A_606 = arith.maximumf %parallel_loop3A_602, %parallel_loop3A_605 : vector<16xf32>
              %parallel_loop3A_607 = arith.constant 5 : i32
              %parallel_loop3A_608 = arith.constant 0 : i32
              %parallel_loop3A_609 = arith.constant 0 : i32
              %parallel_loop3A_610 = arith.constant 0 : i32
              %parallel_loop3A_611 = tpu.memref_slice %run_scoped3A_18[%rem3A_366, %parallel_loop3A_608, %parallel_loop3A_609, %parallel_loop3A_610] : memref<2x16x4x256xf32, #tpu.memory_space<vmem>> -> memref<1x16x4x256xf32, #tpu.memory_space<vmem>>
              %parallel_loop3A_612 = tpu.memref_squeeze %parallel_loop3A_611 : memref<1x16x4x256xf32, #tpu.memory_space<vmem>> -> memref<16x4x256xf32, #tpu.memory_space<vmem>>
              %parallel_loop3A_613 = arith.index_cast %parallel_loop3A_607 : i32 to index
              %parallel_loop3A_614 = arith.index_cast %add3A_515 : i32 to index
              %parallel_loop3A_615 = arith.index_cast %parallel_loop3A_518 : i32 to index
              %parallel_loop3A_616 = tpu.vector_load %parallel_loop3A_612[%parallel_loop3A_613, %parallel_loop3A_614, %parallel_loop3A_615] {strides = array<i32>} : memref<16x4x256xf32, #tpu.memory_space<vmem>>, vector<1x1x16xf32>,
              %parallel_loop3A_617 = vector.shape_cast %parallel_loop3A_616 : vector<1x1x16xf32> to vector<16xf32>
              %parallel_loop3A_618 = arith.addf %parallel_loop3A_617, %parallel_loop3A_526 : vector<16xf32>
              %parallel_loop3A_619 = arith.constant 0.00999999977 : f32
              %parallel_loop3A_620 = vector.broadcast %parallel_loop3A_619 : f32 to vector<16xf32>
              %parallel_loop3A_621 = arith.mulf %parallel_loop3A_618, %parallel_loop3A_620 : vector<16xf32>
              %parallel_loop3A_622 = arith.maximumf %parallel_loop3A_618, %parallel_loop3A_621 : vector<16xf32>
              %parallel_loop3A_623 = arith.constant 6 : i32
              %parallel_loop3A_624 = arith.constant 0 : i32
              %parallel_loop3A_625 = arith.constant 0 : i32
              %parallel_loop3A_626 = arith.constant 0 : i32
              %parallel_loop3A_627 = tpu.memref_slice %run_scoped3A_18[%rem3A_366, %parallel_loop3A_624, %parallel_loop3A_625, %parallel_loop3A_626] : memref<2x16x4x256xf32, #tpu.memory_space<vmem>> -> memref<1x16x4x256xf32, #tpu.memory_space<vmem>>
              %parallel_loop3A_628 = tpu.memref_squeeze %parallel_loop3A_627 : memref<1x16x4x256xf32, #tpu.memory_space<vmem>> -> memref<16x4x256xf32, #tpu.memory_space<vmem>>
              %parallel_loop3A_629 = arith.index_cast %parallel_loop3A_623 : i32 to index
              %parallel_loop3A_630 = arith.index_cast %add3A_515 : i32 to index
              %parallel_loop3A_631 = arith.index_cast %parallel_loop3A_518 : i32 to index
              %parallel_loop3A_632 = tpu.vector_load %parallel_loop3A_628[%parallel_loop3A_629, %parallel_loop3A_630, %parallel_loop3A_631] {strides = array<i32>} : memref<16x4x256xf32, #tpu.memory_space<vmem>>, vector<1x1x16xf32>,
              %parallel_loop3A_633 = vector.shape_cast %parallel_loop3A_632 : vector<1x1x16xf32> to vector<16xf32>
              %parallel_loop3A_634 = arith.addf %parallel_loop3A_633, %parallel_loop3A_526 : vector<16xf32>
              %parallel_loop3A_635 = arith.constant 0.00999999977 : f32
              %parallel_loop3A_636 = vector.broadcast %parallel_loop3A_635 : f32 to vector<16xf32>
              %parallel_loop3A_637 = arith.mulf %parallel_loop3A_634, %parallel_loop3A_636 : vector<16xf32>
              %parallel_loop3A_638 = arith.maximumf %parallel_loop3A_634, %parallel_loop3A_637 : vector<16xf32>
              %parallel_loop3A_639 = arith.constant 7 : i32
              %parallel_loop3A_640 = arith.constant 0 : i32
              %parallel_loop3A_641 = arith.constant 0 : i32
              %parallel_loop3A_642 = arith.constant 0 : i32
              %parallel_loop3A_643 = tpu.memref_slice %run_scoped3A_18[%rem3A_366, %parallel_loop3A_640, %parallel_loop3A_641, %parallel_loop3A_642] : memref<2x16x4x256xf32, #tpu.memory_space<vmem>> -> memref<1x16x4x256xf32, #tpu.memory_space<vmem>>
              %parallel_loop3A_644 = tpu.memref_squeeze %parallel_loop3A_643 : memref<1x16x4x256xf32, #tpu.memory_space<vmem>> -> memref<16x4x256xf32, #tpu.memory_space<vmem>>
              %parallel_loop3A_645 = arith.index_cast %parallel_loop3A_639 : i32 to index
              %parallel_loop3A_646 = arith.index_cast %add3A_515 : i32 to index
              %parallel_loop3A_647 = arith.index_cast %parallel_loop3A_518 : i32 to index
              %parallel_loop3A_648 = tpu.vector_load %parallel_loop3A_644[%parallel_loop3A_645, %parallel_loop3A_646, %parallel_loop3A_647] {strides = array<i32>} : memref<16x4x256xf32, #tpu.memory_space<vmem>>, vector<1x1x16xf32>,
              %parallel_loop3A_649 = vector.shape_cast %parallel_loop3A_648 : vector<1x1x16xf32> to vector<16xf32>
              %parallel_loop3A_650 = arith.addf %parallel_loop3A_649, %parallel_loop3A_526 : vector<16xf32>
              %parallel_loop3A_651 = arith.constant 0.00999999977 : f32
              %parallel_loop3A_652 = vector.broadcast %parallel_loop3A_651 : f32 to vector<16xf32>
              %parallel_loop3A_653 = arith.mulf %parallel_loop3A_650, %parallel_loop3A_652 : vector<16xf32>
              %parallel_loop3A_654 = arith.maximumf %parallel_loop3A_650, %parallel_loop3A_653 : vector<16xf32>
              %parallel_loop3A_655 = arith.constant 8 : i32
              %parallel_loop3A_656 = arith.constant 0 : i32
              %parallel_loop3A_657 = arith.constant 0 : i32
              %parallel_loop3A_658 = arith.constant 0 : i32
              %parallel_loop3A_659 = tpu.memref_slice %run_scoped3A_18[%rem3A_366, %parallel_loop3A_656, %parallel_loop3A_657, %parallel_loop3A_658] : memref<2x16x4x256xf32, #tpu.memory_space<vmem>> -> memref<1x16x4x256xf32, #tpu.memory_space<vmem>>
              %parallel_loop3A_660 = tpu.memref_squeeze %parallel_loop3A_659 : memref<1x16x4x256xf32, #tpu.memory_space<vmem>> -> memref<16x4x256xf32, #tpu.memory_space<vmem>>
              %parallel_loop3A_661 = arith.index_cast %parallel_loop3A_655 : i32 to index
              %parallel_loop3A_662 = arith.index_cast %add3A_515 : i32 to index
              %parallel_loop3A_663 = arith.index_cast %parallel_loop3A_518 : i32 to index
              %parallel_loop3A_664 = tpu.vector_load %parallel_loop3A_660[%parallel_loop3A_661, %parallel_loop3A_662, %parallel_loop3A_663] {strides = array<i32>} : memref<16x4x256xf32, #tpu.memory_space<vmem>>, vector<1x1x16xf32>,
              %parallel_loop3A_665 = vector.shape_cast %parallel_loop3A_664 : vector<1x1x16xf32> to vector<16xf32>
              %parallel_loop3A_666 = arith.addf %parallel_loop3A_665, %parallel_loop3A_526 : vector<16xf32>
              %parallel_loop3A_667 = arith.constant 0.00999999977 : f32
              %parallel_loop3A_668 = vector.broadcast %parallel_loop3A_667 : f32 to vector<16xf32>
              %parallel_loop3A_669 = arith.mulf %parallel_loop3A_666, %parallel_loop3A_668 : vector<16xf32>
              %parallel_loop3A_670 = arith.maximumf %parallel_loop3A_666, %parallel_loop3A_669 : vector<16xf32>
              %parallel_loop3A_671 = arith.constant 9 : i32
              %parallel_loop3A_672 = arith.constant 0 : i32
              %parallel_loop3A_673 = arith.constant 0 : i32
              %parallel_loop3A_674 = arith.constant 0 : i32
              %parallel_loop3A_675 = tpu.memref_slice %run_scoped3A_18[%rem3A_366, %parallel_loop3A_672, %parallel_loop3A_673, %parallel_loop3A_674] : memref<2x16x4x256xf32, #tpu.memory_space<vmem>> -> memref<1x16x4x256xf32, #tpu.memory_space<vmem>>
              %parallel_loop3A_676 = tpu.memref_squeeze %parallel_loop3A_675 : memref<1x16x4x256xf32, #tpu.memory_space<vmem>> -> memref<16x4x256xf32, #tpu.memory_space<vmem>>
              %parallel_loop3A_677 = arith.index_cast %parallel_loop3A_671 : i32 to index
              %parallel_loop3A_678 = arith.index_cast %add3A_515 : i32 to index
              %parallel_loop3A_679 = arith.index_cast %parallel_loop3A_518 : i32 to index
              %parallel_loop3A_680 = tpu.vector_load %parallel_loop3A_676[%parallel_loop3A_677, %parallel_loop3A_678, %parallel_loop3A_679] {strides = array<i32>} : memref<16x4x256xf32, #tpu.memory_space<vmem>>, vector<1x1x16xf32>,
              %parallel_loop3A_681 = vector.shape_cast %parallel_loop3A_680 : vector<1x1x16xf32> to vector<16xf32>
              %parallel_loop3A_682 = arith.addf %parallel_loop3A_681, %parallel_loop3A_526 : vector<16xf32>
              %parallel_loop3A_683 = arith.constant 0.00999999977 : f32
              %parallel_loop3A_684 = vector.broadcast %parallel_loop3A_683 : f32 to vector<16xf32>
              %parallel_loop3A_685 = arith.mulf %parallel_loop3A_682, %parallel_loop3A_684 : vector<16xf32>
              %parallel_loop3A_686 = arith.maximumf %parallel_loop3A_682, %parallel_loop3A_685 : vector<16xf32>
              %parallel_loop3A_687 = arith.constant 10 : i32
              %parallel_loop3A_688 = arith.constant 0 : i32
              %parallel_loop3A_689 = arith.constant 0 : i32
              %parallel_loop3A_690 = arith.constant 0 : i32
              %parallel_loop3A_691 = tpu.memref_slice %run_scoped3A_18[%rem3A_366, %parallel_loop3A_688, %parallel_loop3A_689, %parallel_loop3A_690] : memref<2x16x4x256xf32, #tpu.memory_space<vmem>> -> memref<1x16x4x256xf32, #tpu.memory_space<vmem>>
              %parallel_loop3A_692 = tpu.memref_squeeze %parallel_loop3A_691 : memref<1x16x4x256xf32, #tpu.memory_space<vmem>> -> memref<16x4x256xf32, #tpu.memory_space<vmem>>
              %parallel_loop3A_693 = arith.index_cast %parallel_loop3A_687 : i32 to index
              %parallel_loop3A_694 = arith.index_cast %add3A_515 : i32 to index
              %parallel_loop3A_695 = arith.index_cast %parallel_loop3A_518 : i32 to index
              %parallel_loop3A_696 = tpu.vector_load %parallel_loop3A_692[%parallel_loop3A_693, %parallel_loop3A_694, %parallel_loop3A_695] {strides = array<i32>} : memref<16x4x256xf32, #tpu.memory_space<vmem>>, vector<1x1x16xf32>,
              %parallel_loop3A_697 = vector.shape_cast %parallel_loop3A_696 : vector<1x1x16xf32> to vector<16xf32>
              %parallel_loop3A_698 = arith.addf %parallel_loop3A_697, %parallel_loop3A_526 : vector<16xf32>
              %parallel_loop3A_699 = arith.constant 0.00999999977 : f32
              %parallel_loop3A_700 = vector.broadcast %parallel_loop3A_699 : f32 to vector<16xf32>
              %parallel_loop3A_701 = arith.mulf %parallel_loop3A_698, %parallel_loop3A_700 : vector<16xf32>
              %parallel_loop3A_702 = arith.maximumf %parallel_loop3A_698, %parallel_loop3A_701 : vector<16xf32>
              %parallel_loop3A_703 = arith.constant 11 : i32
              %parallel_loop3A_704 = arith.constant 0 : i32
              %parallel_loop3A_705 = arith.constant 0 : i32
              %parallel_loop3A_706 = arith.constant 0 : i32
              %parallel_loop3A_707 = tpu.memref_slice %run_scoped3A_18[%rem3A_366, %parallel_loop3A_704, %parallel_loop3A_705, %parallel_loop3A_706] : memref<2x16x4x256xf32, #tpu.memory_space<vmem>> -> memref<1x16x4x256xf32, #tpu.memory_space<vmem>>
              %parallel_loop3A_708 = tpu.memref_squeeze %parallel_loop3A_707 : memref<1x16x4x256xf32, #tpu.memory_space<vmem>> -> memref<16x4x256xf32, #tpu.memory_space<vmem>>
              %parallel_loop3A_709 = arith.index_cast %parallel_loop3A_703 : i32 to index
              %parallel_loop3A_710 = arith.index_cast %add3A_515 : i32 to index
              %parallel_loop3A_711 = arith.index_cast %parallel_loop3A_518 : i32 to index
              %parallel_loop3A_712 = tpu.vector_load %parallel_loop3A_708[%parallel_loop3A_709, %parallel_loop3A_710, %parallel_loop3A_711] {strides = array<i32>} : memref<16x4x256xf32, #tpu.memory_space<vmem>>, vector<1x1x16xf32>,
              %parallel_loop3A_713 = vector.shape_cast %parallel_loop3A_712 : vector<1x1x16xf32> to vector<16xf32>
              %parallel_loop3A_714 = arith.addf %parallel_loop3A_713, %parallel_loop3A_526 : vector<16xf32>
              %parallel_loop3A_715 = arith.constant 0.00999999977 : f32
              %parallel_loop3A_716 = vector.broadcast %parallel_loop3A_715 : f32 to vector<16xf32>
              %parallel_loop3A_717 = arith.mulf %parallel_loop3A_714, %parallel_loop3A_716 : vector<16xf32>
              %parallel_loop3A_718 = arith.maximumf %parallel_loop3A_714, %parallel_loop3A_717 : vector<16xf32>
              %parallel_loop3A_719 = arith.constant 12 : i32
              %parallel_loop3A_720 = arith.constant 0 : i32
              %parallel_loop3A_721 = arith.constant 0 : i32
              %parallel_loop3A_722 = arith.constant 0 : i32
              %parallel_loop3A_723 = tpu.memref_slice %run_scoped3A_18[%rem3A_366, %parallel_loop3A_720, %parallel_loop3A_721, %parallel_loop3A_722] : memref<2x16x4x256xf32, #tpu.memory_space<vmem>> -> memref<1x16x4x256xf32, #tpu.memory_space<vmem>>
              %parallel_loop3A_724 = tpu.memref_squeeze %parallel_loop3A_723 : memref<1x16x4x256xf32, #tpu.memory_space<vmem>> -> memref<16x4x256xf32, #tpu.memory_space<vmem>>
              %parallel_loop3A_725 = arith.index_cast %parallel_loop3A_719 : i32 to index
              %parallel_loop3A_726 = arith.index_cast %add3A_515 : i32 to index
              %parallel_loop3A_727 = arith.index_cast %parallel_loop3A_518 : i32 to index
              %parallel_loop3A_728 = tpu.vector_load %parallel_loop3A_724[%parallel_loop3A_725, %parallel_loop3A_726, %parallel_loop3A_727] {strides = array<i32>} : memref<16x4x256xf32, #tpu.memory_space<vmem>>, vector<1x1x16xf32>,
              %parallel_loop3A_729 = vector.shape_cast %parallel_loop3A_728 : vector<1x1x16xf32> to vector<16xf32>
              %parallel_loop3A_730 = arith.addf %parallel_loop3A_729, %parallel_loop3A_526 : vector<16xf32>
              %parallel_loop3A_731 = arith.constant 0.00999999977 : f32
              %parallel_loop3A_732 = vector.broadcast %parallel_loop3A_731 : f32 to vector<16xf32>
              %parallel_loop3A_733 = arith.mulf %parallel_loop3A_730, %parallel_loop3A_732 : vector<16xf32>
              %parallel_loop3A_734 = arith.maximumf %parallel_loop3A_730, %parallel_loop3A_733 : vector<16xf32>
              %parallel_loop3A_735 = arith.constant 13 : i32
              %parallel_loop3A_736 = arith.constant 0 : i32
              %parallel_loop3A_737 = arith.constant 0 : i32
              %parallel_loop3A_738 = arith.constant 0 : i32
              %parallel_loop3A_739 = tpu.memref_slice %run_scoped3A_18[%rem3A_366, %parallel_loop3A_736, %parallel_loop3A_737, %parallel_loop3A_738] : memref<2x16x4x256xf32, #tpu.memory_space<vmem>> -> memref<1x16x4x256xf32, #tpu.memory_space<vmem>>
              %parallel_loop3A_740 = tpu.memref_squeeze %parallel_loop3A_739 : memref<1x16x4x256xf32, #tpu.memory_space<vmem>> -> memref<16x4x256xf32, #tpu.memory_space<vmem>>
              %parallel_loop3A_741 = arith.index_cast %parallel_loop3A_735 : i32 to index
              %parallel_loop3A_742 = arith.index_cast %add3A_515 : i32 to index
              %parallel_loop3A_743 = arith.index_cast %parallel_loop3A_518 : i32 to index
              %parallel_loop3A_744 = tpu.vector_load %parallel_loop3A_740[%parallel_loop3A_741, %parallel_loop3A_742, %parallel_loop3A_743] {strides = array<i32>} : memref<16x4x256xf32, #tpu.memory_space<vmem>>, vector<1x1x16xf32>,
              %parallel_loop3A_745 = vector.shape_cast %parallel_loop3A_744 : vector<1x1x16xf32> to vector<16xf32>
              %parallel_loop3A_746 = arith.addf %parallel_loop3A_745, %parallel_loop3A_526 : vector<16xf32>
              %parallel_loop3A_747 = arith.constant 0.00999999977 : f32
              %parallel_loop3A_748 = vector.broadcast %parallel_loop3A_747 : f32 to vector<16xf32>
              %parallel_loop3A_749 = arith.mulf %parallel_loop3A_746, %parallel_loop3A_748 : vector<16xf32>
              %parallel_loop3A_750 = arith.maximumf %parallel_loop3A_746, %parallel_loop3A_749 : vector<16xf32>
              %parallel_loop3A_751 = arith.constant 14 : i32
              %parallel_loop3A_752 = arith.constant 0 : i32
              %parallel_loop3A_753 = arith.constant 0 : i32
              %parallel_loop3A_754 = arith.constant 0 : i32
              %parallel_loop3A_755 = tpu.memref_slice %run_scoped3A_18[%rem3A_366, %parallel_loop3A_752, %parallel_loop3A_753, %parallel_loop3A_754] : memref<2x16x4x256xf32, #tpu.memory_space<vmem>> -> memref<1x16x4x256xf32, #tpu.memory_space<vmem>>
              %parallel_loop3A_756 = tpu.memref_squeeze %parallel_loop3A_755 : memref<1x16x4x256xf32, #tpu.memory_space<vmem>> -> memref<16x4x256xf32, #tpu.memory_space<vmem>>
              %parallel_loop3A_757 = arith.index_cast %parallel_loop3A_751 : i32 to index
              %parallel_loop3A_758 = arith.index_cast %add3A_515 : i32 to index
              %parallel_loop3A_759 = arith.index_cast %parallel_loop3A_518 : i32 to index
              %parallel_loop3A_760 = tpu.vector_load %parallel_loop3A_756[%parallel_loop3A_757, %parallel_loop3A_758, %parallel_loop3A_759] {strides = array<i32>} : memref<16x4x256xf32, #tpu.memory_space<vmem>>, vector<1x1x16xf32>,
              %parallel_loop3A_761 = vector.shape_cast %parallel_loop3A_760 : vector<1x1x16xf32> to vector<16xf32>
              %parallel_loop3A_762 = arith.addf %parallel_loop3A_761, %parallel_loop3A_526 : vector<16xf32>
              %parallel_loop3A_763 = arith.constant 0.00999999977 : f32
              %parallel_loop3A_764 = vector.broadcast %parallel_loop3A_763 : f32 to vector<16xf32>
              %parallel_loop3A_765 = arith.mulf %parallel_loop3A_762, %parallel_loop3A_764 : vector<16xf32>
              %parallel_loop3A_766 = arith.maximumf %parallel_loop3A_762, %parallel_loop3A_765 : vector<16xf32>
              %parallel_loop3A_767 = arith.constant 15 : i32
              %parallel_loop3A_768 = arith.constant 0 : i32
              %parallel_loop3A_769 = arith.constant 0 : i32
              %parallel_loop3A_770 = arith.constant 0 : i32
              %parallel_loop3A_771 = tpu.memref_slice %run_scoped3A_18[%rem3A_366, %parallel_loop3A_768, %parallel_loop3A_769, %parallel_loop3A_770] : memref<2x16x4x256xf32, #tpu.memory_space<vmem>> -> memref<1x16x4x256xf32, #tpu.memory_space<vmem>>
              %parallel_loop3A_772 = tpu.memref_squeeze %parallel_loop3A_771 : memref<1x16x4x256xf32, #tpu.memory_space<vmem>> -> memref<16x4x256xf32, #tpu.memory_space<vmem>>
              %parallel_loop3A_773 = arith.index_cast %parallel_loop3A_767 : i32 to index
              %parallel_loop3A_774 = arith.index_cast %add3A_515 : i32 to index
              %parallel_loop3A_775 = arith.index_cast %parallel_loop3A_518 : i32 to index
              %parallel_loop3A_776 = tpu.vector_load %parallel_loop3A_772[%parallel_loop3A_773, %parallel_loop3A_774, %parallel_loop3A_775] {strides = array<i32>} : memref<16x4x256xf32, #tpu.memory_space<vmem>>, vector<1x1x16xf32>,
              %parallel_loop3A_777 = vector.shape_cast %parallel_loop3A_776 : vector<1x1x16xf32> to vector<16xf32>
              %parallel_loop3A_778 = arith.addf %parallel_loop3A_777, %parallel_loop3A_526 : vector<16xf32>
              %parallel_loop3A_779 = arith.constant 0.00999999977 : f32
              %parallel_loop3A_780 = vector.broadcast %parallel_loop3A_779 : f32 to vector<16xf32>
              %parallel_loop3A_781 = arith.mulf %parallel_loop3A_778, %parallel_loop3A_780 : vector<16xf32>
              %parallel_loop3A_782 = arith.maximumf %parallel_loop3A_778, %parallel_loop3A_781 : vector<16xf32>
              %parallel_loop3A_783 = arith.maximumf %parallel_loop3A_542, %parallel_loop3A_558 : vector<16xf32>
              %parallel_loop3A_784 = arith.maximumf %parallel_loop3A_574, %parallel_loop3A_590 : vector<16xf32>
              %parallel_loop3A_785 = arith.maximumf %parallel_loop3A_606, %parallel_loop3A_622 : vector<16xf32>
              %parallel_loop3A_786 = arith.maximumf %parallel_loop3A_638, %parallel_loop3A_654 : vector<16xf32>
              %parallel_loop3A_787 = arith.maximumf %parallel_loop3A_670, %parallel_loop3A_686 : vector<16xf32>
              %parallel_loop3A_788 = arith.maximumf %parallel_loop3A_702, %parallel_loop3A_718 : vector<16xf32>
              %parallel_loop3A_789 = arith.maximumf %parallel_loop3A_734, %parallel_loop3A_750 : vector<16xf32>
              %parallel_loop3A_790 = arith.maximumf %parallel_loop3A_766, %parallel_loop3A_782 : vector<16xf32>
              %parallel_loop3A_791 = arith.maximumf %parallel_loop3A_783, %parallel_loop3A_784 : vector<16xf32>
              %parallel_loop3A_792 = arith.maximumf %parallel_loop3A_785, %parallel_loop3A_786 : vector<16xf32>
              %parallel_loop3A_793 = arith.maximumf %parallel_loop3A_787, %parallel_loop3A_788 : vector<16xf32>
              %parallel_loop3A_794 = arith.maximumf %parallel_loop3A_789, %parallel_loop3A_790 : vector<16xf32>
              %parallel_loop3A_795 = arith.maximumf %parallel_loop3A_791, %parallel_loop3A_792 : vector<16xf32>
              %parallel_loop3A_796 = arith.maximumf %parallel_loop3A_793, %parallel_loop3A_794 : vector<16xf32>
              %parallel_loop3A_797 = arith.maximumf %parallel_loop3A_795, %parallel_loop3A_796 : vector<16xf32>
              %parallel_loop3A_798 = arith.subf %parallel_loop3A_542, %parallel_loop3A_797 : vector<16xf32>
              %parallel_loop3A_799 = math.exp %parallel_loop3A_798 : vector<16xf32>
              %parallel_loop3A_800 = arith.subf %parallel_loop3A_558, %parallel_loop3A_797 : vector<16xf32>
              %parallel_loop3A_801 = math.exp %parallel_loop3A_800 : vector<16xf32>
              %parallel_loop3A_802 = arith.subf %parallel_loop3A_574, %parallel_loop3A_797 : vector<16xf32>
              %parallel_loop3A_803 = math.exp %parallel_loop3A_802 : vector<16xf32>
              %parallel_loop3A_804 = arith.subf %parallel_loop3A_590, %parallel_loop3A_797 : vector<16xf32>
              %parallel_loop3A_805 = math.exp %parallel_loop3A_804 : vector<16xf32>
              %parallel_loop3A_806 = arith.subf %parallel_loop3A_606, %parallel_loop3A_797 : vector<16xf32>
              %parallel_loop3A_807 = math.exp %parallel_loop3A_806 : vector<16xf32>
              %parallel_loop3A_808 = arith.subf %parallel_loop3A_622, %parallel_loop3A_797 : vector<16xf32>
              %parallel_loop3A_809 = math.exp %parallel_loop3A_808 : vector<16xf32>
              %parallel_loop3A_810 = arith.subf %parallel_loop3A_638, %parallel_loop3A_797 : vector<16xf32>
              %parallel_loop3A_811 = math.exp %parallel_loop3A_810 : vector<16xf32>
              %parallel_loop3A_812 = arith.subf %parallel_loop3A_654, %parallel_loop3A_797 : vector<16xf32>
              %parallel_loop3A_813 = math.exp %parallel_loop3A_812 : vector<16xf32>
              %parallel_loop3A_814 = arith.subf %parallel_loop3A_670, %parallel_loop3A_797 : vector<16xf32>
              %parallel_loop3A_815 = math.exp %parallel_loop3A_814 : vector<16xf32>
              %parallel_loop3A_816 = arith.subf %parallel_loop3A_686, %parallel_loop3A_797 : vector<16xf32>
              %parallel_loop3A_817 = math.exp %parallel_loop3A_816 : vector<16xf32>
              %parallel_loop3A_818 = arith.subf %parallel_loop3A_702, %parallel_loop3A_797 : vector<16xf32>
              %parallel_loop3A_819 = math.exp %parallel_loop3A_818 : vector<16xf32>
              %parallel_loop3A_820 = arith.subf %parallel_loop3A_718, %parallel_loop3A_797 : vector<16xf32>
              %parallel_loop3A_821 = math.exp %parallel_loop3A_820 : vector<16xf32>
              %parallel_loop3A_822 = arith.subf %parallel_loop3A_734, %parallel_loop3A_797 : vector<16xf32>
              %parallel_loop3A_823 = math.exp %parallel_loop3A_822 : vector<16xf32>
              %parallel_loop3A_824 = arith.subf %parallel_loop3A_750, %parallel_loop3A_797 : vector<16xf32>
              %parallel_loop3A_825 = math.exp %parallel_loop3A_824 : vector<16xf32>
              %parallel_loop3A_826 = arith.subf %parallel_loop3A_766, %parallel_loop3A_797 : vector<16xf32>
              %parallel_loop3A_827 = math.exp %parallel_loop3A_826 : vector<16xf32>
              %parallel_loop3A_828 = arith.subf %parallel_loop3A_782, %parallel_loop3A_797 : vector<16xf32>
              %parallel_loop3A_829 = math.exp %parallel_loop3A_828 : vector<16xf32>
              %parallel_loop3A_830 = arith.constant 0 : i32
              %parallel_loop3A_831 = arith.constant 0 : i32
              %parallel_loop3A_832 = arith.constant 0 : i32
              %parallel_loop3A_833 = arith.constant 0 : i32
              %parallel_loop3A_834 = tpu.memref_slice %run_scoped3A_20[%rem3A_368, %parallel_loop3A_831, %parallel_loop3A_832, %parallel_loop3A_833] : memref<2x16x4x256xf32, #tpu.memory_space<vmem>> -> memref<1x16x4x256xf32, #tpu.memory_space<vmem>>
              %parallel_loop3A_835 = tpu.memref_squeeze %parallel_loop3A_834 : memref<1x16x4x256xf32, #tpu.memory_space<vmem>> -> memref<16x4x256xf32, #tpu.memory_space<vmem>>
              %parallel_loop3A_836 = arith.index_cast %parallel_loop3A_830 : i32 to index
              %parallel_loop3A_837 = arith.index_cast %add3A_515 : i32 to index
              %parallel_loop3A_838 = arith.index_cast %parallel_loop3A_518 : i32 to index
              %parallel_loop3A_839 = tpu.vector_load %parallel_loop3A_835[%parallel_loop3A_836, %parallel_loop3A_837, %parallel_loop3A_838] {strides = array<i32>} : memref<16x4x256xf32, #tpu.memory_space<vmem>>, vector<1x1x16xf32>,
              %parallel_loop3A_840 = vector.shape_cast %parallel_loop3A_839 : vector<1x1x16xf32> to vector<16xf32>
              %parallel_loop3A_841 = arith.mulf %parallel_loop3A_799, %parallel_loop3A_840 : vector<16xf32>
              %parallel_loop3A_842 = arith.constant 1 : i32
              %parallel_loop3A_843 = arith.constant 0 : i32
              %parallel_loop3A_844 = arith.constant 0 : i32
              %parallel_loop3A_845 = arith.constant 0 : i32
              %parallel_loop3A_846 = tpu.memref_slice %run_scoped3A_20[%rem3A_368, %parallel_loop3A_843, %parallel_loop3A_844, %parallel_loop3A_845] : memref<2x16x4x256xf32, #tpu.memory_space<vmem>> -> memref<1x16x4x256xf32, #tpu.memory_space<vmem>>
              %parallel_loop3A_847 = tpu.memref_squeeze %parallel_loop3A_846 : memref<1x16x4x256xf32, #tpu.memory_space<vmem>> -> memref<16x4x256xf32, #tpu.memory_space<vmem>>
              %parallel_loop3A_848 = arith.index_cast %parallel_loop3A_842 : i32 to index
              %parallel_loop3A_849 = arith.index_cast %add3A_515 : i32 to index
              %parallel_loop3A_850 = arith.index_cast %parallel_loop3A_518 : i32 to index
              %parallel_loop3A_851 = tpu.vector_load %parallel_loop3A_847[%parallel_loop3A_848, %parallel_loop3A_849, %parallel_loop3A_850] {strides = array<i32>} : memref<16x4x256xf32, #tpu.memory_space<vmem>>, vector<1x1x16xf32>,
              %parallel_loop3A_852 = vector.shape_cast %parallel_loop3A_851 : vector<1x1x16xf32> to vector<16xf32>
              %parallel_loop3A_853 = arith.mulf %parallel_loop3A_801, %parallel_loop3A_852 : vector<16xf32>
              %parallel_loop3A_854 = arith.constant 2 : i32
              %parallel_loop3A_855 = arith.constant 0 : i32
              %parallel_loop3A_856 = arith.constant 0 : i32
              %parallel_loop3A_857 = arith.constant 0 : i32
              %parallel_loop3A_858 = tpu.memref_slice %run_scoped3A_20[%rem3A_368, %parallel_loop3A_855, %parallel_loop3A_856, %parallel_loop3A_857] : memref<2x16x4x256xf32, #tpu.memory_space<vmem>> -> memref<1x16x4x256xf32, #tpu.memory_space<vmem>>
              %parallel_loop3A_859 = tpu.memref_squeeze %parallel_loop3A_858 : memref<1x16x4x256xf32, #tpu.memory_space<vmem>> -> memref<16x4x256xf32, #tpu.memory_space<vmem>>
              %parallel_loop3A_860 = arith.index_cast %parallel_loop3A_854 : i32 to index
              %parallel_loop3A_861 = arith.index_cast %add3A_515 : i32 to index
              %parallel_loop3A_862 = arith.index_cast %parallel_loop3A_518 : i32 to index
              %parallel_loop3A_863 = tpu.vector_load %parallel_loop3A_859[%parallel_loop3A_860, %parallel_loop3A_861, %parallel_loop3A_862] {strides = array<i32>} : memref<16x4x256xf32, #tpu.memory_space<vmem>>, vector<1x1x16xf32>,
              %parallel_loop3A_864 = vector.shape_cast %parallel_loop3A_863 : vector<1x1x16xf32> to vector<16xf32>
              %parallel_loop3A_865 = arith.mulf %parallel_loop3A_803, %parallel_loop3A_864 : vector<16xf32>
              %parallel_loop3A_866 = arith.constant 3 : i32
              %parallel_loop3A_867 = arith.constant 0 : i32
              %parallel_loop3A_868 = arith.constant 0 : i32
              %parallel_loop3A_869 = arith.constant 0 : i32
              %parallel_loop3A_870 = tpu.memref_slice %run_scoped3A_20[%rem3A_368, %parallel_loop3A_867, %parallel_loop3A_868, %parallel_loop3A_869] : memref<2x16x4x256xf32, #tpu.memory_space<vmem>> -> memref<1x16x4x256xf32, #tpu.memory_space<vmem>>
              %parallel_loop3A_871 = tpu.memref_squeeze %parallel_loop3A_870 : memref<1x16x4x256xf32, #tpu.memory_space<vmem>> -> memref<16x4x256xf32, #tpu.memory_space<vmem>>
              %parallel_loop3A_872 = arith.index_cast %parallel_loop3A_866 : i32 to index
              %parallel_loop3A_873 = arith.index_cast %add3A_515 : i32 to index
              %parallel_loop3A_874 = arith.index_cast %parallel_loop3A_518 : i32 to index
              %parallel_loop3A_875 = tpu.vector_load %parallel_loop3A_871[%parallel_loop3A_872, %parallel_loop3A_873, %parallel_loop3A_874] {strides = array<i32>} : memref<16x4x256xf32, #tpu.memory_space<vmem>>, vector<1x1x16xf32>,
              %parallel_loop3A_876 = vector.shape_cast %parallel_loop3A_875 : vector<1x1x16xf32> to vector<16xf32>
              %parallel_loop3A_877 = arith.mulf %parallel_loop3A_805, %parallel_loop3A_876 : vector<16xf32>
              %parallel_loop3A_878 = arith.constant 4 : i32
              %parallel_loop3A_879 = arith.constant 0 : i32
              %parallel_loop3A_880 = arith.constant 0 : i32
              %parallel_loop3A_881 = arith.constant 0 : i32
              %parallel_loop3A_882 = tpu.memref_slice %run_scoped3A_20[%rem3A_368, %parallel_loop3A_879, %parallel_loop3A_880, %parallel_loop3A_881] : memref<2x16x4x256xf32, #tpu.memory_space<vmem>> -> memref<1x16x4x256xf32, #tpu.memory_space<vmem>>
              %parallel_loop3A_883 = tpu.memref_squeeze %parallel_loop3A_882 : memref<1x16x4x256xf32, #tpu.memory_space<vmem>> -> memref<16x4x256xf32, #tpu.memory_space<vmem>>
              %parallel_loop3A_884 = arith.index_cast %parallel_loop3A_878 : i32 to index
              %parallel_loop3A_885 = arith.index_cast %add3A_515 : i32 to index
              %parallel_loop3A_886 = arith.index_cast %parallel_loop3A_518 : i32 to index
              %parallel_loop3A_887 = tpu.vector_load %parallel_loop3A_883[%parallel_loop3A_884, %parallel_loop3A_885, %parallel_loop3A_886] {strides = array<i32>} : memref<16x4x256xf32, #tpu.memory_space<vmem>>, vector<1x1x16xf32>,
              %parallel_loop3A_888 = vector.shape_cast %parallel_loop3A_887 : vector<1x1x16xf32> to vector<16xf32>
              %parallel_loop3A_889 = arith.mulf %parallel_loop3A_807, %parallel_loop3A_888 : vector<16xf32>
              %parallel_loop3A_890 = arith.constant 5 : i32
              %parallel_loop3A_891 = arith.constant 0 : i32
              %parallel_loop3A_892 = arith.constant 0 : i32
              %parallel_loop3A_893 = arith.constant 0 : i32
              %parallel_loop3A_894 = tpu.memref_slice %run_scoped3A_20[%rem3A_368, %parallel_loop3A_891, %parallel_loop3A_892, %parallel_loop3A_893] : memref<2x16x4x256xf32, #tpu.memory_space<vmem>> -> memref<1x16x4x256xf32, #tpu.memory_space<vmem>>
              %parallel_loop3A_895 = tpu.memref_squeeze %parallel_loop3A_894 : memref<1x16x4x256xf32, #tpu.memory_space<vmem>> -> memref<16x4x256xf32, #tpu.memory_space<vmem>>
              %parallel_loop3A_896 = arith.index_cast %parallel_loop3A_890 : i32 to index
              %parallel_loop3A_897 = arith.index_cast %add3A_515 : i32 to index
              %parallel_loop3A_898 = arith.index_cast %parallel_loop3A_518 : i32 to index
              %parallel_loop3A_899 = tpu.vector_load %parallel_loop3A_895[%parallel_loop3A_896, %parallel_loop3A_897, %parallel_loop3A_898] {strides = array<i32>} : memref<16x4x256xf32, #tpu.memory_space<vmem>>, vector<1x1x16xf32>,
              %parallel_loop3A_900 = vector.shape_cast %parallel_loop3A_899 : vector<1x1x16xf32> to vector<16xf32>
              %parallel_loop3A_901 = arith.mulf %parallel_loop3A_809, %parallel_loop3A_900 : vector<16xf32>
              %parallel_loop3A_902 = arith.constant 6 : i32
              %parallel_loop3A_903 = arith.constant 0 : i32
              %parallel_loop3A_904 = arith.constant 0 : i32
              %parallel_loop3A_905 = arith.constant 0 : i32
              %parallel_loop3A_906 = tpu.memref_slice %run_scoped3A_20[%rem3A_368, %parallel_loop3A_903, %parallel_loop3A_904, %parallel_loop3A_905] : memref<2x16x4x256xf32, #tpu.memory_space<vmem>> -> memref<1x16x4x256xf32, #tpu.memory_space<vmem>>
              %parallel_loop3A_907 = tpu.memref_squeeze %parallel_loop3A_906 : memref<1x16x4x256xf32, #tpu.memory_space<vmem>> -> memref<16x4x256xf32, #tpu.memory_space<vmem>>
              %parallel_loop3A_908 = arith.index_cast %parallel_loop3A_902 : i32 to index
              %parallel_loop3A_909 = arith.index_cast %add3A_515 : i32 to index
              %parallel_loop3A_910 = arith.index_cast %parallel_loop3A_518 : i32 to index
              %parallel_loop3A_911 = tpu.vector_load %parallel_loop3A_907[%parallel_loop3A_908, %parallel_loop3A_909, %parallel_loop3A_910] {strides = array<i32>} : memref<16x4x256xf32, #tpu.memory_space<vmem>>, vector<1x1x16xf32>,
              %parallel_loop3A_912 = vector.shape_cast %parallel_loop3A_911 : vector<1x1x16xf32> to vector<16xf32>
              %parallel_loop3A_913 = arith.mulf %parallel_loop3A_811, %parallel_loop3A_912 : vector<16xf32>
              %parallel_loop3A_914 = arith.constant 7 : i32
              %parallel_loop3A_915 = arith.constant 0 : i32
              %parallel_loop3A_916 = arith.constant 0 : i32
              %parallel_loop3A_917 = arith.constant 0 : i32
              %parallel_loop3A_918 = tpu.memref_slice %run_scoped3A_20[%rem3A_368, %parallel_loop3A_915, %parallel_loop3A_916, %parallel_loop3A_917] : memref<2x16x4x256xf32, #tpu.memory_space<vmem>> -> memref<1x16x4x256xf32, #tpu.memory_space<vmem>>
              %parallel_loop3A_919 = tpu.memref_squeeze %parallel_loop3A_918 : memref<1x16x4x256xf32, #tpu.memory_space<vmem>> -> memref<16x4x256xf32, #tpu.memory_space<vmem>>
              %parallel_loop3A_920 = arith.index_cast %parallel_loop3A_914 : i32 to index
              %parallel_loop3A_921 = arith.index_cast %add3A_515 : i32 to index
              %parallel_loop3A_922 = arith.index_cast %parallel_loop3A_518 : i32 to index
              %parallel_loop3A_923 = tpu.vector_load %parallel_loop3A_919[%parallel_loop3A_920, %parallel_loop3A_921, %parallel_loop3A_922] {strides = array<i32>} : memref<16x4x256xf32, #tpu.memory_space<vmem>>, vector<1x1x16xf32>,
              %parallel_loop3A_924 = vector.shape_cast %parallel_loop3A_923 : vector<1x1x16xf32> to vector<16xf32>
              %parallel_loop3A_925 = arith.mulf %parallel_loop3A_813, %parallel_loop3A_924 : vector<16xf32>
              %parallel_loop3A_926 = arith.constant 8 : i32
              %parallel_loop3A_927 = arith.constant 0 : i32
              %parallel_loop3A_928 = arith.constant 0 : i32
              %parallel_loop3A_929 = arith.constant 0 : i32
              %parallel_loop3A_930 = tpu.memref_slice %run_scoped3A_20[%rem3A_368, %parallel_loop3A_927, %parallel_loop3A_928, %parallel_loop3A_929] : memref<2x16x4x256xf32, #tpu.memory_space<vmem>> -> memref<1x16x4x256xf32, #tpu.memory_space<vmem>>
              %parallel_loop3A_931 = tpu.memref_squeeze %parallel_loop3A_930 : memref<1x16x4x256xf32, #tpu.memory_space<vmem>> -> memref<16x4x256xf32, #tpu.memory_space<vmem>>
              %parallel_loop3A_932 = arith.index_cast %parallel_loop3A_926 : i32 to index
              %parallel_loop3A_933 = arith.index_cast %add3A_515 : i32 to index
              %parallel_loop3A_934 = arith.index_cast %parallel_loop3A_518 : i32 to index
              %parallel_loop3A_935 = tpu.vector_load %parallel_loop3A_931[%parallel_loop3A_932, %parallel_loop3A_933, %parallel_loop3A_934] {strides = array<i32>} : memref<16x4x256xf32, #tpu.memory_space<vmem>>, vector<1x1x16xf32>,
              %parallel_loop3A_936 = vector.shape_cast %parallel_loop3A_935 : vector<1x1x16xf32> to vector<16xf32>
              %parallel_loop3A_937 = arith.mulf %parallel_loop3A_815, %parallel_loop3A_936 : vector<16xf32>
              %parallel_loop3A_938 = arith.constant 9 : i32
              %parallel_loop3A_939 = arith.constant 0 : i32
              %parallel_loop3A_940 = arith.constant 0 : i32
              %parallel_loop3A_941 = arith.constant 0 : i32
              %parallel_loop3A_942 = tpu.memref_slice %run_scoped3A_20[%rem3A_368, %parallel_loop3A_939, %parallel_loop3A_940, %parallel_loop3A_941] : memref<2x16x4x256xf32, #tpu.memory_space<vmem>> -> memref<1x16x4x256xf32, #tpu.memory_space<vmem>>
              %parallel_loop3A_943 = tpu.memref_squeeze %parallel_loop3A_942 : memref<1x16x4x256xf32, #tpu.memory_space<vmem>> -> memref<16x4x256xf32, #tpu.memory_space<vmem>>
              %parallel_loop3A_944 = arith.index_cast %parallel_loop3A_938 : i32 to index
              %parallel_loop3A_945 = arith.index_cast %add3A_515 : i32 to index
              %parallel_loop3A_946 = arith.index_cast %parallel_loop3A_518 : i32 to index
              %parallel_loop3A_947 = tpu.vector_load %parallel_loop3A_943[%parallel_loop3A_944, %parallel_loop3A_945, %parallel_loop3A_946] {strides = array<i32>} : memref<16x4x256xf32, #tpu.memory_space<vmem>>, vector<1x1x16xf32>,
              %parallel_loop3A_948 = vector.shape_cast %parallel_loop3A_947 : vector<1x1x16xf32> to vector<16xf32>
              %parallel_loop3A_949 = arith.mulf %parallel_loop3A_817, %parallel_loop3A_948 : vector<16xf32>
              %parallel_loop3A_950 = arith.constant 10 : i32
              %parallel_loop3A_951 = arith.constant 0 : i32
              %parallel_loop3A_952 = arith.constant 0 : i32
              %parallel_loop3A_953 = arith.constant 0 : i32
              %parallel_loop3A_954 = tpu.memref_slice %run_scoped3A_20[%rem3A_368, %parallel_loop3A_951, %parallel_loop3A_952, %parallel_loop3A_953] : memref<2x16x4x256xf32, #tpu.memory_space<vmem>> -> memref<1x16x4x256xf32, #tpu.memory_space<vmem>>
              %parallel_loop3A_955 = tpu.memref_squeeze %parallel_loop3A_954 : memref<1x16x4x256xf32, #tpu.memory_space<vmem>> -> memref<16x4x256xf32, #tpu.memory_space<vmem>>
              %parallel_loop3A_956 = arith.index_cast %parallel_loop3A_950 : i32 to index
              %parallel_loop3A_957 = arith.index_cast %add3A_515 : i32 to index
              %parallel_loop3A_958 = arith.index_cast %parallel_loop3A_518 : i32 to index
              %parallel_loop3A_959 = tpu.vector_load %parallel_loop3A_955[%parallel_loop3A_956, %parallel_loop3A_957, %parallel_loop3A_958] {strides = array<i32>} : memref<16x4x256xf32, #tpu.memory_space<vmem>>, vector<1x1x16xf32>,
              %parallel_loop3A_960 = vector.shape_cast %parallel_loop3A_959 : vector<1x1x16xf32> to vector<16xf32>
              %parallel_loop3A_961 = arith.mulf %parallel_loop3A_819, %parallel_loop3A_960 : vector<16xf32>
              %parallel_loop3A_962 = arith.constant 11 : i32
              %parallel_loop3A_963 = arith.constant 0 : i32
              %parallel_loop3A_964 = arith.constant 0 : i32
              %parallel_loop3A_965 = arith.constant 0 : i32
              %parallel_loop3A_966 = tpu.memref_slice %run_scoped3A_20[%rem3A_368, %parallel_loop3A_963, %parallel_loop3A_964, %parallel_loop3A_965] : memref<2x16x4x256xf32, #tpu.memory_space<vmem>> -> memref<1x16x4x256xf32, #tpu.memory_space<vmem>>
              %parallel_loop3A_967 = tpu.memref_squeeze %parallel_loop3A_966 : memref<1x16x4x256xf32, #tpu.memory_space<vmem>> -> memref<16x4x256xf32, #tpu.memory_space<vmem>>
              %parallel_loop3A_968 = arith.index_cast %parallel_loop3A_962 : i32 to index
              %parallel_loop3A_969 = arith.index_cast %add3A_515 : i32 to index
              %parallel_loop3A_970 = arith.index_cast %parallel_loop3A_518 : i32 to index
              %parallel_loop3A_971 = tpu.vector_load %parallel_loop3A_967[%parallel_loop3A_968, %parallel_loop3A_969, %parallel_loop3A_970] {strides = array<i32>} : memref<16x4x256xf32, #tpu.memory_space<vmem>>, vector<1x1x16xf32>,
              %parallel_loop3A_972 = vector.shape_cast %parallel_loop3A_971 : vector<1x1x16xf32> to vector<16xf32>
              %parallel_loop3A_973 = arith.mulf %parallel_loop3A_821, %parallel_loop3A_972 : vector<16xf32>
              %parallel_loop3A_974 = arith.constant 12 : i32
              %parallel_loop3A_975 = arith.constant 0 : i32
              %parallel_loop3A_976 = arith.constant 0 : i32
              %parallel_loop3A_977 = arith.constant 0 : i32
              %parallel_loop3A_978 = tpu.memref_slice %run_scoped3A_20[%rem3A_368, %parallel_loop3A_975, %parallel_loop3A_976, %parallel_loop3A_977] : memref<2x16x4x256xf32, #tpu.memory_space<vmem>> -> memref<1x16x4x256xf32, #tpu.memory_space<vmem>>
              %parallel_loop3A_979 = tpu.memref_squeeze %parallel_loop3A_978 : memref<1x16x4x256xf32, #tpu.memory_space<vmem>> -> memref<16x4x256xf32, #tpu.memory_space<vmem>>
              %parallel_loop3A_980 = arith.index_cast %parallel_loop3A_974 : i32 to index
              %parallel_loop3A_981 = arith.index_cast %add3A_515 : i32 to index
              %parallel_loop3A_982 = arith.index_cast %parallel_loop3A_518 : i32 to index
              %parallel_loop3A_983 = tpu.vector_load %parallel_loop3A_979[%parallel_loop3A_980, %parallel_loop3A_981, %parallel_loop3A_982] {strides = array<i32>} : memref<16x4x256xf32, #tpu.memory_space<vmem>>, vector<1x1x16xf32>,
              %parallel_loop3A_984 = vector.shape_cast %parallel_loop3A_983 : vector<1x1x16xf32> to vector<16xf32>
              %parallel_loop3A_985 = arith.mulf %parallel_loop3A_823, %parallel_loop3A_984 : vector<16xf32>
              %parallel_loop3A_986 = arith.constant 13 : i32
              %parallel_loop3A_987 = arith.constant 0 : i32
              %parallel_loop3A_988 = arith.constant 0 : i32
              %parallel_loop3A_989 = arith.constant 0 : i32
              %parallel_loop3A_990 = tpu.memref_slice %run_scoped3A_20[%rem3A_368, %parallel_loop3A_987, %parallel_loop3A_988, %parallel_loop3A_989] : memref<2x16x4x256xf32, #tpu.memory_space<vmem>> -> memref<1x16x4x256xf32, #tpu.memory_space<vmem>>
              %parallel_loop3A_991 = tpu.memref_squeeze %parallel_loop3A_990 : memref<1x16x4x256xf32, #tpu.memory_space<vmem>> -> memref<16x4x256xf32, #tpu.memory_space<vmem>>
              %parallel_loop3A_992 = arith.index_cast %parallel_loop3A_986 : i32 to index
              %parallel_loop3A_993 = arith.index_cast %add3A_515 : i32 to index
              %parallel_loop3A_994 = arith.index_cast %parallel_loop3A_518 : i32 to index
              %parallel_loop3A_995 = tpu.vector_load %parallel_loop3A_991[%parallel_loop3A_992, %parallel_loop3A_993, %parallel_loop3A_994] {strides = array<i32>} : memref<16x4x256xf32, #tpu.memory_space<vmem>>, vector<1x1x16xf32>,
              %parallel_loop3A_996 = vector.shape_cast %parallel_loop3A_995 : vector<1x1x16xf32> to vector<16xf32>
              %parallel_loop3A_997 = arith.mulf %parallel_loop3A_825, %parallel_loop3A_996 : vector<16xf32>
              %parallel_loop3A_998 = arith.constant 14 : i32
              %parallel_loop3A_999 = arith.constant 0 : i32
              %parallel_loop3A_1000 = arith.constant 0 : i32
              %parallel_loop3A_1001 = arith.constant 0 : i32
              %parallel_loop3A_1002 = tpu.memref_slice %run_scoped3A_20[%rem3A_368, %parallel_loop3A_999, %parallel_loop3A_1000, %parallel_loop3A_1001] : memref<2x16x4x256xf32, #tpu.memory_space<vmem>> -> memref<1x16x4x256xf32, #tpu.memory_space<vmem>>
              %parallel_loop3A_1003 = tpu.memref_squeeze %parallel_loop3A_1002 : memref<1x16x4x256xf32, #tpu.memory_space<vmem>> -> memref<16x4x256xf32, #tpu.memory_space<vmem>>
              %parallel_loop3A_1004 = arith.index_cast %parallel_loop3A_998 : i32 to index
              %parallel_loop3A_1005 = arith.index_cast %add3A_515 : i32 to index
              %parallel_loop3A_1006 = arith.index_cast %parallel_loop3A_518 : i32 to index
              %parallel_loop3A_1007 = tpu.vector_load %parallel_loop3A_1003[%parallel_loop3A_1004, %parallel_loop3A_1005, %parallel_loop3A_1006] {strides = array<i32>} : memref<16x4x256xf32, #tpu.memory_space<vmem>>, vector<1x1x16xf32>,
              %parallel_loop3A_1008 = vector.shape_cast %parallel_loop3A_1007 : vector<1x1x16xf32> to vector<16xf32>
              %parallel_loop3A_1009 = arith.mulf %parallel_loop3A_827, %parallel_loop3A_1008 : vector<16xf32>
              %parallel_loop3A_1010 = arith.constant 15 : i32
              %parallel_loop3A_1011 = arith.constant 0 : i32
              %parallel_loop3A_1012 = arith.constant 0 : i32
              %parallel_loop3A_1013 = arith.constant 0 : i32
              %parallel_loop3A_1014 = tpu.memref_slice %run_scoped3A_20[%rem3A_368, %parallel_loop3A_1011, %parallel_loop3A_1012, %parallel_loop3A_1013] : memref<2x16x4x256xf32, #tpu.memory_space<vmem>> -> memref<1x16x4x256xf32, #tpu.memory_space<vmem>>
              %parallel_loop3A_1015 = tpu.memref_squeeze %parallel_loop3A_1014 : memref<1x16x4x256xf32, #tpu.memory_space<vmem>> -> memref<16x4x256xf32, #tpu.memory_space<vmem>>
              %parallel_loop3A_1016 = arith.index_cast %parallel_loop3A_1010 : i32 to index
              %parallel_loop3A_1017 = arith.index_cast %add3A_515 : i32 to index
              %parallel_loop3A_1018 = arith.index_cast %parallel_loop3A_518 : i32 to index
              %parallel_loop3A_1019 = tpu.vector_load %parallel_loop3A_1015[%parallel_loop3A_1016, %parallel_loop3A_1017, %parallel_loop3A_1018] {strides = array<i32>} : memref<16x4x256xf32, #tpu.memory_space<vmem>>, vector<1x1x16xf32>,
              %parallel_loop3A_1020 = vector.shape_cast %parallel_loop3A_1019 : vector<1x1x16xf32> to vector<16xf32>
              %parallel_loop3A_1021 = arith.mulf %parallel_loop3A_829, %parallel_loop3A_1020 : vector<16xf32>
              %parallel_loop3A_1022 = arith.addf %parallel_loop3A_799, %parallel_loop3A_801 : vector<16xf32>
              %parallel_loop3A_1023 = arith.addf %parallel_loop3A_803, %parallel_loop3A_805 : vector<16xf32>
              %parallel_loop3A_1024 = arith.addf %parallel_loop3A_807, %parallel_loop3A_809 : vector<16xf32>
              %parallel_loop3A_1025 = arith.addf %parallel_loop3A_811, %parallel_loop3A_813 : vector<16xf32>
              %parallel_loop3A_1026 = arith.addf %parallel_loop3A_815, %parallel_loop3A_817 : vector<16xf32>
              %parallel_loop3A_1027 = arith.addf %parallel_loop3A_819, %parallel_loop3A_821 : vector<16xf32>
              %parallel_loop3A_1028 = arith.addf %parallel_loop3A_823, %parallel_loop3A_825 : vector<16xf32>
              %parallel_loop3A_1029 = arith.addf %parallel_loop3A_827, %parallel_loop3A_829 : vector<16xf32>
              %parallel_loop3A_1030 = arith.addf %parallel_loop3A_1022, %parallel_loop3A_1023 : vector<16xf32>
              %parallel_loop3A_1031 = arith.addf %parallel_loop3A_1024, %parallel_loop3A_1025 : vector<16xf32>
              %parallel_loop3A_1032 = arith.addf %parallel_loop3A_1026, %parallel_loop3A_1027 : vector<16xf32>
              %parallel_loop3A_1033 = arith.addf %parallel_loop3A_1028, %parallel_loop3A_1029 : vector<16xf32>
              %parallel_loop3A_1034 = arith.addf %parallel_loop3A_1030, %parallel_loop3A_1031 : vector<16xf32>
              %parallel_loop3A_1035 = arith.addf %parallel_loop3A_1032, %parallel_loop3A_1033 : vector<16xf32>
              %parallel_loop3A_1036 = arith.addf %parallel_loop3A_1034, %parallel_loop3A_1035 : vector<16xf32>
              %parallel_loop3A_1037 = arith.addf %parallel_loop3A_841, %parallel_loop3A_853 : vector<16xf32>
              %parallel_loop3A_1038 = arith.addf %parallel_loop3A_865, %parallel_loop3A_877 : vector<16xf32>
              %parallel_loop3A_1039 = arith.addf %parallel_loop3A_889, %parallel_loop3A_901 : vector<16xf32>
              %parallel_loop3A_1040 = arith.addf %parallel_loop3A_913, %parallel_loop3A_925 : vector<16xf32>
              %parallel_loop3A_1041 = arith.addf %parallel_loop3A_937, %parallel_loop3A_949 : vector<16xf32>
              %parallel_loop3A_1042 = arith.addf %parallel_loop3A_961, %parallel_loop3A_973 : vector<16xf32>
              %parallel_loop3A_1043 = arith.addf %parallel_loop3A_985, %parallel_loop3A_997 : vector<16xf32>
              %parallel_loop3A_1044 = arith.addf %parallel_loop3A_1009, %parallel_loop3A_1021 : vector<16xf32>
              %parallel_loop3A_1045 = arith.addf %parallel_loop3A_1037, %parallel_loop3A_1038 : vector<16xf32>
              %parallel_loop3A_1046 = arith.addf %parallel_loop3A_1039, %parallel_loop3A_1040 : vector<16xf32>
              %parallel_loop3A_1047 = arith.addf %parallel_loop3A_1041, %parallel_loop3A_1042 : vector<16xf32>
              %parallel_loop3A_1048 = arith.addf %parallel_loop3A_1043, %parallel_loop3A_1044 : vector<16xf32>
              %parallel_loop3A_1049 = arith.addf %parallel_loop3A_1045, %parallel_loop3A_1046 : vector<16xf32>
              %parallel_loop3A_1050 = arith.addf %parallel_loop3A_1047, %parallel_loop3A_1048 : vector<16xf32>
              %parallel_loop3A_1051 = arith.addf %parallel_loop3A_1049, %parallel_loop3A_1050 : vector<16xf32>
              %parallel_loop3A_1052 = arith.divf %parallel_loop3A_1051, %parallel_loop3A_1036 : vector<16xf32>
              %parallel_loop3A_1053 = arith.constant 0 : i32
              %parallel_loop3A_1054 = arith.constant 0 : i32
              %parallel_loop3A_1055 = tpu.memref_slice %run_scoped3A_22[%rem3A_370, %parallel_loop3A_1053, %parallel_loop3A_1054] : memref<2x4x256xf32, #tpu.memory_space<vmem>> -> memref<1x4x256xf32, #tpu.memory_space<vmem>>
              %parallel_loop3A_1056 = tpu.memref_squeeze %parallel_loop3A_1055 : memref<1x4x256xf32, #tpu.memory_space<vmem>> -> memref<4x256xf32, #tpu.memory_space<vmem>>
              %parallel_loop3A_1057 = arith.index_cast %add3A_515 : i32 to index
              %parallel_loop3A_1058 = arith.index_cast %parallel_loop3A_518 : i32 to index
              %parallel_loop3A_1059 = tpu.vector_load %parallel_loop3A_1056[%parallel_loop3A_1057, %parallel_loop3A_1058] {strides = array<i32>} : memref<4x256xf32, #tpu.memory_space<vmem>>, vector<1x16xf32>,
              %parallel_loop3A_1060 = vector.shape_cast %parallel_loop3A_1059 : vector<1x16xf32> to vector<16xf32>
              %parallel_loop3A_1061 = vector.shape_cast %parallel_loop3A_1052 : vector<16xf32> to vector<1x16xf32>
              tpu.vector_store %parallel_loop3A_1056[%parallel_loop3A_1057, %parallel_loop3A_1058], %parallel_loop3A_1061 {strides = array<i32>} : memref<4x256xf32, #tpu.memory_space<vmem>>, vector<1x16xf32>,
            } {sc.loop_unroll_factor = 2 : i64, sc.parallel_access}
          }
          %scan3A_374 = arith.constant 4 : i32
          "tpu.trace_stop"() : () -> ()
          %ne3A_375 = arith.cmpi ne, %add3A_229, %add3A_247 : i32
          %or3A_376 = arith.constant false
          %or3A_377 = arith.ori %or3A_376, %ne3A_375 : i1
          %or3A_378 = arith.constant false
          %or3A_379 = arith.ori %or3A_377, %or3A_378 : i1
          %or3A_380 = arith.ori %or3A_379, %eq3A_228 : i1
          %convert_element_type3A_381 = arith.extui %or3A_380 : i1 to i32
          %cond3A_382 = arith.constant 0 : i32
          %cond3A_383 = arith.cmpi ne, %convert_element_type3A_381, %cond3A_382 : i32
          scf.if %cond3A_383 {
          } else {
          }
          %and3A_384 = arith.constant false
          %and3A_385 = arith.andi %or3A_380, %and3A_384 : i1
          %ne3A_386 = arith.cmpi ne, %add3A_229, %add3A_247 : i32
          %or3A_387 = arith.constant false
          %or3A_388 = arith.ori %or3A_387, %ne3A_386 : i1
          %or3A_389 = arith.constant false
          %or3A_390 = arith.ori %or3A_388, %or3A_389 : i1
          %or3A_391 = arith.ori %or3A_390, %eq3A_228 : i1
          %convert_element_type3A_392 = arith.extui %or3A_391 : i1 to i32
          %cond3A_393 = arith.constant 0 : i32
          %cond3A_394 = arith.cmpi ne, %convert_element_type3A_392, %cond3A_393 : i32
          scf.if %cond3A_394 {
          } else {
          }
          %and3A_395 = arith.constant false
          %and3A_396 = arith.andi %or3A_391, %and3A_395 : i1
          %ne3A_397 = arith.cmpi ne, %add3A_229, %add3A_247 : i32
          %or3A_398 = arith.constant false
          %or3A_399 = arith.ori %or3A_398, %ne3A_397 : i1
          %or3A_400 = arith.constant false
          %or3A_401 = arith.ori %or3A_399, %or3A_400 : i1
          %or3A_402 = arith.ori %or3A_401, %eq3A_228 : i1
          %convert_element_type3A_403 = arith.extui %or3A_402 : i1 to i32
          %cond3A_404 = arith.constant 0 : i32
          %cond3A_405 = arith.cmpi ne, %convert_element_type3A_403, %cond3A_404 : i32
          scf.if %cond3A_405 {
          } else {
          }
          %and3A_406 = arith.constant false
          %and3A_407 = arith.andi %or3A_402, %and3A_406 : i1
          %ne3A_408 = arith.cmpi ne, %add3A_229, %add3A_247 : i32
          %or3A_409 = arith.constant false
          %or3A_410 = arith.ori %or3A_409, %ne3A_408 : i1
          %or3A_411 = arith.constant false
          %or3A_412 = arith.ori %or3A_410, %or3A_411 : i1
          %or3A_413 = arith.ori %or3A_412, %eq3A_228 : i1
          %convert_element_type3A_414 = arith.extui %or3A_413 : i1 to i32
          %cond3A_415 = arith.constant 0 : i32
          %cond3A_416 = arith.cmpi ne, %convert_element_type3A_414, %cond3A_415 : i32
          scf.if %cond3A_416 {
            "tpu.trace_start"() <{level = 10 : i32, message = "ep_copy_out"}> : () -> ()
            %rem3A_511 = arith.constant 2 : i32
            %rem3A_512 = arith.remui %while3A_219, %rem3A_511 : i32
            %mul3A_513 = arith.constant 4 : i32
            %mul3A_514 = arith.muli %mul3A_513, %add3A_229 : i32
            %dma_start3A_515 = arith.constant 0 : i32
            %dma_start3A_516 = arith.constant 0 : i32
            %dma_start3A_517 = tpu.memref_slice %run_scoped3A_22[%rem3A_512, %dma_start3A_515, %dma_start3A_516] : memref<2x4x256xf32, #tpu.memory_space<vmem>> -> memref<1x4x256xf32, #tpu.memory_space<vmem>>
            %dma_start3A_518 = tpu.memref_squeeze %dma_start3A_517 : memref<1x4x256xf32, #tpu.memory_space<vmem>> -> memref<4x256xf32, #tpu.memory_space<vmem>>
            %dma_start3A_519 = arith.constant 0 : i32
            %dma_start3A_520 = tpu.memref_slice %arg5[%mul3A_514, %dma_start3A_519] : memref<3400x256xf32, #tpu.memory_space<hbm>> -> memref<4x256xf32, #tpu.memory_space<hbm>>
            %dma_start3A_521 = tpu.memref_slice %run_scoped3A_23[%rem3A_512] : memref<2x!tpu.dma_semaphore, #tpu.memory_space<semaphore_mem>> -> memref<1x!tpu.dma_semaphore, #tpu.memory_space<semaphore_mem>>
            %dma_start3A_522 = tpu.memref_squeeze %dma_start3A_521 : memref<1x!tpu.dma_semaphore, #tpu.memory_space<semaphore_mem>> -> memref<!tpu.dma_semaphore, #tpu.memory_space<semaphore_mem>>
            %dma_start3A_523 = arith.constant 0 : i32
            %dma_start3A_524 = tpu.memref_slice %arg5[%mul3A_514, %dma_start3A_523] : memref<3400x256xf32, #tpu.memory_space<hbm>> -> memref<4x256xf32, #tpu.memory_space<hbm>>
            %dma_start3A_525 = arith.constant 0 : i32
            %dma_start3A_526 = arith.constant 0 : i32
            %dma_start3A_527 = tpu.memref_slice %run_scoped3A_22[%rem3A_512, %dma_start3A_525, %dma_start3A_526] : memref<2x4x256xf32, #tpu.memory_space<vmem>> -> memref<1x4x256xf32, #tpu.memory_space<vmem>>
            %dma_start3A_528 = tpu.memref_squeeze %dma_start3A_527 : memref<1x4x256xf32, #tpu.memory_space<vmem>> -> memref<4x256xf32, #tpu.memory_space<vmem>>
            tpu.enqueue_dma source(%dma_start3A_528 : memref<4x256xf32, #tpu.memory_space<vmem>>) target(%dma_start3A_524 : memref<4x256xf32, #tpu.memory_space<hbm>>) target_semaphore(%dma_start3A_522 : memref<!tpu.dma_semaphore, #tpu.memory_space<semaphore_mem>>)
            "tpu.trace_stop"() : () -> ()
          } else {
          }
          %and3A_417 = arith.constant true
          %and3A_418 = arith.andi %or3A_413, %and3A_417 : i1
          %add3A_419 = arith.constant 1 : i32
          %add3A_420 = arith.addi %while3A_219, %add3A_419 : i32
          %select_n3A_421 = arith.select %and3A_418, %add3A_420, %while3A_219 : i32
          %ne3A_422 = arith.cmpi ne, %add3A_229, %add3A_239 : i32
          %or3A_423 = arith.constant false
          %or3A_424 = arith.ori %or3A_423, %ne3A_422 : i1
          %or3A_425 = arith.constant false
          %or3A_426 = arith.ori %or3A_424, %or3A_425 : i1
          %not3A_427 = arith.constant true
          %not3A_428 = arith.xori %eq3A_225, %not3A_427 : i1
          %and3A_429 = arith.andi %or3A_426, %not3A_428 : i1
          %convert_element_type3A_430 = arith.extui %and3A_429 : i1 to i32
          %cond3A_431 = arith.constant 0 : i32
          %cond3A_432 = arith.cmpi ne, %convert_element_type3A_430, %cond3A_431 : i32
          scf.if %cond3A_432 {
          } else {
          }
          %and3A_433 = arith.constant false
          %and3A_434 = arith.andi %and3A_429, %and3A_433 : i1
          %ne3A_435 = arith.cmpi ne, %add3A_229, %add3A_239 : i32
          %or3A_436 = arith.constant false
          %or3A_437 = arith.ori %or3A_436, %ne3A_435 : i1
          %or3A_438 = arith.constant false
          %or3A_439 = arith.ori %or3A_437, %or3A_438 : i1
          %not3A_440 = arith.constant true
          %not3A_441 = arith.xori %eq3A_225, %not3A_440 : i1
          %and3A_442 = arith.andi %or3A_439, %not3A_441 : i1
          %convert_element_type3A_443 = arith.extui %and3A_442 : i1 to i32
          %cond3A_444 = arith.constant 0 : i32
          %cond3A_445 = arith.cmpi ne, %convert_element_type3A_443, %cond3A_444 : i32
          scf.if %cond3A_445 {
          } else {
          }
          %and3A_446 = arith.constant false
          %and3A_447 = arith.andi %and3A_442, %and3A_446 : i1
          %ne3A_448 = arith.cmpi ne, %add3A_229, %add3A_239 : i32
          %or3A_449 = arith.constant false
          %or3A_450 = arith.ori %or3A_449, %ne3A_448 : i1
          %or3A_451 = arith.constant false
          %or3A_452 = arith.ori %or3A_450, %or3A_451 : i1
          %not3A_453 = arith.constant true
          %not3A_454 = arith.xori %eq3A_225, %not3A_453 : i1
          %and3A_455 = arith.andi %or3A_452, %not3A_454 : i1
          %convert_element_type3A_456 = arith.extui %and3A_455 : i1 to i32
          %cond3A_457 = arith.constant 0 : i32
          %cond3A_458 = arith.cmpi ne, %convert_element_type3A_456, %cond3A_457 : i32
          scf.if %cond3A_458 {
          } else {
          }
          %and3A_459 = arith.constant false
          %and3A_460 = arith.andi %and3A_455, %and3A_459 : i1
          %ne3A_461 = arith.cmpi ne, %add3A_229, %add3A_239 : i32
          %or3A_462 = arith.constant false
          %or3A_463 = arith.ori %or3A_462, %ne3A_461 : i1
          %or3A_464 = arith.constant false
          %or3A_465 = arith.ori %or3A_463, %or3A_464 : i1
          %not3A_466 = arith.constant true
          %not3A_467 = arith.xori %eq3A_225, %not3A_466 : i1
          %and3A_468 = arith.andi %or3A_465, %not3A_467 : i1
          %convert_element_type3A_469 = arith.extui %and3A_468 : i1 to i32
          %cond3A_470 = arith.constant 0 : i32
          %cond3A_471 = arith.cmpi ne, %convert_element_type3A_469, %cond3A_470 : i32
          scf.if %cond3A_471 {
            "tpu.trace_start"() <{level = 10 : i32, message = "ep_wait_out"}> : () -> ()
            %rem3A_511 = arith.constant 2 : i32
            %rem3A_512 = arith.remui %while3A_220, %rem3A_511 : i32
            %mul3A_513 = arith.constant 4 : i32
            %mul3A_514 = arith.muli %mul3A_513, %add3A_239 : i32
            %dma_wait3A = arith.constant 0 : i32
            %dma_wait3A_515 = arith.constant 0 : i32
            %dma_wait3A_516 = tpu.memref_slice %run_scoped3A_22[%rem3A_512, %dma_wait3A, %dma_wait3A_515] : memref<2x4x256xf32, #tpu.memory_space<vmem>> -> memref<1x4x256xf32, #tpu.memory_space<vmem>>
            %dma_wait3A_517 = tpu.memref_squeeze %dma_wait3A_516 : memref<1x4x256xf32, #tpu.memory_space<vmem>> -> memref<4x256xf32, #tpu.memory_space<vmem>>
            %dma_wait3A_518 = arith.constant 0 : i32
            %dma_wait3A_519 = tpu.memref_slice %arg5[%mul3A_514, %dma_wait3A_518] : memref<3400x256xf32, #tpu.memory_space<hbm>> -> memref<4x256xf32, #tpu.memory_space<hbm>>
            %dma_wait3A_520 = tpu.memref_slice %run_scoped3A_23[%rem3A_512] : memref<2x!tpu.dma_semaphore, #tpu.memory_space<semaphore_mem>> -> memref<1x!tpu.dma_semaphore, #tpu.memory_space<semaphore_mem>>
            %dma_wait3A_521 = tpu.memref_squeeze %dma_wait3A_520 : memref<1x!tpu.dma_semaphore, #tpu.memory_space<semaphore_mem>> -> memref<!tpu.dma_semaphore, #tpu.memory_space<semaphore_mem>>
            %dma_wait3A_522 = arith.constant 0 : i32
            %dma_wait3A_523 = tpu.memref_slice %arg5[%mul3A_514, %dma_wait3A_522] : memref<3400x256xf32, #tpu.memory_space<hbm>> -> memref<4x256xf32, #tpu.memory_space<hbm>>
            %dma_wait3A_524 = arith.constant 0 : i32
            %dma_wait3A_525 = arith.constant 0 : i32
            %dma_wait3A_526 = tpu.memref_slice %run_scoped3A_22[%rem3A_512, %dma_wait3A_524, %dma_wait3A_525] : memref<2x4x256xf32, #tpu.memory_space<vmem>> -> memref<1x4x256xf32, #tpu.memory_space<vmem>>
            %dma_wait3A_527 = tpu.memref_squeeze %dma_wait3A_526 : memref<1x4x256xf32, #tpu.memory_space<vmem>> -> memref<4x256xf32, #tpu.memory_space<vmem>>
            tpu.wait_dma2 semaphore(%dma_wait3A_521 : memref<!tpu.dma_semaphore, #tpu.memory_space<semaphore_mem>>) src(%dma_wait3A_527 : memref<4x256xf32, #tpu.memory_space<vmem>>) dst(%dma_wait3A_523 : memref<4x256xf32, #tpu.memory_space<hbm>>)
            "tpu.trace_stop"() : () -> ()
          } else {
          }
          %and3A_472 = arith.constant true
          %and3A_473 = arith.andi %and3A_468, %and3A_472 : i1
          %add3A_474 = arith.constant 1 : i32
          %add3A_475 = arith.addi %while3A_220, %add3A_474 : i32
          %select_n3A_476 = arith.select %and3A_473, %add3A_475, %while3A_220 : i32
          %ne3A_477 = arith.cmpi ne, %add3A_229, %add3A_247 : i32
          %or3A_478 = arith.constant false
          %or3A_479 = arith.ori %or3A_478, %ne3A_477 : i1
          %or3A_480 = arith.constant false
          %or3A_481 = arith.ori %or3A_479, %or3A_480 : i1
          %or3A_482 = arith.ori %or3A_481, %eq3A_228 : i1
          %add3A_483 = arith.constant 1 : i32
          %add3A_484 = arith.addi %while3A_214, %add3A_483 : i32
          %select_n3A_485 = arith.select %or3A_482, %add3A_484, %while3A_214 : i32
          %ne3A_486 = arith.cmpi ne, %add3A_229, %add3A_247 : i32
          %or3A_487 = arith.constant false
          %or3A_488 = arith.ori %or3A_487, %ne3A_486 : i1
          %or3A_489 = arith.constant false
          %or3A_490 = arith.ori %or3A_488, %or3A_489 : i1
          %or3A_491 = arith.ori %or3A_490, %eq3A_228 : i1
          %add3A_492 = arith.constant 1 : i32
          %add3A_493 = arith.addi %while3A_216, %add3A_492 : i32
          %select_n3A_494 = arith.select %or3A_491, %add3A_493, %while3A_216 : i32
          %ne3A_495 = arith.cmpi ne, %add3A_229, %add3A_247 : i32
          %or3A_496 = arith.constant false
          %or3A_497 = arith.ori %or3A_496, %ne3A_495 : i1
          %or3A_498 = arith.constant false
          %or3A_499 = arith.ori %or3A_497, %or3A_498 : i1
          %or3A_500 = arith.ori %or3A_499, %eq3A_228 : i1
          %add3A_501 = arith.constant 1 : i32
          %add3A_502 = arith.addi %while3A_218, %add3A_501 : i32
          %select_n3A_503 = arith.select %or3A_500, %add3A_502, %while3A_218 : i32
          %add3A_504 = arith.constant 1 : i32
          %add3A_505 = arith.addi %while3A_221, %add3A_504 : i32
          %select_n3A_506 = arith.constant true
          %select_n3A_507 = arith.select %select_n3A_506, %add3A_505, %while3A_221 : i32
          %eq3A_508 = arith.cmpi eq, %select_n3A_507, %select_n3A : i32
          %select_n3A_509 = arith.constant 0 : i32
          %select_n3A_510 = arith.select %eq3A_508, %select_n3A_509, %select_n3A_507 : i32
          scf.yield %select_n3A_271, %select_n3A_485, %select_n3A_292, %select_n3A_494, %select_n3A_313, %select_n3A_503, %select_n3A_421, %select_n3A_476, %select_n3A_510 : i32, i32, i32, i32, i32, i32, i32, i32, i32
        }
        %while3A_153 = arith.constant 1 : i32
        %while3A_154:9 = scf.for %while3A_212 = %while3A_150 to %while3A_146 step %while3A_153 iter_args(%while3A_213 = %while3A_152#0, %while3A_214 = %while3A_152#1, %while3A_215 = %while3A_152#2, %while3A_216 = %while3A_152#3, %while3A_217 = %while3A_152#4, %while3A_218 = %while3A_152#5, %while3A_219 = %while3A_152#6, %while3A_220 = %while3A_152#7, %while3A_221 = %while3A_152#8) -> (i32, i32, i32, i32, i32, i32, i32, i32, i32)  : i32 {
          %mul3A_222 = arith.constant 1 : i32
          %mul3A_223 = arith.muli %mul3A_222, %select_n3A : i32
          %eq3A_224 = arith.constant 0 : i32
          %eq3A_225 = arith.cmpi eq, %while3A_212, %eq3A_224 : i32
          %sub3A_226 = arith.constant 1 : i32
          %sub3A_227 = arith.subi %mul3A_223, %sub3A_226 : i32
          %eq3A_228 = arith.cmpi eq, %while3A_212, %sub3A_227 : i32
          %add3A_229 = arith.addi %while3A_221, %select_n3A_14 : i32
          %sub3A_230 = arith.constant 1 : i32
          %sub3A_231 = arith.subi %while3A_221, %sub3A_230 : i32
          %select_n3A_232 = arith.constant true
          %select_n3A_233 = arith.select %select_n3A_232, %sub3A_231, %while3A_221 : i32
          %eq3A_234 = arith.constant -1 : i32
          %eq3A_235 = arith.cmpi eq, %select_n3A_233, %eq3A_234 : i32
          %sub3A_236 = arith.constant 1 : i32
          %sub3A_237 = arith.subi %select_n3A, %sub3A_236 : i32
          %select_n3A_238 = arith.select %eq3A_235, %sub3A_237, %select_n3A_233 : i32
          %add3A_239 = arith.addi %select_n3A_238, %select_n3A_14 : i32
          %add3A_240 = arith.constant 1 : i32
          %add3A_241 = arith.addi %while3A_221, %add3A_240 : i32
          %select_n3A_242 = arith.constant true
          %select_n3A_243 = arith.select %select_n3A_242, %add3A_241, %while3A_221 : i32
          %eq3A_244 = arith.cmpi eq, %select_n3A_243, %select_n3A : i32
          %select_n3A_245 = arith.constant 0 : i32
          %select_n3A_246 = arith.select %eq3A_244, %select_n3A_245, %select_n3A_243 : i32
          %add3A_247 = arith.addi %select_n3A_246, %select_n3A_14 : i32
          %add3A_248 = arith.constant 1 : i32
          %add3A_249 = arith.addi %select_n3A_246, %add3A_248 : i32
          %select_n3A_250 = arith.constant true
          %select_n3A_251 = arith.select %select_n3A_250, %add3A_249, %select_n3A_246 : i32
          %eq3A_252 = arith.cmpi eq, %select_n3A_251, %select_n3A : i32
          %select_n3A_253 = arith.constant 0 : i32
          %select_n3A_254 = arith.select %eq3A_252, %select_n3A_253, %select_n3A_251 : i32
          %add3A_255 = arith.addi %select_n3A_254, %select_n3A_14 : i32
          %ne3A = arith.cmpi ne, %add3A_229, %add3A_247 : i32
          %or3A = arith.constant false
          %or3A_256 = arith.ori %or3A, %ne3A : i1
          %or3A_257 = arith.constant false
          %or3A_258 = arith.ori %or3A_256, %or3A_257 : i1
          %sub3A_259 = arith.constant 2 : i32
          %sub3A_260 = arith.subi %mul3A_223, %sub3A_259 : i32
          %add3A_261 = arith.constant 1 : i32
          %add3A_262 = arith.addi %sub3A_260, %add3A_261 : i32
          %ge3A = arith.cmpi sge, %while3A_212, %add3A_262 : i32
          %not3A = arith.constant true
          %not3A_263 = arith.xori %ge3A, %not3A : i1
          %and3A = arith.andi %or3A_258, %not3A_263 : i1
          %convert_element_type3A_264 = arith.extui %and3A : i1 to i32
          %cond3A_265 = arith.constant 0 : i32
          %cond3A_266 = arith.cmpi ne, %convert_element_type3A_264, %cond3A_265 : i32
          scf.if %cond3A_266 {
            "tpu.trace_start"() <{level = 10 : i32, message = "ep_copy_in"}> : () -> ()
            %rem3A_511 = arith.constant 2 : i32
            %rem3A_512 = arith.remui %while3A_213, %rem3A_511 : i32
            %mul3A_513 = arith.constant 4 : i32
            %mul3A_514 = arith.muli %mul3A_513, %add3A_247 : i32
            %dma_start3A_515 = arith.constant 0 : i32
            %dma_start3A_516 = arith.constant 0 : i32
            %dma_start3A_517 = tpu.memref_slice %run_scoped3A[%rem3A_512, %dma_start3A_515, %dma_start3A_516] : memref<2x4x256xf32, #tpu.memory_space<vmem>> -> memref<1x4x256xf32, #tpu.memory_space<vmem>>
            %dma_start3A_518 = tpu.memref_squeeze %dma_start3A_517 : memref<1x4x256xf32, #tpu.memory_space<vmem>> -> memref<4x256xf32, #tpu.memory_space<vmem>>
            %dma_start3A_519 = arith.constant 0 : i32
            %dma_start3A_520 = tpu.memref_slice %arg2[%mul3A_514, %dma_start3A_519] : memref<10000x256xf32, #tpu.memory_space<hbm>> -> memref<4x256xf32, #tpu.memory_space<hbm>>
            %dma_start3A_521 = tpu.memref_slice %run_scoped3A_17[%rem3A_512] : memref<2x!tpu.dma_semaphore, #tpu.memory_space<semaphore_mem>> -> memref<1x!tpu.dma_semaphore, #tpu.memory_space<semaphore_mem>>
            %dma_start3A_522 = tpu.memref_squeeze %dma_start3A_521 : memref<1x!tpu.dma_semaphore, #tpu.memory_space<semaphore_mem>> -> memref<!tpu.dma_semaphore, #tpu.memory_space<semaphore_mem>>
            %dma_start3A_523 = arith.constant 0 : i32
            %dma_start3A_524 = arith.constant 0 : i32
            %dma_start3A_525 = tpu.memref_slice %run_scoped3A[%rem3A_512, %dma_start3A_523, %dma_start3A_524] : memref<2x4x256xf32, #tpu.memory_space<vmem>> -> memref<1x4x256xf32, #tpu.memory_space<vmem>>
            %dma_start3A_526 = tpu.memref_squeeze %dma_start3A_525 : memref<1x4x256xf32, #tpu.memory_space<vmem>> -> memref<4x256xf32, #tpu.memory_space<vmem>>
            %dma_start3A_527 = arith.constant 0 : i32
            %dma_start3A_528 = tpu.memref_slice %arg2[%mul3A_514, %dma_start3A_527] : memref<10000x256xf32, #tpu.memory_space<hbm>> -> memref<4x256xf32, #tpu.memory_space<hbm>>
            tpu.enqueue_dma source(%dma_start3A_528 : memref<4x256xf32, #tpu.memory_space<hbm>>) target(%dma_start3A_526 : memref<4x256xf32, #tpu.memory_space<vmem>>) target_semaphore(%dma_start3A_522 : memref<!tpu.dma_semaphore, #tpu.memory_space<semaphore_mem>>)
            "tpu.trace_stop"() : () -> ()
          } else {
          }
          %and3A_267 = arith.constant true
          %and3A_268 = arith.andi %and3A, %and3A_267 : i1
          %add3A_269 = arith.constant 1 : i32
          %add3A_270 = arith.addi %while3A_213, %add3A_269 : i32
          %select_n3A_271 = arith.select %and3A_268, %add3A_270, %while3A_213 : i32
          %ne3A_272 = arith.cmpi ne, %add3A_229, %add3A_247 : i32
          %or3A_273 = arith.constant false
          %or3A_274 = arith.ori %or3A_273, %ne3A_272 : i1
          %or3A_275 = arith.constant false
          %or3A_276 = arith.ori %or3A_274, %or3A_275 : i1
          %sub3A_277 = arith.constant 2 : i32
          %sub3A_278 = arith.subi %mul3A_223, %sub3A_277 : i32
          %add3A_279 = arith.constant 1 : i32
          %add3A_280 = arith.addi %sub3A_278, %add3A_279 : i32
          %ge3A_281 = arith.cmpi sge, %while3A_212, %add3A_280 : i32
          %not3A_282 = arith.constant true
          %not3A_283 = arith.xori %ge3A_281, %not3A_282 : i1
          %and3A_284 = arith.andi %or3A_276, %not3A_283 : i1
          %convert_element_type3A_285 = arith.extui %and3A_284 : i1 to i32
          %cond3A_286 = arith.constant 0 : i32
          %cond3A_287 = arith.cmpi ne, %convert_element_type3A_285, %cond3A_286 : i32
          scf.if %cond3A_287 {
            "tpu.trace_start"() <{level = 10 : i32, message = "ep_copy_in"}> : () -> ()
            %rem3A_511 = arith.constant 2 : i32
            %rem3A_512 = arith.remui %while3A_215, %rem3A_511 : i32
            %mul3A_513 = arith.constant 4 : i32
            %mul3A_514 = arith.muli %mul3A_513, %add3A_247 : i32
            %dma_start3A_515 = arith.constant 0 : i32
            %dma_start3A_516 = arith.constant 0 : i32
            %dma_start3A_517 = arith.constant 0 : i32
            %dma_start3A_518 = tpu.memref_slice %run_scoped3A_18[%rem3A_512, %dma_start3A_515, %dma_start3A_516, %dma_start3A_517] : memref<2x16x4x256xf32, #tpu.memory_space<vmem>> -> memref<1x16x4x256xf32, #tpu.memory_space<vmem>>
            %dma_start3A_519 = tpu.memref_squeeze %dma_start3A_518 : memref<1x16x4x256xf32, #tpu.memory_space<vmem>> -> memref<16x4x256xf32, #tpu.memory_space<vmem>>
            %dma_start3A_520 = arith.constant 0 : i32
            %dma_start3A_521 = arith.constant 0 : i32
            %dma_start3A_522 = tpu.memref_slice %arg3[%dma_start3A_520, %mul3A_514, %dma_start3A_521] : memref<16x10000x256xf32, #tpu.memory_space<hbm>> -> memref<16x4x256xf32, #tpu.memory_space<hbm>>
            %dma_start3A_523 = tpu.memref_slice %run_scoped3A_19[%rem3A_512] : memref<2x!tpu.dma_semaphore, #tpu.memory_space<semaphore_mem>> -> memref<1x!tpu.dma_semaphore, #tpu.memory_space<semaphore_mem>>
            %dma_start3A_524 = tpu.memref_squeeze %dma_start3A_523 : memref<1x!tpu.dma_semaphore, #tpu.memory_space<semaphore_mem>> -> memref<!tpu.dma_semaphore, #tpu.memory_space<semaphore_mem>>
            %dma_start3A_525 = arith.constant 0 : i32
            %dma_start3A_526 = arith.constant 0 : i32
            %dma_start3A_527 = arith.constant 0 : i32
            %dma_start3A_528 = tpu.memref_slice %run_scoped3A_18[%rem3A_512, %dma_start3A_525, %dma_start3A_526, %dma_start3A_527] : memref<2x16x4x256xf32, #tpu.memory_space<vmem>> -> memref<1x16x4x256xf32, #tpu.memory_space<vmem>>
            %dma_start3A_529 = tpu.memref_squeeze %dma_start3A_528 : memref<1x16x4x256xf32, #tpu.memory_space<vmem>> -> memref<16x4x256xf32, #tpu.memory_space<vmem>>
            %dma_start3A_530 = arith.constant 0 : i32
            %dma_start3A_531 = arith.constant 0 : i32
            %dma_start3A_532 = tpu.memref_slice %arg3[%dma_start3A_530, %mul3A_514, %dma_start3A_531] : memref<16x10000x256xf32, #tpu.memory_space<hbm>> -> memref<16x4x256xf32, #tpu.memory_space<hbm>>
            tpu.enqueue_dma source(%dma_start3A_532 : memref<16x4x256xf32, #tpu.memory_space<hbm>>) target(%dma_start3A_529 : memref<16x4x256xf32, #tpu.memory_space<vmem>>) target_semaphore(%dma_start3A_524 : memref<!tpu.dma_semaphore, #tpu.memory_space<semaphore_mem>>)
            "tpu.trace_stop"() : () -> ()
          } else {
          }
          %and3A_288 = arith.constant true
          %and3A_289 = arith.andi %and3A_284, %and3A_288 : i1
          %add3A_290 = arith.constant 1 : i32
          %add3A_291 = arith.addi %while3A_215, %add3A_290 : i32
          %select_n3A_292 = arith.select %and3A_289, %add3A_291, %while3A_215 : i32
          %ne3A_293 = arith.cmpi ne, %add3A_229, %add3A_247 : i32
          %or3A_294 = arith.constant false
          %or3A_295 = arith.ori %or3A_294, %ne3A_293 : i1
          %or3A_296 = arith.constant false
          %or3A_297 = arith.ori %or3A_295, %or3A_296 : i1
          %sub3A_298 = arith.constant 2 : i32
          %sub3A_299 = arith.subi %mul3A_223, %sub3A_298 : i32
          %add3A_300 = arith.constant 1 : i32
          %add3A_301 = arith.addi %sub3A_299, %add3A_300 : i32
          %ge3A_302 = arith.cmpi sge, %while3A_212, %add3A_301 : i32
          %not3A_303 = arith.constant true
          %not3A_304 = arith.xori %ge3A_302, %not3A_303 : i1
          %and3A_305 = arith.andi %or3A_297, %not3A_304 : i1
          %convert_element_type3A_306 = arith.extui %and3A_305 : i1 to i32
          %cond3A_307 = arith.constant 0 : i32
          %cond3A_308 = arith.cmpi ne, %convert_element_type3A_306, %cond3A_307 : i32
          scf.if %cond3A_308 {
            "tpu.trace_start"() <{level = 10 : i32, message = "ep_copy_in"}> : () -> ()
            %rem3A_511 = arith.constant 2 : i32
            %rem3A_512 = arith.remui %while3A_217, %rem3A_511 : i32
            %mul3A_513 = arith.constant 4 : i32
            %mul3A_514 = arith.muli %mul3A_513, %add3A_247 : i32
            %dma_start3A_515 = arith.constant 0 : i32
            %dma_start3A_516 = arith.constant 0 : i32
            %dma_start3A_517 = arith.constant 0 : i32
            %dma_start3A_518 = tpu.memref_slice %run_scoped3A_20[%rem3A_512, %dma_start3A_515, %dma_start3A_516, %dma_start3A_517] : memref<2x16x4x256xf32, #tpu.memory_space<vmem>> -> memref<1x16x4x256xf32, #tpu.memory_space<vmem>>
            %dma_start3A_519 = tpu.memref_squeeze %dma_start3A_518 : memref<1x16x4x256xf32, #tpu.memory_space<vmem>> -> memref<16x4x256xf32, #tpu.memory_space<vmem>>
            %dma_start3A_520 = arith.constant 0 : i32
            %dma_start3A_521 = arith.constant 0 : i32
            %dma_start3A_522 = tpu.memref_slice %arg4[%dma_start3A_520, %mul3A_514, %dma_start3A_521] : memref<16x10000x256xf32, #tpu.memory_space<hbm>> -> memref<16x4x256xf32, #tpu.memory_space<hbm>>
            %dma_start3A_523 = tpu.memref_slice %run_scoped3A_21[%rem3A_512] : memref<2x!tpu.dma_semaphore, #tpu.memory_space<semaphore_mem>> -> memref<1x!tpu.dma_semaphore, #tpu.memory_space<semaphore_mem>>
            %dma_start3A_524 = tpu.memref_squeeze %dma_start3A_523 : memref<1x!tpu.dma_semaphore, #tpu.memory_space<semaphore_mem>> -> memref<!tpu.dma_semaphore, #tpu.memory_space<semaphore_mem>>
            %dma_start3A_525 = arith.constant 0 : i32
            %dma_start3A_526 = arith.constant 0 : i32
            %dma_start3A_527 = arith.constant 0 : i32
            %dma_start3A_528 = tpu.memref_slice %run_scoped3A_20[%rem3A_512, %dma_start3A_525, %dma_start3A_526, %dma_start3A_527] : memref<2x16x4x256xf32, #tpu.memory_space<vmem>> -> memref<1x16x4x256xf32, #tpu.memory_space<vmem>>
            %dma_start3A_529 = tpu.memref_squeeze %dma_start3A_528 : memref<1x16x4x256xf32, #tpu.memory_space<vmem>> -> memref<16x4x256xf32, #tpu.memory_space<vmem>>
            %dma_start3A_530 = arith.constant 0 : i32
            %dma_start3A_531 = arith.constant 0 : i32
            %dma_start3A_532 = tpu.memref_slice %arg4[%dma_start3A_530, %mul3A_514, %dma_start3A_531] : memref<16x10000x256xf32, #tpu.memory_space<hbm>> -> memref<16x4x256xf32, #tpu.memory_space<hbm>>
            tpu.enqueue_dma source(%dma_start3A_532 : memref<16x4x256xf32, #tpu.memory_space<hbm>>) target(%dma_start3A_529 : memref<16x4x256xf32, #tpu.memory_space<vmem>>) target_semaphore(%dma_start3A_524 : memref<!tpu.dma_semaphore, #tpu.memory_space<semaphore_mem>>)
            "tpu.trace_stop"() : () -> ()
          } else {
          }
          %and3A_309 = arith.constant true
          %and3A_310 = arith.andi %and3A_305, %and3A_309 : i1
          %add3A_311 = arith.constant 1 : i32
          %add3A_312 = arith.addi %while3A_217, %add3A_311 : i32
          %select_n3A_313 = arith.select %and3A_310, %add3A_312, %while3A_217 : i32
          %ne3A_314 = arith.cmpi ne, %add3A_229, %add3A_247 : i32
          %or3A_315 = arith.constant false
          %or3A_316 = arith.ori %or3A_315, %ne3A_314 : i1
          %or3A_317 = arith.constant false
          %or3A_318 = arith.ori %or3A_316, %or3A_317 : i1
          %sub3A_319 = arith.constant 2 : i32
          %sub3A_320 = arith.subi %mul3A_223, %sub3A_319 : i32
          %add3A_321 = arith.constant 1 : i32
          %add3A_322 = arith.addi %sub3A_320, %add3A_321 : i32
          %ge3A_323 = arith.cmpi sge, %while3A_212, %add3A_322 : i32
          %not3A_324 = arith.constant true
          %not3A_325 = arith.xori %ge3A_323, %not3A_324 : i1
          %and3A_326 = arith.andi %or3A_318, %not3A_325 : i1
          %ne3A_327 = arith.cmpi ne, %add3A_229, %add3A_239 : i32
          %or3A_328 = arith.constant false
          %or3A_329 = arith.ori %or3A_328, %ne3A_327 : i1
          %or3A_330 = arith.constant false
          %or3A_331 = arith.ori %or3A_329, %or3A_330 : i1
          %or3A_332 = arith.ori %or3A_331, %eq3A_225 : i1
          %convert_element_type3A_333 = arith.extui %or3A_332 : i1 to i32
          %cond3A_334 = arith.constant 0 : i32
          %cond3A_335 = arith.cmpi ne, %convert_element_type3A_333, %cond3A_334 : i32
          scf.if %cond3A_335 {
            "tpu.trace_start"() <{level = 10 : i32, message = "ep_wait_in"}> : () -> ()
            %mul3A_511 = arith.constant 4 : i32
            %mul3A_512 = arith.muli %mul3A_511, %add3A_229 : i32
            %rem3A_513 = arith.constant 2 : i32
            %rem3A_514 = arith.remui %while3A_214, %rem3A_513 : i32
            %dma_wait3A = arith.constant 0 : i32
            %dma_wait3A_515 = arith.constant 0 : i32
            %dma_wait3A_516 = tpu.memref_slice %run_scoped3A[%rem3A_514, %dma_wait3A, %dma_wait3A_515] : memref<2x4x256xf32, #tpu.memory_space<vmem>> -> memref<1x4x256xf32, #tpu.memory_space<vmem>>
            %dma_wait3A_517 = tpu.memref_squeeze %dma_wait3A_516 : memref<1x4x256xf32, #tpu.memory_space<vmem>> -> memref<4x256xf32, #tpu.memory_space<vmem>>
            %dma_wait3A_518 = arith.constant 0 : i32
            %dma_wait3A_519 = tpu.memref_slice %arg2[%mul3A_512, %dma_wait3A_518] : memref<10000x256xf32, #tpu.memory_space<hbm>> -> memref<4x256xf32, #tpu.memory_space<hbm>>
            %dma_wait3A_520 = tpu.memref_slice %run_scoped3A_17[%rem3A_514] : memref<2x!tpu.dma_semaphore, #tpu.memory_space<semaphore_mem>> -> memref<1x!tpu.dma_semaphore, #tpu.memory_space<semaphore_mem>>
            %dma_wait3A_521 = tpu.memref_squeeze %dma_wait3A_520 : memref<1x!tpu.dma_semaphore, #tpu.memory_space<semaphore_mem>> -> memref<!tpu.dma_semaphore, #tpu.memory_space<semaphore_mem>>
            %dma_wait3A_522 = arith.constant 0 : i32
            %dma_wait3A_523 = arith.constant 0 : i32
            %dma_wait3A_524 = tpu.memref_slice %run_scoped3A[%rem3A_514, %dma_wait3A_522, %dma_wait3A_523] : memref<2x4x256xf32, #tpu.memory_space<vmem>> -> memref<1x4x256xf32, #tpu.memory_space<vmem>>
            %dma_wait3A_525 = tpu.memref_squeeze %dma_wait3A_524 : memref<1x4x256xf32, #tpu.memory_space<vmem>> -> memref<4x256xf32, #tpu.memory_space<vmem>>
            %dma_wait3A_526 = arith.constant 0 : i32
            %dma_wait3A_527 = tpu.memref_slice %arg2[%mul3A_512, %dma_wait3A_526] : memref<10000x256xf32, #tpu.memory_space<hbm>> -> memref<4x256xf32, #tpu.memory_space<hbm>>
            tpu.wait_dma2 semaphore(%dma_wait3A_521 : memref<!tpu.dma_semaphore, #tpu.memory_space<semaphore_mem>>) src(%dma_wait3A_527 : memref<4x256xf32, #tpu.memory_space<hbm>>) dst(%dma_wait3A_525 : memref<4x256xf32, #tpu.memory_space<vmem>>)
            "tpu.trace_stop"() : () -> ()
          } else {
          }
          %ne3A_336 = arith.cmpi ne, %add3A_229, %add3A_239 : i32
          %or3A_337 = arith.constant false
          %or3A_338 = arith.ori %or3A_337, %ne3A_336 : i1
          %or3A_339 = arith.constant false
          %or3A_340 = arith.ori %or3A_338, %or3A_339 : i1
          %or3A_341 = arith.ori %or3A_340, %eq3A_225 : i1
          %convert_element_type3A_342 = arith.extui %or3A_341 : i1 to i32
          %cond3A_343 = arith.constant 0 : i32
          %cond3A_344 = arith.cmpi ne, %convert_element_type3A_342, %cond3A_343 : i32
          scf.if %cond3A_344 {
            "tpu.trace_start"() <{level = 10 : i32, message = "ep_wait_in"}> : () -> ()
            %mul3A_511 = arith.constant 4 : i32
            %mul3A_512 = arith.muli %mul3A_511, %add3A_229 : i32
            %rem3A_513 = arith.constant 2 : i32
            %rem3A_514 = arith.remui %while3A_216, %rem3A_513 : i32
            %dma_wait3A = arith.constant 0 : i32
            %dma_wait3A_515 = arith.constant 0 : i32
            %dma_wait3A_516 = arith.constant 0 : i32
            %dma_wait3A_517 = tpu.memref_slice %run_scoped3A_18[%rem3A_514, %dma_wait3A, %dma_wait3A_515, %dma_wait3A_516] : memref<2x16x4x256xf32, #tpu.memory_space<vmem>> -> memref<1x16x4x256xf32, #tpu.memory_space<vmem>>
            %dma_wait3A_518 = tpu.memref_squeeze %dma_wait3A_517 : memref<1x16x4x256xf32, #tpu.memory_space<vmem>> -> memref<16x4x256xf32, #tpu.memory_space<vmem>>
            %dma_wait3A_519 = arith.constant 0 : i32
            %dma_wait3A_520 = arith.constant 0 : i32
            %dma_wait3A_521 = tpu.memref_slice %arg3[%dma_wait3A_519, %mul3A_512, %dma_wait3A_520] : memref<16x10000x256xf32, #tpu.memory_space<hbm>> -> memref<16x4x256xf32, #tpu.memory_space<hbm>>
            %dma_wait3A_522 = tpu.memref_slice %run_scoped3A_19[%rem3A_514] : memref<2x!tpu.dma_semaphore, #tpu.memory_space<semaphore_mem>> -> memref<1x!tpu.dma_semaphore, #tpu.memory_space<semaphore_mem>>
            %dma_wait3A_523 = tpu.memref_squeeze %dma_wait3A_522 : memref<1x!tpu.dma_semaphore, #tpu.memory_space<semaphore_mem>> -> memref<!tpu.dma_semaphore, #tpu.memory_space<semaphore_mem>>
            %dma_wait3A_524 = arith.constant 0 : i32
            %dma_wait3A_525 = arith.constant 0 : i32
            %dma_wait3A_526 = arith.constant 0 : i32
            %dma_wait3A_527 = tpu.memref_slice %run_scoped3A_18[%rem3A_514, %dma_wait3A_524, %dma_wait3A_525, %dma_wait3A_526] : memref<2x16x4x256xf32, #tpu.memory_space<vmem>> -> memref<1x16x4x256xf32, #tpu.memory_space<vmem>>
            %dma_wait3A_528 = tpu.memref_squeeze %dma_wait3A_527 : memref<1x16x4x256xf32, #tpu.memory_space<vmem>> -> memref<16x4x256xf32, #tpu.memory_space<vmem>>
            %dma_wait3A_529 = arith.constant 0 : i32
            %dma_wait3A_530 = arith.constant 0 : i32
            %dma_wait3A_531 = tpu.memref_slice %arg3[%dma_wait3A_529, %mul3A_512, %dma_wait3A_530] : memref<16x10000x256xf32, #tpu.memory_space<hbm>> -> memref<16x4x256xf32, #tpu.memory_space<hbm>>
            tpu.wait_dma2 semaphore(%dma_wait3A_523 : memref<!tpu.dma_semaphore, #tpu.memory_space<semaphore_mem>>) src(%dma_wait3A_531 : memref<16x4x256xf32, #tpu.memory_space<hbm>>) dst(%dma_wait3A_528 : memref<16x4x256xf32, #tpu.memory_space<vmem>>)
            "tpu.trace_stop"() : () -> ()
          } else {
          }
          %ne3A_345 = arith.cmpi ne, %add3A_229, %add3A_239 : i32
          %or3A_346 = arith.constant false
          %or3A_347 = arith.ori %or3A_346, %ne3A_345 : i1
          %or3A_348 = arith.constant false
          %or3A_349 = arith.ori %or3A_347, %or3A_348 : i1
          %or3A_350 = arith.ori %or3A_349, %eq3A_225 : i1
          %convert_element_type3A_351 = arith.extui %or3A_350 : i1 to i32
          %cond3A_352 = arith.constant 0 : i32
          %cond3A_353 = arith.cmpi ne, %convert_element_type3A_351, %cond3A_352 : i32
          scf.if %cond3A_353 {
            "tpu.trace_start"() <{level = 10 : i32, message = "ep_wait_in"}> : () -> ()
            %mul3A_511 = arith.constant 4 : i32
            %mul3A_512 = arith.muli %mul3A_511, %add3A_229 : i32
            %rem3A_513 = arith.constant 2 : i32
            %rem3A_514 = arith.remui %while3A_218, %rem3A_513 : i32
            %dma_wait3A = arith.constant 0 : i32
            %dma_wait3A_515 = arith.constant 0 : i32
            %dma_wait3A_516 = arith.constant 0 : i32
            %dma_wait3A_517 = tpu.memref_slice %run_scoped3A_20[%rem3A_514, %dma_wait3A, %dma_wait3A_515, %dma_wait3A_516] : memref<2x16x4x256xf32, #tpu.memory_space<vmem>> -> memref<1x16x4x256xf32, #tpu.memory_space<vmem>>
            %dma_wait3A_518 = tpu.memref_squeeze %dma_wait3A_517 : memref<1x16x4x256xf32, #tpu.memory_space<vmem>> -> memref<16x4x256xf32, #tpu.memory_space<vmem>>
            %dma_wait3A_519 = arith.constant 0 : i32
            %dma_wait3A_520 = arith.constant 0 : i32
            %dma_wait3A_521 = tpu.memref_slice %arg4[%dma_wait3A_519, %mul3A_512, %dma_wait3A_520] : memref<16x10000x256xf32, #tpu.memory_space<hbm>> -> memref<16x4x256xf32, #tpu.memory_space<hbm>>
            %dma_wait3A_522 = tpu.memref_slice %run_scoped3A_21[%rem3A_514] : memref<2x!tpu.dma_semaphore, #tpu.memory_space<semaphore_mem>> -> memref<1x!tpu.dma_semaphore, #tpu.memory_space<semaphore_mem>>
            %dma_wait3A_523 = tpu.memref_squeeze %dma_wait3A_522 : memref<1x!tpu.dma_semaphore, #tpu.memory_space<semaphore_mem>> -> memref<!tpu.dma_semaphore, #tpu.memory_space<semaphore_mem>>
            %dma_wait3A_524 = arith.constant 0 : i32
            %dma_wait3A_525 = arith.constant 0 : i32
            %dma_wait3A_526 = arith.constant 0 : i32
            %dma_wait3A_527 = tpu.memref_slice %run_scoped3A_20[%rem3A_514, %dma_wait3A_524, %dma_wait3A_525, %dma_wait3A_526] : memref<2x16x4x256xf32, #tpu.memory_space<vmem>> -> memref<1x16x4x256xf32, #tpu.memory_space<vmem>>
            %dma_wait3A_528 = tpu.memref_squeeze %dma_wait3A_527 : memref<1x16x4x256xf32, #tpu.memory_space<vmem>> -> memref<16x4x256xf32, #tpu.memory_space<vmem>>
            %dma_wait3A_529 = arith.constant 0 : i32
            %dma_wait3A_530 = arith.constant 0 : i32
            %dma_wait3A_531 = tpu.memref_slice %arg4[%dma_wait3A_529, %mul3A_512, %dma_wait3A_530] : memref<16x10000x256xf32, #tpu.memory_space<hbm>> -> memref<16x4x256xf32, #tpu.memory_space<hbm>>
            tpu.wait_dma2 semaphore(%dma_wait3A_523 : memref<!tpu.dma_semaphore, #tpu.memory_space<semaphore_mem>>) src(%dma_wait3A_531 : memref<16x4x256xf32, #tpu.memory_space<hbm>>) dst(%dma_wait3A_528 : memref<16x4x256xf32, #tpu.memory_space<vmem>>)
            "tpu.trace_stop"() : () -> ()
          } else {
          }
          %ne3A_354 = arith.cmpi ne, %add3A_229, %add3A_239 : i32
          %or3A_355 = arith.constant false
          %or3A_356 = arith.ori %or3A_355, %ne3A_354 : i1
          %or3A_357 = arith.constant false
          %or3A_358 = arith.ori %or3A_356, %or3A_357 : i1
          %or3A_359 = arith.ori %or3A_358, %eq3A_225 : i1
          %convert_element_type3A_360 = arith.extui %or3A_359 : i1 to i32
          %cond3A_361 = arith.constant 0 : i32
          %cond3A_362 = arith.cmpi ne, %convert_element_type3A_360, %cond3A_361 : i32
          scf.if %cond3A_362 {
          } else {
          }
          %rem3A_363 = arith.constant 2 : i32
          %rem3A_364 = arith.remui %while3A_214, %rem3A_363 : i32
          %rem3A_365 = arith.constant 2 : i32
          %rem3A_366 = arith.remui %while3A_216, %rem3A_365 : i32
          %rem3A_367 = arith.constant 2 : i32
          %rem3A_368 = arith.remui %while3A_218, %rem3A_367 : i32
          %rem3A_369 = arith.constant 2 : i32
          %rem3A_370 = arith.remui %while3A_219, %rem3A_369 : i32
          "tpu.trace_start"() <{level = 10 : i32, message = "ep_run_kernel"}> : () -> ()
          %scan3A = arith.constant 0 : i32
          %scan3A_371 = arith.constant 4 : i32
          %scan3A_372 = arith.addi %scan3A, %scan3A_371 : i32
          %scan3A_373 = arith.constant 1 : i32
          scf.for %scan3A_511 = %scan3A to %scan3A_372 step %scan3A_373  : i32 {
            %mul3A_512 = arith.constant 1 : i32
            %mul3A_513 = arith.muli %scan3A_511, %mul3A_512 : i32
            %add3A_514 = arith.constant 0 : i32
            %add3A_515 = arith.addi %add3A_514, %mul3A_513 : i32
            %parallel_loop3A = arith.constant 0 : i32
            %parallel_loop3A_516 = arith.constant 256 : i32
            %parallel_loop3A_517 = arith.constant 16 : i32
            scf.for %parallel_loop3A_518 = %parallel_loop3A to %parallel_loop3A_516 step %parallel_loop3A_517  : i32 {
              %parallel_loop3A_519 = arith.constant 0 : i32
              %parallel_loop3A_520 = arith.constant 0 : i32
              %parallel_loop3A_521 = tpu.memref_slice %run_scoped3A[%rem3A_364, %parallel_loop3A_519, %parallel_loop3A_520] : memref<2x4x256xf32, #tpu.memory_space<vmem>> -> memref<1x4x256xf32, #tpu.memory_space<vmem>>
              %parallel_loop3A_522 = tpu.memref_squeeze %parallel_loop3A_521 : memref<1x4x256xf32, #tpu.memory_space<vmem>> -> memref<4x256xf32, #tpu.memory_space<vmem>>
              %parallel_loop3A_523 = arith.index_cast %add3A_515 : i32 to index
              %parallel_loop3A_524 = arith.index_cast %parallel_loop3A_518 : i32 to index
              %parallel_loop3A_525 = tpu.vector_load %parallel_loop3A_522[%parallel_loop3A_523, %parallel_loop3A_524] {strides = array<i32>} : memref<4x256xf32, #tpu.memory_space<vmem>>, vector<1x16xf32>,
              %parallel_loop3A_526 = vector.shape_cast %parallel_loop3A_525 : vector<1x16xf32> to vector<16xf32>
              %parallel_loop3A_527 = arith.constant 0 : i32
              %parallel_loop3A_528 = arith.constant 0 : i32
              %parallel_loop3A_529 = arith.constant 0 : i32
              %parallel_loop3A_530 = arith.constant 0 : i32
              %parallel_loop3A_531 = tpu.memref_slice %run_scoped3A_18[%rem3A_366, %parallel_loop3A_528, %parallel_loop3A_529, %parallel_loop3A_530] : memref<2x16x4x256xf32, #tpu.memory_space<vmem>> -> memref<1x16x4x256xf32, #tpu.memory_space<vmem>>
              %parallel_loop3A_532 = tpu.memref_squeeze %parallel_loop3A_531 : memref<1x16x4x256xf32, #tpu.memory_space<vmem>> -> memref<16x4x256xf32, #tpu.memory_space<vmem>>
              %parallel_loop3A_533 = arith.index_cast %parallel_loop3A_527 : i32 to index
              %parallel_loop3A_534 = arith.index_cast %add3A_515 : i32 to index
              %parallel_loop3A_535 = arith.index_cast %parallel_loop3A_518 : i32 to index
              %parallel_loop3A_536 = tpu.vector_load %parallel_loop3A_532[%parallel_loop3A_533, %parallel_loop3A_534, %parallel_loop3A_535] {strides = array<i32>} : memref<16x4x256xf32, #tpu.memory_space<vmem>>, vector<1x1x16xf32>,
              %parallel_loop3A_537 = vector.shape_cast %parallel_loop3A_536 : vector<1x1x16xf32> to vector<16xf32>
              %parallel_loop3A_538 = arith.addf %parallel_loop3A_537, %parallel_loop3A_526 : vector<16xf32>
              %parallel_loop3A_539 = arith.constant 0.00999999977 : f32
              %parallel_loop3A_540 = vector.broadcast %parallel_loop3A_539 : f32 to vector<16xf32>
              %parallel_loop3A_541 = arith.mulf %parallel_loop3A_538, %parallel_loop3A_540 : vector<16xf32>
              %parallel_loop3A_542 = arith.maximumf %parallel_loop3A_538, %parallel_loop3A_541 : vector<16xf32>
              %parallel_loop3A_543 = arith.constant 1 : i32
              %parallel_loop3A_544 = arith.constant 0 : i32
              %parallel_loop3A_545 = arith.constant 0 : i32
              %parallel_loop3A_546 = arith.constant 0 : i32
              %parallel_loop3A_547 = tpu.memref_slice %run_scoped3A_18[%rem3A_366, %parallel_loop3A_544, %parallel_loop3A_545, %parallel_loop3A_546] : memref<2x16x4x256xf32, #tpu.memory_space<vmem>> -> memref<1x16x4x256xf32, #tpu.memory_space<vmem>>
              %parallel_loop3A_548 = tpu.memref_squeeze %parallel_loop3A_547 : memref<1x16x4x256xf32, #tpu.memory_space<vmem>> -> memref<16x4x256xf32, #tpu.memory_space<vmem>>
              %parallel_loop3A_549 = arith.index_cast %parallel_loop3A_543 : i32 to index
              %parallel_loop3A_550 = arith.index_cast %add3A_515 : i32 to index
              %parallel_loop3A_551 = arith.index_cast %parallel_loop3A_518 : i32 to index
              %parallel_loop3A_552 = tpu.vector_load %parallel_loop3A_548[%parallel_loop3A_549, %parallel_loop3A_550, %parallel_loop3A_551] {strides = array<i32>} : memref<16x4x256xf32, #tpu.memory_space<vmem>>, vector<1x1x16xf32>,
              %parallel_loop3A_553 = vector.shape_cast %parallel_loop3A_552 : vector<1x1x16xf32> to vector<16xf32>
              %parallel_loop3A_554 = arith.addf %parallel_loop3A_553, %parallel_loop3A_526 : vector<16xf32>
              %parallel_loop3A_555 = arith.constant 0.00999999977 : f32
              %parallel_loop3A_556 = vector.broadcast %parallel_loop3A_555 : f32 to vector<16xf32>
              %parallel_loop3A_557 = arith.mulf %parallel_loop3A_554, %parallel_loop3A_556 : vector<16xf32>
              %parallel_loop3A_558 = arith.maximumf %parallel_loop3A_554, %parallel_loop3A_557 : vector<16xf32>
              %parallel_loop3A_559 = arith.constant 2 : i32
              %parallel_loop3A_560 = arith.constant 0 : i32
              %parallel_loop3A_561 = arith.constant 0 : i32
              %parallel_loop3A_562 = arith.constant 0 : i32
              %parallel_loop3A_563 = tpu.memref_slice %run_scoped3A_18[%rem3A_366, %parallel_loop3A_560, %parallel_loop3A_561, %parallel_loop3A_562] : memref<2x16x4x256xf32, #tpu.memory_space<vmem>> -> memref<1x16x4x256xf32, #tpu.memory_space<vmem>>
              %parallel_loop3A_564 = tpu.memref_squeeze %parallel_loop3A_563 : memref<1x16x4x256xf32, #tpu.memory_space<vmem>> -> memref<16x4x256xf32, #tpu.memory_space<vmem>>
              %parallel_loop3A_565 = arith.index_cast %parallel_loop3A_559 : i32 to index
              %parallel_loop3A_566 = arith.index_cast %add3A_515 : i32 to index
              %parallel_loop3A_567 = arith.index_cast %parallel_loop3A_518 : i32 to index
              %parallel_loop3A_568 = tpu.vector_load %parallel_loop3A_564[%parallel_loop3A_565, %parallel_loop3A_566, %parallel_loop3A_567] {strides = array<i32>} : memref<16x4x256xf32, #tpu.memory_space<vmem>>, vector<1x1x16xf32>,
              %parallel_loop3A_569 = vector.shape_cast %parallel_loop3A_568 : vector<1x1x16xf32> to vector<16xf32>
              %parallel_loop3A_570 = arith.addf %parallel_loop3A_569, %parallel_loop3A_526 : vector<16xf32>
              %parallel_loop3A_571 = arith.constant 0.00999999977 : f32
              %parallel_loop3A_572 = vector.broadcast %parallel_loop3A_571 : f32 to vector<16xf32>
              %parallel_loop3A_573 = arith.mulf %parallel_loop3A_570, %parallel_loop3A_572 : vector<16xf32>
              %parallel_loop3A_574 = arith.maximumf %parallel_loop3A_570, %parallel_loop3A_573 : vector<16xf32>
              %parallel_loop3A_575 = arith.constant 3 : i32
              %parallel_loop3A_576 = arith.constant 0 : i32
              %parallel_loop3A_577 = arith.constant 0 : i32
              %parallel_loop3A_578 = arith.constant 0 : i32
              %parallel_loop3A_579 = tpu.memref_slice %run_scoped3A_18[%rem3A_366, %parallel_loop3A_576, %parallel_loop3A_577, %parallel_loop3A_578] : memref<2x16x4x256xf32, #tpu.memory_space<vmem>> -> memref<1x16x4x256xf32, #tpu.memory_space<vmem>>
              %parallel_loop3A_580 = tpu.memref_squeeze %parallel_loop3A_579 : memref<1x16x4x256xf32, #tpu.memory_space<vmem>> -> memref<16x4x256xf32, #tpu.memory_space<vmem>>
              %parallel_loop3A_581 = arith.index_cast %parallel_loop3A_575 : i32 to index
              %parallel_loop3A_582 = arith.index_cast %add3A_515 : i32 to index
              %parallel_loop3A_583 = arith.index_cast %parallel_loop3A_518 : i32 to index
              %parallel_loop3A_584 = tpu.vector_load %parallel_loop3A_580[%parallel_loop3A_581, %parallel_loop3A_582, %parallel_loop3A_583] {strides = array<i32>} : memref<16x4x256xf32, #tpu.memory_space<vmem>>, vector<1x1x16xf32>,
              %parallel_loop3A_585 = vector.shape_cast %parallel_loop3A_584 : vector<1x1x16xf32> to vector<16xf32>
              %parallel_loop3A_586 = arith.addf %parallel_loop3A_585, %parallel_loop3A_526 : vector<16xf32>
              %parallel_loop3A_587 = arith.constant 0.00999999977 : f32
              %parallel_loop3A_588 = vector.broadcast %parallel_loop3A_587 : f32 to vector<16xf32>
              %parallel_loop3A_589 = arith.mulf %parallel_loop3A_586, %parallel_loop3A_588 : vector<16xf32>
              %parallel_loop3A_590 = arith.maximumf %parallel_loop3A_586, %parallel_loop3A_589 : vector<16xf32>
              %parallel_loop3A_591 = arith.constant 4 : i32
              %parallel_loop3A_592 = arith.constant 0 : i32
              %parallel_loop3A_593 = arith.constant 0 : i32
              %parallel_loop3A_594 = arith.constant 0 : i32
              %parallel_loop3A_595 = tpu.memref_slice %run_scoped3A_18[%rem3A_366, %parallel_loop3A_592, %parallel_loop3A_593, %parallel_loop3A_594] : memref<2x16x4x256xf32, #tpu.memory_space<vmem>> -> memref<1x16x4x256xf32, #tpu.memory_space<vmem>>
              %parallel_loop3A_596 = tpu.memref_squeeze %parallel_loop3A_595 : memref<1x16x4x256xf32, #tpu.memory_space<vmem>> -> memref<16x4x256xf32, #tpu.memory_space<vmem>>
              %parallel_loop3A_597 = arith.index_cast %parallel_loop3A_591 : i32 to index
              %parallel_loop3A_598 = arith.index_cast %add3A_515 : i32 to index
              %parallel_loop3A_599 = arith.index_cast %parallel_loop3A_518 : i32 to index
              %parallel_loop3A_600 = tpu.vector_load %parallel_loop3A_596[%parallel_loop3A_597, %parallel_loop3A_598, %parallel_loop3A_599] {strides = array<i32>} : memref<16x4x256xf32, #tpu.memory_space<vmem>>, vector<1x1x16xf32>,
              %parallel_loop3A_601 = vector.shape_cast %parallel_loop3A_600 : vector<1x1x16xf32> to vector<16xf32>
              %parallel_loop3A_602 = arith.addf %parallel_loop3A_601, %parallel_loop3A_526 : vector<16xf32>
              %parallel_loop3A_603 = arith.constant 0.00999999977 : f32
              %parallel_loop3A_604 = vector.broadcast %parallel_loop3A_603 : f32 to vector<16xf32>
              %parallel_loop3A_605 = arith.mulf %parallel_loop3A_602, %parallel_loop3A_604 : vector<16xf32>
              %parallel_loop3A_606 = arith.maximumf %parallel_loop3A_602, %parallel_loop3A_605 : vector<16xf32>
              %parallel_loop3A_607 = arith.constant 5 : i32
              %parallel_loop3A_608 = arith.constant 0 : i32
              %parallel_loop3A_609 = arith.constant 0 : i32
              %parallel_loop3A_610 = arith.constant 0 : i32
              %parallel_loop3A_611 = tpu.memref_slice %run_scoped3A_18[%rem3A_366, %parallel_loop3A_608, %parallel_loop3A_609, %parallel_loop3A_610] : memref<2x16x4x256xf32, #tpu.memory_space<vmem>> -> memref<1x16x4x256xf32, #tpu.memory_space<vmem>>
              %parallel_loop3A_612 = tpu.memref_squeeze %parallel_loop3A_611 : memref<1x16x4x256xf32, #tpu.memory_space<vmem>> -> memref<16x4x256xf32, #tpu.memory_space<vmem>>
              %parallel_loop3A_613 = arith.index_cast %parallel_loop3A_607 : i32 to index
              %parallel_loop3A_614 = arith.index_cast %add3A_515 : i32 to index
              %parallel_loop3A_615 = arith.index_cast %parallel_loop3A_518 : i32 to index
              %parallel_loop3A_616 = tpu.vector_load %parallel_loop3A_612[%parallel_loop3A_613, %parallel_loop3A_614, %parallel_loop3A_615] {strides = array<i32>} : memref<16x4x256xf32, #tpu.memory_space<vmem>>, vector<1x1x16xf32>,
              %parallel_loop3A_617 = vector.shape_cast %parallel_loop3A_616 : vector<1x1x16xf32> to vector<16xf32>
              %parallel_loop3A_618 = arith.addf %parallel_loop3A_617, %parallel_loop3A_526 : vector<16xf32>
              %parallel_loop3A_619 = arith.constant 0.00999999977 : f32
              %parallel_loop3A_620 = vector.broadcast %parallel_loop3A_619 : f32 to vector<16xf32>
              %parallel_loop3A_621 = arith.mulf %parallel_loop3A_618, %parallel_loop3A_620 : vector<16xf32>
              %parallel_loop3A_622 = arith.maximumf %parallel_loop3A_618, %parallel_loop3A_621 : vector<16xf32>
              %parallel_loop3A_623 = arith.constant 6 : i32
              %parallel_loop3A_624 = arith.constant 0 : i32
              %parallel_loop3A_625 = arith.constant 0 : i32
              %parallel_loop3A_626 = arith.constant 0 : i32
              %parallel_loop3A_627 = tpu.memref_slice %run_scoped3A_18[%rem3A_366, %parallel_loop3A_624, %parallel_loop3A_625, %parallel_loop3A_626] : memref<2x16x4x256xf32, #tpu.memory_space<vmem>> -> memref<1x16x4x256xf32, #tpu.memory_space<vmem>>
              %parallel_loop3A_628 = tpu.memref_squeeze %parallel_loop3A_627 : memref<1x16x4x256xf32, #tpu.memory_space<vmem>> -> memref<16x4x256xf32, #tpu.memory_space<vmem>>
              %parallel_loop3A_629 = arith.index_cast %parallel_loop3A_623 : i32 to index
              %parallel_loop3A_630 = arith.index_cast %add3A_515 : i32 to index
              %parallel_loop3A_631 = arith.index_cast %parallel_loop3A_518 : i32 to index
              %parallel_loop3A_632 = tpu.vector_load %parallel_loop3A_628[%parallel_loop3A_629, %parallel_loop3A_630, %parallel_loop3A_631] {strides = array<i32>} : memref<16x4x256xf32, #tpu.memory_space<vmem>>, vector<1x1x16xf32>,
              %parallel_loop3A_633 = vector.shape_cast %parallel_loop3A_632 : vector<1x1x16xf32> to vector<16xf32>
              %parallel_loop3A_634 = arith.addf %parallel_loop3A_633, %parallel_loop3A_526 : vector<16xf32>
              %parallel_loop3A_635 = arith.constant 0.00999999977 : f32
              %parallel_loop3A_636 = vector.broadcast %parallel_loop3A_635 : f32 to vector<16xf32>
              %parallel_loop3A_637 = arith.mulf %parallel_loop3A_634, %parallel_loop3A_636 : vector<16xf32>
              %parallel_loop3A_638 = arith.maximumf %parallel_loop3A_634, %parallel_loop3A_637 : vector<16xf32>
              %parallel_loop3A_639 = arith.constant 7 : i32
              %parallel_loop3A_640 = arith.constant 0 : i32
              %parallel_loop3A_641 = arith.constant 0 : i32
              %parallel_loop3A_642 = arith.constant 0 : i32
              %parallel_loop3A_643 = tpu.memref_slice %run_scoped3A_18[%rem3A_366, %parallel_loop3A_640, %parallel_loop3A_641, %parallel_loop3A_642] : memref<2x16x4x256xf32, #tpu.memory_space<vmem>> -> memref<1x16x4x256xf32, #tpu.memory_space<vmem>>
              %parallel_loop3A_644 = tpu.memref_squeeze %parallel_loop3A_643 : memref<1x16x4x256xf32, #tpu.memory_space<vmem>> -> memref<16x4x256xf32, #tpu.memory_space<vmem>>
              %parallel_loop3A_645 = arith.index_cast %parallel_loop3A_639 : i32 to index
              %parallel_loop3A_646 = arith.index_cast %add3A_515 : i32 to index
              %parallel_loop3A_647 = arith.index_cast %parallel_loop3A_518 : i32 to index
              %parallel_loop3A_648 = tpu.vector_load %parallel_loop3A_644[%parallel_loop3A_645, %parallel_loop3A_646, %parallel_loop3A_647] {strides = array<i32>} : memref<16x4x256xf32, #tpu.memory_space<vmem>>, vector<1x1x16xf32>,
              %parallel_loop3A_649 = vector.shape_cast %parallel_loop3A_648 : vector<1x1x16xf32> to vector<16xf32>
              %parallel_loop3A_650 = arith.addf %parallel_loop3A_649, %parallel_loop3A_526 : vector<16xf32>
              %parallel_loop3A_651 = arith.constant 0.00999999977 : f32
              %parallel_loop3A_652 = vector.broadcast %parallel_loop3A_651 : f32 to vector<16xf32>
              %parallel_loop3A_653 = arith.mulf %parallel_loop3A_650, %parallel_loop3A_652 : vector<16xf32>
              %parallel_loop3A_654 = arith.maximumf %parallel_loop3A_650, %parallel_loop3A_653 : vector<16xf32>
              %parallel_loop3A_655 = arith.constant 8 : i32
              %parallel_loop3A_656 = arith.constant 0 : i32
              %parallel_loop3A_657 = arith.constant 0 : i32
              %parallel_loop3A_658 = arith.constant 0 : i32
              %parallel_loop3A_659 = tpu.memref_slice %run_scoped3A_18[%rem3A_366, %parallel_loop3A_656, %parallel_loop3A_657, %parallel_loop3A_658] : memref<2x16x4x256xf32, #tpu.memory_space<vmem>> -> memref<1x16x4x256xf32, #tpu.memory_space<vmem>>
              %parallel_loop3A_660 = tpu.memref_squeeze %parallel_loop3A_659 : memref<1x16x4x256xf32, #tpu.memory_space<vmem>> -> memref<16x4x256xf32, #tpu.memory_space<vmem>>
              %parallel_loop3A_661 = arith.index_cast %parallel_loop3A_655 : i32 to index
              %parallel_loop3A_662 = arith.index_cast %add3A_515 : i32 to index
              %parallel_loop3A_663 = arith.index_cast %parallel_loop3A_518 : i32 to index
              %parallel_loop3A_664 = tpu.vector_load %parallel_loop3A_660[%parallel_loop3A_661, %parallel_loop3A_662, %parallel_loop3A_663] {strides = array<i32>} : memref<16x4x256xf32, #tpu.memory_space<vmem>>, vector<1x1x16xf32>,
              %parallel_loop3A_665 = vector.shape_cast %parallel_loop3A_664 : vector<1x1x16xf32> to vector<16xf32>
              %parallel_loop3A_666 = arith.addf %parallel_loop3A_665, %parallel_loop3A_526 : vector<16xf32>
              %parallel_loop3A_667 = arith.constant 0.00999999977 : f32
              %parallel_loop3A_668 = vector.broadcast %parallel_loop3A_667 : f32 to vector<16xf32>
              %parallel_loop3A_669 = arith.mulf %parallel_loop3A_666, %parallel_loop3A_668 : vector<16xf32>
              %parallel_loop3A_670 = arith.maximumf %parallel_loop3A_666, %parallel_loop3A_669 : vector<16xf32>
              %parallel_loop3A_671 = arith.constant 9 : i32
              %parallel_loop3A_672 = arith.constant 0 : i32
              %parallel_loop3A_673 = arith.constant 0 : i32
              %parallel_loop3A_674 = arith.constant 0 : i32
              %parallel_loop3A_675 = tpu.memref_slice %run_scoped3A_18[%rem3A_366, %parallel_loop3A_672, %parallel_loop3A_673, %parallel_loop3A_674] : memref<2x16x4x256xf32, #tpu.memory_space<vmem>> -> memref<1x16x4x256xf32, #tpu.memory_space<vmem>>
              %parallel_loop3A_676 = tpu.memref_squeeze %parallel_loop3A_675 : memref<1x16x4x256xf32, #tpu.memory_space<vmem>> -> memref<16x4x256xf32, #tpu.memory_space<vmem>>
              %parallel_loop3A_677 = arith.index_cast %parallel_loop3A_671 : i32 to index
              %parallel_loop3A_678 = arith.index_cast %add3A_515 : i32 to index
              %parallel_loop3A_679 = arith.index_cast %parallel_loop3A_518 : i32 to index
              %parallel_loop3A_680 = tpu.vector_load %parallel_loop3A_676[%parallel_loop3A_677, %parallel_loop3A_678, %parallel_loop3A_679] {strides = array<i32>} : memref<16x4x256xf32, #tpu.memory_space<vmem>>, vector<1x1x16xf32>,
              %parallel_loop3A_681 = vector.shape_cast %parallel_loop3A_680 : vector<1x1x16xf32> to vector<16xf32>
              %parallel_loop3A_682 = arith.addf %parallel_loop3A_681, %parallel_loop3A_526 : vector<16xf32>
              %parallel_loop3A_683 = arith.constant 0.00999999977 : f32
              %parallel_loop3A_684 = vector.broadcast %parallel_loop3A_683 : f32 to vector<16xf32>
              %parallel_loop3A_685 = arith.mulf %parallel_loop3A_682, %parallel_loop3A_684 : vector<16xf32>
              %parallel_loop3A_686 = arith.maximumf %parallel_loop3A_682, %parallel_loop3A_685 : vector<16xf32>
              %parallel_loop3A_687 = arith.constant 10 : i32
              %parallel_loop3A_688 = arith.constant 0 : i32
              %parallel_loop3A_689 = arith.constant 0 : i32
              %parallel_loop3A_690 = arith.constant 0 : i32
              %parallel_loop3A_691 = tpu.memref_slice %run_scoped3A_18[%rem3A_366, %parallel_loop3A_688, %parallel_loop3A_689, %parallel_loop3A_690] : memref<2x16x4x256xf32, #tpu.memory_space<vmem>> -> memref<1x16x4x256xf32, #tpu.memory_space<vmem>>
              %parallel_loop3A_692 = tpu.memref_squeeze %parallel_loop3A_691 : memref<1x16x4x256xf32, #tpu.memory_space<vmem>> -> memref<16x4x256xf32, #tpu.memory_space<vmem>>
              %parallel_loop3A_693 = arith.index_cast %parallel_loop3A_687 : i32 to index
              %parallel_loop3A_694 = arith.index_cast %add3A_515 : i32 to index
              %parallel_loop3A_695 = arith.index_cast %parallel_loop3A_518 : i32 to index
              %parallel_loop3A_696 = tpu.vector_load %parallel_loop3A_692[%parallel_loop3A_693, %parallel_loop3A_694, %parallel_loop3A_695] {strides = array<i32>} : memref<16x4x256xf32, #tpu.memory_space<vmem>>, vector<1x1x16xf32>,
              %parallel_loop3A_697 = vector.shape_cast %parallel_loop3A_696 : vector<1x1x16xf32> to vector<16xf32>
              %parallel_loop3A_698 = arith.addf %parallel_loop3A_697, %parallel_loop3A_526 : vector<16xf32>
              %parallel_loop3A_699 = arith.constant 0.00999999977 : f32
              %parallel_loop3A_700 = vector.broadcast %parallel_loop3A_699 : f32 to vector<16xf32>
              %parallel_loop3A_701 = arith.mulf %parallel_loop3A_698, %parallel_loop3A_700 : vector<16xf32>
              %parallel_loop3A_702 = arith.maximumf %parallel_loop3A_698, %parallel_loop3A_701 : vector<16xf32>
              %parallel_loop3A_703 = arith.constant 11 : i32
              %parallel_loop3A_704 = arith.constant 0 : i32
              %parallel_loop3A_705 = arith.constant 0 : i32
              %parallel_loop3A_706 = arith.constant 0 : i32
              %parallel_loop3A_707 = tpu.memref_slice %run_scoped3A_18[%rem3A_366, %parallel_loop3A_704, %parallel_loop3A_705, %parallel_loop3A_706] : memref<2x16x4x256xf32, #tpu.memory_space<vmem>> -> memref<1x16x4x256xf32, #tpu.memory_space<vmem>>
              %parallel_loop3A_708 = tpu.memref_squeeze %parallel_loop3A_707 : memref<1x16x4x256xf32, #tpu.memory_space<vmem>> -> memref<16x4x256xf32, #tpu.memory_space<vmem>>
              %parallel_loop3A_709 = arith.index_cast %parallel_loop3A_703 : i32 to index
              %parallel_loop3A_710 = arith.index_cast %add3A_515 : i32 to index
              %parallel_loop3A_711 = arith.index_cast %parallel_loop3A_518 : i32 to index
              %parallel_loop3A_712 = tpu.vector_load %parallel_loop3A_708[%parallel_loop3A_709, %parallel_loop3A_710, %parallel_loop3A_711] {strides = array<i32>} : memref<16x4x256xf32, #tpu.memory_space<vmem>>, vector<1x1x16xf32>,
              %parallel_loop3A_713 = vector.shape_cast %parallel_loop3A_712 : vector<1x1x16xf32> to vector<16xf32>
              %parallel_loop3A_714 = arith.addf %parallel_loop3A_713, %parallel_loop3A_526 : vector<16xf32>
              %parallel_loop3A_715 = arith.constant 0.00999999977 : f32
              %parallel_loop3A_716 = vector.broadcast %parallel_loop3A_715 : f32 to vector<16xf32>
              %parallel_loop3A_717 = arith.mulf %parallel_loop3A_714, %parallel_loop3A_716 : vector<16xf32>
              %parallel_loop3A_718 = arith.maximumf %parallel_loop3A_714, %parallel_loop3A_717 : vector<16xf32>
              %parallel_loop3A_719 = arith.constant 12 : i32
              %parallel_loop3A_720 = arith.constant 0 : i32
              %parallel_loop3A_721 = arith.constant 0 : i32
              %parallel_loop3A_722 = arith.constant 0 : i32
              %parallel_loop3A_723 = tpu.memref_slice %run_scoped3A_18[%rem3A_366, %parallel_loop3A_720, %parallel_loop3A_721, %parallel_loop3A_722] : memref<2x16x4x256xf32, #tpu.memory_space<vmem>> -> memref<1x16x4x256xf32, #tpu.memory_space<vmem>>
              %parallel_loop3A_724 = tpu.memref_squeeze %parallel_loop3A_723 : memref<1x16x4x256xf32, #tpu.memory_space<vmem>> -> memref<16x4x256xf32, #tpu.memory_space<vmem>>
              %parallel_loop3A_725 = arith.index_cast %parallel_loop3A_719 : i32 to index
              %parallel_loop3A_726 = arith.index_cast %add3A_515 : i32 to index
              %parallel_loop3A_727 = arith.index_cast %parallel_loop3A_518 : i32 to index
              %parallel_loop3A_728 = tpu.vector_load %parallel_loop3A_724[%parallel_loop3A_725, %parallel_loop3A_726, %parallel_loop3A_727] {strides = array<i32>} : memref<16x4x256xf32, #tpu.memory_space<vmem>>, vector<1x1x16xf32>,
              %parallel_loop3A_729 = vector.shape_cast %parallel_loop3A_728 : vector<1x1x16xf32> to vector<16xf32>
              %parallel_loop3A_730 = arith.addf %parallel_loop3A_729, %parallel_loop3A_526 : vector<16xf32>
              %parallel_loop3A_731 = arith.constant 0.00999999977 : f32
              %parallel_loop3A_732 = vector.broadcast %parallel_loop3A_731 : f32 to vector<16xf32>
              %parallel_loop3A_733 = arith.mulf %parallel_loop3A_730, %parallel_loop3A_732 : vector<16xf32>
              %parallel_loop3A_734 = arith.maximumf %parallel_loop3A_730, %parallel_loop3A_733 : vector<16xf32>
              %parallel_loop3A_735 = arith.constant 13 : i32
              %parallel_loop3A_736 = arith.constant 0 : i32
              %parallel_loop3A_737 = arith.constant 0 : i32
              %parallel_loop3A_738 = arith.constant 0 : i32
              %parallel_loop3A_739 = tpu.memref_slice %run_scoped3A_18[%rem3A_366, %parallel_loop3A_736, %parallel_loop3A_737, %parallel_loop3A_738] : memref<2x16x4x256xf32, #tpu.memory_space<vmem>> -> memref<1x16x4x256xf32, #tpu.memory_space<vmem>>
              %parallel_loop3A_740 = tpu.memref_squeeze %parallel_loop3A_739 : memref<1x16x4x256xf32, #tpu.memory_space<vmem>> -> memref<16x4x256xf32, #tpu.memory_space<vmem>>
              %parallel_loop3A_741 = arith.index_cast %parallel_loop3A_735 : i32 to index
              %parallel_loop3A_742 = arith.index_cast %add3A_515 : i32 to index
              %parallel_loop3A_743 = arith.index_cast %parallel_loop3A_518 : i32 to index
              %parallel_loop3A_744 = tpu.vector_load %parallel_loop3A_740[%parallel_loop3A_741, %parallel_loop3A_742, %parallel_loop3A_743] {strides = array<i32>} : memref<16x4x256xf32, #tpu.memory_space<vmem>>, vector<1x1x16xf32>,
              %parallel_loop3A_745 = vector.shape_cast %parallel_loop3A_744 : vector<1x1x16xf32> to vector<16xf32>
              %parallel_loop3A_746 = arith.addf %parallel_loop3A_745, %parallel_loop3A_526 : vector<16xf32>
              %parallel_loop3A_747 = arith.constant 0.00999999977 : f32
              %parallel_loop3A_748 = vector.broadcast %parallel_loop3A_747 : f32 to vector<16xf32>
              %parallel_loop3A_749 = arith.mulf %parallel_loop3A_746, %parallel_loop3A_748 : vector<16xf32>
              %parallel_loop3A_750 = arith.maximumf %parallel_loop3A_746, %parallel_loop3A_749 : vector<16xf32>
              %parallel_loop3A_751 = arith.constant 14 : i32
              %parallel_loop3A_752 = arith.constant 0 : i32
              %parallel_loop3A_753 = arith.constant 0 : i32
              %parallel_loop3A_754 = arith.constant 0 : i32
              %parallel_loop3A_755 = tpu.memref_slice %run_scoped3A_18[%rem3A_366, %parallel_loop3A_752, %parallel_loop3A_753, %parallel_loop3A_754] : memref<2x16x4x256xf32, #tpu.memory_space<vmem>> -> memref<1x16x4x256xf32, #tpu.memory_space<vmem>>
              %parallel_loop3A_756 = tpu.memref_squeeze %parallel_loop3A_755 : memref<1x16x4x256xf32, #tpu.memory_space<vmem>> -> memref<16x4x256xf32, #tpu.memory_space<vmem>>
              %parallel_loop3A_757 = arith.index_cast %parallel_loop3A_751 : i32 to index
              %parallel_loop3A_758 = arith.index_cast %add3A_515 : i32 to index
              %parallel_loop3A_759 = arith.index_cast %parallel_loop3A_518 : i32 to index
              %parallel_loop3A_760 = tpu.vector_load %parallel_loop3A_756[%parallel_loop3A_757, %parallel_loop3A_758, %parallel_loop3A_759] {strides = array<i32>} : memref<16x4x256xf32, #tpu.memory_space<vmem>>, vector<1x1x16xf32>,
              %parallel_loop3A_761 = vector.shape_cast %parallel_loop3A_760 : vector<1x1x16xf32> to vector<16xf32>
              %parallel_loop3A_762 = arith.addf %parallel_loop3A_761, %parallel_loop3A_526 : vector<16xf32>
              %parallel_loop3A_763 = arith.constant 0.00999999977 : f32
              %parallel_loop3A_764 = vector.broadcast %parallel_loop3A_763 : f32 to vector<16xf32>
              %parallel_loop3A_765 = arith.mulf %parallel_loop3A_762, %parallel_loop3A_764 : vector<16xf32>
              %parallel_loop3A_766 = arith.maximumf %parallel_loop3A_762, %parallel_loop3A_765 : vector<16xf32>
              %parallel_loop3A_767 = arith.constant 15 : i32
              %parallel_loop3A_768 = arith.constant 0 : i32
              %parallel_loop3A_769 = arith.constant 0 : i32
              %parallel_loop3A_770 = arith.constant 0 : i32
              %parallel_loop3A_771 = tpu.memref_slice %run_scoped3A_18[%rem3A_366, %parallel_loop3A_768, %parallel_loop3A_769, %parallel_loop3A_770] : memref<2x16x4x256xf32, #tpu.memory_space<vmem>> -> memref<1x16x4x256xf32, #tpu.memory_space<vmem>>
              %parallel_loop3A_772 = tpu.memref_squeeze %parallel_loop3A_771 : memref<1x16x4x256xf32, #tpu.memory_space<vmem>> -> memref<16x4x256xf32, #tpu.memory_space<vmem>>
              %parallel_loop3A_773 = arith.index_cast %parallel_loop3A_767 : i32 to index
              %parallel_loop3A_774 = arith.index_cast %add3A_515 : i32 to index
              %parallel_loop3A_775 = arith.index_cast %parallel_loop3A_518 : i32 to index
              %parallel_loop3A_776 = tpu.vector_load %parallel_loop3A_772[%parallel_loop3A_773, %parallel_loop3A_774, %parallel_loop3A_775] {strides = array<i32>} : memref<16x4x256xf32, #tpu.memory_space<vmem>>, vector<1x1x16xf32>,
              %parallel_loop3A_777 = vector.shape_cast %parallel_loop3A_776 : vector<1x1x16xf32> to vector<16xf32>
              %parallel_loop3A_778 = arith.addf %parallel_loop3A_777, %parallel_loop3A_526 : vector<16xf32>
              %parallel_loop3A_779 = arith.constant 0.00999999977 : f32
              %parallel_loop3A_780 = vector.broadcast %parallel_loop3A_779 : f32 to vector<16xf32>
              %parallel_loop3A_781 = arith.mulf %parallel_loop3A_778, %parallel_loop3A_780 : vector<16xf32>
              %parallel_loop3A_782 = arith.maximumf %parallel_loop3A_778, %parallel_loop3A_781 : vector<16xf32>
              %parallel_loop3A_783 = arith.maximumf %parallel_loop3A_542, %parallel_loop3A_558 : vector<16xf32>
              %parallel_loop3A_784 = arith.maximumf %parallel_loop3A_574, %parallel_loop3A_590 : vector<16xf32>
              %parallel_loop3A_785 = arith.maximumf %parallel_loop3A_606, %parallel_loop3A_622 : vector<16xf32>
              %parallel_loop3A_786 = arith.maximumf %parallel_loop3A_638, %parallel_loop3A_654 : vector<16xf32>
              %parallel_loop3A_787 = arith.maximumf %parallel_loop3A_670, %parallel_loop3A_686 : vector<16xf32>
              %parallel_loop3A_788 = arith.maximumf %parallel_loop3A_702, %parallel_loop3A_718 : vector<16xf32>
              %parallel_loop3A_789 = arith.maximumf %parallel_loop3A_734, %parallel_loop3A_750 : vector<16xf32>
              %parallel_loop3A_790 = arith.maximumf %parallel_loop3A_766, %parallel_loop3A_782 : vector<16xf32>
              %parallel_loop3A_791 = arith.maximumf %parallel_loop3A_783, %parallel_loop3A_784 : vector<16xf32>
              %parallel_loop3A_792 = arith.maximumf %parallel_loop3A_785, %parallel_loop3A_786 : vector<16xf32>
              %parallel_loop3A_793 = arith.maximumf %parallel_loop3A_787, %parallel_loop3A_788 : vector<16xf32>
              %parallel_loop3A_794 = arith.maximumf %parallel_loop3A_789, %parallel_loop3A_790 : vector<16xf32>
              %parallel_loop3A_795 = arith.maximumf %parallel_loop3A_791, %parallel_loop3A_792 : vector<16xf32>
              %parallel_loop3A_796 = arith.maximumf %parallel_loop3A_793, %parallel_loop3A_794 : vector<16xf32>
              %parallel_loop3A_797 = arith.maximumf %parallel_loop3A_795, %parallel_loop3A_796 : vector<16xf32>
              %parallel_loop3A_798 = arith.subf %parallel_loop3A_542, %parallel_loop3A_797 : vector<16xf32>
              %parallel_loop3A_799 = math.exp %parallel_loop3A_798 : vector<16xf32>
              %parallel_loop3A_800 = arith.subf %parallel_loop3A_558, %parallel_loop3A_797 : vector<16xf32>
              %parallel_loop3A_801 = math.exp %parallel_loop3A_800 : vector<16xf32>
              %parallel_loop3A_802 = arith.subf %parallel_loop3A_574, %parallel_loop3A_797 : vector<16xf32>
              %parallel_loop3A_803 = math.exp %parallel_loop3A_802 : vector<16xf32>
              %parallel_loop3A_804 = arith.subf %parallel_loop3A_590, %parallel_loop3A_797 : vector<16xf32>
              %parallel_loop3A_805 = math.exp %parallel_loop3A_804 : vector<16xf32>
              %parallel_loop3A_806 = arith.subf %parallel_loop3A_606, %parallel_loop3A_797 : vector<16xf32>
              %parallel_loop3A_807 = math.exp %parallel_loop3A_806 : vector<16xf32>
              %parallel_loop3A_808 = arith.subf %parallel_loop3A_622, %parallel_loop3A_797 : vector<16xf32>
              %parallel_loop3A_809 = math.exp %parallel_loop3A_808 : vector<16xf32>
              %parallel_loop3A_810 = arith.subf %parallel_loop3A_638, %parallel_loop3A_797 : vector<16xf32>
              %parallel_loop3A_811 = math.exp %parallel_loop3A_810 : vector<16xf32>
              %parallel_loop3A_812 = arith.subf %parallel_loop3A_654, %parallel_loop3A_797 : vector<16xf32>
              %parallel_loop3A_813 = math.exp %parallel_loop3A_812 : vector<16xf32>
              %parallel_loop3A_814 = arith.subf %parallel_loop3A_670, %parallel_loop3A_797 : vector<16xf32>
              %parallel_loop3A_815 = math.exp %parallel_loop3A_814 : vector<16xf32>
              %parallel_loop3A_816 = arith.subf %parallel_loop3A_686, %parallel_loop3A_797 : vector<16xf32>
              %parallel_loop3A_817 = math.exp %parallel_loop3A_816 : vector<16xf32>
              %parallel_loop3A_818 = arith.subf %parallel_loop3A_702, %parallel_loop3A_797 : vector<16xf32>
              %parallel_loop3A_819 = math.exp %parallel_loop3A_818 : vector<16xf32>
              %parallel_loop3A_820 = arith.subf %parallel_loop3A_718, %parallel_loop3A_797 : vector<16xf32>
              %parallel_loop3A_821 = math.exp %parallel_loop3A_820 : vector<16xf32>
              %parallel_loop3A_822 = arith.subf %parallel_loop3A_734, %parallel_loop3A_797 : vector<16xf32>
              %parallel_loop3A_823 = math.exp %parallel_loop3A_822 : vector<16xf32>
              %parallel_loop3A_824 = arith.subf %parallel_loop3A_750, %parallel_loop3A_797 : vector<16xf32>
              %parallel_loop3A_825 = math.exp %parallel_loop3A_824 : vector<16xf32>
              %parallel_loop3A_826 = arith.subf %parallel_loop3A_766, %parallel_loop3A_797 : vector<16xf32>
              %parallel_loop3A_827 = math.exp %parallel_loop3A_826 : vector<16xf32>
              %parallel_loop3A_828 = arith.subf %parallel_loop3A_782, %parallel_loop3A_797 : vector<16xf32>
              %parallel_loop3A_829 = math.exp %parallel_loop3A_828 : vector<16xf32>
              %parallel_loop3A_830 = arith.constant 0 : i32
              %parallel_loop3A_831 = arith.constant 0 : i32
              %parallel_loop3A_832 = arith.constant 0 : i32
              %parallel_loop3A_833 = arith.constant 0 : i32
              %parallel_loop3A_834 = tpu.memref_slice %run_scoped3A_20[%rem3A_368, %parallel_loop3A_831, %parallel_loop3A_832, %parallel_loop3A_833] : memref<2x16x4x256xf32, #tpu.memory_space<vmem>> -> memref<1x16x4x256xf32, #tpu.memory_space<vmem>>
              %parallel_loop3A_835 = tpu.memref_squeeze %parallel_loop3A_834 : memref<1x16x4x256xf32, #tpu.memory_space<vmem>> -> memref<16x4x256xf32, #tpu.memory_space<vmem>>
              %parallel_loop3A_836 = arith.index_cast %parallel_loop3A_830 : i32 to index
              %parallel_loop3A_837 = arith.index_cast %add3A_515 : i32 to index
              %parallel_loop3A_838 = arith.index_cast %parallel_loop3A_518 : i32 to index
              %parallel_loop3A_839 = tpu.vector_load %parallel_loop3A_835[%parallel_loop3A_836, %parallel_loop3A_837, %parallel_loop3A_838] {strides = array<i32>} : memref<16x4x256xf32, #tpu.memory_space<vmem>>, vector<1x1x16xf32>,
              %parallel_loop3A_840 = vector.shape_cast %parallel_loop3A_839 : vector<1x1x16xf32> to vector<16xf32>
              %parallel_loop3A_841 = arith.mulf %parallel_loop3A_799, %parallel_loop3A_840 : vector<16xf32>
              %parallel_loop3A_842 = arith.constant 1 : i32
              %parallel_loop3A_843 = arith.constant 0 : i32
              %parallel_loop3A_844 = arith.constant 0 : i32
              %parallel_loop3A_845 = arith.constant 0 : i32
              %parallel_loop3A_846 = tpu.memref_slice %run_scoped3A_20[%rem3A_368, %parallel_loop3A_843, %parallel_loop3A_844, %parallel_loop3A_845] : memref<2x16x4x256xf32, #tpu.memory_space<vmem>> -> memref<1x16x4x256xf32, #tpu.memory_space<vmem>>
              %parallel_loop3A_847 = tpu.memref_squeeze %parallel_loop3A_846 : memref<1x16x4x256xf32, #tpu.memory_space<vmem>> -> memref<16x4x256xf32, #tpu.memory_space<vmem>>
              %parallel_loop3A_848 = arith.index_cast %parallel_loop3A_842 : i32 to index
              %parallel_loop3A_849 = arith.index_cast %add3A_515 : i32 to index
              %parallel_loop3A_850 = arith.index_cast %parallel_loop3A_518 : i32 to index
              %parallel_loop3A_851 = tpu.vector_load %parallel_loop3A_847[%parallel_loop3A_848, %parallel_loop3A_849, %parallel_loop3A_850] {strides = array<i32>} : memref<16x4x256xf32, #tpu.memory_space<vmem>>, vector<1x1x16xf32>,
              %parallel_loop3A_852 = vector.shape_cast %parallel_loop3A_851 : vector<1x1x16xf32> to vector<16xf32>
              %parallel_loop3A_853 = arith.mulf %parallel_loop3A_801, %parallel_loop3A_852 : vector<16xf32>
              %parallel_loop3A_854 = arith.constant 2 : i32
              %parallel_loop3A_855 = arith.constant 0 : i32
              %parallel_loop3A_856 = arith.constant 0 : i32
              %parallel_loop3A_857 = arith.constant 0 : i32
              %parallel_loop3A_858 = tpu.memref_slice %run_scoped3A_20[%rem3A_368, %parallel_loop3A_855, %parallel_loop3A_856, %parallel_loop3A_857] : memref<2x16x4x256xf32, #tpu.memory_space<vmem>> -> memref<1x16x4x256xf32, #tpu.memory_space<vmem>>
              %parallel_loop3A_859 = tpu.memref_squeeze %parallel_loop3A_858 : memref<1x16x4x256xf32, #tpu.memory_space<vmem>> -> memref<16x4x256xf32, #tpu.memory_space<vmem>>
              %parallel_loop3A_860 = arith.index_cast %parallel_loop3A_854 : i32 to index
              %parallel_loop3A_861 = arith.index_cast %add3A_515 : i32 to index
              %parallel_loop3A_862 = arith.index_cast %parallel_loop3A_518 : i32 to index
              %parallel_loop3A_863 = tpu.vector_load %parallel_loop3A_859[%parallel_loop3A_860, %parallel_loop3A_861, %parallel_loop3A_862] {strides = array<i32>} : memref<16x4x256xf32, #tpu.memory_space<vmem>>, vector<1x1x16xf32>,
              %parallel_loop3A_864 = vector.shape_cast %parallel_loop3A_863 : vector<1x1x16xf32> to vector<16xf32>
              %parallel_loop3A_865 = arith.mulf %parallel_loop3A_803, %parallel_loop3A_864 : vector<16xf32>
              %parallel_loop3A_866 = arith.constant 3 : i32
              %parallel_loop3A_867 = arith.constant 0 : i32
              %parallel_loop3A_868 = arith.constant 0 : i32
              %parallel_loop3A_869 = arith.constant 0 : i32
              %parallel_loop3A_870 = tpu.memref_slice %run_scoped3A_20[%rem3A_368, %parallel_loop3A_867, %parallel_loop3A_868, %parallel_loop3A_869] : memref<2x16x4x256xf32, #tpu.memory_space<vmem>> -> memref<1x16x4x256xf32, #tpu.memory_space<vmem>>
              %parallel_loop3A_871 = tpu.memref_squeeze %parallel_loop3A_870 : memref<1x16x4x256xf32, #tpu.memory_space<vmem>> -> memref<16x4x256xf32, #tpu.memory_space<vmem>>
              %parallel_loop3A_872 = arith.index_cast %parallel_loop3A_866 : i32 to index
              %parallel_loop3A_873 = arith.index_cast %add3A_515 : i32 to index
              %parallel_loop3A_874 = arith.index_cast %parallel_loop3A_518 : i32 to index
              %parallel_loop3A_875 = tpu.vector_load %parallel_loop3A_871[%parallel_loop3A_872, %parallel_loop3A_873, %parallel_loop3A_874] {strides = array<i32>} : memref<16x4x256xf32, #tpu.memory_space<vmem>>, vector<1x1x16xf32>,
              %parallel_loop3A_876 = vector.shape_cast %parallel_loop3A_875 : vector<1x1x16xf32> to vector<16xf32>
              %parallel_loop3A_877 = arith.mulf %parallel_loop3A_805, %parallel_loop3A_876 : vector<16xf32>
              %parallel_loop3A_878 = arith.constant 4 : i32
              %parallel_loop3A_879 = arith.constant 0 : i32
              %parallel_loop3A_880 = arith.constant 0 : i32
              %parallel_loop3A_881 = arith.constant 0 : i32
              %parallel_loop3A_882 = tpu.memref_slice %run_scoped3A_20[%rem3A_368, %parallel_loop3A_879, %parallel_loop3A_880, %parallel_loop3A_881] : memref<2x16x4x256xf32, #tpu.memory_space<vmem>> -> memref<1x16x4x256xf32, #tpu.memory_space<vmem>>
              %parallel_loop3A_883 = tpu.memref_squeeze %parallel_loop3A_882 : memref<1x16x4x256xf32, #tpu.memory_space<vmem>> -> memref<16x4x256xf32, #tpu.memory_space<vmem>>
              %parallel_loop3A_884 = arith.index_cast %parallel_loop3A_878 : i32 to index
              %parallel_loop3A_885 = arith.index_cast %add3A_515 : i32 to index
              %parallel_loop3A_886 = arith.index_cast %parallel_loop3A_518 : i32 to index
              %parallel_loop3A_887 = tpu.vector_load %parallel_loop3A_883[%parallel_loop3A_884, %parallel_loop3A_885, %parallel_loop3A_886] {strides = array<i32>} : memref<16x4x256xf32, #tpu.memory_space<vmem>>, vector<1x1x16xf32>,
              %parallel_loop3A_888 = vector.shape_cast %parallel_loop3A_887 : vector<1x1x16xf32> to vector<16xf32>
              %parallel_loop3A_889 = arith.mulf %parallel_loop3A_807, %parallel_loop3A_888 : vector<16xf32>
              %parallel_loop3A_890 = arith.constant 5 : i32
              %parallel_loop3A_891 = arith.constant 0 : i32
              %parallel_loop3A_892 = arith.constant 0 : i32
              %parallel_loop3A_893 = arith.constant 0 : i32
              %parallel_loop3A_894 = tpu.memref_slice %run_scoped3A_20[%rem3A_368, %parallel_loop3A_891, %parallel_loop3A_892, %parallel_loop3A_893] : memref<2x16x4x256xf32, #tpu.memory_space<vmem>> -> memref<1x16x4x256xf32, #tpu.memory_space<vmem>>
              %parallel_loop3A_895 = tpu.memref_squeeze %parallel_loop3A_894 : memref<1x16x4x256xf32, #tpu.memory_space<vmem>> -> memref<16x4x256xf32, #tpu.memory_space<vmem>>
              %parallel_loop3A_896 = arith.index_cast %parallel_loop3A_890 : i32 to index
              %parallel_loop3A_897 = arith.index_cast %add3A_515 : i32 to index
              %parallel_loop3A_898 = arith.index_cast %parallel_loop3A_518 : i32 to index
              %parallel_loop3A_899 = tpu.vector_load %parallel_loop3A_895[%parallel_loop3A_896, %parallel_loop3A_897, %parallel_loop3A_898] {strides = array<i32>} : memref<16x4x256xf32, #tpu.memory_space<vmem>>, vector<1x1x16xf32>,
              %parallel_loop3A_900 = vector.shape_cast %parallel_loop3A_899 : vector<1x1x16xf32> to vector<16xf32>
              %parallel_loop3A_901 = arith.mulf %parallel_loop3A_809, %parallel_loop3A_900 : vector<16xf32>
              %parallel_loop3A_902 = arith.constant 6 : i32
              %parallel_loop3A_903 = arith.constant 0 : i32
              %parallel_loop3A_904 = arith.constant 0 : i32
              %parallel_loop3A_905 = arith.constant 0 : i32
              %parallel_loop3A_906 = tpu.memref_slice %run_scoped3A_20[%rem3A_368, %parallel_loop3A_903, %parallel_loop3A_904, %parallel_loop3A_905] : memref<2x16x4x256xf32, #tpu.memory_space<vmem>> -> memref<1x16x4x256xf32, #tpu.memory_space<vmem>>
              %parallel_loop3A_907 = tpu.memref_squeeze %parallel_loop3A_906 : memref<1x16x4x256xf32, #tpu.memory_space<vmem>> -> memref<16x4x256xf32, #tpu.memory_space<vmem>>
              %parallel_loop3A_908 = arith.index_cast %parallel_loop3A_902 : i32 to index
              %parallel_loop3A_909 = arith.index_cast %add3A_515 : i32 to index
              %parallel_loop3A_910 = arith.index_cast %parallel_loop3A_518 : i32 to index
              %parallel_loop3A_911 = tpu.vector_load %parallel_loop3A_907[%parallel_loop3A_908, %parallel_loop3A_909, %parallel_loop3A_910] {strides = array<i32>} : memref<16x4x256xf32, #tpu.memory_space<vmem>>, vector<1x1x16xf32>,
              %parallel_loop3A_912 = vector.shape_cast %parallel_loop3A_911 : vector<1x1x16xf32> to vector<16xf32>
              %parallel_loop3A_913 = arith.mulf %parallel_loop3A_811, %parallel_loop3A_912 : vector<16xf32>
              %parallel_loop3A_914 = arith.constant 7 : i32
              %parallel_loop3A_915 = arith.constant 0 : i32
              %parallel_loop3A_916 = arith.constant 0 : i32
              %parallel_loop3A_917 = arith.constant 0 : i32
              %parallel_loop3A_918 = tpu.memref_slice %run_scoped3A_20[%rem3A_368, %parallel_loop3A_915, %parallel_loop3A_916, %parallel_loop3A_917] : memref<2x16x4x256xf32, #tpu.memory_space<vmem>> -> memref<1x16x4x256xf32, #tpu.memory_space<vmem>>
              %parallel_loop3A_919 = tpu.memref_squeeze %parallel_loop3A_918 : memref<1x16x4x256xf32, #tpu.memory_space<vmem>> -> memref<16x4x256xf32, #tpu.memory_space<vmem>>
              %parallel_loop3A_920 = arith.index_cast %parallel_loop3A_914 : i32 to index
              %parallel_loop3A_921 = arith.index_cast %add3A_515 : i32 to index
              %parallel_loop3A_922 = arith.index_cast %parallel_loop3A_518 : i32 to index
              %parallel_loop3A_923 = tpu.vector_load %parallel_loop3A_919[%parallel_loop3A_920, %parallel_loop3A_921, %parallel_loop3A_922] {strides = array<i32>} : memref<16x4x256xf32, #tpu.memory_space<vmem>>, vector<1x1x16xf32>,
              %parallel_loop3A_924 = vector.shape_cast %parallel_loop3A_923 : vector<1x1x16xf32> to vector<16xf32>
              %parallel_loop3A_925 = arith.mulf %parallel_loop3A_813, %parallel_loop3A_924 : vector<16xf32>
              %parallel_loop3A_926 = arith.constant 8 : i32
              %parallel_loop3A_927 = arith.constant 0 : i32
              %parallel_loop3A_928 = arith.constant 0 : i32
              %parallel_loop3A_929 = arith.constant 0 : i32
              %parallel_loop3A_930 = tpu.memref_slice %run_scoped3A_20[%rem3A_368, %parallel_loop3A_927, %parallel_loop3A_928, %parallel_loop3A_929] : memref<2x16x4x256xf32, #tpu.memory_space<vmem>> -> memref<1x16x4x256xf32, #tpu.memory_space<vmem>>
              %parallel_loop3A_931 = tpu.memref_squeeze %parallel_loop3A_930 : memref<1x16x4x256xf32, #tpu.memory_space<vmem>> -> memref<16x4x256xf32, #tpu.memory_space<vmem>>
              %parallel_loop3A_932 = arith.index_cast %parallel_loop3A_926 : i32 to index
              %parallel_loop3A_933 = arith.index_cast %add3A_515 : i32 to index
              %parallel_loop3A_934 = arith.index_cast %parallel_loop3A_518 : i32 to index
              %parallel_loop3A_935 = tpu.vector_load %parallel_loop3A_931[%parallel_loop3A_932, %parallel_loop3A_933, %parallel_loop3A_934] {strides = array<i32>} : memref<16x4x256xf32, #tpu.memory_space<vmem>>, vector<1x1x16xf32>,
              %parallel_loop3A_936 = vector.shape_cast %parallel_loop3A_935 : vector<1x1x16xf32> to vector<16xf32>
              %parallel_loop3A_937 = arith.mulf %parallel_loop3A_815, %parallel_loop3A_936 : vector<16xf32>
              %parallel_loop3A_938 = arith.constant 9 : i32
              %parallel_loop3A_939 = arith.constant 0 : i32
              %parallel_loop3A_940 = arith.constant 0 : i32
              %parallel_loop3A_941 = arith.constant 0 : i32
              %parallel_loop3A_942 = tpu.memref_slice %run_scoped3A_20[%rem3A_368, %parallel_loop3A_939, %parallel_loop3A_940, %parallel_loop3A_941] : memref<2x16x4x256xf32, #tpu.memory_space<vmem>> -> memref<1x16x4x256xf32, #tpu.memory_space<vmem>>
              %parallel_loop3A_943 = tpu.memref_squeeze %parallel_loop3A_942 : memref<1x16x4x256xf32, #tpu.memory_space<vmem>> -> memref<16x4x256xf32, #tpu.memory_space<vmem>>
              %parallel_loop3A_944 = arith.index_cast %parallel_loop3A_938 : i32 to index
              %parallel_loop3A_945 = arith.index_cast %add3A_515 : i32 to index
              %parallel_loop3A_946 = arith.index_cast %parallel_loop3A_518 : i32 to index
              %parallel_loop3A_947 = tpu.vector_load %parallel_loop3A_943[%parallel_loop3A_944, %parallel_loop3A_945, %parallel_loop3A_946] {strides = array<i32>} : memref<16x4x256xf32, #tpu.memory_space<vmem>>, vector<1x1x16xf32>,
              %parallel_loop3A_948 = vector.shape_cast %parallel_loop3A_947 : vector<1x1x16xf32> to vector<16xf32>
              %parallel_loop3A_949 = arith.mulf %parallel_loop3A_817, %parallel_loop3A_948 : vector<16xf32>
              %parallel_loop3A_950 = arith.constant 10 : i32
              %parallel_loop3A_951 = arith.constant 0 : i32
              %parallel_loop3A_952 = arith.constant 0 : i32
              %parallel_loop3A_953 = arith.constant 0 : i32
              %parallel_loop3A_954 = tpu.memref_slice %run_scoped3A_20[%rem3A_368, %parallel_loop3A_951, %parallel_loop3A_952, %parallel_loop3A_953] : memref<2x16x4x256xf32, #tpu.memory_space<vmem>> -> memref<1x16x4x256xf32, #tpu.memory_space<vmem>>
              %parallel_loop3A_955 = tpu.memref_squeeze %parallel_loop3A_954 : memref<1x16x4x256xf32, #tpu.memory_space<vmem>> -> memref<16x4x256xf32, #tpu.memory_space<vmem>>
              %parallel_loop3A_956 = arith.index_cast %parallel_loop3A_950 : i32 to index
              %parallel_loop3A_957 = arith.index_cast %add3A_515 : i32 to index
              %parallel_loop3A_958 = arith.index_cast %parallel_loop3A_518 : i32 to index
              %parallel_loop3A_959 = tpu.vector_load %parallel_loop3A_955[%parallel_loop3A_956, %parallel_loop3A_957, %parallel_loop3A_958] {strides = array<i32>} : memref<16x4x256xf32, #tpu.memory_space<vmem>>, vector<1x1x16xf32>,
              %parallel_loop3A_960 = vector.shape_cast %parallel_loop3A_959 : vector<1x1x16xf32> to vector<16xf32>
              %parallel_loop3A_961 = arith.mulf %parallel_loop3A_819, %parallel_loop3A_960 : vector<16xf32>
              %parallel_loop3A_962 = arith.constant 11 : i32
              %parallel_loop3A_963 = arith.constant 0 : i32
              %parallel_loop3A_964 = arith.constant 0 : i32
              %parallel_loop3A_965 = arith.constant 0 : i32
              %parallel_loop3A_966 = tpu.memref_slice %run_scoped3A_20[%rem3A_368, %parallel_loop3A_963, %parallel_loop3A_964, %parallel_loop3A_965] : memref<2x16x4x256xf32, #tpu.memory_space<vmem>> -> memref<1x16x4x256xf32, #tpu.memory_space<vmem>>
              %parallel_loop3A_967 = tpu.memref_squeeze %parallel_loop3A_966 : memref<1x16x4x256xf32, #tpu.memory_space<vmem>> -> memref<16x4x256xf32, #tpu.memory_space<vmem>>
              %parallel_loop3A_968 = arith.index_cast %parallel_loop3A_962 : i32 to index
              %parallel_loop3A_969 = arith.index_cast %add3A_515 : i32 to index
              %parallel_loop3A_970 = arith.index_cast %parallel_loop3A_518 : i32 to index
              %parallel_loop3A_971 = tpu.vector_load %parallel_loop3A_967[%parallel_loop3A_968, %parallel_loop3A_969, %parallel_loop3A_970] {strides = array<i32>} : memref<16x4x256xf32, #tpu.memory_space<vmem>>, vector<1x1x16xf32>,
              %parallel_loop3A_972 = vector.shape_cast %parallel_loop3A_971 : vector<1x1x16xf32> to vector<16xf32>
              %parallel_loop3A_973 = arith.mulf %parallel_loop3A_821, %parallel_loop3A_972 : vector<16xf32>
              %parallel_loop3A_974 = arith.constant 12 : i32
              %parallel_loop3A_975 = arith.constant 0 : i32
              %parallel_loop3A_976 = arith.constant 0 : i32
              %parallel_loop3A_977 = arith.constant 0 : i32
              %parallel_loop3A_978 = tpu.memref_slice %run_scoped3A_20[%rem3A_368, %parallel_loop3A_975, %parallel_loop3A_976, %parallel_loop3A_977] : memref<2x16x4x256xf32, #tpu.memory_space<vmem>> -> memref<1x16x4x256xf32, #tpu.memory_space<vmem>>
              %parallel_loop3A_979 = tpu.memref_squeeze %parallel_loop3A_978 : memref<1x16x4x256xf32, #tpu.memory_space<vmem>> -> memref<16x4x256xf32, #tpu.memory_space<vmem>>
              %parallel_loop3A_980 = arith.index_cast %parallel_loop3A_974 : i32 to index
              %parallel_loop3A_981 = arith.index_cast %add3A_515 : i32 to index
              %parallel_loop3A_982 = arith.index_cast %parallel_loop3A_518 : i32 to index
              %parallel_loop3A_983 = tpu.vector_load %parallel_loop3A_979[%parallel_loop3A_980, %parallel_loop3A_981, %parallel_loop3A_982] {strides = array<i32>} : memref<16x4x256xf32, #tpu.memory_space<vmem>>, vector<1x1x16xf32>,
              %parallel_loop3A_984 = vector.shape_cast %parallel_loop3A_983 : vector<1x1x16xf32> to vector<16xf32>
              %parallel_loop3A_985 = arith.mulf %parallel_loop3A_823, %parallel_loop3A_984 : vector<16xf32>
              %parallel_loop3A_986 = arith.constant 13 : i32
              %parallel_loop3A_987 = arith.constant 0 : i32
              %parallel_loop3A_988 = arith.constant 0 : i32
              %parallel_loop3A_989 = arith.constant 0 : i32
              %parallel_loop3A_990 = tpu.memref_slice %run_scoped3A_20[%rem3A_368, %parallel_loop3A_987, %parallel_loop3A_988, %parallel_loop3A_989] : memref<2x16x4x256xf32, #tpu.memory_space<vmem>> -> memref<1x16x4x256xf32, #tpu.memory_space<vmem>>
              %parallel_loop3A_991 = tpu.memref_squeeze %parallel_loop3A_990 : memref<1x16x4x256xf32, #tpu.memory_space<vmem>> -> memref<16x4x256xf32, #tpu.memory_space<vmem>>
              %parallel_loop3A_992 = arith.index_cast %parallel_loop3A_986 : i32 to index
              %parallel_loop3A_993 = arith.index_cast %add3A_515 : i32 to index
              %parallel_loop3A_994 = arith.index_cast %parallel_loop3A_518 : i32 to index
              %parallel_loop3A_995 = tpu.vector_load %parallel_loop3A_991[%parallel_loop3A_992, %parallel_loop3A_993, %parallel_loop3A_994] {strides = array<i32>} : memref<16x4x256xf32, #tpu.memory_space<vmem>>, vector<1x1x16xf32>,
              %parallel_loop3A_996 = vector.shape_cast %parallel_loop3A_995 : vector<1x1x16xf32> to vector<16xf32>
              %parallel_loop3A_997 = arith.mulf %parallel_loop3A_825, %parallel_loop3A_996 : vector<16xf32>
              %parallel_loop3A_998 = arith.constant 14 : i32
              %parallel_loop3A_999 = arith.constant 0 : i32
              %parallel_loop3A_1000 = arith.constant 0 : i32
              %parallel_loop3A_1001 = arith.constant 0 : i32
              %parallel_loop3A_1002 = tpu.memref_slice %run_scoped3A_20[%rem3A_368, %parallel_loop3A_999, %parallel_loop3A_1000, %parallel_loop3A_1001] : memref<2x16x4x256xf32, #tpu.memory_space<vmem>> -> memref<1x16x4x256xf32, #tpu.memory_space<vmem>>
              %parallel_loop3A_1003 = tpu.memref_squeeze %parallel_loop3A_1002 : memref<1x16x4x256xf32, #tpu.memory_space<vmem>> -> memref<16x4x256xf32, #tpu.memory_space<vmem>>
              %parallel_loop3A_1004 = arith.index_cast %parallel_loop3A_998 : i32 to index
              %parallel_loop3A_1005 = arith.index_cast %add3A_515 : i32 to index
              %parallel_loop3A_1006 = arith.index_cast %parallel_loop3A_518 : i32 to index
              %parallel_loop3A_1007 = tpu.vector_load %parallel_loop3A_1003[%parallel_loop3A_1004, %parallel_loop3A_1005, %parallel_loop3A_1006] {strides = array<i32>} : memref<16x4x256xf32, #tpu.memory_space<vmem>>, vector<1x1x16xf32>,
              %parallel_loop3A_1008 = vector.shape_cast %parallel_loop3A_1007 : vector<1x1x16xf32> to vector<16xf32>
              %parallel_loop3A_1009 = arith.mulf %parallel_loop3A_827, %parallel_loop3A_1008 : vector<16xf32>
              %parallel_loop3A_1010 = arith.constant 15 : i32
              %parallel_loop3A_1011 = arith.constant 0 : i32
              %parallel_loop3A_1012 = arith.constant 0 : i32
              %parallel_loop3A_1013 = arith.constant 0 : i32
              %parallel_loop3A_1014 = tpu.memref_slice %run_scoped3A_20[%rem3A_368, %parallel_loop3A_1011, %parallel_loop3A_1012, %parallel_loop3A_1013] : memref<2x16x4x256xf32, #tpu.memory_space<vmem>> -> memref<1x16x4x256xf32, #tpu.memory_space<vmem>>
              %parallel_loop3A_1015 = tpu.memref_squeeze %parallel_loop3A_1014 : memref<1x16x4x256xf32, #tpu.memory_space<vmem>> -> memref<16x4x256xf32, #tpu.memory_space<vmem>>
              %parallel_loop3A_1016 = arith.index_cast %parallel_loop3A_1010 : i32 to index
              %parallel_loop3A_1017 = arith.index_cast %add3A_515 : i32 to index
              %parallel_loop3A_1018 = arith.index_cast %parallel_loop3A_518 : i32 to index
              %parallel_loop3A_1019 = tpu.vector_load %parallel_loop3A_1015[%parallel_loop3A_1016, %parallel_loop3A_1017, %parallel_loop3A_1018] {strides = array<i32>} : memref<16x4x256xf32, #tpu.memory_space<vmem>>, vector<1x1x16xf32>,
              %parallel_loop3A_1020 = vector.shape_cast %parallel_loop3A_1019 : vector<1x1x16xf32> to vector<16xf32>
              %parallel_loop3A_1021 = arith.mulf %parallel_loop3A_829, %parallel_loop3A_1020 : vector<16xf32>
              %parallel_loop3A_1022 = arith.addf %parallel_loop3A_799, %parallel_loop3A_801 : vector<16xf32>
              %parallel_loop3A_1023 = arith.addf %parallel_loop3A_803, %parallel_loop3A_805 : vector<16xf32>
              %parallel_loop3A_1024 = arith.addf %parallel_loop3A_807, %parallel_loop3A_809 : vector<16xf32>
              %parallel_loop3A_1025 = arith.addf %parallel_loop3A_811, %parallel_loop3A_813 : vector<16xf32>
              %parallel_loop3A_1026 = arith.addf %parallel_loop3A_815, %parallel_loop3A_817 : vector<16xf32>
              %parallel_loop3A_1027 = arith.addf %parallel_loop3A_819, %parallel_loop3A_821 : vector<16xf32>
              %parallel_loop3A_1028 = arith.addf %parallel_loop3A_823, %parallel_loop3A_825 : vector<16xf32>
              %parallel_loop3A_1029 = arith.addf %parallel_loop3A_827, %parallel_loop3A_829 : vector<16xf32>
              %parallel_loop3A_1030 = arith.addf %parallel_loop3A_1022, %parallel_loop3A_1023 : vector<16xf32>
              %parallel_loop3A_1031 = arith.addf %parallel_loop3A_1024, %parallel_loop3A_1025 : vector<16xf32>
              %parallel_loop3A_1032 = arith.addf %parallel_loop3A_1026, %parallel_loop3A_1027 : vector<16xf32>
              %parallel_loop3A_1033 = arith.addf %parallel_loop3A_1028, %parallel_loop3A_1029 : vector<16xf32>
              %parallel_loop3A_1034 = arith.addf %parallel_loop3A_1030, %parallel_loop3A_1031 : vector<16xf32>
              %parallel_loop3A_1035 = arith.addf %parallel_loop3A_1032, %parallel_loop3A_1033 : vector<16xf32>
              %parallel_loop3A_1036 = arith.addf %parallel_loop3A_1034, %parallel_loop3A_1035 : vector<16xf32>
              %parallel_loop3A_1037 = arith.addf %parallel_loop3A_841, %parallel_loop3A_853 : vector<16xf32>
              %parallel_loop3A_1038 = arith.addf %parallel_loop3A_865, %parallel_loop3A_877 : vector<16xf32>
              %parallel_loop3A_1039 = arith.addf %parallel_loop3A_889, %parallel_loop3A_901 : vector<16xf32>
              %parallel_loop3A_1040 = arith.addf %parallel_loop3A_913, %parallel_loop3A_925 : vector<16xf32>
              %parallel_loop3A_1041 = arith.addf %parallel_loop3A_937, %parallel_loop3A_949 : vector<16xf32>
              %parallel_loop3A_1042 = arith.addf %parallel_loop3A_961, %parallel_loop3A_973 : vector<16xf32>
              %parallel_loop3A_1043 = arith.addf %parallel_loop3A_985, %parallel_loop3A_997 : vector<16xf32>
              %parallel_loop3A_1044 = arith.addf %parallel_loop3A_1009, %parallel_loop3A_1021 : vector<16xf32>
              %parallel_loop3A_1045 = arith.addf %parallel_loop3A_1037, %parallel_loop3A_1038 : vector<16xf32>
              %parallel_loop3A_1046 = arith.addf %parallel_loop3A_1039, %parallel_loop3A_1040 : vector<16xf32>
              %parallel_loop3A_1047 = arith.addf %parallel_loop3A_1041, %parallel_loop3A_1042 : vector<16xf32>
              %parallel_loop3A_1048 = arith.addf %parallel_loop3A_1043, %parallel_loop3A_1044 : vector<16xf32>
              %parallel_loop3A_1049 = arith.addf %parallel_loop3A_1045, %parallel_loop3A_1046 : vector<16xf32>
              %parallel_loop3A_1050 = arith.addf %parallel_loop3A_1047, %parallel_loop3A_1048 : vector<16xf32>
              %parallel_loop3A_1051 = arith.addf %parallel_loop3A_1049, %parallel_loop3A_1050 : vector<16xf32>
              %parallel_loop3A_1052 = arith.divf %parallel_loop3A_1051, %parallel_loop3A_1036 : vector<16xf32>
              %parallel_loop3A_1053 = arith.constant 0 : i32
              %parallel_loop3A_1054 = arith.constant 0 : i32
              %parallel_loop3A_1055 = tpu.memref_slice %run_scoped3A_22[%rem3A_370, %parallel_loop3A_1053, %parallel_loop3A_1054] : memref<2x4x256xf32, #tpu.memory_space<vmem>> -> memref<1x4x256xf32, #tpu.memory_space<vmem>>
              %parallel_loop3A_1056 = tpu.memref_squeeze %parallel_loop3A_1055 : memref<1x4x256xf32, #tpu.memory_space<vmem>> -> memref<4x256xf32, #tpu.memory_space<vmem>>
              %parallel_loop3A_1057 = arith.index_cast %add3A_515 : i32 to index
              %parallel_loop3A_1058 = arith.index_cast %parallel_loop3A_518 : i32 to index
              %parallel_loop3A_1059 = tpu.vector_load %parallel_loop3A_1056[%parallel_loop3A_1057, %parallel_loop3A_1058] {strides = array<i32>} : memref<4x256xf32, #tpu.memory_space<vmem>>, vector<1x16xf32>,
              %parallel_loop3A_1060 = vector.shape_cast %parallel_loop3A_1059 : vector<1x16xf32> to vector<16xf32>
              %parallel_loop3A_1061 = vector.shape_cast %parallel_loop3A_1052 : vector<16xf32> to vector<1x16xf32>
              tpu.vector_store %parallel_loop3A_1056[%parallel_loop3A_1057, %parallel_loop3A_1058], %parallel_loop3A_1061 {strides = array<i32>} : memref<4x256xf32, #tpu.memory_space<vmem>>, vector<1x16xf32>,
            } {sc.loop_unroll_factor = 2 : i64, sc.parallel_access}
          }
          %scan3A_374 = arith.constant 4 : i32
          "tpu.trace_stop"() : () -> ()
          %ne3A_375 = arith.cmpi ne, %add3A_229, %add3A_247 : i32
          %or3A_376 = arith.constant false
          %or3A_377 = arith.ori %or3A_376, %ne3A_375 : i1
          %or3A_378 = arith.constant false
          %or3A_379 = arith.ori %or3A_377, %or3A_378 : i1
          %or3A_380 = arith.ori %or3A_379, %eq3A_228 : i1
          %convert_element_type3A_381 = arith.extui %or3A_380 : i1 to i32
          %cond3A_382 = arith.constant 0 : i32
          %cond3A_383 = arith.cmpi ne, %convert_element_type3A_381, %cond3A_382 : i32
          scf.if %cond3A_383 {
          } else {
          }
          %and3A_384 = arith.constant false
          %and3A_385 = arith.andi %or3A_380, %and3A_384 : i1
          %ne3A_386 = arith.cmpi ne, %add3A_229, %add3A_247 : i32
          %or3A_387 = arith.constant false
          %or3A_388 = arith.ori %or3A_387, %ne3A_386 : i1
          %or3A_389 = arith.constant false
          %or3A_390 = arith.ori %or3A_388, %or3A_389 : i1
          %or3A_391 = arith.ori %or3A_390, %eq3A_228 : i1
          %convert_element_type3A_392 = arith.extui %or3A_391 : i1 to i32
          %cond3A_393 = arith.constant 0 : i32
          %cond3A_394 = arith.cmpi ne, %convert_element_type3A_392, %cond3A_393 : i32
          scf.if %cond3A_394 {
          } else {
          }
          %and3A_395 = arith.constant false
          %and3A_396 = arith.andi %or3A_391, %and3A_395 : i1
          %ne3A_397 = arith.cmpi ne, %add3A_229, %add3A_247 : i32
          %or3A_398 = arith.constant false
          %or3A_399 = arith.ori %or3A_398, %ne3A_397 : i1
          %or3A_400 = arith.constant false
          %or3A_401 = arith.ori %or3A_399, %or3A_400 : i1
          %or3A_402 = arith.ori %or3A_401, %eq3A_228 : i1
          %convert_element_type3A_403 = arith.extui %or3A_402 : i1 to i32
          %cond3A_404 = arith.constant 0 : i32
          %cond3A_405 = arith.cmpi ne, %convert_element_type3A_403, %cond3A_404 : i32
          scf.if %cond3A_405 {
          } else {
          }
          %and3A_406 = arith.constant false
          %and3A_407 = arith.andi %or3A_402, %and3A_406 : i1
          %ne3A_408 = arith.cmpi ne, %add3A_229, %add3A_247 : i32
          %or3A_409 = arith.constant false
          %or3A_410 = arith.ori %or3A_409, %ne3A_408 : i1
          %or3A_411 = arith.constant false
          %or3A_412 = arith.ori %or3A_410, %or3A_411 : i1
          %or3A_413 = arith.ori %or3A_412, %eq3A_228 : i1
          %convert_element_type3A_414 = arith.extui %or3A_413 : i1 to i32
          %cond3A_415 = arith.constant 0 : i32
          %cond3A_416 = arith.cmpi ne, %convert_element_type3A_414, %cond3A_415 : i32
          scf.if %cond3A_416 {
            "tpu.trace_start"() <{level = 10 : i32, message = "ep_copy_out"}> : () -> ()
            %rem3A_511 = arith.constant 2 : i32
            %rem3A_512 = arith.remui %while3A_219, %rem3A_511 : i32
            %mul3A_513 = arith.constant 4 : i32
            %mul3A_514 = arith.muli %mul3A_513, %add3A_229 : i32
            %dma_start3A_515 = arith.constant 0 : i32
            %dma_start3A_516 = arith.constant 0 : i32
            %dma_start3A_517 = tpu.memref_slice %run_scoped3A_22[%rem3A_512, %dma_start3A_515, %dma_start3A_516] : memref<2x4x256xf32, #tpu.memory_space<vmem>> -> memref<1x4x256xf32, #tpu.memory_space<vmem>>
            %dma_start3A_518 = tpu.memref_squeeze %dma_start3A_517 : memref<1x4x256xf32, #tpu.memory_space<vmem>> -> memref<4x256xf32, #tpu.memory_space<vmem>>
            %dma_start3A_519 = arith.constant 0 : i32
            %dma_start3A_520 = tpu.memref_slice %arg5[%mul3A_514, %dma_start3A_519] : memref<3400x256xf32, #tpu.memory_space<hbm>> -> memref<4x256xf32, #tpu.memory_space<hbm>>
            %dma_start3A_521 = tpu.memref_slice %run_scoped3A_23[%rem3A_512] : memref<2x!tpu.dma_semaphore, #tpu.memory_space<semaphore_mem>> -> memref<1x!tpu.dma_semaphore, #tpu.memory_space<semaphore_mem>>
            %dma_start3A_522 = tpu.memref_squeeze %dma_start3A_521 : memref<1x!tpu.dma_semaphore, #tpu.memory_space<semaphore_mem>> -> memref<!tpu.dma_semaphore, #tpu.memory_space<semaphore_mem>>
            %dma_start3A_523 = arith.constant 0 : i32
            %dma_start3A_524 = tpu.memref_slice %arg5[%mul3A_514, %dma_start3A_523] : memref<3400x256xf32, #tpu.memory_space<hbm>> -> memref<4x256xf32, #tpu.memory_space<hbm>>
            %dma_start3A_525 = arith.constant 0 : i32
            %dma_start3A_526 = arith.constant 0 : i32
            %dma_start3A_527 = tpu.memref_slice %run_scoped3A_22[%rem3A_512, %dma_start3A_525, %dma_start3A_526] : memref<2x4x256xf32, #tpu.memory_space<vmem>> -> memref<1x4x256xf32, #tpu.memory_space<vmem>>
            %dma_start3A_528 = tpu.memref_squeeze %dma_start3A_527 : memref<1x4x256xf32, #tpu.memory_space<vmem>> -> memref<4x256xf32, #tpu.memory_space<vmem>>
            tpu.enqueue_dma source(%dma_start3A_528 : memref<4x256xf32, #tpu.memory_space<vmem>>) target(%dma_start3A_524 : memref<4x256xf32, #tpu.memory_space<hbm>>) target_semaphore(%dma_start3A_522 : memref<!tpu.dma_semaphore, #tpu.memory_space<semaphore_mem>>)
            "tpu.trace_stop"() : () -> ()
          } else {
          }
          %and3A_417 = arith.constant true
          %and3A_418 = arith.andi %or3A_413, %and3A_417 : i1
          %add3A_419 = arith.constant 1 : i32
          %add3A_420 = arith.addi %while3A_219, %add3A_419 : i32
          %select_n3A_421 = arith.select %and3A_418, %add3A_420, %while3A_219 : i32
          %ne3A_422 = arith.cmpi ne, %add3A_229, %add3A_239 : i32
          %or3A_423 = arith.constant false
          %or3A_424 = arith.ori %or3A_423, %ne3A_422 : i1
          %or3A_425 = arith.constant false
          %or3A_426 = arith.ori %or3A_424, %or3A_425 : i1
          %not3A_427 = arith.constant true
          %not3A_428 = arith.xori %eq3A_225, %not3A_427 : i1
          %and3A_429 = arith.andi %or3A_426, %not3A_428 : i1
          %convert_element_type3A_430 = arith.extui %and3A_429 : i1 to i32
          %cond3A_431 = arith.constant 0 : i32
          %cond3A_432 = arith.cmpi ne, %convert_element_type3A_430, %cond3A_431 : i32
          scf.if %cond3A_432 {
          } else {
          }
          %and3A_433 = arith.constant false
          %and3A_434 = arith.andi %and3A_429, %and3A_433 : i1
          %ne3A_435 = arith.cmpi ne, %add3A_229, %add3A_239 : i32
          %or3A_436 = arith.constant false
          %or3A_437 = arith.ori %or3A_436, %ne3A_435 : i1
          %or3A_438 = arith.constant false
          %or3A_439 = arith.ori %or3A_437, %or3A_438 : i1
          %not3A_440 = arith.constant true
          %not3A_441 = arith.xori %eq3A_225, %not3A_440 : i1
          %and3A_442 = arith.andi %or3A_439, %not3A_441 : i1
          %convert_element_type3A_443 = arith.extui %and3A_442 : i1 to i32
          %cond3A_444 = arith.constant 0 : i32
          %cond3A_445 = arith.cmpi ne, %convert_element_type3A_443, %cond3A_444 : i32
          scf.if %cond3A_445 {
          } else {
          }
          %and3A_446 = arith.constant false
          %and3A_447 = arith.andi %and3A_442, %and3A_446 : i1
          %ne3A_448 = arith.cmpi ne, %add3A_229, %add3A_239 : i32
          %or3A_449 = arith.constant false
          %or3A_450 = arith.ori %or3A_449, %ne3A_448 : i1
          %or3A_451 = arith.constant false
          %or3A_452 = arith.ori %or3A_450, %or3A_451 : i1
          %not3A_453 = arith.constant true
          %not3A_454 = arith.xori %eq3A_225, %not3A_453 : i1
          %and3A_455 = arith.andi %or3A_452, %not3A_454 : i1
          %convert_element_type3A_456 = arith.extui %and3A_455 : i1 to i32
          %cond3A_457 = arith.constant 0 : i32
          %cond3A_458 = arith.cmpi ne, %convert_element_type3A_456, %cond3A_457 : i32
          scf.if %cond3A_458 {
          } else {
          }
          %and3A_459 = arith.constant false
          %and3A_460 = arith.andi %and3A_455, %and3A_459 : i1
          %ne3A_461 = arith.cmpi ne, %add3A_229, %add3A_239 : i32
          %or3A_462 = arith.constant false
          %or3A_463 = arith.ori %or3A_462, %ne3A_461 : i1
          %or3A_464 = arith.constant false
          %or3A_465 = arith.ori %or3A_463, %or3A_464 : i1
          %not3A_466 = arith.constant true
          %not3A_467 = arith.xori %eq3A_225, %not3A_466 : i1
          %and3A_468 = arith.andi %or3A_465, %not3A_467 : i1
          %convert_element_type3A_469 = arith.extui %and3A_468 : i1 to i32
          %cond3A_470 = arith.constant 0 : i32
          %cond3A_471 = arith.cmpi ne, %convert_element_type3A_469, %cond3A_470 : i32
          scf.if %cond3A_471 {
            "tpu.trace_start"() <{level = 10 : i32, message = "ep_wait_out"}> : () -> ()
            %rem3A_511 = arith.constant 2 : i32
            %rem3A_512 = arith.remui %while3A_220, %rem3A_511 : i32
            %mul3A_513 = arith.constant 4 : i32
            %mul3A_514 = arith.muli %mul3A_513, %add3A_239 : i32
            %dma_wait3A = arith.constant 0 : i32
            %dma_wait3A_515 = arith.constant 0 : i32
            %dma_wait3A_516 = tpu.memref_slice %run_scoped3A_22[%rem3A_512, %dma_wait3A, %dma_wait3A_515] : memref<2x4x256xf32, #tpu.memory_space<vmem>> -> memref<1x4x256xf32, #tpu.memory_space<vmem>>
            %dma_wait3A_517 = tpu.memref_squeeze %dma_wait3A_516 : memref<1x4x256xf32, #tpu.memory_space<vmem>> -> memref<4x256xf32, #tpu.memory_space<vmem>>
            %dma_wait3A_518 = arith.constant 0 : i32
            %dma_wait3A_519 = tpu.memref_slice %arg5[%mul3A_514, %dma_wait3A_518] : memref<3400x256xf32, #tpu.memory_space<hbm>> -> memref<4x256xf32, #tpu.memory_space<hbm>>
            %dma_wait3A_520 = tpu.memref_slice %run_scoped3A_23[%rem3A_512] : memref<2x!tpu.dma_semaphore, #tpu.memory_space<semaphore_mem>> -> memref<1x!tpu.dma_semaphore, #tpu.memory_space<semaphore_mem>>
            %dma_wait3A_521 = tpu.memref_squeeze %dma_wait3A_520 : memref<1x!tpu.dma_semaphore, #tpu.memory_space<semaphore_mem>> -> memref<!tpu.dma_semaphore, #tpu.memory_space<semaphore_mem>>
            %dma_wait3A_522 = arith.constant 0 : i32
            %dma_wait3A_523 = tpu.memref_slice %arg5[%mul3A_514, %dma_wait3A_522] : memref<3400x256xf32, #tpu.memory_space<hbm>> -> memref<4x256xf32, #tpu.memory_space<hbm>>
            %dma_wait3A_524 = arith.constant 0 : i32
            %dma_wait3A_525 = arith.constant 0 : i32
            %dma_wait3A_526 = tpu.memref_slice %run_scoped3A_22[%rem3A_512, %dma_wait3A_524, %dma_wait3A_525] : memref<2x4x256xf32, #tpu.memory_space<vmem>> -> memref<1x4x256xf32, #tpu.memory_space<vmem>>
            %dma_wait3A_527 = tpu.memref_squeeze %dma_wait3A_526 : memref<1x4x256xf32, #tpu.memory_space<vmem>> -> memref<4x256xf32, #tpu.memory_space<vmem>>
            tpu.wait_dma2 semaphore(%dma_wait3A_521 : memref<!tpu.dma_semaphore, #tpu.memory_space<semaphore_mem>>) src(%dma_wait3A_527 : memref<4x256xf32, #tpu.memory_space<vmem>>) dst(%dma_wait3A_523 : memref<4x256xf32, #tpu.memory_space<hbm>>)
            "tpu.trace_stop"() : () -> ()
          } else {
          }
          %and3A_472 = arith.constant true
          %and3A_473 = arith.andi %and3A_468, %and3A_472 : i1
          %add3A_474 = arith.constant 1 : i32
          %add3A_475 = arith.addi %while3A_220, %add3A_474 : i32
          %select_n3A_476 = arith.select %and3A_473, %add3A_475, %while3A_220 : i32
          %ne3A_477 = arith.cmpi ne, %add3A_229, %add3A_247 : i32
          %or3A_478 = arith.constant false
          %or3A_479 = arith.ori %or3A_478, %ne3A_477 : i1
          %or3A_480 = arith.constant false
          %or3A_481 = arith.ori %or3A_479, %or3A_480 : i1
          %or3A_482 = arith.ori %or3A_481, %eq3A_228 : i1
          %add3A_483 = arith.constant 1 : i32
          %add3A_484 = arith.addi %while3A_214, %add3A_483 : i32
          %select_n3A_485 = arith.select %or3A_482, %add3A_484, %while3A_214 : i32
          %ne3A_486 = arith.cmpi ne, %add3A_229, %add3A_247 : i32
          %or3A_487 = arith.constant false
          %or3A_488 = arith.ori %or3A_487, %ne3A_486 : i1
          %or3A_489 = arith.constant false
          %or3A_490 = arith.ori %or3A_488, %or3A_489 : i1
          %or3A_491 = arith.ori %or3A_490, %eq3A_228 : i1
          %add3A_492 = arith.constant 1 : i32
          %add3A_493 = arith.addi %while3A_216, %add3A_492 : i32
          %select_n3A_494 = arith.select %or3A_491, %add3A_493, %while3A_216 : i32
          %ne3A_495 = arith.cmpi ne, %add3A_229, %add3A_247 : i32
          %or3A_496 = arith.constant false
          %or3A_497 = arith.ori %or3A_496, %ne3A_495 : i1
          %or3A_498 = arith.constant false
          %or3A_499 = arith.ori %or3A_497, %or3A_498 : i1
          %or3A_500 = arith.ori %or3A_499, %eq3A_228 : i1
          %add3A_501 = arith.constant 1 : i32
          %add3A_502 = arith.addi %while3A_218, %add3A_501 : i32
          %select_n3A_503 = arith.select %or3A_500, %add3A_502, %while3A_218 : i32
          %add3A_504 = arith.constant 1 : i32
          %add3A_505 = arith.addi %while3A_221, %add3A_504 : i32
          %select_n3A_506 = arith.constant true
          %select_n3A_507 = arith.select %select_n3A_506, %add3A_505, %while3A_221 : i32
          %eq3A_508 = arith.cmpi eq, %select_n3A_507, %select_n3A : i32
          %select_n3A_509 = arith.constant 0 : i32
          %select_n3A_510 = arith.select %eq3A_508, %select_n3A_509, %select_n3A_507 : i32
          scf.yield %select_n3A_271, %select_n3A_485, %select_n3A_292, %select_n3A_494, %select_n3A_313, %select_n3A_503, %select_n3A_421, %select_n3A_476, %select_n3A_510 : i32, i32, i32, i32, i32, i32, i32, i32, i32
        }
        %sub3A_155 = arith.constant 1 : i32
        %sub3A_156 = arith.subi %while3A_154#8, %sub3A_155 : i32
        %select_n3A_157 = arith.constant true
        %select_n3A_158 = arith.select %select_n3A_157, %sub3A_156, %while3A_154#8 : i32
        %eq3A_159 = arith.constant -1 : i32
        %eq3A_160 = arith.cmpi eq, %select_n3A_158, %eq3A_159 : i32
        %sub3A_161 = arith.constant 1 : i32
        %sub3A_162 = arith.subi %select_n3A, %sub3A_161 : i32
        %select_n3A_163 = arith.select %eq3A_160, %sub3A_162, %select_n3A_158 : i32
        %sub3A_164 = arith.constant 1 : i32
        %sub3A_165 = arith.subi %mul3A_16, %sub3A_164 : i32
        %mul3A_166 = arith.constant 1 : i32
        %mul3A_167 = arith.muli %mul3A_166, %select_n3A : i32
        %eq3A_168 = arith.constant 0 : i32
        %eq3A_169 = arith.cmpi eq, %sub3A_165, %eq3A_168 : i32
        %sub3A_170 = arith.constant 1 : i32
        %sub3A_171 = arith.subi %mul3A_167, %sub3A_170 : i32
        %eq3A_172 = arith.cmpi eq, %sub3A_165, %sub3A_171 : i32
        %add3A_173 = arith.addi %select_n3A_163, %select_n3A_14 : i32
        %sub3A_174 = arith.constant 1 : i32
        %sub3A_175 = arith.subi %select_n3A_163, %sub3A_174 : i32
        %select_n3A_176 = arith.constant true
        %select_n3A_177 = arith.select %select_n3A_176, %sub3A_175, %select_n3A_163 : i32
        %eq3A_178 = arith.constant -1 : i32
        %eq3A_179 = arith.cmpi eq, %select_n3A_177, %eq3A_178 : i32
        %sub3A_180 = arith.constant 1 : i32
        %sub3A_181 = arith.subi %select_n3A, %sub3A_180 : i32
        %select_n3A_182 = arith.select %eq3A_179, %sub3A_181, %select_n3A_177 : i32
        %add3A_183 = arith.addi %select_n3A_182, %select_n3A_14 : i32
        %add3A_184 = arith.constant 1 : i32
        %add3A_185 = arith.addi %select_n3A_163, %add3A_184 : i32
        %select_n3A_186 = arith.constant true
        %select_n3A_187 = arith.select %select_n3A_186, %add3A_185, %select_n3A_163 : i32
        %eq3A_188 = arith.cmpi eq, %select_n3A_187, %select_n3A : i32
        %select_n3A_189 = arith.constant 0 : i32
        %select_n3A_190 = arith.select %eq3A_188, %select_n3A_189, %select_n3A_187 : i32
        %add3A_191 = arith.addi %select_n3A_190, %select_n3A_14 : i32
        %add3A_192 = arith.constant 1 : i32
        %add3A_193 = arith.addi %select_n3A_190, %add3A_192 : i32
        %select_n3A_194 = arith.constant true
        %select_n3A_195 = arith.select %select_n3A_194, %add3A_193, %select_n3A_190 : i32
        %eq3A_196 = arith.cmpi eq, %select_n3A_195, %select_n3A : i32
        %select_n3A_197 = arith.constant 0 : i32
        %select_n3A_198 = arith.select %eq3A_196, %select_n3A_197, %select_n3A_195 : i32
        %add3A_199 = arith.addi %select_n3A_198, %select_n3A_14 : i32
        %convert_element_type3A_200 = arith.extui %eq3A_172 : i1 to i32
        %cond3A_201 = arith.constant 0 : i32
        %cond3A_202 = arith.cmpi ne, %convert_element_type3A_200, %cond3A_201 : i32
        scf.if %cond3A_202 {
        } else {
        }
        %convert_element_type3A_203 = arith.extui %eq3A_172 : i1 to i32
        %cond3A_204 = arith.constant 0 : i32
        %cond3A_205 = arith.cmpi ne, %convert_element_type3A_203, %cond3A_204 : i32
        scf.if %cond3A_205 {
        } else {
        }
        %convert_element_type3A_206 = arith.extui %eq3A_172 : i1 to i32
        %cond3A_207 = arith.constant 0 : i32
        %cond3A_208 = arith.cmpi ne, %convert_element_type3A_206, %cond3A_207 : i32
        scf.if %cond3A_208 {
        } else {
        }
        %convert_element_type3A_209 = arith.extui %eq3A_172 : i1 to i32
        %cond3A_210 = arith.constant 0 : i32
        %cond3A_211 = arith.cmpi ne, %convert_element_type3A_209, %cond3A_210 : i32
        scf.if %cond3A_211 {
          "tpu.trace_start"() <{level = 10 : i32, message = "ep_finalize"}> : () -> ()
          %rem3A_212 = arith.constant 2 : i32
          %rem3A_213 = arith.remui %while3A_154#7, %rem3A_212 : i32
          %mul3A_214 = arith.constant 4 : i32
          %mul3A_215 = arith.muli %mul3A_214, %add3A_173 : i32
          %dma_wait3A = arith.constant 0 : i32
          %dma_wait3A_216 = arith.constant 0 : i32
          %dma_wait3A_217 = tpu.memref_slice %run_scoped3A_22[%rem3A_213, %dma_wait3A, %dma_wait3A_216] : memref<2x4x256xf32, #tpu.memory_space<vmem>> -> memref<1x4x256xf32, #tpu.memory_space<vmem>>
          %dma_wait3A_218 = tpu.memref_squeeze %dma_wait3A_217 : memref<1x4x256xf32, #tpu.memory_space<vmem>> -> memref<4x256xf32, #tpu.memory_space<vmem>>
          %dma_wait3A_219 = arith.constant 0 : i32
          %dma_wait3A_220 = tpu.memref_slice %arg5[%mul3A_215, %dma_wait3A_219] : memref<3400x256xf32, #tpu.memory_space<hbm>> -> memref<4x256xf32, #tpu.memory_space<hbm>>
          %dma_wait3A_221 = tpu.memref_slice %run_scoped3A_23[%rem3A_213] : memref<2x!tpu.dma_semaphore, #tpu.memory_space<semaphore_mem>> -> memref<1x!tpu.dma_semaphore, #tpu.memory_space<semaphore_mem>>
          %dma_wait3A_222 = tpu.memref_squeeze %dma_wait3A_221 : memref<1x!tpu.dma_semaphore, #tpu.memory_space<semaphore_mem>> -> memref<!tpu.dma_semaphore, #tpu.memory_space<semaphore_mem>>
          %dma_wait3A_223 = arith.constant 0 : i32
          %dma_wait3A_224 = tpu.memref_slice %arg5[%mul3A_215, %dma_wait3A_223] : memref<3400x256xf32, #tpu.memory_space<hbm>> -> memref<4x256xf32, #tpu.memory_space<hbm>>
          %dma_wait3A_225 = arith.constant 0 : i32
          %dma_wait3A_226 = arith.constant 0 : i32
          %dma_wait3A_227 = tpu.memref_slice %run_scoped3A_22[%rem3A_213, %dma_wait3A_225, %dma_wait3A_226] : memref<2x4x256xf32, #tpu.memory_space<vmem>> -> memref<1x4x256xf32, #tpu.memory_space<vmem>>
          %dma_wait3A_228 = tpu.memref_squeeze %dma_wait3A_227 : memref<1x4x256xf32, #tpu.memory_space<vmem>> -> memref<4x256xf32, #tpu.memory_space<vmem>>
          tpu.wait_dma2 semaphore(%dma_wait3A_222 : memref<!tpu.dma_semaphore, #tpu.memory_space<semaphore_mem>>) src(%dma_wait3A_228 : memref<4x256xf32, #tpu.memory_space<vmem>>) dst(%dma_wait3A_224 : memref<4x256xf32, #tpu.memory_space<hbm>>)
          "tpu.trace_stop"() : () -> ()
        } else {
        }
      } else {
      }
      tpu.yield
    }) : () -> ()
    return
  }
}

module attributes {stable_mosaic.version = 14 : i64} {
  func.func @_tc_body(%arg0: i32, %arg1: memref<200x256xf32, #tpu.memory_space<vmem>>, %arg2: memref<16x200x256xf32, #tpu.memory_space<vmem>>, %arg3: memref<16x200x256xf32, #tpu.memory_space<vmem>>, %arg4: memref<200x256xf32, #tpu.memory_space<vmem>>) attributes {dimension_semantics = [#tpu.dimension_semantics<arbitrary>], iteration_bounds = array<i64: 33>, scalar_prefetch = 0 : i64, scratch_operands = 0 : i64, tpu.core_type = #tpu.core_type<tc>, window_params = [{transform_indices = @transform_0, window_bounds = array<i64: 200, 256>}, {transform_indices = @transform_1, window_bounds = array<i64: 16, 200, 256>}, {transform_indices = @transform_2, window_bounds = array<i64: 16, 200, 256>}, {transform_indices = @transform_3, window_bounds = array<i64: 200, 256>}]} {
    %get3A = arith.constant 0 : index
    %get3A_0 = arith.constant 0 : index
    %get3A_1 = vector.load %arg1[%get3A, %get3A_0] : memref<200x256xf32, #tpu.memory_space<vmem>>, vector<200x256xf32>
    %broadcast_in_dim3A = vector.shape_cast %get3A_1 : vector<200x256xf32> to vector<1x200x256xf32>
    %get3A_2 = arith.constant 0 : index
    %get3A_3 = arith.constant 0 : index
    %get3A_4 = arith.constant 0 : index
    %get3A_5 = vector.load %arg2[%get3A_2, %get3A_3, %get3A_4] : memref<16x200x256xf32, #tpu.memory_space<vmem>>, vector<16x200x256xf32>
    %add3A = vector.broadcast %broadcast_in_dim3A : vector<1x200x256xf32> to vector<16x200x256xf32>
    %add3A_6 = arith.addf %add3A, %get3A_5 : vector<16x200x256xf32>
    %mul3A = arith.constant 0.00999999977 : f32
    %mul3A_7 = vector.broadcast %mul3A : f32 to vector<16x200x256xf32>
    %mul3A_8 = arith.mulf %mul3A_7, %add3A_6 : vector<16x200x256xf32>
    %max3A = arith.maximumf %add3A_6, %mul3A_8 : vector<16x200x256xf32>
    %reduce_max3A = arith.constant dense<0xFF800000> : vector<200x256xf32>
    %reduce_max3A_9 = vector.multi_reduction <maximumf>, %max3A, %reduce_max3A [0] : vector<16x200x256xf32> to vector<200x256xf32>
    %broadcast_in_dim3A_10 = vector.shape_cast %reduce_max3A_9 : vector<200x256xf32> to vector<1x200x256xf32>
    %sub3A = vector.broadcast %broadcast_in_dim3A_10 : vector<1x200x256xf32> to vector<16x200x256xf32>
    %sub3A_11 = arith.subf %max3A, %sub3A : vector<16x200x256xf32>
    %exp3A = math.exp %sub3A_11 : vector<16x200x256xf32>
    %reduce_sum3A = arith.constant dense<0.000000e+00> : vector<200x256xf32>
    %reduce_sum3A_12 = vector.multi_reduction <add>, %exp3A, %reduce_sum3A [0] : vector<16x200x256xf32> to vector<200x256xf32>
    %get3A_13 = arith.constant 0 : index
    %get3A_14 = arith.constant 0 : index
    %get3A_15 = arith.constant 0 : index
    %get3A_16 = vector.load %arg3[%get3A_13, %get3A_14, %get3A_15] : memref<16x200x256xf32, #tpu.memory_space<vmem>>, vector<16x200x256xf32>
    %mul3A_17 = arith.mulf %exp3A, %get3A_16 : vector<16x200x256xf32>
    %reduce_sum3A_18 = arith.constant dense<0.000000e+00> : vector<200x256xf32>
    %reduce_sum3A_19 = vector.multi_reduction <add>, %mul3A_17, %reduce_sum3A_18 [0] : vector<16x200x256xf32> to vector<200x256xf32>
    %div3A = arith.divf %reduce_sum3A_19, %reduce_sum3A_12 : vector<200x256xf32>
    %swap3A = arith.constant 0 : index
    %swap3A_20 = arith.constant 0 : index
    %swap3A_21 = vector.load %arg4[%swap3A, %swap3A_20] : memref<200x256xf32, #tpu.memory_space<vmem>>, vector<200x256xf32>
    tpu.vector_store %arg4[%swap3A, %swap3A_20], %div3A {strides = array<i32>} : memref<200x256xf32, #tpu.memory_space<vmem>>, vector<200x256xf32>,
    return
  }
  func.func @transform_0(%arg0: i32) -> (i32, i32) {
    %add3A = arith.constant 17 : i32
    %add3A_0 = arith.addi %arg0, %add3A : i32
    %c0_i32 = arith.constant 0 : i32
    %c0_i32_1 = arith.constant 0 : i32
    return %add3A_0, %c0_i32 : i32, i32
  }
  func.func @transform_1(%arg0: i32) -> (i32, i32, i32) {
    %add3A = arith.constant 17 : i32
    %add3A_0 = arith.addi %arg0, %add3A : i32
    %c0_i32 = arith.constant 0 : i32
    %c0_i32_1 = arith.constant 0 : i32
    %c0_i32_2 = arith.constant 0 : i32
    return %c0_i32, %add3A_0, %c0_i32_1 : i32, i32, i32
  }
  func.func @transform_2(%arg0: i32) -> (i32, i32, i32) {
    %add3A = arith.constant 17 : i32
    %add3A_0 = arith.addi %arg0, %add3A : i32
    %c0_i32 = arith.constant 0 : i32
    %c0_i32_1 = arith.constant 0 : i32
    %c0_i32_2 = arith.constant 0 : i32
    return %c0_i32, %add3A_0, %c0_i32_1 : i32, i32, i32
  }
  func.func @transform_3(%arg0: i32) -> (i32, i32) {
    %add3A = arith.constant 17 : i32
    %add3A_0 = arith.addi %arg0, %add3A : i32
    %c0_i32 = arith.constant 0 : i32
    %c0_i32_1 = arith.constant 0 : i32
    return %add3A_0, %c0_i32 : i32, i32
  }
}

</mosaic_0001>

<sc_bundles>
// kernel: kernel.4.cloned.1.call-start
scs
__scs_entry_jumppad:
0x0: {  	(pc) =	sbr.rel $0x88, $3  }
0x1: {  	(tag) =	ssettag $0x0;
	lr =	simm.s32 $0x1  }
0x2: {  	[smem:$0x3F9E] =	sst lr;
	_ =	strace $0xD0000000  }
0x3: {  	_ = 	snop  }
0x4: {  	_ = 	snop  }
0x5: {  	_ = 	snop  }
0x6: {  	_ = 	snop  }
0x7: {  	_ = 	snop  }
__scs_overlays_trampoline_lowered:
0x8: {  	[smem:$0x3FAD] =	sst s0  }
0x9: {  	[smem:$0x3FAE] =	sst s1  }
0xa: {  	[smem:$0x3FAF] =	sst s2  }
0xb: {  	[smem:$0x3FB0] =	sst s3  }
0xc: {  	[smem:$0x3FB1] =	sst s4  }
0xd: {  	[smem:$0x3FB2] =	sst s5  }
0xe: {  	[smem:$0x3FB3] =	sst s6  }
0xf: {  	[smem:$0x3FB4] =	sst s7  }
0x10: {  	[smem:$0x3FB5] =	sst s8  }
0x11: {  	[smem:$0x3FB6] =	sst s9;
	s0 =	simm.s32 @!p0 $0x0  }
0x12: {  	s1 =	sld [smem:$0x3F9C];
	s0 =	simm.s32 @p0 $0x1  }
0x13: {  	[smem:$0x3FB7] =	sst s0;
	s0 =	simm.s32 @!p1 $0x0  }
0x14: {  	s2 =	sld [smem:$0x3F9B];
	s0 =	simm.s32 @p1 $0x1  }
0x15: {  	[smem:$0x3FB8] =	sst s0;
	s0 =	simm.s32 @!p2 $0x0  }
0x16: {  	s3 =	sld [smem:$0x3FDB];
	s0 =	simm.s32 @p2 $0x1  }
0x17: {  	s4 =	simm.s32 $0x1BF5;
	[smem:$0x3FBA] =	sst s0  }
0x18: {  	s0 =	sld [smem:$0x3F9D];
	_ =	swait.ge [sflag:s4], $0x0  }
0x19: {  	s7 =	sld [smem:$0x3F9E]  }
0x1a: {  	s8 =	sadd.s32 $0xFFFFE003, lr  }
0x1b: {  	s9 =	sadd.s32 $0xFFFFFEF7, lr;
	s5 =	simm.s32 $0xFFFFFFFF;
	p2 =	slt.u32 s8, $0xFFFFF086  }
0x1c: {  	p1 =	slt.u32 s9, $0xF7A;
	s5 =	simm.s32 @!p2 $0x0  }
0x1d: {  	s5 =	simm.s32 @p1 $0x1;
	p0 =	seq.s32 s7, s2  }
0x1e: {  	s7 =	smul.u32 @!p0 $0xF7A, s2;
	p2 =	seq.s32 @!p0 s5, $0x0  }
0x1f: {  	s9 =	smul.u32 $0xF7A, s1;
	s8 =	simm.s32 @!p0 $0x1BF5;
	p2 =	por !p2, p0  }
0x20: {  	[sflag:s8] =	ssyncset.s32 @!p0 $0xFFFFF086;
	s6 =	sadd.s32 @!p0 s3, s7;
	s7 =	simm.s32 @!p0 $0x108  }
0x21: {  	s3 =	sadd.s32 s3, s9;
	s6 =	sadd.s32 @!p0 $0x88, s6;
	s7 =	simm.s32 @p2 $0x1082  }
0x22: {  	[simem:s7], [sflag:s8] =	dma.local @!p0 [hbm:s6], $0xF7A  }
0x23: {  	s9 =	sor.u32 $0xD0000000, s2;
	s6 =	simm.s32 $0x108;
	_ =	swait.ge @!p0 [sflag:s8], $0x0  }
0x24: {  	s3 =	sadd.s32 $0x88, s3;
	s6 =	simm.s32 @!p1 $0x1082;
	[sflag:s4] =	ssyncset.s32 $0xFFFFF086  }
0x25: {  	[simem:s6], [sflag:s4] =	dma.local [hbm:s3], $0xF7A  }
0x26: {  	[smem:$0x3F9E] =	sst s1;
	(tag) =	ssettag s2;
	_ =	strace s9  }
0x27: {  	s1 =	sld [smem:$0x3FAE]  }
0x28: {  	s2 =	sld [smem:$0x3FAF]  }
0x29: {  	s4 =	sld [smem:$0x3FB1]  }
0x2a: {  	p0 =	seq.s32 s5, $0x0;
	s5 =	sld [smem:$0x3FB2]  }
0x2b: {  	s6 =	sld [smem:$0x3FB3]  }
0x2c: {  	s7 =	sld [smem:$0x3FB4]  }
0x2d: {  	s3 =	simm.s32 $0x108;
	s8 =	sld [smem:$0x3FB5]  }
0x2e: {  	s3 =	simm.s32 @!p0 $0x1082;
	s9 =	sld [smem:$0x3FB6]  }
0x2f: {  	lr =	sadd.s32 s0, s3;
	s0 =	sld [smem:$0x3FAD]  }
0x30: {  	s3 =	sld [smem:$0x3FB0]  }
0x31: {  	[smem:$0x3FB9] =	sst s10  }
0x32: {  	s10 =	sld [smem:$0x3FB7];
	_ =	sdelay $0x3  }
0x33: {  	p0 =	seq.s32 s10, $0x1;
	s10 =	sld [smem:$0x3FB9];
	_ =	sdelay $0x3  }
0x34: {  	[smem:$0x3FB9] =	sst s10  }
0x35: {  	s10 =	sld [smem:$0x3FB8];
	_ =	sdelay $0x3  }
0x36: {  	p1 =	seq.s32 s10, $0x1;
	s10 =	sld [smem:$0x3FB9];
	_ =	sdelay $0x3  }
0x37: {  	[smem:$0x3FB9] =	sst s10  }
0x38: {  	s10 =	sld [smem:$0x3FBA]  }
0x39: {  	_ = 	snop;
	(pc) =	sbr.ind lr, $3  }
0x3a: {  	_ = 	snop  }
0x3b: {  	_ = 	snop  }
0x3c: {  	p2 =	seq.s32 s10, $0x1;
	s10 =	sld [smem:$0x3FB9]  }
0x3d: {  	_ =	shalt  }
0x3e: {  	_ =	shalt  }
0x3f: {  	_ =	shalt  }
0x40: {  	_ =	shalt  }
0x41: {  	_ =	shalt  }
0x42: {  	_ =	shalt  }
0x43: {  	_ =	shalt  }
0x44: {  	_ =	shalt  }
0x45: {  	_ =	shalt  }
0x46: {  	_ =	shalt  }
0x47: {  	_ =	shalt  }
0x48: {  	_ =	shalt  }
0x49: {  	_ =	shalt  }
0x4a: {  	_ =	shalt  }
0x4b: {  	_ =	shalt  }
0x4c: {  	_ =	shalt  }
0x4d: {  	_ =	shalt  }
0x4e: {  	_ =	shalt  }
0x4f: {  	_ =	shalt  }
0x50: {  	_ =	shalt  }
0x51: {  	_ =	shalt  }
0x52: {  	_ =	shalt  }
0x53: {  	_ =	shalt  }
0x54: {  	_ =	shalt  }
0x55: {  	_ =	shalt  }
0x56: {  	_ =	shalt  }
0x57: {  	_ =	shalt  }
0x58: {  	_ =	shalt  }
0x59: {  	_ =	shalt  }
0x5a: {  	_ =	shalt  }
0x5b: {  	_ =	shalt  }
0x5c: {  	_ =	shalt  }
0x5d: {  	_ =	shalt  }
0x5e: {  	_ =	shalt  }
0x5f: {  	_ =	shalt  }
0x60: {  	_ =	shalt  }
0x61: {  	_ =	shalt  }
0x62: {  	_ =	shalt  }
0x63: {  	_ =	shalt  }
0x64: {  	_ =	shalt  }
0x65: {  	_ =	shalt  }
0x66: {  	_ =	shalt  }
0x67: {  	_ =	shalt  }
0x68: {  	_ =	shalt  }
0x69: {  	_ =	shalt  }
0x6a: {  	_ =	shalt  }
0x6b: {  	_ =	shalt  }
0x6c: {  	_ =	shalt  }
0x6d: {  	_ =	shalt  }
0x6e: {  	_ =	shalt  }
0x6f: {  	_ =	shalt  }
0x70: {  	_ =	shalt  }
0x71: {  	_ =	shalt  }
0x72: {  	_ =	shalt  }
0x73: {  	_ =	shalt  }
0x74: {  	_ =	shalt  }
0x75: {  	_ =	shalt  }
0x76: {  	_ =	shalt  }
0x77: {  	_ =	shalt  }
0x78: {  	_ =	shalt  }
0x79: {  	_ =	shalt  }
0x7a: {  	_ =	shalt  }
0x7b: {  	_ =	shalt  }
0x7c: {  	_ =	shalt  }
0x7d: {  	_ =	shalt  }
0x7e: {  	_ =	shalt  }
0x7f: {  	_ =	shalt  }
0x80: {  	_ =	shalt  }
0x81: {  	_ =	shalt  }
0x82: {  	_ =	shalt  }
0x83: {  	_ =	shalt  }
0x84: {  	_ =	shalt  }
0x85: {  	_ =	shalt  }
0x86: {  	_ =	shalt  }
0x87: {  	_ =	shalt  }
.Lfunc_end0:
.L_simem_size_0:
called_computation_lowered:
.L_overlay_start_0:
0x88: {  	s2 =	sld [smem:$0x3FD9]  }
0x89: {  	s3 =	sld [smem:$0x3FFE];
	_ =	sdelay $0x1  }
0x8a: {  	s1 =	srdreg.scid  }
0x8b: {  	s0 =	sand.u32 $0x1, s1  }
0x8c: {  	s17 =	sshll.u32 s0, $0xA;
	s2 =	sadd.s32 s3, s2  }
0x8d: {  	s2 =	sadd.s32 s2, s17  }
0x8e: {  	[smem:$0x3FC5] =	sst s2  }
0x8f: {  	_ = 	snop  }
0x90: {  	s2 =	sld [smem:$0x3FC9]  }
0x91: {  	s18 =	sld [smem:$0x3FC8]  }
0x92: {  	s4 =	sld [smem:$0x3FC7];
	(tm) =	ssettm $0x1  }
0x93: {  	s5 =	sld [smem:$0x3FFB];
	_ =	sdelay $0x3  }
0x94: {  	_ =	strace s5  }
0x95: {  	s5 =	sld [smem:$0x3FFC];
	_ =	sdelay $0x3  }
0x96: {  	_ =	strace s5  }
0x97: {  	s5 =	sld [smem:$0x3FFD];
	_ =	sdelay $0x3  }
0x98: {  	_ =	strace s5  }
0x99: {  	_ =	strace $0x8FFFFFFF  }
0x9a: {  	s19 =	sld [smem:$0x3FDB];
	_ =	sdelay $0x1  }
0x9b: {  	s6 =	simm.s32 $_scs_section_size  }
0x9c: {  	s7 =	simm.s32 $_size__tile_overlayer_lowered;
	s8 =	simm.s32 $_tile_overlayer_lowered  }
0x9d: {  	s22 =	simm.s32 $0x1BFF;
	s21 =	sshll.u32 s8, $0x1;
	s5 =	sadd.s32 s6, s19  }
0x9e: {  	s9 =	simm.s32 $0x0;
	s20 =	sshll.u32 s7, $0x1;
	s7 =	sadd.s32 s21, s5  }
0x9f: {  	[timem:s9], [sflag:s22] =	dma.local [hbm:s7], s20  }
0xa0: {  	_ =	swait.ge [sflag:s22], s20  }
0xa1: {  	s6 =	ssub.s32 $0x0, s20;
	[sflag:s22] =	ssyncset.done $0x0  }
0xa2: {  	[sflag:s22] =	ssyncadd.s32 s6;
	_ =	sdelay $0x1  }
0xa3: {  	s23 =	simm.s32 $0x1B8B  }
0xa4: {  	_ =	swait.ge [sflag:s23], $0x1  }
0xa5: {  	[sflag:s23] =	ssyncset.done $0x0  }
0xa6: {  	s25 =	simm.s32 $0x1B8E;
	s24 =	sld [smem:$0x3FFE];
	[sflag:s23] =	ssyncadd.s32 $0xFFFFFFFF  }
0xa7: {  	s26 =	simm.s32 $execute0_lowered;
	[smem:$0x3FD2] =	sst s25  }
0xa8: {  	s7 =	sshll.u32 s26, $0x1;
	_ =	strace $0x80000046;
	[dreg:$0x1] =	wrdreg $0xFFFFFFFF  }
0xa9: {  	s28 =	simm.s32 $_size_execute0_lowered;
	s5 =	sadd.s32 s5, s7;
	[dreg:$0x0] =	wrdreg $0x0  }
0xaa: {  	s7 =	sshll.u32 s28, $0x1;
	[dreg:$0x2] =	wrdreg s5  }
0xab: {  	[dreg:$0x3] =	wrdreg s7  }
0xac: {  	[dreg:$0x4] =	wrdreg $0xC0  }
0xad: {  	_ =	task [dreg:s9], $0x5FFFF  }
0xae: {  	[dreg:$0x1] =	wrdreg $0xFFFFFFFF  }
0xaf: {  	[dreg:$0x0] =	wrdreg $0x60  }
0xb0: {  	[dreg:$0x2] =	wrdreg s2  }
0xb1: {  	[dreg:$0x3] =	wrdreg s18  }
0xb2: {  	[dreg:$0x4] =	wrdreg s4  }
0xb3: {  	[dreg:$0x5] =	wrdreg s24  }
0xb4: {  	[dreg:$0x6] =	wrdreg $0x9  }
0xb5: {  	_ =	task.clear_ibuf [dreg:s9], $0x7FFFF;
	_ =	strace $0x90000046  }
0xb6: {  	s29 =	simm.s32 $0x9;
	_ =	strace $0x80000053  }
0xb7: {  	_ =	swait.ge [sflag:s29], $0x1  }
0xb8: {  	[sflag:s29] =	ssyncadd.s32 $0xFFFFFFFF  }
0xb9: {  	_ =	strace $0x90000053  }
0xba: {  	_ =	sfence  }
0xbb: {  	s30 =	sld [smem:$0x0];
	_ =	sdelay $0x2  }
0xbc: {  	s31 =	sshll.u32 s1, $0xD;
	s1 =	sshrl.u32 s1, $0x2  }
0xbd: {  	s3 =	sand.u32 $0x4000, s31;
	s1 =	sadd.s32 s1, s30  }
0xbe: {  	s0 =	sor.u32 s3, s0;
	s1 =	sshll.u32 s1, $0x11  }
0xbf: {  	s0 =	sor.u32 s1, s0  }
0xc0: {  	s0 =	sadd.s32 $0x8F2B, s0  }
0xc1: {  	[sflag:s0] =	ssyncadd.remote.s32 $0x1  }
0xc2: {  	_ =	sfence.sel $0xFFFF  }
0xc3: {  	[dreg:$0x0] =	wrdreg $0xFFFFFFFF;
	(pc) =	sbr.abs _section_cstart, $3  }
0xc4: {  	[dreg:$0x1] =	wrdreg $0xFFFFFFFF  }
0xc5: {  	_ =	task.clear_ibuf [dreg:s9], $0x2FFFF;
	_ =	strace $0x9FFFFFFF  }
0xc6: {  	(tm) =	ssettm $0x7FFFFFFF  }
0xc7: {  	_ =	shalt  }
tec
execute0_lowered:
.L_overlay_start_1:
0x0: {  	(tag) =	ssettag $0x1  }
0x1: {  	s5 =	rddreg [dreg:$0x0]  }
0x2: {  	s0 =	srdreg.scid;
	s6 =	rddreg [dreg:$0x1]  }
0x3: {  	s7 =	rddreg [dreg:$0x2];
	s3 =	stileid.u32;
	s0 =	sand.u32 $0x1, s0  }
0x4: {  	s2 =	rddreg [dreg:$0x3];
	s4 =	simm.s32 $0x0;
	s1 =	sshll.u32 s0, $0x4  }
0x5: {  	[smem:$0x7FF] =	sst s4;
	s1 =	sor.u32 s3, s1  }
0x6: {  	s20 =	sadd.s32 $0x600, s2;
	s0 =	ssub.s32 $0x2, s0;
	s3 =	smul.u32 $0x1A, s1  }
0x7: {  	_ =	strace $0x80000047;
	s21 =	sshrl.u32 s0, $0x1;
	s4 =	smul.u32 $0x1B, s1  }
0x8: {  	p0 =	slt.u32 s1, $0x12;
	s0 =	ssub.s32 s0, s21;
	s8 =	sadd.s32 $0x12, s3  }
0x9: {  	[dreg:$0xf] =	wrdreg s20;
	s0 =	smax.u32 s0, $0x1;
	s8 =	smov.u32 @p0 s4  }
0xa: {  	[dreg:$0x15] =	wrdreg s0;
	s22 =	sshll.u32 s8, $0x7;
	s23 =	sshll.u32 s8, $0x6  }
0xb: {  	s4 =	simm.s32 $0x1B;
	s2 =	sand.u32 $0xFFFFF00, s22;
	s3 =	sand.u32 $0x40, s23  }
0xc: {  	s4 =	simm.s32 @!p0 $0x1A;
	[dreg:$0xe] =	wrdreg s8;
	s24 =	sor.u32 s3, s2  }
0xd: {  	[dreg:$0x10] =	wrdreg s4;
	s2 =	sadd.s32 s5, s24  }
0xe: {  	s1 =	sadd.s32 s7, s24;
	[dreg:$0x11] =	wrdreg s2  }
0xf: {  	s25 =	sadd.s32 s6, s24;
	[dreg:$0x13] =	wrdreg s1  }
0x10: {  	s5 =	sadd.s32 $0xFFFFFFFF, s4;
	[dreg:$0x12] =	wrdreg s25  }
0x11: {  	s26 =	sadd.s32 $0x4E200, s25;
	[dreg:$0x14] =	wrdreg s5  }
0x12: {  	s28 =	sadd.s32 $0x9C400, s25;
	[dreg:$0x16] =	wrdreg s26  }
0x13: {  	s29 =	sadd.s32 $0xEA600, s25;
	[dreg:$0x17] =	wrdreg s28  }
0x14: {  	s30 =	sadd.s32 $0x138800, s25;
	[dreg:$0x18] =	wrdreg s29  }
0x15: {  	s31 =	sadd.s32 $0x186A00, s25;
	[dreg:$0x19] =	wrdreg s30  }
0x16: {  	s1 =	simm.s32 $0x0;
	[dreg:$0x1a] =	wrdreg s31  }
.LBB2_1:
0x17: {  	[dreg:$0x1b] =	wrdreg s1  }
0x18: {  	s0 =	simm.s32 $0x0;
	_ =	strace $0x80000048  }
0x19: {  	s2 =	simm.s32 $0x200;
	s3 =	simm.s32 $0x400;
	s16 =	rddreg [dreg:$0x11]  }
0x1a: {  	[tilespmem:s0], [sflag:$0x1] =	stream.strided.gather [hbm4b:s16+s2], $0x400, s3, s2, $0x200038;
	[tilespmem:$0x11000] =	vst v63  }
0x1b: {  	s17 =	simm.s32 $0x800;
	s1 =	rddreg [dreg:$0x12]  }
0x1c: {  	[tilespmem:s17], [sflag:$0x3] =	stream.strided.gather [hbm4b:s1+s2], $0x400, s3, s2, $0x200038;
	[tilespmem:$0x11000] =	vst v63  }
0x1d: {  	s6 =	simm.s32 $0xC00;
	s18 =	rddreg [dreg:$0x16]  }
0x1e: {  	[tilespmem:s6], [sflag:$0x3] =	stream.strided.gather [hbm4b:s18+s2], $0x400, s3, s2, $0x200038;
	[tilespmem:$0x11000] =	vst v63  }
0x1f: {  	s20 =	simm.s32 $0x1000;
	s19 =	rddreg [dreg:$0x17]  }
0x20: {  	[tilespmem:s20], [sflag:$0x3] =	stream.strided.gather [hbm4b:s19+s2], $0x400, s3, s2, $0x200038;
	[tilespmem:$0x11000] =	vst v63  }
0x21: {  	s22 =	simm.s32 $0x1400;
	s21 =	rddreg [dreg:$0x18]  }
0x22: {  	[tilespmem:s22], [sflag:$0x3] =	stream.strided.gather [hbm4b:s21+s2], $0x400, s3, s2, $0x200038;
	[tilespmem:$0x11000] =	vst v63  }
0x23: {  	s24 =	simm.s32 $0x1800;
	s23 =	rddreg [dreg:$0x19]  }
0x24: {  	[tilespmem:s24], [sflag:$0x3] =	stream.strided.gather [hbm4b:s23+s2], $0x400, s3, s2, $0x200038;
	[tilespmem:$0x11000] =	vst v63  }
0x25: {  	s26 =	simm.s32 $0x1C00;
	s25 =	rddreg [dreg:$0x1a]  }
0x26: {  	[tilespmem:s26], [sflag:$0x3] =	stream.strided.gather [hbm4b:s25+s2], $0x400, s3, s2, $0x200038;
	[tilespmem:$0x11000] =	vst v63  }
0x27: {  	s29 =	simm.s32 $0x2000;
	s28 =	sadd.s32 $0x1D4C00, s1  }
0x28: {  	[tilespmem:s29], [sflag:$0x3] =	stream.strided.gather [hbm4b:s28+s2], $0x400, s3, s2, $0x200038;
	[tilespmem:$0x11000] =	vst v63  }
0x29: {  	s31 =	simm.s32 $0x2400;
	s30 =	sadd.s32 $0x222E00, s1  }
0x2a: {  	[tilespmem:s31], [sflag:$0x3] =	stream.strided.gather [hbm4b:s30+s2], $0x400, s3, s2, $0x200038;
	[tilespmem:$0x11000] =	vst v63  }
0x2b: {  	s9 =	simm.s32 $0x2800;
	s7 =	sadd.s32 $0x271000, s1  }
0x2c: {  	[tilespmem:s9], [sflag:$0x3] =	stream.strided.gather [hbm4b:s7+s2], $0x400, s3, s2, $0x200038;
	[tilespmem:$0x11000] =	vst v63  }
0x2d: {  	s11 =	simm.s32 $0x2C00;
	s10 =	sadd.s32 $0x2BF200, s1  }
0x2e: {  	[tilespmem:s11], [sflag:$0x3] =	stream.strided.gather [hbm4b:s10+s2], $0x400, s3, s2, $0x200038;
	[tilespmem:$0x11000] =	vst v63  }
0x2f: {  	s13 =	simm.s32 $0x3000;
	s12 =	sadd.s32 $0x30D400, s1  }
0x30: {  	[tilespmem:s13], [sflag:$0x3] =	stream.strided.gather [hbm4b:s12+s2], $0x400, s3, s2, $0x200038;
	[tilespmem:$0x11000] =	vst v63  }
0x31: {  	s15 =	simm.s32 $0x3400;
	s14 =	sadd.s32 $0x35B600, s1  }
0x32: {  	[tilespmem:s15], [sflag:$0x3] =	stream.strided.gather [hbm4b:s14+s2], $0x400, s3, s2, $0x200038;
	[tilespmem:$0x11000] =	vst v63  }
0x33: {  	s16 =	sadd.s32 $0x3A9800, s1;
	s17 =	simm.s32 $0x3800  }
0x34: {  	[tilespmem:s17], [sflag:$0x3] =	stream.strided.gather [hbm4b:s16+s2], $0x400, s3, s2, $0x200038;
	[tilespmem:$0x11000] =	vst v63  }
0x35: {  	s18 =	sadd.s32 $0x3F7A00, s1;
	s19 =	simm.s32 $0x3C00  }
0x36: {  	[tilespmem:s19], [sflag:$0x3] =	stream.strided.gather [hbm4b:s18+s2], $0x400, s3, s2, $0x200038;
	[tilespmem:$0x11000] =	vst v63  }
0x37: {  	s20 =	sadd.s32 $0x445C00, s1;
	s21 =	simm.s32 $0x4000  }
0x38: {  	[tilespmem:s21], [sflag:$0x3] =	stream.strided.gather [hbm4b:s20+s2], $0x400, s3, s2, $0x200038;
	[tilespmem:$0x11000] =	vst v63  }
0x39: {  	s22 =	sadd.s32 $0x493E00, s1;
	s23 =	simm.s32 $0x4400  }
0x3a: {  	[tilespmem:s23], [sflag:$0x3] =	stream.strided.gather [hbm4b:s22+s2], $0x400, s3, s2, $0x200038;
	[tilespmem:$0x11000] =	vst v63  }
0x3b: {  	s1 =	rddreg [dreg:$0x13];
	s24 =	simm.s32 $0x8800  }
0x3c: {  	[tilespmem:s24], [sflag:$0x5] =	stream.strided.gather [hbm4b:s1+s2], $0x400, s3, s2, $0x200038;
	[tilespmem:$0x11000] =	vst v63  }
0x3d: {  	s25 =	sadd.s32 $0x4E200, s1;
	s26 =	simm.s32 $0x8C00  }
0x3e: {  	[tilespmem:s26], [sflag:$0x5] =	stream.strided.gather [hbm4b:s25+s2], $0x400, s3, s2, $0x200038;
	[tilespmem:$0x11000] =	vst v63  }
0x3f: {  	s28 =	sadd.s32 $0x9C400, s1;
	s29 =	simm.s32 $0x9000  }
0x40: {  	[tilespmem:s29], [sflag:$0x5] =	stream.strided.gather [hbm4b:s28+s2], $0x400, s3, s2, $0x200038;
	[tilespmem:$0x11000] =	vst v63  }
0x41: {  	s6 =	sadd.s32 $0x138800, s1;
	s30 =	sadd.s32 $0xEA600, s1;
	s31 =	simm.s32 $0x9400  }
0x42: {  	[tilespmem:s31], [sflag:$0x5] =	stream.strided.gather [hbm4b:s30+s2], $0x400, s3, s2, $0x200038;
	[tilespmem:$0x11000] =	vst v63  }
0x43: {  	s7 =	simm.s32 $0x9800;
	s9 =	sadd.s32 $0x186A00, s1  }
0x44: {  	[tilespmem:s7], [sflag:$0x5] =	stream.strided.gather [hbm4b:s6+s2], $0x400, s3, s2, $0x200038;
	[tilespmem:$0x11000] =	vst v63  }
0x45: {  	s10 =	simm.s32 $0x9C00;
	s11 =	sadd.s32 $0x1D4C00, s1  }
0x46: {  	[tilespmem:s10], [sflag:$0x5] =	stream.strided.gather [hbm4b:s9+s2], $0x400, s3, s2, $0x200038;
	[tilespmem:$0x11000] =	vst v63  }
0x47: {  	s12 =	simm.s32 $0xA000;
	s13 =	sadd.s32 $0x222E00, s1  }
0x48: {  	[tilespmem:s12], [sflag:$0x5] =	stream.strided.gather [hbm4b:s11+s2], $0x400, s3, s2, $0x200038;
	[tilespmem:$0x11000] =	vst v63  }
0x49: {  	s14 =	simm.s32 $0xA400;
	s15 =	sadd.s32 $0x271000, s1;
	s16 =	simm.s32 $0xA800  }
0x4a: {  	[tilespmem:s14], [sflag:$0x5] =	stream.strided.gather [hbm4b:s13+s2], $0x400, s3, s2, $0x200038;
	[tilespmem:$0x11000] =	vst v63  }
0x4b: {  	s17 =	sadd.s32 $0x2BF200, s1;
	s19 =	sadd.s32 $0x30D400, s1  }
0x4c: {  	[tilespmem:s16], [sflag:$0x5] =	stream.strided.gather [hbm4b:s15+s2], $0x400, s3, s2, $0x200038;
	[tilespmem:$0x11000] =	vst v63  }
0x4d: {  	s18 =	simm.s32 $0xAC00;
	s20 =	simm.s32 $0xB000;
	s21 =	sadd.s32 $0x35B600, s1  }
0x4e: {  	[tilespmem:s18], [sflag:$0x5] =	stream.strided.gather [hbm4b:s17+s2], $0x400, s3, s2, $0x200038;
	[tilespmem:$0x11000] =	vst v63  }
0x4f: {  	s22 =	simm.s32 $0xB400;
	s23 =	sadd.s32 $0x3A9800, s1;
	s24 =	simm.s32 $0xB800  }
0x50: {  	[tilespmem:s20], [sflag:$0x5] =	stream.strided.gather [hbm4b:s19+s2], $0x400, s3, s2, $0x200038;
	[tilespmem:$0x11000] =	vst v63  }
0x51: {  	s25 =	sadd.s32 $0x3F7A00, s1;
	s28 =	sadd.s32 $0x445C00, s1  }
0x52: {  	[tilespmem:s22], [sflag:$0x5] =	stream.strided.gather [hbm4b:s21+s2], $0x400, s3, s2, $0x200038;
	[tilespmem:$0x11000] =	vst v63  }
0x53: {  	s26 =	simm.s32 $0xBC00;
	s29 =	simm.s32 $0xC000;
	s30 =	sadd.s32 $0x493E00, s1  }
0x54: {  	[tilespmem:s24], [sflag:$0x5] =	stream.strided.gather [hbm4b:s23+s2], $0x400, s3, s2, $0x200038;
	[tilespmem:$0x11000] =	vst v63  }
0x55: {  	s31 =	simm.s32 $0xC400;
	s6 =	simm.s32 $0x0;
	s9 =	simm.s32 $0x0  }
0x56: {  	[tilespmem:s26], [sflag:$0x5] =	stream.strided.gather [hbm4b:s25+s2], $0x400, s3, s2, $0x200038;
	[tilespmem:$0x11000] =	vst v63  }
0x57: {  	s10 =	simm.s32 $0x0;
	s11 =	simm.s32 $0x1;
	s12 =	simm.s32 $0x0  }
0x58: {  	[tilespmem:s29], [sflag:$0x5] =	stream.strided.gather [hbm4b:s28+s2], $0x400, s3, s2, $0x200038;
	[tilespmem:$0x11000] =	vst v63  }
0x59: {  	s13 =	simm.s32 $0x1;
	s14 =	simm.s32 $0x0;
	s16 =	simm.s32 $0x0  }
0x5a: {  	[tilespmem:s31], [sflag:$0x5] =	stream.strided.gather [hbm4b:s30+s2], $0x400, s3, s2, $0x200038;
	[tilespmem:$0x11000] =	vst v63  }
0x5b: {  	s15 =	simm.s32 $0x1;
	s3 =	simm.s32 $0x0;
	_ =	strace $0x90000048  }
.LBB2_2:
0x5c: {  	s0 =	sadd.s32 $0x1, s16  }
0x5d: {  	p0 =	seq.s32 s0, s4  }
0x5e: {  	s0 =	simm.s32 @p0 $0x0;
	p0 =	sge.u32 s6, s5  }
0x5f: {  	p1 =	seq.s32 @!p0 s16, s0  }
0x60: {  	p1 =	por p0, p1  }
.Ltmp0:
0x61: {  	_ = 	snop;
	(pc) =	sbr.rel @p1 .LBB2_3-.Ltmp0, $4  }
0x62: {  	[dreg:$0x1c] =	wrdreg s3  }
0x63: {  	[dreg:$0x1f] =	wrdreg s11  }
0x64: {  	[smem:$0x7FC] =	sst s6  }
0x65: {  	[smem:$0x7FD] =	sst s0  }
0x66: {  	s0 =	sadd.s32 s8, s0  }
0x67: {  	s1 =	sshll.u32 s0, $0xA;
	s0 =	sshll.u32 s0, $0x9  }
0x68: {  	_ =	strace $0x80000049;
	s1 =	sand.u32 $0xFFFFF800, s1;
	s0 =	sand.u32 $0x200, s0  }
0x69: {  	s4 =	sand.u32 $0x1, s15;
	s6 =	simm.s32 $0x200;
	s0 =	sor.u32 s0, s1  }
0x6a: {  	s7 =	simm.s32 $0x400;
	s3 =	rddreg [dreg:$0x0];
	s0 =	sshrl.u32 s0, $0x3  }
0x6b: {  	s2 =	sshll.u32 s4, $0xA;
	s1 =	sadd.s32 $0x1, s4;
	s3 =	sadd.s32 s3, s0  }
0x6c: {  	[tilespmem:s2], [sflag:s1] =	stream.strided.gather [hbm4b:s3+s6], $0x400, s7, s6, $0x200038;
	[tilespmem:$0x11000] =	vst v63  }
0x6d: {  	_ =	strace $0x90000049  }
0x6e: {  	s5 =	sand.u32 $0x1, s13;
	_ =	strace $0x8000004A  }
0x6f: {  	s2 =	sshll.u32 s5, $0xE;
	s4 =	rddreg [dreg:$0x1]  }
0x70: {  	s1 =	sadd.s32 $0x3, s5;
	s17 =	sor.u32 $0x800, s2;
	s4 =	sadd.s32 s4, s0  }
0x71: {  	[tilespmem:s17], [sflag:s1] =	stream.strided.gather [hbm4b:s4+s6], $0x400, s7, s6, $0x200038;
	[tilespmem:$0x11000] =	vst v63  }
0x72: {  	s5 =	sor.u32 $0xC00, s2;
	s18 =	sadd.s32 $0x4E200, s4  }
0x73: {  	[tilespmem:s5], [sflag:s1] =	stream.strided.gather [hbm4b:s18+s6], $0x400, s7, s6, $0x200038;
	[tilespmem:$0x11000] =	vst v63  }
0x74: {  	s20 =	sor.u32 $0x1000, s2;
	s19 =	sadd.s32 $0x9C400, s4  }
0x75: {  	[tilespmem:s20], [sflag:s1] =	stream.strided.gather [hbm4b:s19+s6], $0x400, s7, s6, $0x200038;
	[tilespmem:$0x11000] =	vst v63  }
0x76: {  	s22 =	sor.u32 $0x1400, s2;
	s21 =	sadd.s32 $0xEA600, s4  }
0x77: {  	[tilespmem:s22], [sflag:s1] =	stream.strided.gather [hbm4b:s21+s6], $0x400, s7, s6, $0x200038;
	[tilespmem:$0x11000] =	vst v63  }
0x78: {  	s24 =	sor.u32 $0x1800, s2;
	s23 =	sadd.s32 $0x138800, s4  }
0x79: {  	[tilespmem:s24], [sflag:s1] =	stream.strided.gather [hbm4b:s23+s6], $0x400, s7, s6, $0x200038;
	[tilespmem:$0x11000] =	vst v63  }
0x7a: {  	s26 =	sor.u32 $0x1C00, s2;
	s25 =	sadd.s32 $0x186A00, s4  }
0x7b: {  	[tilespmem:s26], [sflag:s1] =	stream.strided.gather [hbm4b:s25+s6], $0x400, s7, s6, $0x200038;
	[tilespmem:$0x11000] =	vst v63  }
0x7c: {  	s29 =	sor.u32 $0x2000, s2;
	s28 =	sadd.s32 $0x1D4C00, s4  }
0x7d: {  	[tilespmem:s29], [sflag:s1] =	stream.strided.gather [hbm4b:s28+s6], $0x400, s7, s6, $0x200038;
	[tilespmem:$0x11000] =	vst v63  }
0x7e: {  	s31 =	sor.u32 $0x2400, s2;
	s30 =	sadd.s32 $0x222E00, s4  }
0x7f: {  	[tilespmem:s31], [sflag:s1] =	stream.strided.gather [hbm4b:s30+s6], $0x400, s7, s6, $0x200038;
	[tilespmem:$0x11000] =	vst v63  }
0x80: {  	s17 =	sor.u32 $0x2800, s2;
	s5 =	sadd.s32 $0x271000, s4  }
0x81: {  	[tilespmem:s17], [sflag:s1] =	stream.strided.gather [hbm4b:s5+s6], $0x400, s7, s6, $0x200038;
	[tilespmem:$0x11000] =	vst v63  }
0x82: {  	s18 =	sadd.s32 $0x2BF200, s4;
	s19 =	sor.u32 $0x2C00, s2  }
0x83: {  	[tilespmem:s19], [sflag:s1] =	stream.strided.gather [hbm4b:s18+s6], $0x400, s7, s6, $0x200038;
	[tilespmem:$0x11000] =	vst v63  }
0x84: {  	s20 =	sadd.s32 $0x30D400, s4;
	s21 =	sor.u32 $0x3000, s2  }
0x85: {  	[tilespmem:s21], [sflag:s1] =	stream.strided.gather [hbm4b:s20+s6], $0x400, s7, s6, $0x200038;
	[tilespmem:$0x11000] =	vst v63  }
0x86: {  	s22 =	sadd.s32 $0x35B600, s4;
	s23 =	sor.u32 $0x3400, s2  }
0x87: {  	[tilespmem:s23], [sflag:s1] =	stream.strided.gather [hbm4b:s22+s6], $0x400, s7, s6, $0x200038;
	[tilespmem:$0x11000] =	vst v63  }
0x88: {  	s24 =	sadd.s32 $0x3A9800, s4;
	s25 =	sor.u32 $0x3800, s2  }
0x89: {  	[tilespmem:s25], [sflag:s1] =	stream.strided.gather [hbm4b:s24+s6], $0x400, s7, s6, $0x200038;
	[tilespmem:$0x11000] =	vst v63  }
0x8a: {  	s26 =	sadd.s32 $0x3F7A00, s4;
	s28 =	sor.u32 $0x3C00, s2  }
0x8b: {  	[tilespmem:s28], [sflag:s1] =	stream.strided.gather [hbm4b:s26+s6], $0x400, s7, s6, $0x200038;
	[tilespmem:$0x11000] =	vst v63  }
0x8c: {  	s29 =	sadd.s32 $0x445C00, s4;
	s30 =	sadd.s32 $0x4000, s2  }
0x8d: {  	[tilespmem:s30], [sflag:s1] =	stream.strided.gather [hbm4b:s29+s6], $0x400, s7, s6, $0x200038;
	[tilespmem:$0x11000] =	vst v63  }
0x8e: {  	s31 =	sadd.s32 $0x493E00, s4;
	s2 =	sadd.s32 $0x4400, s2  }
0x8f: {  	[tilespmem:s2], [sflag:s1] =	stream.strided.gather [hbm4b:s31+s6], $0x400, s7, s6, $0x200038;
	[tilespmem:$0x11000] =	vst v63  }
0x90: {  	_ =	strace $0x9000004A  }
0x91: {  	s4 =	sand.u32 $0x1, s11;
	_ =	strace $0x8000004B  }
0x92: {  	s2 =	sshll.u32 s4, $0xE;
	s11 =	rddreg [dreg:$0x2]  }
0x93: {  	s1 =	sadd.s32 $0x5, s4;
	s5 =	sor.u32 $0x8800, s2;
	s0 =	sadd.s32 s11, s0  }
0x94: {  	[tilespmem:s5], [sflag:s1] =	stream.strided.gather [hbm4b:s0+s6], $0x400, s7, s6, $0x200038;
	[tilespmem:$0x11000] =	vst v63  }
0x95: {  	s18 =	sor.u32 $0x8C00, s2;
	s17 =	sadd.s32 $0x4E200, s0  }
0x96: {  	[tilespmem:s18], [sflag:s1] =	stream.strided.gather [hbm4b:s17+s6], $0x400, s7, s6, $0x200038;
	[tilespmem:$0x11000] =	vst v63  }
0x97: {  	s20 =	sor.u32 $0x9000, s2;
	s19 =	sadd.s32 $0x9C400, s0  }
0x98: {  	[tilespmem:s20], [sflag:s1] =	stream.strided.gather [hbm4b:s19+s6], $0x400, s7, s6, $0x200038;
	[tilespmem:$0x11000] =	vst v63  }
0x99: {  	s22 =	sor.u32 $0x9400, s2;
	s21 =	sadd.s32 $0xEA600, s0  }
0x9a: {  	[tilespmem:s22], [sflag:s1] =	stream.strided.gather [hbm4b:s21+s6], $0x400, s7, s6, $0x200038;
	[tilespmem:$0x11000] =	vst v63  }
0x9b: {  	s24 =	sor.u32 $0x9800, s2;
	s23 =	sadd.s32 $0x138800, s0  }
0x9c: {  	[tilespmem:s24], [sflag:s1] =	stream.strided.gather [hbm4b:s23+s6], $0x400, s7, s6, $0x200038;
	[tilespmem:$0x11000] =	vst v63  }
0x9d: {  	s26 =	sor.u32 $0x9C00, s2;
	s25 =	sadd.s32 $0x186A00, s0  }
0x9e: {  	[tilespmem:s26], [sflag:s1] =	stream.strided.gather [hbm4b:s25+s6], $0x400, s7, s6, $0x200038;
	[tilespmem:$0x11000] =	vst v63  }
0x9f: {  	s29 =	sor.u32 $0xA000, s2;
	s28 =	sadd.s32 $0x1D4C00, s0  }
0xa0: {  	[tilespmem:s29], [sflag:s1] =	stream.strided.gather [hbm4b:s28+s6], $0x400, s7, s6, $0x200038;
	[tilespmem:$0x11000] =	vst v63  }
0xa1: {  	s31 =	sor.u32 $0xA400, s2;
	s30 =	sadd.s32 $0x222E00, s0  }
0xa2: {  	[tilespmem:s31], [sflag:s1] =	stream.strided.gather [hbm4b:s30+s6], $0x400, s7, s6, $0x200038;
	[tilespmem:$0x11000] =	vst v63  }
0xa3: {  	s4 =	sadd.s32 $0x271000, s0;
	s5 =	sor.u32 $0xA800, s2;
	s11 =	sadd.s32 $0x2BF200, s0  }
0xa4: {  	[tilespmem:s5], [sflag:s1] =	stream.strided.gather [hbm4b:s4+s6], $0x400, s7, s6, $0x200038;
	[tilespmem:$0x11000] =	vst v63  }
0xa5: {  	s17 =	sor.u32 $0xAC00, s2;
	s18 =	sadd.s32 $0x30D400, s0  }
0xa6: {  	[tilespmem:s17], [sflag:s1] =	stream.strided.gather [hbm4b:s11+s6], $0x400, s7, s6, $0x200038;
	[tilespmem:$0x11000] =	vst v63  }
0xa7: {  	s19 =	sor.u32 $0xB000, s2;
	s20 =	sadd.s32 $0x35B600, s0;
	s21 =	sor.u32 $0xB400, s2  }
0xa8: {  	[tilespmem:s19], [sflag:s1] =	stream.strided.gather [hbm4b:s18+s6], $0x400, s7, s6, $0x200038;
	[tilespmem:$0x11000] =	vst v63  }
0xa9: {  	s22 =	sadd.s32 $0x3A9800, s0;
	s24 =	sadd.s32 $0x3F7A00, s0  }
0xaa: {  	[tilespmem:s21], [sflag:s1] =	stream.strided.gather [hbm4b:s20+s6], $0x400, s7, s6, $0x200038;
	[tilespmem:$0x11000] =	vst v63  }
0xab: {  	s23 =	sor.u32 $0xB800, s2;
	s25 =	sor.u32 $0xBC00, s2;
	s26 =	sadd.s32 $0x445C00, s0  }
0xac: {  	[tilespmem:s23], [sflag:s1] =	stream.strided.gather [hbm4b:s22+s6], $0x400, s7, s6, $0x200038;
	[tilespmem:$0x11000] =	vst v63  }
0xad: {  	s0 =	sadd.s32 $0x493E00, s0;
	s28 =	sadd.s32 $0xC000, s2;
	s29 =	sadd.s32 $0x1, s15  }
0xae: {  	[tilespmem:s25], [sflag:s1] =	stream.strided.gather [hbm4b:s24+s6], $0x400, s7, s6, $0x200038;
	[tilespmem:$0x11000] =	vst v63  }
.Ltmp1:
0xaf: {  	[smem:$0x7FB] =	sst s29;
	s30 =	sadd.s32 $0x1, s13;
	(pc) =	sbr.rel .LBB2_5-.Ltmp1, $4  }
0xb0: {  	[tilespmem:s28], [sflag:s1] =	stream.strided.gather [hbm4b:s26+s6], $0x400, s7, s6, $0x200038;
	[tilespmem:$0x11000] =	vst v63  }
0xb1: {  	s2 =	sadd.s32 $0xC400, s2;
	s31 =	simm.s32 $0x1;
	[smem:$0x7F9] =	sst s30  }
0xb2: {  	[tilespmem:s2], [sflag:s1] =	stream.strided.gather [hbm4b:s0+s6], $0x400, s7, s6, $0x200038;
	[tilespmem:$0x11000] =	vst v63  }
0xb3: {  	_ =	strace $0x9000004B;
	[smem:$0x7FA] =	sst s31  }
.LBB2_3:
0xb4: {  	s13 =	smov.u32 @p0 s13  }
0xb5: {  	s0 =	simm.s32 $0x0;
	s15 =	smov.u32 @p0 s15;
	[smem:$0x7F9] =	sst s13  }
0xb6: {  	s0 =	simm.s32 @p0 $0x0;
	[smem:$0x7FB] =	sst s15  }
0xb7: {  	[smem:$0x7FA] =	sst s0  }
.LBB2_5:
0xb8: {  	s0 =	sand.u32 $0x1, s14  }
0xb9: {  	_ =	strace $0x8000004C;
	s0 =	sadd.s32 $0x1, s0  }
0xba: {  	_ =	swait.ge [sflag:s0], $0x400  }
0xbb: {  	[sflag:s0] =	ssyncset.done $0x0  }
0xbc: {  	[sflag:s0] =	ssyncadd.s32 $0xFFFFFC00  }
0xbd: {  	s28 =	sand.u32 $0x1, s12;
	_ =	strace $0x9000004C  }
0xbe: {  	s0 =	sadd.s32 $0x3, s28;
	_ =	strace $0x8000004D  }
0xbf: {  	_ =	swait.ge [sflag:s0], $0x4000  }
0xc0: {  	[sflag:s0] =	ssyncset.done $0x0  }
0xc1: {  	[sflag:s0] =	ssyncadd.s32 $0xFFFFC000  }
0xc2: {  	s29 =	sand.u32 $0x1, s10;
	_ =	strace $0x9000004D  }
0xc3: {  	s0 =	sadd.s32 $0x5, s29;
	_ =	strace $0x8000004E  }
0xc4: {  	_ =	swait.ge [sflag:s0], $0x4000  }
0xc5: {  	s1 =	sadd.s32 s8, s16;
	[sflag:s0] =	ssyncset.done $0x0;
	[smem:$0x7F3] =	sst s16  }
0xc6: {  	[smem:$0x7F4] =	sst s1;
	[sflag:s0] =	ssyncadd.s32 $0xFFFFC000  }
0xc7: {  	s3 =	sand.u32 $0x1, s9;
	_ =	strace $0x9000004E;
	[dreg:$0x1d] =	wrdreg s9  }
0xc8: {  	s30 =	sshll.u32 s14, $0xA;
	s2 =	sshll.u32 s10, $0xE;
	[smem:$0x7F5] =	sst s14  }
0xc9: {  	s31 =	sshll.u32 s12, $0xE;
	s2 =	sand.u32 $0x4000, s2;
	[smem:$0x7F6] =	sst s12  }
0xca: {  	s0 =	sand.u32 $0x400, s30;
	[smem:$0x7F7] =	sst s3;
	s3 =	sshll.u32 s3, $0xA  }
0xcb: {  	s1 =	sand.u32 $0x4000, s31;
	[dreg:$0x1e] =	wrdreg s10;
	v1 =	vmov s0;
	s3 =	sor.u32 $0x10800, s3  }
0xcc: {  	s2 =	sor.u32 $0x8800, s2;
	s1 =	sor.u32 $0x800, s1;
	_ =	strace $0x8000004F;
	[tilespmem:$0x1FFF0] =	vst v1;
	v0 =	vmov s3  }
0xcd: {  	v3 =	vmov s2;
	v2 =	vmov s1;
	s0 =	simm.s32 $0x0;
	[smem:$0x7F8] =	sst s3;
	[tilespmem:$0x1FFE0] =	vst v0  }
.LBB2_6:
0xce: {  	[smem:$0x7E6] =	sst s0;
	s30 =	sshll.u32 s0, $0x7  }
0xcf: {  	s2 =	simm.s32 $0x0;
	[dreg:$0x5] =	wrdreg s30  }
0xd0: {  	s1 =	simm.s32 $0x0;
	s2 =	sand.u32 $0x200, s2;
	s0 =	rddreg [dreg:$0x5]  }
0xd1: {  	s1 =	sand.u32 $0x60, s1;
	s0 =	sadd.s32 s0, s2  }
0xd2: {  	s26 =	sor.u32 s1, s0  }
0xd3: {  	v4 =	vld.idx.msk [tilespmem:v1+s26+$0x0 ss:$0x1], $0xffff;
	s28 =	sor.u32 $0x10, s26  }
0xd4: {  	v0 =	vld.idx.msk [tilespmem:v1+s28+$0x0 ss:$0x1], $0xffff  }
0xd5: {  	s25 =	sor.u32 $0x410, s26;
	v5 =	vld.idx.msk [tilespmem:v2+s28+$0x0 ss:$0x1], $0xffff;
	[smem:$0x7F2] =	sst s28  }
0xd6: {  	s24 =	sor.u32 $0x810, s26;
	v6 =	vld.idx.msk [tilespmem:v2+s25+$0x0 ss:$0x1], $0xffff  }
0xd7: {  	s23 =	sor.u32 $0xC10, s26;
	v7 =	vld.idx.msk [tilespmem:v2+s24+$0x0 ss:$0x1], $0xffff  }
0xd8: {  	s22 =	sor.u32 $0x1010, s26;
	v8 =	vld.idx.msk [tilespmem:v2+s23+$0x0 ss:$0x1], $0xffff  }
0xd9: {  	s21 =	sor.u32 $0x1410, s26;
	v9 =	vld.idx.msk [tilespmem:v2+s22+$0x0 ss:$0x1], $0xffff  }
0xda: {  	s20 =	sor.u32 $0x1810, s26;
	v10 =	vld.idx.msk [tilespmem:v2+s21+$0x0 ss:$0x1], $0xffff  }
0xdb: {  	s19 =	sor.u32 $0x1C10, s26;
	v11 =	vld.idx.msk [tilespmem:v2+s20+$0x0 ss:$0x1], $0xffff  }
0xdc: {  	s18 =	sor.u32 $0x2010, s26;
	v12 =	vld.idx.msk [tilespmem:v2+s19+$0x0 ss:$0x1], $0xffff  }
0xdd: {  	s16 =	sor.u32 $0x2410, s26;
	v13 =	vld.idx.msk [tilespmem:v2+s18+$0x0 ss:$0x1], $0xffff  }
0xde: {  	s15 =	sor.u32 $0x2810, s26;
	v14 =	vld.idx.msk [tilespmem:v2+s16+$0x0 ss:$0x1], $0xffff  }
0xdf: {  	s5 =	sor.u32 $0x3010, s26;
	v15 =	vld.idx.msk [tilespmem:v2+s15+$0x0 ss:$0x1], $0xffff;
	v5 =	vadd.f32 v5, v0;
	v16 =	vadd.f32 v6, v0  }
0xe0: {  	s0 =	sor.u32 $0x3410, s26;
	v17 =	vld.idx.msk [tilespmem:v2+s5+$0x0 ss:$0x1], $0xffff;
	v7 =	vadd.f32 v7, v0;
	v8 =	vadd.f32 v8, v0  }
0xe1: {  	s2 =	sor.u32 $0x3810, s26;
	v18 =	vld.idx.msk [tilespmem:v2+s0+$0x0 ss:$0x1], $0xffff;
	v9 =	vadd.f32 v9, v0;
	v10 =	vadd.f32 v10, v0  }
0xe2: {  	v19 =	vld.idx.msk [tilespmem:v2+s2+$0x0 ss:$0x1], $0xffff;
	v11 =	vadd.f32 v11, v0;
	v12 =	vadd.f32 v12, v0  }
0xe3: {  	v13 =	vadd.f32 v13, v0;
	v14 =	vadd.f32 v14, v0;
	v21 =	vmul.f32 $9.999999770e-03, v5  }
0xe4: {  	v15 =	vadd.f32 v15, v0;
	v22 =	vmul.f32 $9.999999770e-03, v16;
	v24 =	vmul.f32 $9.999999770e-03, v7  }
0xe5: {  	s4 =	sor.u32 $0x3C10, s26;
	v17 =	vadd.f32 v17, v0;
	v25 =	vmul.f32 $9.999999770e-03, v8;
	v27 =	vmul.f32 $9.999999770e-03, v9  }
0xe6: {  	s14 =	sor.u32 $0x2C10, s26;
	v20 =	vld.idx.msk [tilespmem:v2+s4+$0x0 ss:$0x1], $0xffff;
	v18 =	vadd.f32 v18, v0;
	v28 =	vmul.f32 $9.999999770e-03, v10;
	v29 =	vmul.f32 $9.999999770e-03, v11  }
0xe7: {  	s1 =	sor.u32 $0x400, s26;
	v6 =	vld.idx.msk [tilespmem:v2+s14+$0x0 ss:$0x1], $0xffff;
	v19 =	vadd.f32 v19, v0;
	v30 =	vmul.f32 $9.999999770e-03, v12;
	v31 =	vmul.f32 $9.999999770e-03, v13  }
0xe8: {  	v23 =	vld.idx.msk [tilespmem:v2+s1+$0x0 ss:$0x1], $0xffff;
	v32 =	vmul.f32 $9.999999770e-03, v14;
	v33 =	vmul.f32 $9.999999770e-03, v15;
	v5 =	vmax.f32 v5, v21  }
0xe9: {  	v21 =	vmul.f32 $9.999999770e-03, v19;
	v16 =	vmax.f32 v16, v22;
	v22 =	vmax.f32 v7, v24  }
0xea: {  	v24 =	vmax.f32 v8, v25;
	v9 =	vmax.f32 v9, v27;
	v10 =	vmax.f32 v10, v28  }
0xeb: {  	v11 =	vmax.f32 v11, v29;
	v12 =	vmax.f32 v12, v30;
	v13 =	vmax.f32 v13, v31  }
0xec: {  	s6 =	sor.u32 $0x800, s26;
	v14 =	vmax.f32 v14, v32;
	v15 =	vmax.f32 v15, v33;
	v26 =	vadd.f32 v6, v0  }
0xed: {  	s12 =	sor.u32 $0x1400, s26;
	v7 =	vld.idx.msk [tilespmem:v2+s6+$0x0 ss:$0x1], $0xffff;
	v0 =	vadd.f32 v20, v0;
	v6 =	vadd.f32 v23, v4;
	v20 =	vmul.f32 $9.999999770e-03, v17  }
0xee: {  	v27 =	vld.idx.msk [tilespmem:v2+s12+$0x0 ss:$0x1], $0xffff;
	v23 =	vmul.f32 $9.999999770e-03, v18;
	v19 =	vmax.f32 v19, v21;
	v21 =	vmax.f32 v5, v16  }
0xef: {  	s7 =	sor.u32 $0xC00, s26;
	v28 =	vmax.f32 v11, v12;
	v34 =	vmul.f32 $9.999999770e-03, v26;
	v35 =	vmul.f32 $9.999999770e-03, v0  }
0xf0: {  	s13 =	sor.u32 $0x1800, s26;
	v8 =	vld.idx.msk [tilespmem:v2+s7+$0x0 ss:$0x1], $0xffff;
	v17 =	vmax.f32 v17, v20;
	v18 =	vmax.f32 v18, v23;
	v23 =	vmax.f32 v22, v24  }
0xf1: {  	s10 =	sor.u32 $0x1000, s26;
	v31 =	vld.idx.msk [tilespmem:v2+s13+$0x0 ss:$0x1], $0xffff;
	v29 =	vmax.f32 v13, v14;
	v55 =	vmax.f32 v17, v18;
	v21 =	vmax.f32 v21, v23  }
0xf2: {  	s8 =	sor.u32 $0x1C00, s26;
	v20 =	vld.idx.msk [tilespmem:v2+s10+$0x0 ss:$0x1], $0xffff;
	v25 =	vmax.f32 v26, v34;
	v0 =	vmax.f32 v0, v35;
	v26 =	vmax.f32 v9, v10  }
0xf3: {  	v23 =	vld.idx.msk [tilespmem:v2+s8+$0x0 ss:$0x1], $0xffff;
	v57 =	vadd.f32 v7, v4;
	v27 =	vadd.f32 v27, v4;
	v30 =	vmax.f32 v15, v25  }
0xf4: {  	v56 =	vmax.f32 v19, v0;
	v26 =	vmax.f32 v26, v28;
	v28 =	vmax.f32 v29, v30  }
0xf5: {  	v29 =	vmax.f32 v55, v56;
	v7 =	vmax.f32 v21, v26;
	v26 =	vadd.f32 v8, v4  }
0xf6: {  	v8 =	vadd.f32 v31, v4;
	v36 =	vmul.f32 $9.999999770e-03, v27;
	v21 =	vmax.f32 v28, v29  }
0xf7: {  	v20 =	vadd.f32 v20, v4;
	v28 =	vmul.f32 $9.999999770e-03, v6;
	v21 =	vmax.f32 v7, v21  }
0xf8: {  	v29 =	vmul.f32 $9.999999770e-03, v57;
	v7 =	vadd.f32 v23, v4;
	v5 =	vsub.f32 v5, v21  }
0xf9: {  	v58 =	vmul.f32 $9.999999770e-03, v26;
	v60 =	vmul.f32 $9.999999770e-03, v8;
	v16 =	vsub.f32 v16, v21  }
0xfa: {  	v27 =	vmax.f32 v27, v36;
	v22 =	vsub.f32 v22, v21;
	v23 =	vmul.f32 $1.442695020e+00, v5  }
0xfb: {  	v24 =	vsub.f32 v24, v21;
	v9 =	vsub.f32 v9, v21;
	v16 =	vmul.f32 $1.442695020e+00, v16  }
0xfc: {  	v10 =	vsub.f32 v10, v21;
	v22 =	vmul.f32 $1.442695020e+00, v22;
	(erf) = vpow2.f32 v23  }
0xfd: {  	s3 =	sor.u32 $0x2000, s26;
	v11 =	vsub.f32 v11, v21;
	v23 =	vmul.f32 $1.442695020e+00, v24;
	(erf) = vpow2.f32 v16  }
0xfe: {  	s17 =	sor.u32 $0x2400, s26;
	v30 =	vld.idx.msk [tilespmem:v2+s3+$0x0 ss:$0x1], $0xffff;
	v12 =	vsub.f32 v12, v21;
	v9 =	vmul.f32 $1.442695020e+00, v9;
	(erf) = vpow2.f32 v22  }
0xff: {  	s11 =	sor.u32 $0x2800, s26;
	v13 =	vsub.f32 v13, v21;
	v10 =	vmul.f32 $1.442695020e+00, v10;
	v16 =	vld.idx.msk [tilespmem:v2+s17+$0x0 ss:$0x1], $0xffff;
	(erf) = vpow2.f32 v23  }
0x100: {  	s9 =	sor.u32 $0x2C00, s26;
	s29 =	sor.u32 $0x3000, s26;
	v14 =	vsub.f32 v14, v21;
	v11 =	vmul.f32 $1.442695020e+00, v11;
	(erf) = vpow2.f32 v9;
	v9 =	vld.idx.msk [tilespmem:v2+s11+$0x0 ss:$0x1], $0xffff  }
0x101: {  	s31 =	sor.u32 $0x3400, s26;
	v15 =	vsub.f32 v15, v21;
	v12 =	vmul.f32 $1.442695020e+00, v12;
	(erf) = vpow2.f32 v10;
	v10 =	vld.idx.msk [tilespmem:v2+s9+$0x0 ss:$0x1], $0xffff;
	[smem:$0x7E7] =	sst s29  }
0x102: {  	s30 =	sor.u32 $0x3800, s26;
	v17 =	vsub.f32 v17, v21;
	v13 =	vmul.f32 $1.442695020e+00, v13;
	(erf) = vpow2.f32 v11;
	v11 =	vld.idx.msk [tilespmem:v2+s29+$0x0 ss:$0x1], $0xffff;
	[smem:$0x7E8] =	sst s31  }
0x103: {  	v18 =	vsub.f32 v18, v21;
	v14 =	vmul.f32 $1.442695020e+00, v14;
	(erf) = vpow2.f32 v12;
	v12 =	vld.idx.msk [tilespmem:v2+s31+$0x0 ss:$0x1], $0xffff;
	[smem:$0x7E9] =	sst s30;
	s31 =	sor.u32 $0x3C00, s26  }
0x104: {  	v19 =	vsub.f32 v19, v21;
	v0 =	vsub.f32 v0, v21;
	(erf) = vpow2.f32 v13;
	v13 =	vld.idx.msk [tilespmem:v2+s30+$0x0 ss:$0x1], $0xffff;
	[smem:$0x7EA] =	sst s31  }
0x105: {  	v6 =	vmax.f32 v6, v28;
	v28 =	vmul.f32 $9.999999770e-03, v20;
	v23 =	vpop (erf);
	(erf) = vpow2.f32 v14;
	v14 =	vld.idx.msk [tilespmem:v2+s31+$0x0 ss:$0x1], $0xffff  }
0x106: {  	v29 =	vmax.f32 v57, v29;
	v39 =	vmul.f32 $9.999999770e-03, v7;
	v22 =	vsub.f32 v25, v21;
	v59 =	vld.idx.msk [tilespmem:v3+s21+$0x0 ss:$0x1], $0xffff  }
0x107: {  	v26 =	vmax.f32 v26, v58;
	v15 =	vmul.f32 $1.442695020e+00, v15;
	v17 =	vmul.f32 $1.442695020e+00, v17;
	v38 =	vld.idx.msk [tilespmem:v3+s20+$0x0 ss:$0x1], $0xffff  }
0x108: {  	v32 =	vmax.f32 v8, v60;
	v18 =	vmul.f32 $1.442695020e+00, v18;
	v22 =	vmul.f32 $1.442695020e+00, v22;
	v41 =	vld.idx.msk [tilespmem:v3+s19+$0x0 ss:$0x1], $0xffff  }
0x109: {  	v5 =	vadd.f32 v30, v4;
	v19 =	vmul.f32 $1.442695020e+00, v19;
	v44 =	vld.idx.msk [tilespmem:v3+s18+$0x0 ss:$0x1], $0xffff;
	v24 =	vpop (erf);
	(erf) = vpow2.f32 v15  }
0x10a: {  	v0 =	vmul.f32 $1.442695020e+00, v0;
	v16 =	vadd.f32 v16, v4;
	v15 =	vld.idx.msk [tilespmem:v2+s26+$0x0 ss:$0x1], $0xffff;
	v21 =	vpop (erf);
	(erf) = vpow2.f32 v22  }
0x10b: {  	v20 =	vmax.f32 v20, v28;
	v61 =	vmul.f32 $9.999999770e-03, v5;
	v22 =	vld.idx.msk [tilespmem:v3+s25+$0x0 ss:$0x1], $0xffff;
	v25 =	vpop (erf);
	(erf) = vpow2.f32 v17  }
0x10c: {  	v42 =	vmul.f32 $9.999999770e-03, v16;
	v9 =	vadd.f32 v9, v4;
	v17 =	vld.idx.msk [tilespmem:v3+s24+$0x0 ss:$0x1], $0xffff;
	v30 =	vpop (erf);
	(erf) = vpow2.f32 v18  }
0x10d: {  	v10 =	vadd.f32 v10, v4;
	v11 =	vadd.f32 v11, v4;
	v18 =	vld.idx.msk [tilespmem:v3+s23+$0x0 ss:$0x1], $0xffff;
	v31 =	vpop (erf);
	(erf) = vpow2.f32 v19  }
0x10e: {  	v47 =	vld.idx.msk [tilespmem:v3+s16+$0x0 ss:$0x1], $0xffff;
	v12 =	vadd.f32 v12, v4;
	v13 =	vadd.f32 v13, v4;
	v33 =	vpop (erf);
	(erf) = vpow2.f32 v0  }
0x10f: {  	v7 =	vmax.f32 v7, v39;
	v19 =	vld.idx.msk [tilespmem:v3+s22+$0x0 ss:$0x1], $0xffff;
	v15 =	vadd.f32 v15, v4;
	v4 =	vadd.f32 v14, v4;
	v14 =	vpop (erf)  }
0x110: {  	v5 =	vmax.f32 v5, v61;
	v16 =	vmax.f32 v16, v42;
	v0 =	vld.idx.msk [tilespmem:v3+s28+$0x0 ss:$0x1], $0xffff;
	v22 =	vmul.f32 v24, v22;
	v37 =	vpop (erf)  }
0x111: {  	v17 =	vmul.f32 v21, v17;
	v50 =	vadd.f32 v14, v33;
	v33 =	vmul.f32 v33, v38;
	v40 =	vpop (erf)  }
0x112: {  	v21 =	vadd.f32 v25, v21;
	v14 =	vmul.f32 v14, v41;
	v18 =	vmul.f32 v25, v18;
	v43 =	vpop (erf)  }
0x113: {  	v25 =	vadd.f32 v31, v30;
	v31 =	vmul.f32 v31, v59;
	v8 =	vmul.f32 v37, v44;
	v46 =	vpop (erf)  }
0x114: {  	v19 =	vmul.f32 v30, v19;
	v30 =	vadd.f32 v40, v37;
	v47 =	vmul.f32 v47, v40;
	v62 =	vpop (erf)  }
0x115: {  	v48 =	vld.idx.msk [tilespmem:v3+s15+$0x0 ss:$0x1], $0xffff;
	v14 =	vadd.f32 v14, v33;
	v0 =	vmul.f32 v23, v0;
	v23 =	vadd.f32 v24, v23;
	v24 =	vpop (erf)  }
0x116: {  	v52 =	vld.idx.msk [tilespmem:v3+s5+$0x0 ss:$0x1], $0xffff;
	v28 =	vmul.f32 $9.999999770e-03, v9;
	v17 =	vadd.f32 v18, v17;
	v53 =	vadd.f32 v46, v43;
	v51 =	vpop (erf)  }
0x117: {  	v49 =	vld.idx.msk [tilespmem:v3+s14+$0x0 ss:$0x1], $0xffff;
	v45 =	vmul.f32 $9.999999770e-03, v10;
	v18 =	vadd.f32 v31, v19;
	v8 =	vadd.f32 v47, v8;
	v54 =	vpop (erf)  }
0x118: {  	v55 =	vld.idx.msk [tilespmem:v3+s0+$0x0 ss:$0x1], $0xffff;
	v9 =	vmax.f32 v9, v28;
	v63 =	vadd.f32 v24, v62;
	v56 =	vadd.f32 v54, v51  }
0x119: {  	v57 =	vld.idx.msk [tilespmem:v3+s2+$0x0 ss:$0x1], $0xffff;
	v10 =	vmax.f32 v10, v45;
	v21 =	vadd.f32 v21, v23;
	v23 =	vadd.f32 v50, v25  }
0x11a: {  	v19 =	vmul.f32 $9.999999770e-03, v11;
	v25 =	vld.idx.msk [tilespmem:v3+s4+$0x0 ss:$0x1], $0xffff;
	v30 =	vadd.f32 v53, v30;
	v35 =	vadd.f32 v56, v63  }
0x11b: {  	v50 =	vmul.f32 v48, v43;
	v52 =	vmul.f32 v52, v62;
	v0 =	vadd.f32 v22, v0  }
0x11c: {  	v22 =	vmul.f32 $9.999999770e-03, v12;
	v21 =	vadd.f32 v23, v21;
	v23 =	vadd.f32 v35, v30  }
0x11d: {  	v24 =	vmul.f32 v55, v24;
	v14 =	vadd.f32 v14, v18;
	v11 =	vmax.f32 v11, v19  }
0x11e: {  	v19 =	vmax.f32 v32, v7;
	v53 =	vmul.f32 v57, v51;
	v21 =	vadd.f32 v23, v21  }
0x11f: {  	v0 =	vadd.f32 v17, v0;
	v30 =	vmul.f32 v49, v46;
	v23 =	vmul.f32 v25, v54  }
0x120: {  	v17 =	vmul.f32 $9.999999770e-03, v4;
	v24 =	vadd.f32 v24, v52;
	(erf) = vrcp.f32 v21  }
0x121: {  	v12 =	vmax.f32 v12, v22;
	v21 =	vadd.f32 v30, v50;
	v23 =	vadd.f32 v23, v53  }
0x122: {  	v22 =	vmax.f32 v9, v10;
	v0 =	vadd.f32 v14, v0;
	v25 =	vmul.f32 $9.999999770e-03, v13  }
0x123: {  	v4 =	vmax.f32 v4, v17;
	v8 =	vadd.f32 v21, v8;
	v18 =	vadd.f32 v23, v24  }
0x124: {  	v17 =	vmax.f32 v20, v27;
	v13 =	vmax.f32 v13, v25;
	v21 =	vmul.f32 $9.999999770e-03, v15  }
0x125: {  	v23 =	vmax.f32 v11, v12;
	v24 =	vmax.f32 v13, v4;
	v8 =	vadd.f32 v18, v8  }
0x126: {  	v17 =	vmax.f32 v17, v19;
	v19 =	vmax.f32 v23, v24;
	v14 =	vmax.f32 v15, v21  }
0x127: {  	v15 =	vmax.f32 v29, v26;
	v21 =	vmax.f32 v5, v16;
	v18 =	vmax.f32 v14, v6  }
0x128: {  	v15 =	vmax.f32 v18, v15;
	v18 =	vmax.f32 v21, v22;
	v0 =	vadd.f32 v8, v0  }
0x129: {  	v15 =	vmax.f32 v15, v17;
	v17 =	vmax.f32 v18, v19;
	v8 =	vpop (erf)  }
0x12a: {  	v15 =	vmax.f32 v15, v17;
	v0 =	vmul.f32 v0, v8  }
0x12b: {  	v14 =	vsub.f32 v14, v15;
	v6 =	vsub.f32 v6, v15  }
0x12c: {  	v17 =	vld.idx.msk [tilespmem:v3+s1+$0x0 ss:$0x1], $0xffff;
	v18 =	vsub.f32 v26, v15;
	v20 =	vsub.f32 v20, v15;
	[tilespmem:$0x1FFC0] =	vst v0  }
0x12d: {  	v21 =	vsub.f32 v27, v15;
	v23 =	vsub.f32 v32, v15;
	v19 =	vld.idx.msk [tilespmem:v3+s6+$0x0 ss:$0x1], $0xffff  }
0x12e: {  	v7 =	vsub.f32 v7, v15;
	v14 =	vmul.f32 $1.442695020e+00, v14;
	v6 =	vmul.f32 $1.442695020e+00, v6;
	v22 =	vld.idx.msk [tilespmem:v3+s7+$0x0 ss:$0x1], $0xffff  }
0x12f: {  	v18 =	vmul.f32 $1.442695020e+00, v18;
	v20 =	vmul.f32 $1.442695020e+00, v20;
	v0 =	vsub.f32 v29, v15;
	v24 =	vld.idx.msk [tilespmem:v3+s10+$0x0 ss:$0x1], $0xffff  }
0x130: {  	s22 =	simm.s32 $0x80;
	v5 =	vsub.f32 v5, v15;
	v21 =	vmul.f32 $1.442695020e+00, v21;
	v23 =	vmul.f32 $1.442695020e+00, v23;
	v25 =	vld.idx.msk [tilespmem:v3+s12+$0x0 ss:$0x1], $0xffff  }
0x131: {  	s21 =	rddreg [dreg:$0x5];
	s23 =	simm.s32 $0x20;
	s1 =	sand.u32 $0x200, s22;
	v16 =	vsub.f32 v16, v15;
	(erf) = vpow2.f32 v14;
	v14 =	vld.idx.msk [tilespmem:v3+s13+$0x0 ss:$0x1], $0xffff;
	v0 =	vmul.f32 $1.442695020e+00, v0  }
0x132: {  	s2 =	sand.u32 $0x60, s23;
	s0 =	sadd.s32 s21, s1;
	v11 =	vsub.f32 v11, v15;
	v7 =	vmul.f32 $1.442695020e+00, v7;
	v26 =	vld.idx.msk [tilespmem:v3+s8+$0x0 ss:$0x1], $0xffff;
	(erf) = vpow2.f32 v6  }
0x133: {  	v12 =	vsub.f32 v12, v15;
	v5 =	vmul.f32 $1.442695020e+00, v5;
	s13 =	sor.u32 s2, s0;
	(erf) = vpow2.f32 v0;
	v0 =	vld.idx.msk [tilespmem:v3+s3+$0x0 ss:$0x1], $0xffff;
	[dreg:$0x6] =	wrdreg s26  }
0x134: {  	v6 =	vsub.f32 v9, v15;
	v9 =	vsub.f32 v10, v15;
	s30 =	sor.u32 $0x10, s13;
	(erf) = vpow2.f32 v18;
	v10 =	vld.idx.msk [tilespmem:v3+s26+$0x0 ss:$0x1], $0xffff  }
0x135: {  	v13 =	vsub.f32 v13, v15;
	v16 =	vmul.f32 $1.442695020e+00, v16;
	v11 =	vmul.f32 $1.442695020e+00, v11;
	s23 =	sor.u32 $0x1010, s13;
	v18 =	vld.idx.msk [tilespmem:v1+s30+$0x0 ss:$0x1], $0xffff  }
0x136: {  	v12 =	vmul.f32 $1.442695020e+00, v12;
	s19 =	sor.u32 $0x1410, s13;
	v28 =	vld.idx.msk [tilespmem:v2+s23+$0x0 ss:$0x1], $0xffff;
	(erf) = vpow2.f32 v20  }
0x137: {  	v13 =	vmul.f32 $1.442695020e+00, v13;
	v29 =	vld.idx.msk [tilespmem:v2+s19+$0x0 ss:$0x1], $0xffff;
	(erf) = vpow2.f32 v21  }
0x138: {  	v4 =	vsub.f32 v4, v15;
	s8 =	sor.u32 $0x810, s13;
	v6 =	vmul.f32 $1.442695020e+00, v6;
	v20 =	vld.idx.msk [tilespmem:v2+s30+$0x0 ss:$0x1], $0xffff;
	(erf) = vpow2.f32 v23  }
0x139: {  	v9 =	vmul.f32 $1.442695020e+00, v9;
	v21 =	vld.idx.msk [tilespmem:v2+s8+$0x0 ss:$0x1], $0xffff;
	(erf) = vpow2.f32 v7  }
0x13a: {  	v23 =	vmul.f32 $1.442695020e+00, v4;
	(erf) = vpow2.f32 v5;
	v55 =	vpop (erf)  }
0x13b: {  	v28 =	vadd.f32 v28, v18;
	(erf) = vpow2.f32 v16;
	v10 =	vmul.f32 v55, v10;
	v7 =	vpop (erf)  }
0x13c: {  	s24 =	sor.u32 $0x410, s13;
	v29 =	vadd.f32 v29, v18;
	(erf) = vpow2.f32 v6;
	v16 =	vmul.f32 v7, v17;
	v17 =	vpop (erf)  }
0x13d: {  	s0 =	sor.u32 $0xC10, s13;
	v15 =	vld.idx.msk [tilespmem:v2+s24+$0x0 ss:$0x1], $0xffff;
	v20 =	vadd.f32 v20, v18;
	(erf) = vpow2.f32 v9;
	v56 =	vmul.f32 v17, v19;
	v9 =	vpop (erf)  }
0x13e: {  	s21 =	sor.u32 $0x1810, s13;
	v27 =	vld.idx.msk [tilespmem:v2+s0+$0x0 ss:$0x1], $0xffff;
	v21 =	vadd.f32 v21, v18;
	v48 =	vmul.f32 $9.999999770e-03, v28;
	v57 =	vmul.f32 v9, v22  }
0x13f: {  	s6 =	sor.u32 $0x1C10, s13;
	v30 =	vld.idx.msk [tilespmem:v2+s21+$0x0 ss:$0x1], $0xffff;
	v49 =	vmul.f32 $9.999999770e-03, v29;
	v62 =	vmul.f32 $9.999999770e-03, v20;
	v19 =	vadd.f32 v7, v55;
	[tilespmem:$0x1FEB0] =	vst v56  }
0x140: {  	s2 =	sor.u32 $0x2010, s13;
	(erf) = vpow2.f32 v11;
	v59 =	vadd.f32 v16, v10;
	v4 =	vmul.f32 $9.999999770e-03, v21;
	v31 =	vld.idx.msk [tilespmem:v2+s6+$0x0 ss:$0x1], $0xffff;
	[tilespmem:$0x1FEC0] =	vst v57  }
0x141: {  	s3 =	sor.u32 $0x2410, s13;
	v28 =	vmax.f32 v28, v48;
	v29 =	vmax.f32 v29, v49;
	v11 =	vpop (erf);
	(erf) = vpow2.f32 v12;
	v22 =	vld.idx.msk [tilespmem:v2+s2+$0x0 ss:$0x1], $0xffff  }
0x142: {  	s14 =	sor.u32 $0x2810, s13;
	v58 =	vadd.f32 v9, v17;
	v8 =	vmul.f32 v11, v24;
	v9 =	vpop (erf);
	(erf) = vpow2.f32 v13;
	v24 =	vld.idx.msk [tilespmem:v2+s3+$0x0 ss:$0x1], $0xffff;
	[tilespmem:$0x1FED0] =	vst v59  }
0x143: {  	s15 =	sor.u32 $0x2C10, s13;
	v20 =	vmax.f32 v20, v62;
	(erf) = vpow2.f32 v23;
	v23 =	vadd.f32 v15, v18;
	v60 =	vld.idx.msk [tilespmem:v2+s14+$0x0 ss:$0x1], $0xffff  }
0x144: {  	s26 =	sor.u32 $0x3010, s13;
	v13 =	vadd.f32 v9, v11;
	v15 =	vpop (erf);
	v9 =	vmul.f32 v9, v25;
	v25 =	vadd.f32 v27, v18;
	v61 =	vld.idx.msk [tilespmem:v2+s15+$0x0 ss:$0x1], $0xffff  }
0x145: {  	s4 =	sor.u32 $0x3410, s13;
	v21 =	vmax.f32 v21, v4;
	v16 =	vpop (erf);
	v10 =	vmul.f32 v15, v14;
	v27 =	vld.idx.msk [tilespmem:v2+s26+$0x0 ss:$0x1], $0xffff;
	v63 =	vmul.f32 $9.999999770e-03, v23  }
0x146: {  	v17 =	vpop (erf);
	v14 =	vld.idx.msk [tilespmem:v2+s4+$0x0 ss:$0x1], $0xffff;
	v11 =	vmul.f32 v16, v26;
	v26 =	vadd.f32 v30, v18;
	v5 =	vmul.f32 $9.999999770e-03, v25  }
0x147: {  	v15 =	vadd.f32 v16, v15;
	v12 =	vmul.f32 v17, v0;
	v23 =	vmax.f32 v23, v63  }
0x148: {  	s1 =	sor.u32 $0x3810, s13;
	v59 =	vmax.f32 v25, v5;
	v30 =	vadd.f32 v31, v18;
	v0 =	vadd.f32 v22, v18  }
0x149: {  	v31 =	vld.idx.msk [tilespmem:v2+s1+$0x0 ss:$0x1], $0xffff;
	v25 =	vmax.f32 v21, v59;
	v22 =	vadd.f32 v24, v18;
	v33 =	vadd.f32 v60, v18  }
0x14a: {  	s5 =	sor.u32 $0x3C10, s13;
	v34 =	vadd.f32 v61, v18;
	v50 =	vadd.f32 v27, v18;
	v27 =	vmul.f32 $9.999999770e-03, v26  }
0x14b: {  	v24 =	vld.idx.msk [tilespmem:v2+s5+$0x0 ss:$0x1], $0xffff;
	v51 =	vmul.f32 $9.999999770e-03, v30;
	v52 =	vadd.f32 v14, v18;
	v53 =	vmul.f32 $9.999999770e-03, v0  }
0x14c: {  	v14 =	vadd.f32 v58, v19;
	v54 =	vmul.f32 $9.999999770e-03, v22;
	v55 =	vmul.f32 $9.999999770e-03, v33  }
0x14d: {  	s28 =	sor.u32 $0x1000, s13;
	v56 =	vmul.f32 $9.999999770e-03, v34;
	v19 =	vmul.f32 $9.999999770e-03, v50;
	v60 =	vmax.f32 v26, v27  }
0x14e: {  	v5 =	vld.idx.msk [tilespmem:v2+s28+$0x0 ss:$0x1], $0xffff;
	v30 =	vmax.f32 v30, v51;
	v26 =	vmax.f32 v28, v29;
	v31 =	vadd.f32 v31, v18  }
0x14f: {  	s29 =	sor.u32 $0x1400, s13;
	v27 =	vld.idx.msk [tilespmem:v1+s13+$0x0 ss:$0x1], $0xffff;
	v0 =	vmax.f32 v0, v53;
	v61 =	vmax.f32 v22, v54;
	v48 =	vmax.f32 v60, v30  }
0x150: {  	s18 =	sor.u32 $0x400, s13;
	v51 =	vld.idx.msk [tilespmem:v2+s29+$0x0 ss:$0x1], $0xffff;
	v18 =	vadd.f32 v24, v18;
	v24 =	vmul.f32 $9.999999770e-03, v52;
	v33 =	vmax.f32 v33, v55  }
0x151: {  	s22 =	sor.u32 $0x800, s13;
	v22 =	vld.idx.msk [tilespmem:v2+s18+$0x0 ss:$0x1], $0xffff;
	v34 =	vmax.f32 v34, v56;
	v62 =	vmax.f32 v50, v19;
	v57 =	vmul.f32 $9.999999770e-03, v31  }
0x152: {  	s16 =	sor.u32 $0x1800, s13;
	v19 =	vld.idx.msk [tilespmem:v2+s22+$0x0 ss:$0x1], $0xffff;
	v58 =	vmul.f32 $9.999999770e-03, v18;
	v63 =	vmax.f32 v52, v24;
	v24 =	vmax.f32 v20, v23  }
0x153: {  	s7 =	sor.u32 $0xC00, s13;
	v49 =	vmax.f32 v0, v61;
	v26 =	vmax.f32 v26, v48;
	v24 =	vmax.f32 v24, v25;
	v25 =	vld.idx.msk [tilespmem:v2+s16+$0x0 ss:$0x1], $0xffff  }
0x154: {  	v50 =	vmax.f32 v33, v34;
	v31 =	vmax.f32 v31, v57;
	v4 =	vmax.f32 v18, v58;
	v18 =	vld.idx.msk [tilespmem:v2+s7+$0x0 ss:$0x1], $0xffff  }
0x155: {  	s12 =	sor.u32 $0x1C00, s13;
	v54 =	vmax.f32 v49, v50;
	v52 =	vmax.f32 v62, v63;
	v53 =	vmax.f32 v31, v4  }
0x156: {  	v35 =	vadd.f32 v5, v27;
	v43 =	vadd.f32 v22, v27;
	v22 =	vld.idx.msk [tilespmem:v2+s12+$0x0 ss:$0x1], $0xffff;
	v55 =	vmax.f32 v52, v53  }
0x157: {  	v44 =	vadd.f32 v51, v27;
	v24 =	vmax.f32 v24, v26;
	v26 =	vmax.f32 v54, v55  }
0x158: {  	v41 =	vadd.f32 v19, v27;
	v56 =	vmax.f32 v24, v26;
	v26 =	vadd.f32 v25, v27  }
0x159: {  	v46 =	vmul.f32 $9.999999770e-03, v43;
	v42 =	vadd.f32 v18, v27;
	v18 =	vsub.f32 v20, v56  }
0x15a: {  	v47 =	vmul.f32 $9.999999770e-03, v41;
	v19 =	vsub.f32 v23, v56;
	v20 =	vsub.f32 v21, v56  }
0x15b: {  	v25 =	vadd.f32 v22, v27;
	v21 =	vsub.f32 v59, v56;
	v18 =	vmul.f32 $1.442695020e+00, v18  }
0x15c: {  	v23 =	vsub.f32 v28, v56;
	v19 =	vmul.f32 $1.442695020e+00, v19;
	v20 =	vmul.f32 $1.442695020e+00, v20  }
0x15d: {  	(erf) = vpow2.f32 v18;
	v18 =	vmul.f32 $1.442695020e+00, v21;
	v21 =	vsub.f32 v29, v56  }
0x15e: {  	v28 =	vsub.f32 v60, v56;
	(erf) = vpow2.f32 v19;
	v19 =	vmul.f32 $1.442695020e+00, v23  }
0x15f: {  	s31 =	sor.u32 $0x2000, s13;
	s25 =	sor.u32 $0x2400, s13;
	v22 =	vpop (erf);
	v29 =	vld.idx.msk [tilespmem:v3+s24+$0x0 ss:$0x1], $0xffff;
	(erf) = vpow2.f32 v20;
	v20 =	vmul.f32 $1.442695020e+00, v21;
	v21 =	vsub.f32 v30, v56  }
0x160: {  	s20 =	sor.u32 $0x2800, s13;
	v0 =	vsub.f32 v0, v56;
	v28 =	vmul.f32 $1.442695020e+00, v28;
	v23 =	vpop (erf);
	v30 =	vld.idx.msk [tilespmem:v2+s31+$0x0 ss:$0x1], $0xffff;
	[smem:$0x7EB] =	sst s25;
	(erf) = vpow2.f32 v18  }
0x161: {  	v58 =	vsub.f32 v61, v56;
	s24 =	sor.u32 $0x2C00, s13;
	v24 =	vpop (erf);
	v57 =	vld.idx.msk [tilespmem:v2+s25+$0x0 ss:$0x1], $0xffff;
	[smem:$0x7EC] =	sst s20;
	(erf) = vpow2.f32 v19;
	v21 =	vmul.f32 $1.442695020e+00, v21  }
0x162: {  	v33 =	vsub.f32 v33, v56;
	v34 =	vsub.f32 v34, v56;
	s25 =	sor.u32 $0x3000, s13;
	v18 =	vpop (erf);
	v59 =	vld.idx.msk [tilespmem:v2+s20+$0x0 ss:$0x1], $0xffff;
	[smem:$0x7ED] =	sst s24;
	(erf) = vpow2.f32 v20  }
0x163: {  	v39 =	vsub.f32 v62, v56;
	v0 =	vmul.f32 $1.442695020e+00, v0;
	s20 =	sor.u32 $0x3400, s13;
	v19 =	vpop (erf);
	(erf) = vpow2.f32 v28;
	v28 =	vld.idx.msk [tilespmem:v2+s24+$0x0 ss:$0x1], $0xffff;
	[smem:$0x7EE] =	sst s25  }
0x164: {  	v40 =	vsub.f32 v63, v56;
	v37 =	vmul.f32 $1.442695020e+00, v58;
	v20 =	vpop (erf);
	s24 =	sor.u32 $0x3800, s13;
	(erf) = vpow2.f32 v21;
	v60 =	vld.idx.msk [tilespmem:v2+s25+$0x0 ss:$0x1], $0xffff;
	[smem:$0x7EF] =	sst s20  }
0x165: {  	v31 =	vsub.f32 v31, v56;
	v33 =	vmul.f32 $1.442695020e+00, v33;
	v21 =	vpop (erf);
	(erf) = vpow2.f32 v0;
	v0 =	vld.idx.msk [tilespmem:v2+s20+$0x0 ss:$0x1], $0xffff;
	[smem:$0x7F0] =	sst s24  }
0x166: {  	v32 =	vsub.f32 v4, v56;
	v34 =	vmul.f32 $1.442695020e+00, v34;
	v39 =	vmul.f32 $1.442695020e+00, v39;
	s25 =	sor.u32 $0x3C00, s13;
	v61 =	vld.idx.msk [tilespmem:v2+s24+$0x0 ss:$0x1], $0xffff  }
0x167: {  	v43 =	vmax.f32 v43, v46;
	v40 =	vmul.f32 $1.442695020e+00, v40;
	v31 =	vmul.f32 $1.442695020e+00, v31;
	v62 =	vld.idx.msk [tilespmem:v2+s13+$0x0 ss:$0x1], $0xffff;
	[smem:$0x7F1] =	sst s25  }
0x168: {  	v41 =	vmax.f32 v41, v47;
	v32 =	vmul.f32 $1.442695020e+00, v32;
	(erf) = vpow2.f32 v37;
	v63 =	vld.idx.msk [tilespmem:v2+s25+$0x0 ss:$0x1], $0xffff  }
0x169: {  	v17 =	vadd.f32 v22, v17;
	v5 =	vmul.f32 $9.999999770e-03, v42;
	v49 =	vpop (erf);
	(erf) = vpow2.f32 v33;
	v4 =	vld.idx.msk [tilespmem:v3+s23+$0x0 ss:$0x1], $0xffff  }
0x16a: {  	v58 =	vmul.f32 $9.999999770e-03, v44;
	v30 =	vadd.f32 v30, v27;
	v50 =	vpop (erf);
	v47 =	vld.idx.msk [tilespmem:v3+s6+$0x0 ss:$0x1], $0xffff;
	(erf) = vpow2.f32 v34  }
0x16b: {  	v36 =	vadd.f32 v57, v27;
	v38 =	vadd.f32 v59, v27;
	v45 =	vpop (erf);
	(erf) = vpow2.f32 v39;
	v39 =	vld.idx.msk [tilespmem:v3+s8+$0x0 ss:$0x1], $0xffff  }
0x16c: {  	v28 =	vadd.f32 v28, v27;
	v51 =	vpop (erf);
	v48 =	vadd.f32 v60, v27;
	v60 =	vld.idx.msk [tilespmem:v3+s21+$0x0 ss:$0x1], $0xffff;
	(erf) = vpow2.f32 v40  }
0x16d: {  	v52 =	vpop (erf);
	v40 =	vld.idx.msk [tilespmem:v3+s30+$0x0 ss:$0x1], $0xffff;
	v7 =	vadd.f32 v0, v27;
	(erf) = vpow2.f32 v31;
	v37 =	vadd.f32 v61, v27  }
0x16e: {  	v53 =	vpop (erf);
	v31 =	vld.idx.msk [tilespmem:v3+s0+$0x0 ss:$0x1], $0xffff;
	v33 =	vadd.f32 v62, v27;
	v34 =	vadd.f32 v63, v27;
	v27 =	vmul.f32 $9.999999770e-03, v35  }
0x16f: {  	v42 =	vmax.f32 v42, v5;
	v44 =	vmax.f32 v44, v58;
	v57 =	vld.idx.msk [tilespmem:v3+s19+$0x0 ss:$0x1], $0xffff;
	v29 =	vmul.f32 v50, v29;
	v54 =	vpop (erf)  }
0x170: {  	v6 =	vld.idx.msk [tilespmem:v3+s14+$0x0 ss:$0x1], $0xffff;
	(erf) = vpow2.f32 v32;
	v32 =	vmul.f32 v52, v4;
	v56 =	vpop (erf);
	v61 =	vmax.f32 v35, v27  }
0x171: {  	v59 =	vpop (erf);
	v27 =	vld.idx.msk [tilespmem:v3+s2+$0x0 ss:$0x1], $0xffff;
	v39 =	vmul.f32 v45, v39;
	v45 =	vadd.f32 v51, v45;
	v0 =	vadd.f32 v56, v54  }
0x172: {  	v54 =	vmul.f32 v54, v60;
	v60 =	vld.idx.msk [tilespmem:v3+s15+$0x0 ss:$0x1], $0xffff;
	v46 =	vpop (erf);
	v35 =	vmul.f32 v49, v40;
	v49 =	vadd.f32 v50, v49  }
0x173: {  	v47 =	vmul.f32 v56, v47;
	v55 =	vpop (erf);
	v31 =	vmul.f32 v51, v31;
	v51 =	vadd.f32 v53, v52  }
0x174: {  	v50 =	vld.idx.msk [tilespmem:v3+s3+$0x0 ss:$0x1], $0xffff;
	v52 =	vadd.f32 v46, v59;
	v53 =	vmul.f32 v53, v57;
	v40 =	vpop (erf);
	v45 =	vadd.f32 v45, v49  }
0x175: {  	v5 =	vld.idx.msk [tilespmem:v3+s4+$0x0 ss:$0x1], $0xffff;
	v6 =	vmul.f32 v6, v55;
	v29 =	vadd.f32 v29, v35;
	v57 =	vadd.f32 v40, v55  }
0x176: {  	v58 =	vpop (erf);
	v0 =	vadd.f32 v0, v51;
	v32 =	vadd.f32 v53, v32;
	v53 =	vmul.f32 $9.999999770e-03, v7  }
0x177: {  	v51 =	vld.idx.msk [tilespmem:v3+s26+$0x0 ss:$0x1], $0xffff;
	v31 =	vadd.f32 v31, v39;
	v63 =	vpop (erf);
	v59 =	vmul.f32 v59, v27;
	v40 =	vmul.f32 v60, v40  }
0x178: {  	v55 =	vld.idx.msk [tilespmem:v3+s5+$0x0 ss:$0x1], $0xffff;
	v60 =	vmul.f32 $9.999999770e-03, v28;
	v56 =	vadd.f32 v63, v58;
	v52 =	vadd.f32 v57, v52  }
0x179: {  	v4 =	vpop (erf);
	v46 =	vmul.f32 v50, v46;
	v50 =	vmul.f32 $9.999999770e-03, v26;
	v0 =	vadd.f32 v0, v45  }
0x17a: {  	v62 =	vld.idx.msk [tilespmem:v3+s17+$0x0 ss:$0x1], $0xffff;
	v45 =	vmul.f32 $9.999999770e-03, v36;
	v5 =	vmul.f32 v5, v63;
	v29 =	vadd.f32 v31, v29;
	v49 =	vpop (erf)  }
0x17b: {  	v57 =	vld.idx.msk [tilespmem:v3+s1+$0x0 ss:$0x1], $0xffff;
	v7 =	vmax.f32 v7, v53;
	v6 =	vadd.f32 v40, v6;
	v27 =	vadd.f32 v49, v4  }
0x17c: {  	v26 =	vmax.f32 v26, v50;
	v50 =	vmul.f32 $9.999999770e-03, v30;
	v46 =	vadd.f32 v46, v59  }
0x17d: {  	v36 =	vmax.f32 v36, v45;
	v51 =	vmul.f32 v51, v58;
	v49 =	vmul.f32 v55, v49  }
0x17e: {  	v55 =	vmul.f32 $9.999999770e-03, v34;
	v58 =	vmax.f32 v61, v44;
	v56 =	vadd.f32 v27, v56  }
0x17f: {  	v27 =	vmul.f32 v62, v22;
	v62 =	vmul.f32 $9.999999770e-03, v25;
	v6 =	vadd.f32 v6, v46  }
0x180: {  	v30 =	vmax.f32 v30, v50;
	v22 =	vadd.f32 v24, v23;
	v4 =	vmul.f32 v57, v4  }
0x181: {  	v5 =	vadd.f32 v5, v51;
	v57 =	vmul.f32 $9.999999770e-03, v33;
	v52 =	vadd.f32 v56, v52  }
0x182: {  	v56 =	vmul.f32 $9.999999770e-03, v38;
	v25 =	vmax.f32 v25, v62;
	v4 =	vadd.f32 v49, v4  }
0x183: {  	v59 =	vmax.f32 v26, v25;
	v0 =	vadd.f32 v52, v0;
	v52 =	vadd.f32 v47, v54  }
0x184: {  	v54 =	vmul.f32 $9.999999770e-03, v37;
	v38 =	vmax.f32 v38, v56;
	v4 =	vadd.f32 v4, v5  }
0x185: {  	v5 =	vmax.f32 v33, v57;
	(erf) = vrcp.f32 v0;
	v0 =	vmul.f32 $9.999999770e-03, v48  }
0x186: {  	v31 =	vadd.f32 v52, v32;
	v33 =	vmax.f32 v5, v43;
	v32 =	vmax.f32 v58, v59  }
0x187: {  	v4 =	vadd.f32 v4, v6;
	v6 =	vmax.f32 v28, v60;
	v28 =	vmax.f32 v37, v54  }
0x188: {  	v60 =	vmax.f32 v30, v36;
	v29 =	vadd.f32 v31, v29;
	v0 =	vmax.f32 v48, v0  }
0x189: {  	v31 =	vmax.f32 v34, v55;
	v62 =	vmax.f32 v38, v6;
	v40 =	vmax.f32 v0, v7  }
0x18a: {  	v48 =	vmax.f32 v28, v31;
	v4 =	vadd.f32 v4, v29;
	v29 =	vmax.f32 v41, v42  }
0x18b: {  	v50 =	vmax.f32 v60, v62;
	v51 =	vmax.f32 v40, v48;
	v29 =	vmax.f32 v33, v29  }
0x18c: {  	v8 =	vadd.f32 v9, v8;
	v52 =	vmax.f32 v50, v51;
	v29 =	vmax.f32 v29, v32  }
0x18d: {  	v13 =	vadd.f32 v15, v13;
	v15 =	vadd.f32 v22, v17;
	v29 =	vmax.f32 v29, v52  }
0x18e: {  	v49 =	vld.idx.msk [tilespmem:v3+s9+$0x0 ss:$0x1], $0xffff;
	v53 =	vsub.f32 v5, v29;
	v54 =	vsub.f32 v43, v29  }
0x18f: {  	v32 =	vsub.f32 v42, v29;
	v55 =	vsub.f32 v61, v29  }
0x190: {  	v63 =	vld.idx.msk [tilespmem:v3+s11+$0x0 ss:$0x1], $0xffff;
	v56 =	vsub.f32 v44, v29;
	v26 =	vsub.f32 v26, v29  }
0x191: {  	v25 =	vsub.f32 v25, v29;
	v30 =	vsub.f32 v30, v29;
	v16 =	vpop (erf)  }
0x192: {  	s17 =	sld [smem:$0x7E9];
	v36 =	vsub.f32 v36, v29;
	v28 =	vsub.f32 v28, v29;
	v4 =	vmul.f32 v4, v16  }
0x193: {  	s19 =	sld [smem:$0x7EA];
	v24 =	vmul.f32 v49, v24;
	v57 =	vsub.f32 v38, v29;
	v6 =	vsub.f32 v6, v29  }
0x194: {  	s14 =	sld [smem:$0x7E7];
	v0 =	vsub.f32 v0, v29;
	v7 =	vsub.f32 v7, v29;
	v22 =	vmul.f32 $1.442695020e+00, v28;
	v28 =	vld [tilespmem:$0x1FEC0];
	[tilespmem:$0x1FFD0] =	vst v4  }
0x195: {  	s15 =	sld [smem:$0x7E8];
	v16 =	vmul.f32 v63, v23;
	v23 =	vsub.f32 v41, v29;
	v29 =	vsub.f32 v31, v29;
	v31 =	vld.idx.msk [tilespmem:v3+s17+$0x0 ss:$0x1], $0xffff  }
0x196: {  	v60 =	vadd.f32 v19, v18;
	v5 =	vmul.f32 $1.442695020e+00, v54;
	v32 =	vmul.f32 $1.442695020e+00, v32;
	v61 =	vld.idx.msk [tilespmem:v3+s19+$0x0 ss:$0x1], $0xffff  }
0x197: {  	v62 =	vadd.f32 v21, v20;
	v33 =	vmul.f32 $1.442695020e+00, v55;
	v4 =	vmul.f32 $1.442695020e+00, v53;
	v58 =	vld.idx.msk [tilespmem:v3+s14+$0x0 ss:$0x1], $0xffff  }
0x198: {  	v9 =	vadd.f32 v11, v10;
	v34 =	vmul.f32 $1.442695020e+00, v56;
	v26 =	vmul.f32 $1.442695020e+00, v26;
	v59 =	vld.idx.msk [tilespmem:v3+s15+$0x0 ss:$0x1], $0xffff  }
0x199: {  	v42 =	vadd.f32 v62, v60;
	v25 =	vmul.f32 $1.442695020e+00, v25;
	v63 =	vld.idx.msk [tilespmem:v3+s18+$0x0 ss:$0x1], $0xffff;
	(erf) = vpow2.f32 v4  }
0x19a: {  	v8 =	vadd.f32 v9, v8;
	s20 =	rddreg [dreg:$0x5];
	s24 =	simm.s32 $0x100;
	v23 =	vmul.f32 $1.442695020e+00, v23;
	v35 =	vld.idx.msk [tilespmem:v3+s22+$0x0 ss:$0x1], $0xffff;
	(erf) = vpow2.f32 v5  }
0x19b: {  	s21 =	simm.s32 $0x100;
	[dreg:$0x8] =	wrdreg s24;
	v5 =	vadd.f32 v42, v15;
	v15 =	vmul.f32 v31, v20;
	v20 =	vld [tilespmem:$0x1FEB0];
	v21 =	vmul.f32 v61, v21  }
0x19c: {  	v13 =	vadd.f32 v13, v14;
	s23 =	simm.s32 $0x40;
	s25 =	sand.u32 $0x200, s21;
	s26 =	simm.s32 $0x40;
	v30 =	vmul.f32 $1.442695020e+00, v30;
	v36 =	vmul.f32 $1.442695020e+00, v36;
	v17 =	vld.idx.msk [tilespmem:v3+s7+$0x0 ss:$0x1], $0xffff  }
0x19d: {  	s0 =	sadd.s32 s20, s25;
	s3 =	sand.u32 $0x60, s23;
	v37 =	vmul.f32 $1.442695020e+00, v57;
	[dreg:$0x9] =	wrdreg s26;
	(erf) = vpow2.f32 v23;
	v15 =	vadd.f32 v21, v15;
	v21 =	vld [tilespmem:$0x1FED0]  }
0x19e: {  	s6 =	sor.u32 s3, s0;
	v12 =	vadd.f32 v27, v12;
	v23 =	vld.idx.msk [tilespmem:v3+s28+$0x0 ss:$0x1], $0xffff;
	[dreg:$0x7] =	wrdreg s13;
	v18 =	vmul.f32 v58, v18;
	v19 =	vmul.f32 v59, v19  }
0x19f: {  	s0 =	sor.u32 $0x410, s6;
	v6 =	vmul.f32 $1.442695020e+00, v6;
	v16 =	vadd.f32 v24, v16;
	(erf) = vpow2.f32 v32;
	v14 =	vld.idx.msk [tilespmem:v3+s13+$0x0 ss:$0x1], $0xffff  }
0x1a0: {  	s14 =	sor.u32 $0x1010, s6;
	v24 =	vld.idx.msk [tilespmem:v2+s0+$0x0 ss:$0x1], $0xffff;
	(erf) = vpow2.f32 v33;
	v18 =	vadd.f32 v19, v18;
	v20 =	vadd.f32 v28, v20  }
0x1a1: {  	v0 =	vmul.f32 $1.442695020e+00, v0;
	v12 =	vadd.f32 v16, v12;
	s13 =	sor.u32 $0x10, s6;
	v16 =	vld.idx.msk [tilespmem:v2+s14+$0x0 ss:$0x1], $0xffff;
	(erf) = vpow2.f32 v34  }
0x1a2: {  	s4 =	sor.u32 $0x810, s6;
	v10 =	vld.idx.msk [tilespmem:v2+s13+$0x0 ss:$0x1], $0xffff;
	(erf) = vpow2.f32 v26;
	v15 =	vadd.f32 v15, v18;
	v20 =	vadd.f32 v20, v21  }
0x1a3: {  	v7 =	vmul.f32 $1.442695020e+00, v7;
	v5 =	vadd.f32 v5, v13;
	v19 =	vld.idx.msk [tilespmem:v2+s4+$0x0 ss:$0x1], $0xffff;
	(erf) = vpow2.f32 v25  }
0x1a4: {  	s19 =	sor.u32 $0xC10, s6;
	(erf) = vpow2.f32 v30;
	v28 =	vld.idx.msk [tilespmem:v1+s13+$0x0 ss:$0x1], $0xffff;
	v9 =	vpop (erf);
	v12 =	vadd.f32 v15, v12;
	v44 =	vadd.f32 v8, v20  }
0x1a5: {  	v11 =	vmul.f32 $1.442695020e+00, v29;
	s15 =	sor.u32 $0x1810, s6;
	(erf) = vpow2.f32 v36;
	v18 =	vpop (erf);
	v21 =	vld.idx.msk [tilespmem:v2+s19+$0x0 ss:$0x1], $0xffff;
	[tilespmem:$0x1FF50] =	vst v5  }
0x1a6: {  	s10 =	sor.u32 $0x1C10, s6;
	v14 =	vmul.f32 v9, v14;
	v26 =	vmul.f32 v18, v63;
	v15 =	vld.idx.msk [tilespmem:v2+s15+$0x0 ss:$0x1], $0xffff;
	v20 =	vpop (erf);
	v45 =	vadd.f32 v12, v44  }
0x1a7: {  	s11 =	sor.u32 $0x1410, s6;
	(erf) = vpow2.f32 v37;
	v27 =	vld.idx.msk [tilespmem:v2+s10+$0x0 ss:$0x1], $0xffff;
	v4 =	vmul.f32 v20, v35  }
0x1a8: {  	v18 =	vadd.f32 v18, v9;
	(erf) = vpow2.f32 v6;
	v8 =	vld.idx.msk [tilespmem:v2+s11+$0x0 ss:$0x1], $0xffff;
	v46 =	vadd.f32 v26, v14;
	[tilespmem:$0x1FEF0] =	vst v45  }
0x1a9: {  	s21 =	sor.u32 $0x2010, s6;
	(erf) = vpow2.f32 v0;
	v19 =	vadd.f32 v19, v28;
	v16 =	vadd.f32 v16, v28;
	v25 =	vpop (erf);
	[tilespmem:$0x1FEE0] =	vst v4  }
0x1aa: {  	s23 =	sor.u32 $0x2410, s6;
	v24 =	vadd.f32 v24, v28;
	(erf) = vpow2.f32 v7;
	v47 =	vmul.f32 v25, v17;
	v12 =	vld.idx.msk [tilespmem:v2+s21+$0x0 ss:$0x1], $0xffff  }
0x1ab: {  	v21 =	vadd.f32 v21, v28;
	v31 =	vmul.f32 $9.999999770e-03, v19;
	v51 =	vmul.f32 $9.999999770e-03, v16;
	v29 =	vpop (erf);
	v0 =	vld.idx.msk [tilespmem:v2+s23+$0x0 ss:$0x1], $0xffff;
	[tilespmem:$0x1FF00] =	vst v46  }
0x1ac: {  	s25 =	sor.u32 $0x2810, s6;
	v20 =	vadd.f32 v25, v20;
	v17 =	vadd.f32 v10, v28;
	v48 =	vmul.f32 v29, v23;
	[tilespmem:$0x1FF10] =	vst v47  }
0x1ad: {  	s26 =	sor.u32 $0x2C10, s6;
	(erf) = vpow2.f32 v22;
	v15 =	vadd.f32 v15, v28;
	v25 =	vadd.f32 v27, v28;
	v14 =	vld.idx.msk [tilespmem:v2+s25+$0x0 ss:$0x1], $0xffff  }
0x1ae: {  	s8 =	sor.u32 $0x3010, s6;
	v8 =	vadd.f32 v8, v28;
	(erf) = vpow2.f32 v11;
	v49 =	vmul.f32 $9.999999770e-03, v21;
	v10 =	vld.idx.msk [tilespmem:v2+s26+$0x0 ss:$0x1], $0xffff;
	[tilespmem:$0x1FF20] =	vst v48  }
0x1af: {  	s7 =	sor.u32 $0x3410, s6;
	v30 =	vpop (erf);
	v19 =	vmax.f32 v19, v31;
	v16 =	vmax.f32 v16, v51;
	v27 =	vmul.f32 $9.999999770e-03, v17;
	v23 =	vld.idx.msk [tilespmem:v2+s8+$0x0 ss:$0x1], $0xffff  }
0x1b0: {  	s5 =	sor.u32 $0x3810, s6;
	v6 =	vadd.f32 v30, v29;
	v29 =	vmul.f32 $9.999999770e-03, v24;
	v53 =	vmul.f32 $9.999999770e-03, v15;
	v22 =	vld.idx.msk [tilespmem:v2+s7+$0x0 ss:$0x1], $0xffff  }
0x1b1: {  	s9 =	sor.u32 $0x3C10, s6;
	v54 =	vmul.f32 $9.999999770e-03, v25;
	v60 =	vadd.f32 v20, v18;
	v52 =	vmul.f32 $9.999999770e-03, v8;
	v11 =	vld.idx.msk [tilespmem:v2+s5+$0x0 ss:$0x1], $0xffff  }
0x1b2: {  	v26 =	vld.idx.msk [tilespmem:v2+s9+$0x0 ss:$0x1], $0xffff;
	v17 =	vmax.f32 v17, v27;
	v24 =	vmax.f32 v24, v29;
	v29 =	vmax.f32 v21, v49  }
0x1b3: {  	v15 =	vmax.f32 v15, v53;
	v12 =	vadd.f32 v12, v28;
	v0 =	vadd.f32 v0, v28  }
0x1b4: {  	v25 =	vmax.f32 v25, v54;
	v14 =	vadd.f32 v14, v28;
	v50 =	vadd.f32 v10, v28  }
0x1b5: {  	v23 =	vadd.f32 v23, v28;
	v55 =	vadd.f32 v22, v28;
	v56 =	vmul.f32 $9.999999770e-03, v12  }
0x1b6: {  	v57 =	vmul.f32 $9.999999770e-03, v0;
	v11 =	vadd.f32 v11, v28;
	v58 =	vmul.f32 $9.999999770e-03, v14  }
0x1b7: {  	v26 =	vadd.f32 v26, v28;
	v59 =	vmul.f32 $9.999999770e-03, v50;
	v18 =	vmul.f32 $9.999999770e-03, v23  }
0x1b8: {  	v8 =	vmax.f32 v8, v52;
	v20 =	vmul.f32 $9.999999770e-03, v55;
	v27 =	vmul.f32 $9.999999770e-03, v11  }
0x1b9: {  	[tilespmem:$0x1FF30] =	vst v60;
	v28 =	vmul.f32 $9.999999770e-03, v26;
	v12 =	vmax.f32 v12, v56;
	v0 =	vmax.f32 v0, v57  }
0x1ba: {  	v21 =	vld.idx.msk [tilespmem:v3+s29+$0x0 ss:$0x1], $0xffff;
	s29 =	sor.u32 $0x400, s6;
	v61 =	vmax.f32 v14, v58;
	v33 =	vmax.f32 v50, v59;
	v49 =	vmax.f32 v12, v0  }
0x1bb: {  	v31 =	vld.idx.msk [tilespmem:v2+s29+$0x0 ss:$0x1], $0xffff;
	v62 =	vmax.f32 v23, v18;
	v38 =	vmax.f32 v55, v20;
	v63 =	vmax.f32 v11, v27  }
0x1bc: {  	s24 =	sor.u32 $0x800, s6;
	v22 =	vld.idx.msk [tilespmem:v1+s6+$0x0 ss:$0x1], $0xffff;
	v28 =	vmax.f32 v26, v28;
	v18 =	vmax.f32 v17, v24;
	v20 =	vmax.f32 v19, v29  }
0x1bd: {  	v14 =	vld.idx.msk [tilespmem:v2+s24+$0x0 ss:$0x1], $0xffff;
	v23 =	vmax.f32 v16, v8;
	v27 =	vmax.f32 v15, v25;
	v50 =	vmax.f32 v61, v33  }
0x1be: {  	s18 =	sor.u32 $0x1400, s6;
	v52 =	vmax.f32 v62, v38;
	v53 =	vmax.f32 v63, v28;
	v18 =	vmax.f32 v18, v20  }
0x1bf: {  	s20 =	sor.u32 $0xC00, s6;
	v51 =	vld.idx.msk [tilespmem:v2+s18+$0x0 ss:$0x1], $0xffff;
	v23 =	vmax.f32 v23, v27;
	v27 =	vmax.f32 v49, v50;
	v54 =	vmax.f32 v52, v53  }
0x1c0: {  	v11 =	vld.idx.msk [tilespmem:v2+s20+$0x0 ss:$0x1], $0xffff;
	v18 =	vmax.f32 v18, v23;
	v23 =	vmax.f32 v27, v54  }
0x1c1: {  	v31 =	vadd.f32 v31, v22;
	v44 =	vmax.f32 v18, v23  }
0x1c2: {  	v42 =	vadd.f32 v14, v22;
	v14 =	vsub.f32 v17, v44  }
0x1c3: {  	v56 =	vmul.f32 v30, v21;
	v46 =	vmul.f32 $9.999999770e-03, v31;
	v24 =	vsub.f32 v24, v44  }
0x1c4: {  	s17 =	sor.u32 $0x1000, s6;
	v27 =	vsub.f32 v19, v44;
	v29 =	vsub.f32 v29, v44;
	v14 =	vmul.f32 $1.442695020e+00, v14  }
0x1c5: {  	s28 =	sor.u32 $0x1C00, s6;
	v4 =	vpop (erf);
	v26 =	vld.idx.msk [tilespmem:v2+s17+$0x0 ss:$0x1], $0xffff;
	v23 =	vadd.f32 v51, v22;
	v43 =	vadd.f32 v11, v22;
	v30 =	vmul.f32 $1.442695020e+00, v24  }
0x1c6: {  	s22 =	sor.u32 $0x1800, s6;
	v5 =	vpop (erf);
	v55 =	vld.idx.msk [tilespmem:v2+s28+$0x0 ss:$0x1], $0xffff;
	v16 =	vsub.f32 v16, v44;
	v57 =	vmul.f32 $1.442695020e+00, v27;
	(erf) = vpow2.f32 v14  }
0x1c7: {  	v7 =	vpop (erf);
	v20 =	vld.idx.msk [tilespmem:v2+s22+$0x0 ss:$0x1], $0xffff;
	[tilespmem:$0x1FF40] =	vst v56;
	v8 =	vsub.f32 v8, v44;
	v14 =	vmul.f32 $1.442695020e+00, v29;
	(erf) = vpow2.f32 v30  }
0x1c8: {  	v9 =	vld.idx.msk [tilespmem:v3+s16+$0x0 ss:$0x1], $0xffff;
	v15 =	vsub.f32 v15, v44;
	v16 =	vmul.f32 $1.442695020e+00, v16;
	v29 =	vpop (erf);
	(erf) = vpow2.f32 v57  }
0x1c9: {  	v10 =	vld.idx.msk [tilespmem:v3+s12+$0x0 ss:$0x1], $0xffff;
	v25 =	vsub.f32 v25, v44;
	v8 =	vmul.f32 $1.442695020e+00, v8;
	v30 =	vpop (erf);
	(erf) = vpow2.f32 v14  }
0x1ca: {  	s3 =	sor.u32 $0x2000, s6;
	v41 =	vld.idx.msk [tilespmem:v3+s4+$0x0 ss:$0x1], $0xffff;
	v59 =	vsub.f32 v12, v44;
	v15 =	vmul.f32 $1.442695020e+00, v15;
	v37 =	vpop (erf);
	(erf) = vpow2.f32 v16  }
0x1cb: {  	s2 =	sor.u32 $0x2400, s6;
	v58 =	vld.idx.msk [tilespmem:v2+s3+$0x0 ss:$0x1], $0xffff;
	v0 =	vsub.f32 v0, v44;
	v25 =	vmul.f32 $1.442695020e+00, v25;
	v14 =	vpop (erf);
	(erf) = vpow2.f32 v8  }
0x1cc: {  	v60 =	vld.idx.msk [tilespmem:v2+s2+$0x0 ss:$0x1], $0xffff;
	s12 =	sor.u32 $0x2C00, s6;
	v32 =	vsub.f32 v61, v44;
	v48 =	vmul.f32 $1.442695020e+00, v59;
	v16 =	vpop (erf);
	(erf) = vpow2.f32 v15  }
0x1cd: {  	v61 =	vld.idx.msk [tilespmem:v2+s12+$0x0 ss:$0x1], $0xffff;
	v33 =	vsub.f32 v33, v44;
	v0 =	vmul.f32 $1.442695020e+00, v0;
	v1 =	vpop (erf);
	(erf) = vpow2.f32 v25  }
0x1ce: {  	v34 =	vsub.f32 v62, v44;
	v24 =	vld.idx.msk [tilespmem:v3+s31+$0x0 ss:$0x1], $0xffff;
	v32 =	vmul.f32 $1.442695020e+00, v32;
	s31 =	sor.u32 $0x3400, s6;
	v15 =	vpop (erf);
	(erf) = vpow2.f32 v48  }
0x1cf: {  	s16 =	sor.u32 $0x3000, s6;
	v38 =	vsub.f32 v38, v44;
	v33 =	vmul.f32 $1.442695020e+00, v33;
	v62 =	vld.idx.msk [tilespmem:v2+s31+$0x0 ss:$0x1], $0xffff;
	v51 =	vpop (erf);
	(erf) = vpow2.f32 v0  }
0x1d0: {  	v39 =	vsub.f32 v63, v44;
	v34 =	vmul.f32 $1.442695020e+00, v34;
	v25 =	vld.idx.msk [tilespmem:v2+s16+$0x0 ss:$0x1], $0xffff;
	v52 =	vpop (erf);
	(erf) = vpow2.f32 v32  }
0x1d1: {  	s4 =	sor.u32 $0x2800, s6;
	v63 =	vld.idx.msk [tilespmem:v2+s6+$0x0 ss:$0x1], $0xffff;
	v28 =	vsub.f32 v28, v44;
	v38 =	vmul.f32 $1.442695020e+00, v38;
	v44 =	vpop (erf);
	(erf) = vpow2.f32 v33  }
0x1d2: {  	v36 =	vadd.f32 v55, v22;
	v39 =	vmul.f32 $1.442695020e+00, v39;
	v8 =	vld.idx.msk [tilespmem:v2+s4+$0x0 ss:$0x1], $0xffff;
	v53 =	vpop (erf);
	(erf) = vpow2.f32 v34  }
0x1d3: {  	v40 =	vld.idx.msk [tilespmem:v3+s0+$0x0 ss:$0x1], $0xffff;
	v47 =	vadd.f32 v58, v22;
	v28 =	vmul.f32 $1.442695020e+00, v28;
	v54 =	vpop (erf);
	(erf) = vpow2.f32 v38  }
0x1d4: {  	v55 =	vld.idx.msk [tilespmem:v3+s13+$0x0 ss:$0x1], $0xffff;
	v50 =	vadd.f32 v61, v22;
	v48 =	vadd.f32 v62, v22;
	v56 =	vpop (erf);
	(erf) = vpow2.f32 v39  }
0x1d5: {  	s1 =	sor.u32 $0x3800, s6;
	v61 =	vld.idx.msk [tilespmem:v3+s15+$0x0 ss:$0x1], $0xffff;
	v62 =	vmul.f32 $9.999999770e-03, v43;
	v58 =	vadd.f32 v25, v22;
	v25 =	vpop (erf);
	(erf) = vpow2.f32 v28  }
0x1d6: {  	v45 =	vadd.f32 v26, v22;
	v49 =	vadd.f32 v60, v22;
	v0 =	vld.idx.msk [tilespmem:v2+s1+$0x0 ss:$0x1], $0xffff;
	v38 =	vmul.f32 $9.999999770e-03, v42;
	v60 =	vpop (erf)  }
0x1d7: {  	v26 =	vadd.f32 v8, v22;
	v32 =	vadd.f32 v63, v22;
	v34 =	vld.idx.msk [tilespmem:v3+s19+$0x0 ss:$0x1], $0xffff;
	v63 =	vpop (erf)  }
0x1d8: {  	v57 =	vld.idx.msk [tilespmem:v3+s14+$0x0 ss:$0x1], $0xffff;
	v43 =	vmax.f32 v43, v62;
	v39 =	vmax.f32 v31, v46;
	v46 =	vmax.f32 v42, v38;
	v42 =	vpop (erf)  }
0x1d9: {  	v55 =	vmul.f32 v51, v55;
	v40 =	vmul.f32 v52, v40;
	v28 =	vld.idx.msk [tilespmem:v3+s11+$0x0 ss:$0x1], $0xffff;
	v8 =	vadd.f32 v56, v54;
	v62 =	vpop (erf)  }
0x1da: {  	v17 =	vld.idx.msk [tilespmem:v3+s10+$0x0 ss:$0x1], $0xffff;
	v51 =	vadd.f32 v52, v51;
	v52 =	vadd.f32 v53, v44;
	v31 =	vmul.f32 $9.999999770e-03, v23;
	v13 =	vpop (erf)  }
0x1db: {  	v41 =	vmul.f32 v44, v41;
	v59 =	vadd.f32 v0, v22;
	v0 =	vadd.f32 v60, v25;
	v44 =	vpop (erf)  }
0x1dc: {  	s0 =	sor.u32 $0x3C00, s6;
	v27 =	vmax.f32 v23, v31;
	v31 =	vmul.f32 v53, v34;
	v23 =	vpop (erf)  }
0x1dd: {  	v33 =	vld.idx.msk [tilespmem:v2+s0+$0x0 ss:$0x1], $0xffff;
	v34 =	vmul.f32 v54, v57;
	v54 =	vmul.f32 v25, v61;
	v18 =	vadd.f32 v0, v8;
	v8 =	vpop (erf)  }
0x1de: {  	v25 =	vadd.f32 v42, v63;
	v28 =	vmul.f32 v56, v28;
	v56 =	vadd.f32 v13, v62;
	v57 =	vpop (erf)  }
0x1df: {  	v21 =	vmul.f32 v60, v17;
	v60 =	vadd.f32 v23, v44;
	v0 =	vadd.f32 v57, v8  }
0x1e0: {  	v19 =	vld.idx.msk [tilespmem:v3+s26+$0x0 ss:$0x1], $0xffff;
	v51 =	vadd.f32 v52, v51  }
0x1e1: {  	v38 =	vld.idx.msk [tilespmem:v3+s21+$0x0 ss:$0x1], $0xffff;
	v25 =	vadd.f32 v56, v25;
	v0 =	vadd.f32 v0, v60  }
0x1e2: {  	v35 =	vadd.f32 v20, v22;
	v20 =	vld.idx.msk [tilespmem:v3+s25+$0x0 ss:$0x1], $0xffff;
	v33 =	vadd.f32 v33, v22;
	v22 =	vmul.f32 $9.999999770e-03, v45  }
0x1e3: {  	v53 =	vld.idx.msk [tilespmem:v3+s8+$0x0 ss:$0x1], $0xffff;
	v18 =	vadd.f32 v18, v51;
	v0 =	vadd.f32 v0, v25  }
0x1e4: {  	s14 =	sld [smem:$0x7EB];
	v45 =	vmax.f32 v45, v22;
	v22 =	vld.idx.msk [tilespmem:v3+s23+$0x0 ss:$0x1], $0xffff  }
0x1e5: {  	v52 =	vld.idx.msk [tilespmem:v3+s7+$0x0 ss:$0x1], $0xffff;
	v0 =	vadd.f32 v0, v18  }
0x1e6: {  	v40 =	vadd.f32 v40, v55;
	v61 =	vld.idx.msk [tilespmem:v3+s5+$0x0 ss:$0x1], $0xffff;
	v38 =	vmul.f32 v63, v38  }
0x1e7: {  	v17 =	vld.idx.msk [tilespmem:v3+s14+$0x0 ss:$0x1], $0xffff;
	v21 =	vadd.f32 v21, v54;
	v20 =	vmul.f32 v20, v62;
	(erf) = vrcp.f32 v0  }
0x1e8: {  	v63 =	vld.idx.msk [tilespmem:v3+s9+$0x0 ss:$0x1], $0xffff;
	v13 =	vmul.f32 v19, v13;
	v19 =	vmul.f32 v53, v44;
	v28 =	vadd.f32 v28, v34  }
0x1e9: {  	s23 =	sld [smem:$0x7EF];
	v31 =	vadd.f32 v31, v41;
	v42 =	vmul.f32 v22, v42;
	v0 =	vmul.f32 $9.999999770e-03, v58  }
0x1ea: {  	v13 =	vadd.f32 v13, v20;
	v20 =	vmul.f32 $9.999999770e-03, v48;
	v21 =	vadd.f32 v21, v28  }
0x1eb: {  	s26 =	sld [smem:$0x7F1];
	v28 =	vmul.f32 $9.999999770e-03, v33;
	v8 =	vmul.f32 v61, v8;
	v58 =	vmax.f32 v58, v0;
	v0 =	vld [tilespmem:$0x1FF50]  }
0x1ec: {  	s15 =	sld [smem:$0x7EC];
	v11 =	vld.idx.msk [tilespmem:v3+s23+$0x0 ss:$0x1], $0xffff;
	v61 =	vmul.f32 $9.999999770e-03, v49;
	v38 =	vadd.f32 v42, v38;
	v60 =	vmul.f32 v52, v23  }
0x1ed: {  	v31 =	vadd.f32 v31, v40;
	v34 =	vld.idx.msk [tilespmem:v3+s24+$0x0 ss:$0x1], $0xffff;
	v25 =	vmul.f32 v17, v29;
	v17 =	vmul.f32 v63, v57  }
0x1ee: {  	s21 =	sld [smem:$0x7EE];
	v48 =	vmax.f32 v48, v20;
	v20 =	vld.idx.msk [tilespmem:v3+s26+$0x0 ss:$0x1], $0xffff;
	v23 =	vmul.f32 $9.999999770e-03, v36;
	v13 =	vadd.f32 v13, v38  }
0x1ef: {  	s19 =	sld [smem:$0x7ED];
	v38 =	vld.idx.msk [tilespmem:v3+s15+$0x0 ss:$0x1], $0xffff;
	v49 =	vmax.f32 v49, v61;
	v19 =	vadd.f32 v60, v19;
	v8 =	vadd.f32 v17, v8  }
0x1f0: {  	v61 =	vmax.f32 v33, v28;
	v18 =	vmul.f32 $9.999999770e-03, v47;
	v28 =	vpop (erf);
	(erf) = vrcp.f32 v0;
	v0 =	vld.idx.msk [tilespmem:v3+s17+$0x0 ss:$0x1], $0xffff  }
0x1f1: {  	v36 =	vmax.f32 v36, v23;
	v23 =	vmul.f32 v5, v10;
	v10 =	vld.idx.msk [tilespmem:v3+s21+$0x0 ss:$0x1], $0xffff;
	v8 =	vadd.f32 v8, v19  }
0x1f2: {  	s25 =	sld [smem:$0x7F0];
	v40 =	vmul.f32 $9.999999770e-03, v32;
	v52 =	vmax.f32 v47, v18;
	v47 =	vld.idx.msk [tilespmem:v3+s19+$0x0 ss:$0x1], $0xffff  }
0x1f3: {  	v19 =	vadd.f32 v21, v31;
	v21 =	vld.idx.msk [tilespmem:v3+s29+$0x0 ss:$0x1], $0xffff;
	v8 =	vadd.f32 v8, v13  }
0x1f4: {  	v13 =	vmax.f32 v32, v40;
	v32 =	vld.idx.msk [tilespmem:v3+s20+$0x0 ss:$0x1], $0xffff  }
0x1f5: {  	v8 =	vadd.f32 v8, v19;
	v19 =	vld.idx.msk [tilespmem:v3+s25+$0x0 ss:$0x1], $0xffff;
	[tilespmem:$0x1FF60] =	vst v0  }
0x1f6: {  	v0 =	vld.idx.msk [tilespmem:v3+s18+$0x0 ss:$0x1], $0xffff;
	_ =	sdelay $0x4  }
0x1f7: {  	[tilespmem:$0x1FF70] =	vst v0  }
0x1f8: {  	v0 =	vld.idx.msk [tilespmem:v3+s22+$0x0 ss:$0x1], $0xffff;
	_ =	sdelay $0x4  }
0x1f9: {  	[tilespmem:$0x1FF80] =	vst v0  }
0x1fa: {  	v0 =	vld.idx.msk [tilespmem:v3+s28+$0x0 ss:$0x1], $0xffff;
	_ =	sdelay $0x2  }
0x1fb: {  	v62 =	vmul.f32 $9.999999770e-03, v26;
	v56 =	vmul.f32 $9.999999770e-03, v35  }
0x1fc: {  	v22 =	vmul.f32 v4, v9;
	v63 =	vmul.f32 $9.999999770e-03, v50  }
0x1fd: {  	v41 =	vmax.f32 v26, v62;
	v35 =	vmax.f32 v35, v56;
	v17 =	vmul.f32 $9.999999770e-03, v59;
	[tilespmem:$0x1FF90] =	vst v0  }
0x1fe: {  	v26 =	vmax.f32 v45, v27;
	v55 =	vmax.f32 v35, v36;
	v51 =	vmax.f32 v50, v63;
	v0 =	vld.idx.msk [tilespmem:v3+s3+$0x0 ss:$0x1], $0xffff  }
0x1ff: {  	v26 =	vmax.f32 v26, v55;
	v56 =	vmax.f32 v59, v17;
	v17 =	vmax.f32 v46, v43  }
0x200: {  	v59 =	vmax.f32 v56, v61;
	v31 =	vmax.f32 v13, v39;
	v57 =	vmax.f32 v58, v48  }
0x201: {  	v9 =	vmul.f32 v8, v28;
	v8 =	vmax.f32 v52, v49;
	v28 =	vmax.f32 v41, v51  }
0x202: {  	v17 =	vmax.f32 v31, v17;
	v8 =	vmax.f32 v8, v28;
	v28 =	vmax.f32 v57, v59  }
0x203: {  	v17 =	vmax.f32 v17, v26;
	v8 =	vmax.f32 v8, v28;
	[tilespmem:$0x1FFA0] =	vst v0  }
0x204: {  	v8 =	vmax.f32 v17, v8;
	v0 =	vld.idx.msk [tilespmem:v3+s2+$0x0 ss:$0x1], $0xffff  }
0x205: {  	v42 =	vld [tilespmem:$0x1FFE0];
	v60 =	vsub.f32 v46, v8  }
0x206: {  	v44 =	vadd.f32 v29, v7  }
0x207: {  	v63 =	vadd.f32 v5, v4;
	v55 =	vmul.f32 $1.442695020e+00, v60;
	v60 =	vsub.f32 v58, v8  }
0x208: {  	v58 =	vsub.f32 v56, v8;
	v56 =	vsub.f32 v61, v8;
	v61 =	vld [tilespmem:$0x1FFC0]  }
0x209: {  	v50 =	vadd.f32 v37, v30;
	v13 =	vsub.f32 v13, v8;
	[tilespmem:$0x1FFB0] =	vst v0  }
0x20a: {  	v18 =	vmul.f32 v38, v30;
	v17 =	vsub.f32 v39, v8;
	v62 =	vsub.f32 v43, v8;
	v38 =	vld.idx.msk [tilespmem:v3+s31+$0x0 ss:$0x1], $0xffff;
	s31 =	sld [smem:$0x7F2]  }
0x20b: {  	v24 =	vmul.f32 v7, v24;
	v4 =	vsub.f32 v45, v8;
	v5 =	vsub.f32 v27, v8  }
0x20c: {  	v43 =	vmul.f32 v47, v37;
	v35 =	vsub.f32 v35, v8;
	v36 =	vsub.f32 v36, v8;
	v30 =	vld.idx.msk [tilespmem:v3+s4+$0x0 ss:$0x1], $0xffff  }
0x20d: {  	v45 =	vsub.f32 v52, v8;
	v57 =	vmul.f32 $1.442695020e+00, v13;
	v31 =	vld.idx.msk [tilespmem:v3+s12+$0x0 ss:$0x1], $0xffff;
	[tilespmem:v42+s31+$0x0 ss:$0x1] =	vst.idx.msk $0xffff, v61  }
0x20e: {  	v46 =	vsub.f32 v49, v8;
	v47 =	vmul.f32 $1.442695020e+00, v17;
	v54 =	vmul.f32 $1.442695020e+00, v62;
	v13 =	vmovc v1;
	v1 =	vld [tilespmem:$0x1FFD0]  }
0x20f: {  	v62 =	vsub.f32 v51, v8;
	v53 =	vmul.f32 $1.442695020e+00, v4;
	v51 =	vmul.f32 $1.442695020e+00, v5;
	v33 =	vld.idx.msk [tilespmem:v3+s16+$0x0 ss:$0x1], $0xffff  }
0x210: {  	v59 =	vsub.f32 v48, v8;
	v52 =	vmul.f32 $1.442695020e+00, v35;
	v49 =	vmul.f32 $1.442695020e+00, v36;
	v39 =	vld.idx.msk [tilespmem:v3+s1+$0x0 ss:$0x1], $0xffff  }
0x211: {  	v37 =	vmovc v2;
	v48 =	vmul.f32 $1.442695020e+00, v45;
	v46 =	vmul.f32 $1.442695020e+00, v46;
	v0 =	vsub.f32 v41, v8;
	v36 =	vld.idx.msk [tilespmem:v3+s0+$0x0 ss:$0x1], $0xffff  }
0x212: {  	v35 =	vadd.f32 v63, v6;
	v29 =	vpop (erf);
	v8 =	vadd.f32 v16, v14;
	v26 =	vld.idx.msk [tilespmem:v3+s6+$0x0 ss:$0x1], $0xffff;
	[tilespmem:v42+s13+$0x0 ss:$0x1] =	vst.idx.msk $0xffff, v9  }
0x213: {  	v45 =	vmul.f32 $1.442695020e+00, v0;
	v0 =	vmul.f32 $1.442695020e+00, v62;
	v61 =	vadd.f32 v15, v13;
	[tilespmem:v42+s30+$0x0 ss:$0x1] =	vst.idx.msk $0xffff, v1;
	v42 =	vmovc v3  }
.LBB2_7:
0x214: {  	v1 =	vld [tilespmem:$0x1FF30];
	_ =	sdelay $0x3  }
0x215: {  	v2 =	vmov v33  }
0x216: {  	[tilespmem:$0x1FE80] =	vst v2;
	v2 =	vld [tilespmem:$0x1FF10];
	v12 =	vmul.f32 v10, v14;
	v10 =	vadd.f32 v35, v1;
	v1 =	vmov v38  }
0x217: {  	[tilespmem:$0x1FE90] =	vst v1;
	v1 =	vld [tilespmem:$0x1FEE0];
	_ =	sdelay $0x4  }
0x218: {  	v6 =	vadd.f32 v2, v1;
	v1 =	vmov v39  }
0x219: {  	[tilespmem:$0x1FDA0] =	vst v1;
	v1 =	vld [tilespmem:$0x1FFF0];
	_ =	sdelay $0x1  }
0x21a: {  	s0 =	rddreg [dreg:$0x5]  }
0x21b: {  	s1 =	rddreg [dreg:$0x8]  }
0x21c: {  	s3 =	rddreg [dreg:$0x9];
	s1 =	sadd.s32 $0x80, s1  }
0x21d: {  	s3 =	sadd.s32 $0x20, s3;
	[dreg:$0x8] =	wrdreg s1;
	s1 =	sand.u32 $0x200, s1  }
0x21e: {  	s2 =	sand.u32 $0x60, s3;
	s0 =	sadd.s32 s0, s1;
	v2 =	vmov v36  }
0x21f: {  	(erf) = vpow2.f32 v57;
	s0 =	sor.u32 s2, s0;
	[tilespmem:$0x1FD70] =	vst v2;
	v2 =	vld [tilespmem:$0x1FF40]  }
0x220: {  	(erf) = vpow2.f32 v47;
	s5 =	sor.u32 $0x10, s0;
	v47 =	vld.idx.msk [tilespmem:v1+s0+$0x0 ss:$0x1], $0xffff  }
0x221: {  	v38 =	vld.idx.msk [tilespmem:v1+s5+$0x0 ss:$0x1], $0xffff  }
0x222: {  	v1 =	vld [tilespmem:$0x1FF20];
	_ =	sdelay $0x3  }
0x223: {  	v44 =	vadd.f32 v50, v44;
	v8 =	vadd.f32 v61, v8  }
0x224: {  	(erf) = vpow2.f32 v55;
	v7 =	vadd.f32 v2, v1;
	v1 =	vld [tilespmem:$0x1FF00]  }
0x225: {  	v8 =	vadd.f32 v8, v44  }
0x226: {  	(erf) = vpow2.f32 v54  }
0x227: {  	v14 =	vmul.f32 v11, v16;
	v3 =	vadd.f32 v8, v10;
	v10 =	vadd.f32 v23, v22  }
0x228: {  	v16 =	vmul.f32 v19, v13;
	v9 =	vmul.f32 v20, v15;
	v15 =	vadd.f32 v25, v24  }
0x229: {  	v12 =	vadd.f32 v14, v12;
	v5 =	vadd.f32 v6, v1;
	v1 =	vld [tilespmem:$0x1FEF0]  }
0x22a: {  	v9 =	vadd.f32 v9, v16;
	v22 =	vadd.f32 v43, v18  }
0x22b: {  	v6 =	vadd.f32 v10, v7;
	v10 =	vpop (erf)  }
0x22c: {  	v9 =	vadd.f32 v9, v12;
	v7 =	vadd.f32 v22, v15;
	v4 =	vpop (erf)  }
0x22d: {  	v5 =	vadd.f32 v6, v5;
	v55 =	vpop (erf)  }
0x22e: {  	v7 =	vadd.f32 v9, v7;
	v15 =	vmul.f32 v1, v29;
	v1 =	vmul.f32 v55, v34  }
0x22f: {  	(erf) = vpow2.f32 v53  }
0x230: {  	[tilespmem:$0x1FEE0] =	vst v1;
	v1 =	vadd.f32 v7, v5  }
0x231: {  	v57 =	vpop (erf)  }
0x232: {  	[tilespmem:$0x1FEF0] =	vst v1;
	v1 =	vmul.f32 v57, v32  }
0x233: {  	(erf) = vpow2.f32 v51  }
0x234: {  	[tilespmem:$0x1FF10] =	vst v1;
	v1 =	vld [tilespmem:$0x1FF60];
	_ =	sdelay $0x1  }
0x235: {  	(erf) = vpow2.f32 v52  }
0x236: {  	(erf) = vpow2.f32 v49  }
0x237: {  	(erf) = vpow2.f32 v48;
	v22 =	vmul.f32 v10, v26;
	v61 =	vpop (erf)  }
0x238: {  	v54 =	vmul.f32 v4, v21;
	v1 =	vmul.f32 v61, v1  }
0x239: {  	(erf) = vpow2.f32 v46  }
0x23a: {  	v60 =	vmul.f32 $1.442695020e+00, v60;
	(erf) = vpow2.f32 v45;
	[tilespmem:$0x1FF20] =	vst v1;
	v1 =	vadd.f32 v54, v22  }
0x23b: {  	v10 =	vadd.f32 v4, v10;
	(erf) = vpow2.f32 v0;
	v22 =	vpop (erf)  }
0x23c: {  	(erf) = vpow2.f32 v60;
	v60 =	vadd.f32 v57, v55;
	[tilespmem:$0x1FF00] =	vst v1;
	v1 =	vadd.f32 v22, v61;
	_ =	sdelay $0x1  }
0x23d: {  	[tilespmem:$0x1FEA0] =	vst v1;
	v1 =	vadd.f32 v60, v10;
	_ =	sdelay $0x1  }
0x23e: {  	[tilespmem:$0x1FF30] =	vst v1;
	v1 =	vld [tilespmem:$0x1FF70];
	_ =	sdelay $0x4  }
0x23f: {  	v1 =	vmul.f32 v22, v1;
	_ =	sdelay $0x1  }
0x240: {  	[tilespmem:$0x1FF40] =	vst v1;
	v1 =	vld [tilespmem:$0x1FF80];
	_ =	sdelay $0x3  }
0x241: {  	v2 =	vpop (erf)  }
0x242: {  	v1 =	vmul.f32 v2, v1;
	_ =	sdelay $0x1  }
0x243: {  	[tilespmem:$0x1FD20] =	vst v1;
	v1 =	vld [tilespmem:$0x1FF90];
	_ =	sdelay $0x3  }
0x244: {  	[tilespmem:$0x1FD80] =	vst v3;
	v3 =	vpop (erf)  }
0x245: {  	v1 =	vmul.f32 v3, v1;
	_ =	sdelay $0x1  }
0x246: {  	[tilespmem:$0x1FD50] =	vst v1;
	v1 =	vld [tilespmem:$0x1FFA0];
	_ =	sdelay $0x1  }
0x247: {  	s18 =	sor.u32 $0x810, s0;
	v11 =	vld.idx.msk [tilespmem:v37+s5+$0x0 ss:$0x1], $0xffff  }
0x248: {  	s20 =	sor.u32 $0xC10, s0;
	v14 =	vld.idx.msk [tilespmem:v37+s18+$0x0 ss:$0x1], $0xffff;
	[tilespmem:$0x1FDB0] =	vst v2;
	v2 =	vpop (erf)  }
0x249: {  	s8 =	sor.u32 $0x1410, s0;
	v16 =	vld.idx.msk [tilespmem:v37+s20+$0x0 ss:$0x1], $0xffff;
	[tilespmem:$0x1FDC0] =	vst v3;
	v3 =	vpop (erf)  }
0x24a: {  	v24 =	vld.idx.msk [tilespmem:v37+s8+$0x0 ss:$0x1], $0xffff;
	[tilespmem:$0x1FDD0] =	vst v2;
	v2 =	vmul.f32 v2, v1;
	v1 =	vpop (erf)  }
0x24b: {  	s9 =	sor.u32 $0x1810, s0;
	[tilespmem:$0x1FDF0] =	vst v1;
	v1 =	vld [tilespmem:$0x1FFB0]  }
0x24c: {  	s17 =	sor.u32 $0x410, s0;
	v25 =	vld.idx.msk [tilespmem:v37+s9+$0x0 ss:$0x1], $0xffff  }
0x24d: {  	s11 =	sor.u32 $0x2010, s0;
	v23 =	vld.idx.msk [tilespmem:v37+s17+$0x0 ss:$0x1], $0xffff  }
0x24e: {  	v63 =	vmul.f32 $1.442695020e+00, v58;
	s12 =	sor.u32 $0x2410, s0;
	v58 =	vld.idx.msk [tilespmem:v37+s11+$0x0 ss:$0x1], $0xffff  }
0x24f: {  	[tilespmem:$0x1FE30] =	vst v31;
	v59 =	vmul.f32 $1.442695020e+00, v59;
	s13 =	sor.u32 $0x2810, s0;
	v62 =	vld.idx.msk [tilespmem:v37+s12+$0x0 ss:$0x1], $0xffff  }
0x250: {  	[dreg:$0xc] =	wrdreg s20;
	v31 =	vld.idx.msk [tilespmem:v37+s13+$0x0 ss:$0x1], $0xffff;
	s20 =	sor.u32 $0x3810, s0;
	[tilespmem:$0x1FD30] =	vst v2;
	v2 =	vmul.f32 v1, v3;
	v1 =	vpop (erf)  }
0x251: {  	v56 =	vmul.f32 $1.442695020e+00, v56;
	v49 =	vld.idx.msk [tilespmem:v37+s20+$0x0 ss:$0x1], $0xffff;
	(erf) = vpow2.f32 v59;
	[tilespmem:$0x1FE00] =	vst v1;
	v1 =	vpop (erf)  }
0x252: {  	s22 =	sor.u32 $0x1010, s0;
	v33 =	vadd.f32 v23, v38;
	(erf) = vpow2.f32 v63;
	[tilespmem:$0x1FE70] =	vst v1;
	v1 =	vld [tilespmem:$0x1FFE0]  }
0x253: {  	[dreg:$0xb] =	wrdreg s18;
	s18 =	sor.u32 $0x3410, s0;
	v12 =	vld.idx.msk [tilespmem:v37+s22+$0x0 ss:$0x1], $0xffff;
	v28 =	vadd.f32 v14, v38;
	v40 =	vadd.f32 v16, v38;
	(erf) = vpow2.f32 v56  }
0x254: {  	[tilespmem:$0x1FE10] =	vst v30;
	v41 =	vadd.f32 v24, v38;
	v30 =	vadd.f32 v25, v38;
	v46 =	vld.idx.msk [tilespmem:v37+s18+$0x0 ss:$0x1], $0xffff  }
0x255: {  	s10 =	sor.u32 $0x1C10, s0;
	v36 =	vadd.f32 v62, v38;
	v52 =	vmul.f32 $9.999999770e-03, v33;
	v43 =	vmul.f32 $9.999999770e-03, v40  }
0x256: {  	v31 =	vadd.f32 v31, v38;
	v62 =	vmul.f32 $9.999999770e-03, v30;
	v26 =	vadd.f32 v58, v38;
	v0 =	vld.idx.msk [tilespmem:v37+s10+$0x0 ss:$0x1], $0xffff  }
0x257: {  	v49 =	vadd.f32 v49, v38;
	v52 =	vmax.f32 v33, v52;
	v40 =	vmax.f32 v40, v43  }
0x258: {  	s7 =	rddreg [dreg:$0x6];
	s4 =	sor.u32 $0x400, s0;
	v18 =	vmax.f32 v30, v62;
	v4 =	vmul.f32 $9.999999770e-03, v26;
	v29 =	vadd.f32 v12, v38  }
0x259: {  	[dreg:$0xa] =	wrdreg s17;
	v27 =	vld.idx.msk [tilespmem:v37+s4+$0x0 ss:$0x1], $0xffff;
	s17 =	sor.u32 $0x3010, s0;
	v59 =	vmul.f32 $9.999999770e-03, v41;
	v48 =	vadd.f32 v46, v38;
	v32 =	vadd.f32 v11, v38  }
0x25a: {  	s16 =	sor.u32 $0x2C10, s0;
	v16 =	vld.idx.msk [tilespmem:v37+s17+$0x0 ss:$0x1], $0xffff;
	v46 =	vmul.f32 $9.999999770e-03, v36;
	v4 =	vmax.f32 v26, v4;
	v58 =	vmul.f32 $9.999999770e-03, v29;
	[tilespmem:v1+s7+$0x0 ss:$0x1] =	vst.idx.msk $0xffff, v15;
	v1 =	vpop (erf)  }
0x25b: {  	[dreg:$0xd] =	wrdreg s22;
	s22 =	sor.u32 $0x3C10, s0;
	v41 =	vmax.f32 v41, v59;
	v0 =	vadd.f32 v0, v38;
	v45 =	vmul.f32 $9.999999770e-03, v32;
	v63 =	vld.idx.msk [tilespmem:v37+s16+$0x0 ss:$0x1], $0xffff;
	[tilespmem:$0x1FD90] =	vst v1;
	v1 =	vpop (erf)  }
0x25c: {  	v44 =	vld.idx.msk [tilespmem:v37+s22+$0x0 ss:$0x1], $0xffff;
	v7 =	vmul.f32 $9.999999770e-03, v31;
	v5 =	vmax.f32 v36, v46;
	v58 =	vmax.f32 v29, v58;
	[tilespmem:$0x1FE50] =	vst v1;
	v1 =	vpop (erf)  }
0x25d: {  	v50 =	vmax.f32 v32, v45;
	v45 =	vmul.f32 $9.999999770e-03, v49;
	v54 =	vmul.f32 $9.999999770e-03, v28;
	[tilespmem:$0x1FE60] =	vst v1;
	v1 =	vld.idx.msk [tilespmem:v42+s4+$0x0 ss:$0x1], $0xffff  }
0x25e: {  	v7 =	vmax.f32 v31, v7;
	v31 =	vmax.f32 v4, v5;
	v29 =	vmax.f32 v58, v41  }
0x25f: {  	v26 =	vmax.f32 v50, v52;
	v20 =	vmax.f32 v49, v45;
	v17 =	vmax.f32 v28, v54  }
0x260: {  	v28 =	vmax.f32 v17, v40;
	v60 =	vadd.f32 v16, v38;
	v34 =	vadd.f32 v63, v38  }
0x261: {  	s25 =	sor.u32 $0x1000, s0;
	v10 =	vmul.f32 $9.999999770e-03, v48;
	v63 =	vmul.f32 $9.999999770e-03, v0;
	v38 =	vadd.f32 v44, v38  }
0x262: {  	v26 =	vmax.f32 v26, v28;
	v44 =	vmul.f32 $9.999999770e-03, v60;
	v9 =	vmul.f32 $9.999999770e-03, v34;
	[tilespmem:$0x1FD40] =	vst v1;
	v1 =	vld.idx.msk [tilespmem:v42+s25+$0x0 ss:$0x1], $0xffff  }
0x263: {  	v10 =	vmax.f32 v48, v10;
	v13 =	vmul.f32 $9.999999770e-03, v38;
	v63 =	vmax.f32 v0, v63  }
0x264: {  	v19 =	vmax.f32 v60, v44;
	v30 =	vmax.f32 v18, v63;
	v9 =	vmax.f32 v34, v9  }
0x265: {  	v14 =	vld.idx.msk [tilespmem:v42+s11+$0x0 ss:$0x1], $0xffff;
	v13 =	vmax.f32 v38, v13;
	v48 =	vmax.f32 v19, v10;
	v46 =	vmax.f32 v7, v9  }
0x266: {  	s19 =	sor.u32 $0x1400, s0;
	v28 =	vmax.f32 v29, v30;
	v49 =	vmax.f32 v20, v13;
	v29 =	vmax.f32 v31, v46;
	v31 =	vld.idx.msk [tilespmem:v42+s10+$0x0 ss:$0x1], $0xffff  }
0x267: {  	v30 =	vmax.f32 v48, v49;
	[tilespmem:$0x1FF60] =	vst v1;
	v1 =	vld.idx.msk [tilespmem:v42+s19+$0x0 ss:$0x1], $0xffff  }
0x268: {  	[dreg:$0x9] =	wrdreg s3;
	p0 =	slt.u32 s3, $0xE0;
	s3 =	sor.u32 $0x800, s0;
	v26 =	vmax.f32 v26, v28;
	v28 =	vmax.f32 v29, v30;
	v29 =	vld.idx.msk [tilespmem:v42+s9+$0x0 ss:$0x1], $0xffff  }
0x269: {  	s2 =	sor.u32 $0xC00, s0;
	v53 =	vld.idx.msk [tilespmem:v37+s3+$0x0 ss:$0x1], $0xffff  }
0x26a: {  	v57 =	vld.idx.msk [tilespmem:v37+s2+$0x0 ss:$0x1], $0xffff  }
0x26b: {  	s23 =	sor.u32 $0x1800, s0;
	[tilespmem:$0x1FDE0] =	vst v3;
	v3 =	vld.idx.msk [tilespmem:v37+s19+$0x0 ss:$0x1], $0xffff  }
0x26c: {  	[tilespmem:$0x1FF70] =	vst v1;
	v1 =	vld.idx.msk [tilespmem:v42+s23+$0x0 ss:$0x1], $0xffff  }
0x26d: {  	s15 =	sor.u32 $0x1C00, s0;
	v24 =	vmax.f32 v26, v28;
	v6 =	vld.idx.msk [tilespmem:v37+s23+$0x0 ss:$0x1], $0xffff  }
0x26e: {  	s21 =	sor.u32 $0x2000, s0;
	v51 =	vadd.f32 v27, v47;
	v17 =	vsub.f32 v17, v24;
	v27 =	vld.idx.msk [tilespmem:v37+s15+$0x0 ss:$0x1], $0xffff  }
0x26f: {  	v4 =	vsub.f32 v4, v24;
	v5 =	vsub.f32 v5, v24;
	v11 =	vld.idx.msk [tilespmem:v37+s21+$0x0 ss:$0x1], $0xffff  }
0x270: {  	v15 =	vld.idx.msk [tilespmem:v42+s12+$0x0 ss:$0x1], $0xffff;
	v22 =	vadd.f32 v53, v47;
	v23 =	vadd.f32 v57, v47  }
0x271: {  	v25 =	vmul.f32 $9.999999770e-03, v51;
	v57 =	vadd.f32 v3, v47;
	v3 =	vsub.f32 v50, v24;
	[tilespmem:$0x1FF80] =	vst v1;
	v1 =	vld.idx.msk [tilespmem:v42+s15+$0x0 ss:$0x1], $0xffff  }
0x272: {  	s31 =	sor.u32 $0x2400, s0;
	v17 =	vmul.f32 $1.442695020e+00, v17;
	v61 =	vld.idx.msk [tilespmem:v37+s25+$0x0 ss:$0x1], $0xffff;
	v53 =	vadd.f32 v6, v47;
	v6 =	vsub.f32 v52, v24  }
0x273: {  	s26 =	sor.u32 $0x2800, s0;
	v4 =	vmul.f32 $1.442695020e+00, v4;
	v56 =	vld.idx.msk [tilespmem:v37+s31+$0x0 ss:$0x1], $0xffff;
	v52 =	vadd.f32 v27, v47;
	v27 =	vmul.f32 $1.442695020e+00, v3  }
0x274: {  	s29 =	sor.u32 $0x2C00, s0;
	v55 =	vld.idx.msk [tilespmem:v37+s26+$0x0 ss:$0x1], $0xffff;
	v50 =	vadd.f32 v11, v47;
	v11 =	vsub.f32 v40, v24;
	v6 =	vmul.f32 $1.442695020e+00, v6  }
0x275: {  	v58 =	vsub.f32 v58, v24;
	v5 =	vmul.f32 $1.442695020e+00, v5;
	v54 =	vld.idx.msk [tilespmem:v37+s29+$0x0 ss:$0x1], $0xffff;
	(erf) = vpow2.f32 v27  }
0x276: {  	s14 =	sor.u32 $0x3000, s0;
	v32 =	vsub.f32 v41, v24;
	v11 =	vmul.f32 $1.442695020e+00, v11;
	(erf) = vpow2.f32 v6;
	[tilespmem:$0x1FF90] =	vst v1;
	v1 =	vld.idx.msk [tilespmem:v42+s21+$0x0 ss:$0x1], $0xffff  }
0x277: {  	s28 =	sor.u32 $0x3400, s0;
	v18 =	vsub.f32 v18, v24;
	v59 =	vld.idx.msk [tilespmem:v37+s14+$0x0 ss:$0x1], $0xffff;
	v6 =	vmul.f32 $1.442695020e+00, v58;
	(erf) = vpow2.f32 v17  }
0x278: {  	s30 =	sor.u32 $0x3800, s0;
	v33 =	vsub.f32 v63, v24;
	v60 =	vld.idx.msk [tilespmem:v37+s28+$0x0 ss:$0x1], $0xffff;
	v17 =	vmul.f32 $1.442695020e+00, v32;
	(erf) = vpow2.f32 v11  }
0x279: {  	s24 =	sor.u32 $0x3C00, s0;
	v9 =	vsub.f32 v9, v24;
	v0 =	vld.idx.msk [tilespmem:v37+s30+$0x0 ss:$0x1], $0xffff;
	v11 =	vmul.f32 $1.442695020e+00, v18;
	(erf) = vpow2.f32 v6  }
0x27a: {  	v7 =	vsub.f32 v7, v24;
	v62 =	vld.idx.msk [tilespmem:v37+s24+$0x0 ss:$0x1], $0xffff;
	v6 =	vmul.f32 $1.442695020e+00, v33;
	(erf) = vpow2.f32 v17  }
0x27b: {  	v34 =	vmul.f32 $1.442695020e+00, v9;
	v9 =	vsub.f32 v10, v24;
	s7 =	rddreg [dreg:$0x7];
	(erf) = vpow2.f32 v11;
	[tilespmem:$0x1FFA0] =	vst v1;
	v1 =	vld.idx.msk [tilespmem:v42+s31+$0x0 ss:$0x1], $0xffff  }
0x27c: {  	s1 =	smov.u32 s6;
	s6 =	smov.u32 s7;
	v44 =	vld.idx.msk [tilespmem:v42+s28+$0x0 ss:$0x1], $0xffff;
	v61 =	vadd.f32 v61, v47;
	v63 =	vadd.f32 v55, v47;
	(erf) = vpow2.f32 v6  }
0x27d: {  	v45 =	vld.idx.msk [tilespmem:v42+s30+$0x0 ss:$0x1], $0xffff;
	[dreg:$0x6] =	wrdreg s6;
	s6 =	smov.u32 s0;
	v6 =	vmul.f32 $1.442695020e+00, v7;
	v7 =	vsub.f32 v19, v24;
	(erf) = vpow2.f32 v4  }
0x27e: {  	v21 =	vld.idx.msk [tilespmem:v37+s6+$0x0 ss:$0x1], $0xffff;
	v8 =	vadd.f32 v54, v47;
	v40 =	vmul.f32 $9.999999770e-03, v57;
	v10 =	vpop (erf);
	(erf) = vpow2.f32 v5  }
0x27f: {  	v27 =	vld.idx.msk [tilespmem:v42+s8+$0x0 ss:$0x1], $0xffff;
	v36 =	vmul.f32 $1.442695020e+00, v7;
	v7 =	vsub.f32 v20, v24;
	v11 =	vpop (erf);
	(erf) = vpow2.f32 v6  }
0x280: {  	v6 =	vmul.f32 $1.442695020e+00, v9;
	v9 =	vsub.f32 v13, v24;
	v17 =	vpop (erf);
	(erf) = vpow2.f32 v34;
	[tilespmem:$0x1FFB0] =	vst v1;
	v1 =	vld.idx.msk [tilespmem:v42+s26+$0x0 ss:$0x1], $0xffff  }
0x281: {  	s28 =	rddreg [dreg:$0xa];
	v62 =	vadd.f32 v62, v47;
	v13 =	vld.idx.msk [tilespmem:v42+s5+$0x0 ss:$0x1], $0xffff;
	v38 =	vmul.f32 $1.442695020e+00, v7;
	v18 =	vpop (erf);
	(erf) = vpow2.f32 v36  }
0x282: {  	s30 =	rddreg [dreg:$0xc];
	v58 =	vadd.f32 v56, v47;
	v7 =	vld.idx.msk [tilespmem:v42+s28+$0x0 ss:$0x1], $0xffff;
	v39 =	vmul.f32 $1.442695020e+00, v9;
	v19 =	vpop (erf);
	(erf) = vpow2.f32 v6  }
0x283: {  	v56 =	vmax.f32 v57, v40;
	v20 =	vadd.f32 v59, v47;
	v24 =	vld.idx.msk [tilespmem:v42+s30+$0x0 ss:$0x1], $0xffff;
	v59 =	vpop (erf);
	(erf) = vpow2.f32 v38;
	s31 =	rddreg [dreg:$0xd]  }
0x284: {  	v4 =	vadd.f32 v60, v47;
	v5 =	vadd.f32 v21, v47;
	v3 =	vpop (erf);
	(erf) = vpow2.f32 v39;
	v60 =	vld.idx.msk [tilespmem:v42+s31+$0x0 ss:$0x1], $0xffff  }
0x285: {  	v26 =	vmul.f32 $9.999999770e-03, v22;
	v6 =	vadd.f32 v0, v47;
	v47 =	vmax.f32 v51, v25;
	v28 =	vpop (erf);
	[tilespmem:$0x1FE20] =	vst v1;
	v1 =	vld.idx.msk [tilespmem:v42+s29+$0x0 ss:$0x1], $0xffff;
	s29 =	rddreg [dreg:$0xb]  }
0x286: {  	v13 =	vmul.f32 v10, v13;
	v10 =	vadd.f32 v11, v10;
	v36 =	vadd.f32 v59, v19;
	v30 =	vpop (erf);
	v9 =	vld.idx.msk [tilespmem:v42+s29+$0x0 ss:$0x1], $0xffff  }
0x287: {  	v57 =	vld.idx.msk [tilespmem:v42+s13+$0x0 ss:$0x1], $0xffff;
	v27 =	vmul.f32 v59, v27;
	v7 =	vmul.f32 v11, v7;
	v11 =	vadd.f32 v18, v17;
	v12 =	vpop (erf)  }
0x288: {  	v34 =	vld.idx.msk [tilespmem:v42+s16+$0x0 ss:$0x1], $0xffff;
	v18 =	vmul.f32 v18, v24;
	v38 =	vadd.f32 v28, v3;
	v3 =	vmul.f32 v3, v29;
	v32 =	vpop (erf)  }
0x289: {  	v59 =	vld.idx.msk [tilespmem:v42+s20+$0x0 ss:$0x1], $0xffff;
	v28 =	vmul.f32 v28, v31;
	v10 =	vadd.f32 v11, v10;
	v14 =	vmul.f32 v30, v14;
	v16 =	vpop (erf)  }
0x28a: {  	v29 =	vld.idx.msk [tilespmem:v42+s22+$0x0 ss:$0x1], $0xffff;
	v7 =	vadd.f32 v7, v13;
	v40 =	vadd.f32 v12, v30;
	v12 =	vmul.f32 v15, v12;
	v33 =	vpop (erf)  }
0x28b: {  	v11 =	vadd.f32 v38, v36;
	v19 =	vmul.f32 v19, v60;
	v60 =	vld.idx.msk [tilespmem:v42+s18+$0x0 ss:$0x1], $0xffff;
	v9 =	vmul.f32 v17, v9;
	v17 =	vpop (erf)  }
0x28c: {  	v24 =	vld.idx.msk [tilespmem:v42+s17+$0x0 ss:$0x1], $0xffff;
	v3 =	vadd.f32 v28, v3;
	v15 =	vmul.f32 v57, v32;
	v41 =	vadd.f32 v16, v32;
	v39 =	vpop (erf)  }
0x28d: {  	v10 =	vadd.f32 v11, v10;
	v16 =	vmul.f32 v34, v16;
	v12 =	vadd.f32 v12, v14;
	[tilespmem:$0x1FE40] =	vst v1;
	v1 =	vpop (erf)  }
0x28e: {  	[tilespmem:$0x1FD60] =	vst v2;
	v51 =	vmax.f32 v22, v26;
	v2 =	vadd.f32 v17, v33;
	v0 =	vadd.f32 v1, v39  }
0x28f: {  	v22 =	vmul.f32 $9.999999770e-03, v53;
	v31 =	vadd.f32 v41, v40;
	v13 =	vadd.f32 v16, v15  }
0x290: {  	v17 =	vmul.f32 v60, v17;
	v1 =	vmul.f32 v29, v1;
	v0 =	vadd.f32 v0, v2  }
0x291: {  	v2 =	vmax.f32 v53, v22;
	v22 =	vmul.f32 v24, v33;
	v24 =	vmul.f32 v59, v39  }
0x292: {  	v9 =	vadd.f32 v18, v9;
	v0 =	vadd.f32 v0, v31  }
0x293: {  	v15 =	vadd.f32 v17, v22;
	v1 =	vadd.f32 v1, v24  }
0x294: {  	v0 =	vadd.f32 v0, v10;
	v10 =	vadd.f32 v27, v19  }
0x295: {  	v7 =	vadd.f32 v9, v7;
	v1 =	vadd.f32 v1, v15  }
0x296: {  	v3 =	vadd.f32 v3, v10;
	v10 =	vadd.f32 v13, v12  }
0x297: {  	v21 =	vmul.f32 $9.999999770e-03, v23;
	(erf) = vrcp.f32 v0  }
0x298: {  	v12 =	vmul.f32 $9.999999770e-03, v5;
	v3 =	vadd.f32 v3, v7;
	v1 =	vadd.f32 v1, v10;
	_ =	sdelay $0x1  }
0x299: {  	v54 =	vmax.f32 v23, v21;
	v1 =	vadd.f32 v1, v3;
	v3 =	vmax.f32 v5, v12  }
0x29a: {  	v41 =	vmax.f32 v51, v54;
	v12 =	vmax.f32 v3, v47  }
0x29b: {  	v5 =	vmax.f32 v12, v41;
	v12 =	vld [tilespmem:$0x1FFE0];
	_ =	sdelay $0x2  }
0x29c: {  	v21 =	vmul.f32 $9.999999770e-03, v50  }
0x29d: {  	v23 =	vmul.f32 $9.999999770e-03, v58;
	v25 =	vmul.f32 $9.999999770e-03, v61  }
0x29e: {  	v26 =	vmul.f32 $9.999999770e-03, v52;
	v14 =	vmul.f32 $9.999999770e-03, v4;
	v10 =	vpop (erf)  }
0x29f: {  	v16 =	vmul.f32 $9.999999770e-03, v6;
	v1 =	vmul.f32 v1, v10  }
0x2a0: {  	v55 =	vmax.f32 v61, v25;
	v25 =	vmul.f32 $9.999999770e-03, v63;
	v11 =	vmax.f32 v52, v26  }
0x2a1: {  	v61 =	vmul.f32 $9.999999770e-03, v8;
	v4 =	vmax.f32 v4, v14;
	v6 =	vmax.f32 v6, v16;
	[tilespmem:v12+s5+$0x0 ss:$0x1] =	vst.idx.msk $0xffff, v1;
	v1 =	vld [tilespmem:$0x1FD80]  }
0x2a2: {  	v9 =	vmul.f32 $9.999999770e-03, v62;
	v14 =	vmax.f32 v2, v11;
	v0 =	vmul.f32 $9.999999770e-03, v20  }
0x2a3: {  	v43 =	vld.idx.msk [tilespmem:v42+s6+$0x0 ss:$0x1], $0xffff;
	v17 =	vmax.f32 v63, v25;
	v15 =	vmax.f32 v58, v23;
	v13 =	vmax.f32 v50, v21  }
0x2a4: {  	v7 =	vmax.f32 v8, v61;
	v0 =	vmax.f32 v20, v0;
	v8 =	vmax.f32 v62, v9  }
0x2a5: {  	v9 =	vmax.f32 v55, v56;
	v16 =	vmax.f32 v17, v7;
	v18 =	vmax.f32 v0, v4  }
0x2a6: {  	v19 =	vmax.f32 v6, v8;
	v10 =	vmax.f32 v13, v15;
	(erf) = vrcp.f32 v1  }
0x2a7: {  	v1 =	vmax.f32 v9, v14;
	v9 =	vmax.f32 v10, v16;
	v10 =	vmax.f32 v18, v19  }
0x2a8: {  	v26 =	vmov v43;
	v43 =	vmax.f32 v9, v10;
	v9 =	vld [tilespmem:$0x1FDB0]  }
0x2a9: {  	v10 =	vld [tilespmem:$0x1FDC0];
	_ =	sdelay $0x2  }
0x2aa: {  	v49 =	vld.idx.msk [tilespmem:v42+s3+$0x0 ss:$0x1], $0xffff  }
0x2ab: {  	v38 =	vmov v44;
	v44 =	vld [tilespmem:$0x1FDD0]  }
0x2ac: {  	v9 =	vadd.f32 v10, v9;
	v10 =	vld [tilespmem:$0x1FDE0]  }
0x2ad: {  	v48 =	vld.idx.msk [tilespmem:v42+s2+$0x0 ss:$0x1], $0xffff  }
0x2ae: {  	v27 =	vld [tilespmem:$0x1FE00]  }
0x2af: {  	v12 =	vld [tilespmem:$0x1FDF0]  }
0x2b0: {  	v14 =	vld [tilespmem:$0x1FE30]  }
0x2b1: {  	v44 =	vadd.f32 v10, v44;
	v10 =	vld [tilespmem:$0x1FE10]  }
0x2b2: {  	v46 =	vld.idx.msk [tilespmem:v42+s14+$0x0 ss:$0x1], $0xffff  }
0x2b3: {  	v35 =	vld.idx.msk [tilespmem:v42+s24+$0x0 ss:$0x1], $0xffff  }
0x2b4: {  	v22 =	vld [tilespmem:$0x1FD20];
	v1 =	vmax.f32 v5, v1  }
0x2b5: {  	v1 =	vmax.f32 v1, v43;
	v43 =	vmul.f32 v14, v27;
	v14 =	vld [tilespmem:$0x1FE40]  }
0x2b6: {  	v50 =	vadd.f32 v27, v12;
	v3 =	vsub.f32 v3, v1;
	v18 =	vmul.f32 v10, v12;
	v10 =	vld [tilespmem:$0x1FE20]  }
0x2b7: {  	v39 =	vmov v45;
	v24 =	vld [tilespmem:$0x1FD30];
	v45 =	vsub.f32 v47, v1;
	v2 =	vsub.f32 v2, v1  }
0x2b8: {  	v33 =	vmov v46;
	v25 =	vld [tilespmem:$0x1FD60];
	v46 =	vsub.f32 v11, v1;
	v11 =	vsub.f32 v15, v1  }
0x2b9: {  	v23 =	vld [tilespmem:$0x1FD50];
	v7 =	vsub.f32 v7, v1;
	v60 =	vsub.f32 v0, v1  }
0x2ba: {  	v16 =	vld [tilespmem:$0x1FD90];
	v59 =	vsub.f32 v4, v1;
	v31 =	vmov v14;
	v14 =	vsub.f32 v56, v1  }
0x2bb: {  	v15 =	vld [tilespmem:$0x1FE60];
	v58 =	vsub.f32 v6, v1;
	v30 =	vmov v10;
	v10 =	vsub.f32 v51, v1  }
0x2bc: {  	v57 =	vmul.f32 $1.442695020e+00, v3;
	v12 =	vsub.f32 v54, v1;
	v51 =	vmul.f32 $1.442695020e+00, v14;
	v14 =	vld [tilespmem:$0x1FE70]  }
0x2bd: {  	v3 =	vsub.f32 v55, v1;
	v55 =	vmul.f32 $1.442695020e+00, v10;
	v10 =	vsub.f32 v13, v1;
	v13 =	vld [tilespmem:$0x1FE50]  }
0x2be: {  	v56 =	vsub.f32 v8, v1;
	v54 =	vmul.f32 $1.442695020e+00, v12;
	v12 =	vsub.f32 v17, v1;
	v1 =	vld [tilespmem:$0x1FEA0]  }
.Ltmp2:
0x2bf: {  	v21 =	vld [tilespmem:$0x1FD40];
	v47 =	vmul.f32 $1.442695020e+00, v45;
	(pc) =	sbr.rel @p0 .LBB2_7-.Ltmp2, $4  }
0x2c0: {  	v34 =	vmov v49;
	v20 =	vld [tilespmem:$0x1FD70];
	v52 =	vmul.f32 $1.442695020e+00, v2;
	v49 =	vmul.f32 $1.442695020e+00, v46  }
0x2c1: {  	v19 =	vld [tilespmem:$0x1FDA0];
	v46 =	vmul.f32 $1.442695020e+00, v11;
	v0 =	vmul.f32 $1.442695020e+00, v7  }
0x2c2: {  	s7 =	smov.u32 s1;
	v36 =	vmovc v35;
	v32 =	vmovc v48;
	v11 =	vld [tilespmem:$0x1FE90];
	v53 =	vmul.f32 $1.442695020e+00, v3;
	v45 =	vmul.f32 $1.442695020e+00, v12;
	v8 =	vadd.f32 v16, v14  }
0x2c3: {  	[dreg:$0x7] =	wrdreg s7;
	v29 =	vpop (erf);
	v48 =	vmul.f32 $1.442695020e+00, v10;
	v10 =	vld [tilespmem:$0x1FE80];
	v61 =	vadd.f32 v15, v13;
	v35 =	vadd.f32 v9, v1  }
0x2c4: {  	(erf) = vpow2.f32 v57  }
0x2c5: {  	(erf) = vpow2.f32 v47  }
0x2c6: {  	(erf) = vpow2.f32 v55  }
0x2c7: {  	(erf) = vpow2.f32 v54  }
0x2c8: {  	(erf) = vpow2.f32 v53  }
0x2c9: {  	(erf) = vpow2.f32 v51  }
0x2ca: {  	(erf) = vpow2.f32 v52  }
0x2cb: {  	(erf) = vpow2.f32 v49  }
0x2cc: {  	(erf) = vpow2.f32 v48  }
0x2cd: {  	v2 =	vpop (erf);
	(erf) = vpow2.f32 v46  }
0x2ce: {  	v1 =	vmul.f32 $1.442695020e+00, v60;
	v8 =	vadd.f32 v61, v8;
	v4 =	vpop (erf);
	(erf) = vpow2.f32 v45  }
0x2cf: {  	v3 =	vmul.f32 $1.442695020e+00, v59;
	v5 =	vadd.f32 v50, v44;
	v50 =	vld [tilespmem:$0x1FEE0];
	v7 =	vpop (erf);
	(erf) = vpow2.f32 v0  }
0x2d0: {  	v6 =	vmul.f32 $1.442695020e+00, v58;
	v12 =	vld [tilespmem:$0x1FF10];
	v9 =	vpop (erf);
	(erf) = vpow2.f32 v1  }
0x2d1: {  	v0 =	vmul.f32 $1.442695020e+00, v56;
	v48 =	vpop (erf);
	(erf) = vpow2.f32 v3  }
0x2d2: {  	v5 =	vadd.f32 v8, v5;
	v3 =	vld [tilespmem:$0x1FF30];
	v8 =	vpop (erf);
	(erf) = vpow2.f32 v6  }
0x2d3: {  	v18 =	vadd.f32 v43, v18;
	v55 =	vadd.f32 v23, v22;
	v51 =	vpop (erf);
	(erf) = vpow2.f32 v0  }
0x2d4: {  	v54 =	vmul.f32 v20, v15;
	v49 =	vmul.f32 v11, v16;
	v56 =	vadd.f32 v25, v24;
	v53 =	vpop (erf)  }
0x2d5: {  	v11 =	vadd.f32 v12, v50;
	v50 =	vld [tilespmem:$0x1FF80];
	v61 =	vadd.f32 v4, v2;
	v2 =	vmul.f32 v2, v26;
	v17 =	vpop (erf)  }
0x2d6: {  	v4 =	vmul.f32 v4, v21;
	v1 =	vmul.f32 v10, v14;
	v15 =	vadd.f32 v18, v56;
	v57 =	vpop (erf)  }
0x2d7: {  	v27 =	vld [tilespmem:$0x1FF60];
	v62 =	vadd.f32 v9, v7;
	v3 =	vadd.f32 v35, v3;
	v59 =	vpop (erf)  }
0x2d8: {  	v52 =	vld [tilespmem:$0x1FF40];
	v2 =	vadd.f32 v4, v2;
	v1 =	vadd.f32 v49, v1;
	v60 =	vpop (erf)  }
0x2d9: {  	v0 =	vmul.f32 v19, v13;
	v40 =	vadd.f32 v8, v48;
	v3 =	vadd.f32 v5, v3;
	v5 =	vld [tilespmem:$0x1FF20];
	v63 =	vpop (erf)  }
0x2da: {  	v18 =	vadd.f32 v62, v61;
	v12 =	vmul.f32 v51, v50;
	v44 =	vadd.f32 v53, v51;
	v51 =	vld [tilespmem:$0x1FF90];
	v41 =	vpop (erf)  }
0x2db: {  	v0 =	vadd.f32 v54, v0;
	v46 =	vadd.f32 v57, v17;
	v43 =	vpop (erf)  }
0x2dc: {  	v58 =	vld [tilespmem:$0x1FF00];
	v21 =	vadd.f32 v44, v40;
	v47 =	vadd.f32 v60, v59;
	v45 =	vpop (erf)  }
0x2dd: {  	v10 =	vmul.f32 v48, v27;
	v54 =	vld [tilespmem:$0x1FFB0];
	v48 =	vadd.f32 v41, v63;
	v28 =	vadd.f32 v45, v43  }
0x2de: {  	v0 =	vadd.f32 v0, v1;
	v1 =	vld [tilespmem:$0x1FFA0];
	v5 =	vadd.f32 v52, v5  }
0x2df: {  	v13 =	vmul.f32 v53, v51;
	v52 =	vadd.f32 v47, v46;
	v53 =	vadd.f32 v28, v48  }
0x2e0: {  	v4 =	vmul.f32 v30, v59;
	(erf) = vrcp.f32 v3;
	v3 =	vadd.f32 v21, v18  }
0x2e1: {  	v56 =	vmul.f32 v31, v60;
	v5 =	vadd.f32 v55, v5;
	v55 =	vadd.f32 v53, v52  }
0x2e2: {  	v11 =	vadd.f32 v11, v58;
	v6 =	vmul.f32 v54, v57;
	v57 =	vmul.f32 v33, v63  }
0x2e3: {  	v58 =	vmul.f32 v38, v41;
	v1 =	vmul.f32 v17, v1;
	v3 =	vadd.f32 v55, v3  }
0x2e4: {  	v59 =	vmul.f32 v39, v43;
	v60 =	vmul.f32 v36, v45  }
0x2e5: {  	v1 =	vadd.f32 v6, v1;
	(erf) = vrcp.f32 v3;
	v3 =	vadd.f32 v56, v4  }
0x2e6: {  	v62 =	vadd.f32 v60, v59;
	v4 =	vadd.f32 v58, v57  }
0x2e7: {  	v1 =	vadd.f32 v3, v1  }
0x2e8: {  	v3 =	vadd.f32 v62, v4;
	v4 =	vadd.f32 v5, v11  }
0x2e9: {  	v49 =	vld [tilespmem:$0x1FF70];
	v0 =	vadd.f32 v0, v15;
	_ =	sdelay $0x1  }
0x2ea: {  	v0 =	vadd.f32 v0, v4  }
0x2eb: {  	v7 =	vmul.f32 v7, v34;
	v4 =	vpop (erf)  }
0x2ec: {  	v9 =	vmul.f32 v9, v32;
	v0 =	vmul.f32 v0, v4;
	v4 =	vld [tilespmem:$0x1FFE0]  }
0x2ed: {  	v8 =	vmul.f32 v8, v49;
	v1 =	vadd.f32 v3, v1;
	v3 =	vld [tilespmem:$0x1FEF0]  }
0x2ee: {  	v7 =	vadd.f32 v9, v7  }
0x2ef: {  	v8 =	vadd.f32 v8, v10;
	v61 =	vadd.f32 v13, v12;
	_ =	sdelay $0x1  }
0x2f0: {  	v2 =	vadd.f32 v7, v2;
	v63 =	vadd.f32 v61, v8  }
0x2f1: {  	v3 =	vmul.f32 v3, v29  }
0x2f2: {  	s0 =	rddreg [dreg:$0x6];
	v2 =	vadd.f32 v63, v2  }
0x2f3: {  	[tilespmem:v4+s0+$0x0 ss:$0x1] =	vst.idx.msk $0xffff, v3  }
0x2f4: {  	s0 =	sld [smem:$0x7E6]  }
0x2f5: {  	v1 =	vadd.f32 v1, v2  }
0x2f6: {  	v2 =	vpop (erf)  }
0x2f7: {  	v1 =	vmul.f32 v1, v2;
	s0 =	sadd.s32 $0x1, s0  }
0x2f8: {  	p0 =	sne.s32 s0, $0x4  }
.Ltmp3:
0x2f9: {  	s1 =	rddreg [dreg:$0x7];
	[tilespmem:v4+s6+$0x0 ss:$0x1] =	vst.idx.msk $0xffff, v1;
	(pc) =	sbr.rel @p0 .LBB2_6-.Ltmp3, $3  }
0x2fa: {  	[tilespmem:v4+s1+$0x0 ss:$0x1] =	vst.idx.msk $0xffff, v0  }
0x2fb: {  	v1 =	vld [tilespmem:$0x1FFF0];
	_ =	sdelay $0x1  }
0x2fc: {  	v2 =	vmov v37;
	v3 =	vmov v42  }
0x2fd: {  	s16 =	sld [smem:$0x7FD]  }
0x2fe: {  	s0 =	sld [smem:$0x7F3]  }
0x2ff: {  	s6 =	sld [smem:$0x7FC]  }
0x300: {  	s5 =	rddreg [dreg:$0x14]  }
0x301: {  	s1 =	sld [smem:$0x7F4]  }
0x302: {  	p0 =	sne.s32 s0, s16;
	p1 =	seq.s32 s6, s5  }
0x303: {  	p0 =	por p1, p0  }
0x304: {  	_ =	strace $0x9000004F;
	s0 =	sshll.u32 @p0 s1, $0xA;
	s1 =	sshll.u32 @p0 s1, $0x9  }
0x305: {  	_ =	strace @p0 $0x80000050;
	s0 =	sand.u32 @p0 $0xFFFFF800, s0;
	s1 =	sand.u32 @p0 $0x200, s1  }
0x306: {  	s0 =	sor.u32 @p0 s1, s0;
	s1 =	sld [smem:$0x7F7]  }
0x307: {  	s4 =	sld [smem:$0x7F8]  }
0x308: {  	s3 =	simm.s32 @p0 $0x400;
	s2 =	rddreg [dreg:$0xf];
	s0 =	sshrl.u32 @p0 s0, $0x3  }
0x309: {  	s0 =	sadd.s32 @p0 s2, s0;
	s2 =	simm.s32 @p0 $0x200;
	s1 =	sadd.s32 @p0 $0x7, s1  }
0x30a: {  	[hbm4b:s0+s2] =	stream.strided.scatter @p0 [tilespmem:s4], [sflag:s1], $0x400, s3, s2, $0x200038;
	[tilespmem:$0x11000] =	vst v63  }
0x30b: {  	p1 =	seq.s32 s6, $0x0;
	_ =	strace @p0 $0x90000050  }
0x30c: {  	s3 =	rddreg [dreg:$0x1c];
	_ =	strace @!p1 $0x80000051  }
0x30d: {  	s1 =	sand.u32 @!p1 $0x1, s3;
	s11 =	rddreg [dreg:$0x1f]  }
0x30e: {  	s31 =	sld [smem:$0x7FA];
	s1 =	sadd.s32 @!p1 $0x7, s1  }
0x30f: {  	s9 =	rddreg [dreg:$0x1d];
	_ =	swait.ge @!p1 [sflag:s1], $0x400  }
0x310: {  	[sflag:s1] =	ssyncset.done @!p1 $0x0  }
0x311: {  	[sflag:s1] =	ssyncadd.s32 @!p1 $0xFFFFFC00  }
0x312: {  	s0 =	simm.s32 $0x1;
	_ =	strace @!p1 $0x90000051  }
0x313: {  	s2 =	simm.s32 $0x1;
	s0 =	simm.s32 @!p0 $0x0;
	s4 =	rddreg [dreg:$0x10]  }
0x314: {  	p0 =	sne.s32 s6, $0x0;
	s6 =	sadd.s32 $0x1, s6;
	s14 =	sld [smem:$0x7F5]  }
0x315: {  	s2 =	simm.s32 @!p0 $0x0;
	s12 =	sld [smem:$0x7F6];
	p0 =	sne.s32 s6, s4  }
.Ltmp4:
0x316: {  	s10 =	rddreg [dreg:$0x1e];
	(pc) =	sbr.rel @p0 .LBB2_2-.Ltmp4, $4  }
0x317: {  	s8 =	rddreg [dreg:$0xe]  }
0x318: {  	s3 =	sadd.s32 s2, s3;
	s13 =	sld [smem:$0x7F9]  }
0x319: {  	s9 =	sadd.s32 s0, s9;
	s11 =	sadd.s32 s11, s31;
	s15 =	sld [smem:$0x7FB]  }
0x31a: {  	s10 =	sadd.s32 s0, s10;
	s14 =	sadd.s32 s0, s14;
	s12 =	sadd.s32 s0, s12  }
0x31b: {  	s0 =	sand.u32 $0x1, s3  }
0x31c: {  	_ =	strace $0x80000052;
	s0 =	sadd.s32 $0x7, s0  }
0x31d: {  	_ =	swait.ge [sflag:s0], $0x400  }
0x31e: {  	s1 =	rddreg [dreg:$0x1b]  }
0x31f: {  	s31 =	rddreg [dreg:$0x15];
	s1 =	sadd.s32 $0x1, s1  }
0x320: {  	p0 =	sne.s32 s1, s31  }
.Ltmp5:
0x321: {  	_ = 	snop;
	(pc) =	sbr.rel @p0 .LBB2_1-.Ltmp5, $4  }
0x322: {  	_ = 	snop  }
0x323: {  	[sflag:s0] =	ssyncset.done $0x0  }
0x324: {  	[sflag:s0] =	ssyncadd.s32 $0xFFFFFC00  }
0x325: {  	_ =	strace $0x90000052  }
0x326: {  	_ =	sfence.sel $0x180000  }
0x327: {  	[bflag:$0x0] =	sbarrier.arrive $0xFFFF  }
0x328: {  	_ =	strace $0x90000047  }
0x329: {  	s0 =	stileid.u32;
	[bflag:$0x2] =	sbarrier.arrive $0xFFFF  }
0x32a: {  	p0 =	sne.s32 s0, $0x0;
	s0 =	rddreg [dreg:$0x4]  }
0x32b: {  	s0 =	sadd.s32 @!p0 $0x100000, s0  }
0x32c: {  	[sflag:s0] =	ssyncadd.tile.s32 @!p0 $0x1;
	_ =	shalt  }
.Lfunc_end2:
_tile_overlayer_lowered:
.L_overlay_start_2:
0x32d: {  	(tag) =	ssettag $0x2  }
0x32e: {  	s0 =	rddreg [dreg:$0x0];
	s2 =	stileid.u32  }
0x32f: {  	s1 =	rddreg [dreg:$0x1];
	p0 =	sne.s32 s2, $0x0  }
0x330: {  	s3 =	rddreg [dreg:$0x2];
	[bflag:$0x3] =	sbarrier.arrive $0xFFFF;
	s2 =	simm.s32 @!p0 $0x1C01  }
0x331: {  	[timem:s3], [sflag:s2] =	dma.local @!p0 [hbm:s0], s1  }
0x332: {  	s0 =	simm.s32 @!p0 $0x1  }
0x333: {  	_ =	swait.ge @!p0 [sflag:s0], s1  }
0x334: {  	s1 =	ssub.s32 @!p0 $0x0, s1;
	[sflag:s0] =	ssyncset.done @!p0 $0x0  }
0x335: {  	[sflag:s0] =	ssyncadd.s32 @!p0 s1  }
0x336: {  	[bflag:$0x3] =	sbarrier.arrive $0xFFFF  }
0x337: {  	_ =	shalt  }

</sc_bundles>
